<compile_context>
chip_gen: v7x
topology: tpu7x:2x2x1
jax: 0.10.2.dev20260603
libtpu: 0.0.44.dev20260713+nightly
codegen_flags: <defaults>
</compile_context>

<pallas_src>
import functools

import jax
import jax.numpy as jnp
from jax import lax
from jax.experimental import pallas as pl
from jax.experimental.pallas import tpu as pltpu
from jax.experimental.pallas import tpu_sc as plsc

N_NODES = 10000
N_EDGES = 320000
D = 128
HD = 64
NUM_CLASSES = 64

NC = 2
NS = 16
CHUNK = 80
EDGES_PER_TILE = N_EDGES // NS
NCHUNK = EDGES_PER_TILE // CHUNK
N_ACC = 10240
ROWS_PER_TILE = N_ACC // NS
CW = 8
NB = 5
LEAD = 4


def _sc_agg_body(with_count, *refs):
    if with_count:
        (x2_hbm, src_hbm, dst_hbm, zf_hbm, zc_hbm, ones_hbm,
         agg_out, cnt_out,
         src_v, dst_v, sidx_v, rows_v, ones_v, acc_sh, cnt_sh, *sems) = refs
    else:
        (x2_hbm, src_hbm, dst_hbm, zf_hbm,
         agg_out,
         src_v, dst_v, sidx_v, rows_v, acc_sh, *sems) = refs
    gsems, ssems, csem = sems[:NB], sems[NB:2 * NB], sems[2 * NB]
    zsem0, zsem1 = sems[2 * NB + 1], sems[2 * NB + 2]

    c = lax.axis_index("c")
    s = lax.axis_index("s")

    row0 = s * ROWS_PER_TILE
    zf_cp = pltpu.make_async_copy(zf_hbm.at[pl.ds(row0, ROWS_PER_TILE)],
                                  acc_sh.at[pl.ds(row0, ROWS_PER_TILE)], zsem0)
    zf_cp.start()
    if with_count:
        zc_cp = pltpu.make_async_copy(zc_hbm.at[pl.ds(row0, ROWS_PER_TILE)],
                                      cnt_sh.at[pl.ds(row0, ROWS_PER_TILE)],
                                      zsem1)
        zc_cp.start()
        pltpu.sync_copy(ones_hbm, ones_v)

    pltpu.sync_copy(src_hbm.at[s], src_v)
    pltpu.sync_copy(dst_hbm.at[s], dst_v)
    zf_cp.wait()
    if with_count:
        zc_cp.wait()
    plsc.subcore_barrier()

    def xform(j, b):
        for k in range(CHUNK // 16):
            sl = pl.ds(k * 16, 16)
            sidx_v[b, sl] = src_v[j, sl] * 2 + c

    def gather(j, b):
        return pltpu.make_async_copy(x2_hbm.at[sidx_v.at[b]],
                                     rows_v.at[b], gsems[b])

    def scatter(j, b):
        return pltpu.make_async_copy(rows_v.at[b], acc_sh.at[dst_v.at[j]],
                                     ssems[b])

    def cnt_scatter(j):
        return pltpu.make_async_copy(ones_v, cnt_sh.at[dst_v.at[j]], csem)

    for j in range(LEAD):
        xform(j, j % NB)
        gather(j, j % NB).start()

    def outer(g, carry):
        for b in range(NB):
            j = NB * g + b
            jg = j + LEAD
            bg = (b + LEAD) % NB

            @pl.when(jg < NCHUNK)
            def _():
                @pl.when(jg >= NB)
                def _():
                    scatter(jg - NB, bg).wait()
                xform(jg, bg)
                gather(jg, bg).start()

            gather(j, b).wait()
            scatter(j, b).start(add=True)
            if with_count:
                @pl.when(lax.rem(j + c, 2) == 0)
                def _():
                    cnt_scatter(j).start(add=True)

                @pl.when((lax.rem(j + c, 2) == 1) & (j >= NB))
                def _():
                    cnt_scatter(j - NB).wait()
        return carry

    lax.fori_loop(0, NCHUNK // NB, outer, 0)
    for j in range(NCHUNK - NB, NCHUNK):
        scatter(j, j % NB).wait()
        if with_count:
            @pl.when(lax.rem(j + c, 2) == 0)
            def _():
                cnt_scatter(j).wait()
    plsc.subcore_barrier()

    pltpu.sync_copy(acc_sh.at[pl.ds(row0, ROWS_PER_TILE)],
                    agg_out.at[pl.ds(row0, ROWS_PER_TILE), pl.ds(c * HD, HD)])
    if with_count:
        pltpu.sync_copy(cnt_sh.at[pl.ds(row0, ROWS_PER_TILE)],
                        cnt_out.at[pl.ds(row0, ROWS_PER_TILE), pl.ds(c * CW, CW)])


def _make_sc_agg(with_count):
    mesh = plsc.VectorSubcoreMesh(core_axis_name="c", subcore_axis_name="s")
    out_type = [jax.ShapeDtypeStruct((N_ACC, D), jnp.float32)]
    scratch = [
        pltpu.VMEM((NCHUNK, CHUNK), jnp.int32),
        pltpu.VMEM((NCHUNK, CHUNK), jnp.int32),
        pltpu.VMEM((NB, CHUNK), jnp.int32),
        pltpu.VMEM((NB, CHUNK, HD), jnp.float32),
    ]
    if with_count:
        out_type.append(jax.ShapeDtypeStruct((N_ACC, D), jnp.float32))
        scratch.append(pltpu.VMEM((CHUNK, CW), jnp.float32))
    scratch.append(pltpu.VMEM_SHARED((N_ACC, HD), jnp.float32))
    if with_count:
        scratch.append(pltpu.VMEM_SHARED((N_ACC, CW), jnp.float32))
    scratch.extend([pltpu.SemaphoreType.DMA] * (2 * NB + 3))
    return pl.kernel(
        functools.partial(_sc_agg_body, with_count),
        out_type=out_type,
        mesh=mesh,
        scratch_types=scratch,
        compiler_params=pltpu.CompilerParams(use_tc_tiling_on_sc=False),
    )


def _tc_layer1_body(aggp, cntp, x, wl, b, wr, h_out):
    agg = aggp[...]
    cnt = cntp[:, 0:1] + cntp[:, 8:9]
    inv = 1.0 / jnp.maximum(cnt, 1.0)
    acc = jnp.dot(agg * inv, wl[...], preferred_element_type=jnp.float32)
    acc += jnp.dot(x[...], wr[...], preferred_element_type=jnp.float32)
    h_out[...] = jnp.maximum(acc + b[...], 0.0)


def _tc_layer2_body(aggp, cntp, h, wl, b, wr, w3, b3, out):
    agg = aggp[...]
    cnt = cntp[:, 0:1] + cntp[:, 8:9]
    inv = 1.0 / jnp.maximum(cnt, 1.0)
    acc = jnp.dot(agg * inv, wl[...], preferred_element_type=jnp.float32)
    acc += jnp.dot(h[...], wr[...], preferred_element_type=jnp.float32)
    h2 = jnp.maximum(acc + b[...], 0.0)
    out[...] = jnp.dot(h2, w3[...], preferred_element_type=jnp.float32) + b3[...]


_BLK = 2000
_NBLK = N_NODES // _BLK


def _tc_layer1(aggp, cntp, x, wlT, b, wrT):
    return pl.pallas_call(
        _tc_layer1_body,
        grid=(_NBLK,),
        in_specs=[
            pl.BlockSpec((_BLK, D), lambda i: (i, 0)),
            pl.BlockSpec((_BLK, D), lambda i: (i, 0)),
            pl.BlockSpec((_BLK, D), lambda i: (i, 0)),
            pl.BlockSpec((D, D), lambda i: (0, 0)),
            pl.BlockSpec((1, D), lambda i: (0, 0)),
            pl.BlockSpec((D, D), lambda i: (0, 0)),
        ],
        out_specs=pl.BlockSpec((_BLK, D), lambda i: (i, 0)),
        out_shape=jax.ShapeDtypeStruct((N_NODES, D), jnp.float32),
    )(aggp, cntp, x, wlT, b, wrT)


def _tc_layer2(aggp, cntp, h, wlT, b, wrT, w3T, b3):
    return pl.pallas_call(
        _tc_layer2_body,
        grid=(_NBLK,),
        in_specs=[
            pl.BlockSpec((_BLK, D), lambda i: (i, 0)),
            pl.BlockSpec((_BLK, D), lambda i: (i, 0)),
            pl.BlockSpec((_BLK, D), lambda i: (i, 0)),
            pl.BlockSpec((D, D), lambda i: (0, 0)),
            pl.BlockSpec((1, D), lambda i: (0, 0)),
            pl.BlockSpec((D, D), lambda i: (0, 0)),
            pl.BlockSpec((D, NUM_CLASSES), lambda i: (0, 0)),
            pl.BlockSpec((1, NUM_CLASSES), lambda i: (0, 0)),
        ],
        out_specs=pl.BlockSpec((_BLK, NUM_CLASSES), lambda i: (i, 0)),
        out_shape=jax.ShapeDtypeStruct((N_NODES, NUM_CLASSES), jnp.float32),
    )(aggp, cntp, h, wlT, b, wrT, w3T, b3)


_sc_agg_count = _make_sc_agg(True)
_sc_agg = _make_sc_agg(False)


def kernel(x, edge_index, W1l, b1, W1r, W2l, b2, W2r, W3, b3):
    ei = edge_index.astype(jnp.int32)
    srcr = ei[0].reshape(NS, NCHUNK, CHUNK)
    dstr = ei[1].reshape(NS, NCHUNK, CHUNK)
    zf = jnp.zeros((N_ACC, HD), jnp.float32)
    zc = jnp.zeros((N_ACC, CW), jnp.float32)
    ones = jnp.ones((CHUNK, CW), jnp.float32)

    x2 = x.reshape(2 * N_NODES, HD)
    aggp1, cntp = _sc_agg_count(x2, srcr, dstr, zf, zc, ones)
    h = _tc_layer1(aggp1, cntp, x, W1l.T, b1.reshape(1, D), W1r.T)
    h2v = h.reshape(2 * N_NODES, HD)
    (aggp2,) = _sc_agg(h2v, srcr, dstr, zf)
    out = _tc_layer2(aggp2, cntp, h, W2l.T, b2.reshape(1, D), W2r.T,
                     W3.T, b3.reshape(1, NUM_CLASSES))
    return out

# --- scband reference (transcript-rebuilt; emitter-appended) ---
"""Pipeline reference for scband-graph-sageclassifier-6116033429921 (READ-ONLY COPY).

The authoritative reference and input builder live on the scoring server;
editing this copy changes nothing except your own understanding.
"""

import jax, jax.numpy as jnp
import numpy as np

N_NODES = 10000
N_EDGES = 320000
IN_DIM = 128
HIDDEN = 128
NUM_CLASSES = 64


def setup_inputs(seed: int = 0) -> dict:
    key = jax.random.key(seed)
    ks = jax.random.split(key, 12)
    x = jax.random.normal(ks[0], (N_NODES, IN_DIM), dtype=jnp.float32)
    edge_index = jax.random.randint(ks[1], (2, N_EDGES), 0, N_NODES, dtype=jnp.int64)
    s1 = 1.0 / np.sqrt(IN_DIM)
    s2 = 1.0 / np.sqrt(HIDDEN)
    # SAGEConv1: lin_l (neighbors, with bias), lin_r (root, no bias)
    W1l = jax.random.uniform(ks[2], (HIDDEN, IN_DIM), minval=-s1, maxval=s1, dtype=jnp.float32)
    b1 = jax.random.uniform(ks[3], (HIDDEN,), minval=-s1, maxval=s1, dtype=jnp.float32)
    W1r = jax.random.uniform(ks[4], (HIDDEN, IN_DIM), minval=-s1, maxval=s1, dtype=jnp.float32)
    # SAGEConv2
    W2l = jax.random.uniform(ks[5], (HIDDEN, HIDDEN), minval=-s2, maxval=s2, dtype=jnp.float32)
    b2 = jax.random.uniform(ks[6], (HIDDEN,), minval=-s2, maxval=s2, dtype=jnp.float32)
    W2r = jax.random.uniform(ks[7], (HIDDEN, HIDDEN), minval=-s2, maxval=s2, dtype=jnp.float32)
    # final linear
    W3 = jax.random.uniform(ks[8], (NUM_CLASSES, HIDDEN), minval=-s2, maxval=s2, dtype=jnp.float32)
    b3 = jax.random.uniform(ks[9], (NUM_CLASSES,), minval=-s2, maxval=s2, dtype=jnp.float32)
    return {"x": x, "edge_index": edge_index, "W1l": W1l, "b1": b1, "W1r": W1r,
            "W2l": W2l, "b2": b2, "W2r": W2r, "W3": W3, "b3": b3}


def _sage_conv(x, src, dst, n_nodes, Wl, b, Wr):
    # mean aggregation of neighbor (source) features onto destination nodes
    msgs = jnp.take(x, src, axis=0)
    agg = jax.ops.segment_sum(msgs, dst, num_segments=n_nodes)
    cnt = jax.ops.segment_sum(jnp.ones((src.shape[0],), dtype=x.dtype), dst, num_segments=n_nodes)
    agg = agg / jnp.maximum(cnt, 1.0)[:, None]
    return agg @ Wl.T + b + x @ Wr.T


def reference(x, edge_index, W1l, b1, W1r, W2l, b2, W2r, W3, b3):
    src = edge_index[0]
    dst = edge_index[1]
    n = x.shape[0]
    h = _sage_conv(x, src, dst, n, W1l, b1, W1r)
    h = jax.nn.relu(h)
    # dropout is identity in eval mode
    h = _sage_conv(h, src, dst, n, W2l, b2, W2r)
    h = jax.nn.relu(h)
    return h @ W3.T + b3

if __name__ == "__main__":
    import jax
    _d = setup_inputs()
    print(jax.jit(kernel)(*tuple(_d.values())))

</pallas_src>

<mosaic_0001>
#map = affine_map<(d0, d1) -> (0, 0)>
#map1 = affine_map<(d0, d1) -> (0, 0, 0)>
module attributes {stable_mosaic.version = 14 : i64} {
  func.func @_sc_agg_body(%arg0: i32, %arg1: i32, %arg2: memref<20000x64xf32, #tpu.memory_space<hbm>>, %arg3: memref<16x250x80xi32, #tpu.memory_space<hbm>>, %arg4: memref<16x250x80xi32, #tpu.memory_space<hbm>>, %arg5: memref<10240x64xf32, #tpu.memory_space<hbm>>, %arg6: memref<10240x128xf32, #tpu.memory_space<hbm>>, %arg7: memref<250x80xi32, #tpu.memory_space<vmem>>, %arg8: memref<250x80xi32, #tpu.memory_space<vmem>>, %arg9: memref<5x80xi32, #tpu.memory_space<vmem>>, %arg10: memref<5x80x64xf32, #tpu.memory_space<vmem>>, %arg11: memref<10240x64xf32, #tpu.memory_space<vmem_shared>>, %arg12: memref<!tpu.dma_semaphore, #tpu.memory_space<semaphore_mem>>, %arg13: memref<!tpu.dma_semaphore, #tpu.memory_space<semaphore_mem>>, %arg14: memref<!tpu.dma_semaphore, #tpu.memory_space<semaphore_mem>>, %arg15: memref<!tpu.dma_semaphore, #tpu.memory_space<semaphore_mem>>, %arg16: memref<!tpu.dma_semaphore, #tpu.memory_space<semaphore_mem>>, %arg17: memref<!tpu.dma_semaphore, #tpu.memory_space<semaphore_mem>>, %arg18: memref<!tpu.dma_semaphore, #tpu.memory_space<semaphore_mem>>, %arg19: memref<!tpu.dma_semaphore, #tpu.memory_space<semaphore_mem>>, %arg20: memref<!tpu.dma_semaphore, #tpu.memory_space<semaphore_mem>>, %arg21: memref<!tpu.dma_semaphore, #tpu.memory_space<semaphore_mem>>, %arg22: memref<!tpu.dma_semaphore, #tpu.memory_space<semaphore_mem>>, %arg23: memref<!tpu.dma_semaphore, #tpu.memory_space<semaphore_mem>>, %arg24: memref<!tpu.dma_semaphore, #tpu.memory_space<semaphore_mem>>) attributes {dimension_semantics = [#tpu.dimension_semantics<core_parallel>, #tpu.dimension_semantics<subcore_parallel>], iteration_bounds = array<i64: 2, 16>, scalar_prefetch = 0 : i64, scratch_operands = 18 : i64, tpu.core_type = #tpu.core_type<sc_vector_subcore>, window_params = [{transform_indices = #map}, {transform_indices = #map1}, {transform_indices = #map1}, {transform_indices = #map}, {transform_indices = #map}]} {
    %mul3A = arith.constant 640 : i32
    %mul3A_0 = arith.muli %arg1, %mul3A : i32
    %dma_start3A = arith.constant 0 : i32
    %dma_start3A_1 = tpu.memref_slice %arg11[%mul3A_0, %dma_start3A] : memref<10240x64xf32, #tpu.memory_space<vmem_shared>> -> memref<640x64xf32, #tpu.memory_space<vmem_shared>>
    %dma_start3A_2 = arith.constant 0 : i32
    %dma_start3A_3 = tpu.memref_slice %arg5[%mul3A_0, %dma_start3A_2] : memref<10240x64xf32, #tpu.memory_space<hbm>> -> memref<640x64xf32, #tpu.memory_space<hbm>>
    tpu.enqueue_dma source(%dma_start3A_3 : memref<640x64xf32, #tpu.memory_space<hbm>>) target(%dma_start3A_1 : memref<640x64xf32, #tpu.memory_space<vmem_shared>>) target_semaphore(%arg23 : memref<!tpu.dma_semaphore, #tpu.memory_space<semaphore_mem>>)
    "tpu.region"() ({
      %run_scoped3A = tpu.sem_alloc : memref<!tpu.dma_semaphore, #tpu.memory_space<semaphore_mem>>
      %dma_start3A_440 = arith.constant 0 : i32
      %dma_start3A_441 = arith.constant 0 : i32
      %dma_start3A_442 = tpu.memref_slice %arg3[%arg1, %dma_start3A_440, %dma_start3A_441] : memref<16x250x80xi32, #tpu.memory_space<hbm>> -> memref<1x250x80xi32, #tpu.memory_space<hbm>>
      %dma_start3A_443 = tpu.memref_squeeze %dma_start3A_442 : memref<1x250x80xi32, #tpu.memory_space<hbm>> -> memref<250x80xi32, #tpu.memory_space<hbm>>
      %dma_start3A_444 = arith.constant 0 : i32
      %dma_start3A_445 = arith.constant 0 : i32
      %dma_start3A_446 = tpu.memref_slice %arg3[%arg1, %dma_start3A_444, %dma_start3A_445] : memref<16x250x80xi32, #tpu.memory_space<hbm>> -> memref<1x250x80xi32, #tpu.memory_space<hbm>>
      %dma_start3A_447 = tpu.memref_squeeze %dma_start3A_446 : memref<1x250x80xi32, #tpu.memory_space<hbm>> -> memref<250x80xi32, #tpu.memory_space<hbm>>
      tpu.enqueue_dma source(%dma_start3A_447 : memref<250x80xi32, #tpu.memory_space<hbm>>) target(%arg7 : memref<250x80xi32, #tpu.memory_space<vmem>>) target_semaphore(%run_scoped3A : memref<!tpu.dma_semaphore, #tpu.memory_space<semaphore_mem>>)
      %dma_wait3A_448 = arith.constant 0 : i32
      %dma_wait3A_449 = arith.constant 0 : i32
      %dma_wait3A_450 = tpu.memref_slice %arg3[%arg1, %dma_wait3A_448, %dma_wait3A_449] : memref<16x250x80xi32, #tpu.memory_space<hbm>> -> memref<1x250x80xi32, #tpu.memory_space<hbm>>
      %dma_wait3A_451 = tpu.memref_squeeze %dma_wait3A_450 : memref<1x250x80xi32, #tpu.memory_space<hbm>> -> memref<250x80xi32, #tpu.memory_space<hbm>>
      %dma_wait3A_452 = arith.constant 0 : i32
      %dma_wait3A_453 = arith.constant 0 : i32
      %dma_wait3A_454 = tpu.memref_slice %arg3[%arg1, %dma_wait3A_452, %dma_wait3A_453] : memref<16x250x80xi32, #tpu.memory_space<hbm>> -> memref<1x250x80xi32, #tpu.memory_space<hbm>>
      %dma_wait3A_455 = tpu.memref_squeeze %dma_wait3A_454 : memref<1x250x80xi32, #tpu.memory_space<hbm>> -> memref<250x80xi32, #tpu.memory_space<hbm>>
      tpu.wait_dma2 semaphore(%run_scoped3A : memref<!tpu.dma_semaphore, #tpu.memory_space<semaphore_mem>>) src(%dma_wait3A_455 : memref<250x80xi32, #tpu.memory_space<hbm>>) dst(%arg7 : memref<250x80xi32, #tpu.memory_space<vmem>>)
      tpu.yield
    }) : () -> ()
    "tpu.region"() ({
      %run_scoped3A = tpu.sem_alloc : memref<!tpu.dma_semaphore, #tpu.memory_space<semaphore_mem>>
      %dma_start3A_440 = arith.constant 0 : i32
      %dma_start3A_441 = arith.constant 0 : i32
      %dma_start3A_442 = tpu.memref_slice %arg4[%arg1, %dma_start3A_440, %dma_start3A_441] : memref<16x250x80xi32, #tpu.memory_space<hbm>> -> memref<1x250x80xi32, #tpu.memory_space<hbm>>
      %dma_start3A_443 = tpu.memref_squeeze %dma_start3A_442 : memref<1x250x80xi32, #tpu.memory_space<hbm>> -> memref<250x80xi32, #tpu.memory_space<hbm>>
      %dma_start3A_444 = arith.constant 0 : i32
      %dma_start3A_445 = arith.constant 0 : i32
      %dma_start3A_446 = tpu.memref_slice %arg4[%arg1, %dma_start3A_444, %dma_start3A_445] : memref<16x250x80xi32, #tpu.memory_space<hbm>> -> memref<1x250x80xi32, #tpu.memory_space<hbm>>
      %dma_start3A_447 = tpu.memref_squeeze %dma_start3A_446 : memref<1x250x80xi32, #tpu.memory_space<hbm>> -> memref<250x80xi32, #tpu.memory_space<hbm>>
      tpu.enqueue_dma source(%dma_start3A_447 : memref<250x80xi32, #tpu.memory_space<hbm>>) target(%arg8 : memref<250x80xi32, #tpu.memory_space<vmem>>) target_semaphore(%run_scoped3A : memref<!tpu.dma_semaphore, #tpu.memory_space<semaphore_mem>>)
      %dma_wait3A_448 = arith.constant 0 : i32
      %dma_wait3A_449 = arith.constant 0 : i32
      %dma_wait3A_450 = tpu.memref_slice %arg4[%arg1, %dma_wait3A_448, %dma_wait3A_449] : memref<16x250x80xi32, #tpu.memory_space<hbm>> -> memref<1x250x80xi32, #tpu.memory_space<hbm>>
      %dma_wait3A_451 = tpu.memref_squeeze %dma_wait3A_450 : memref<1x250x80xi32, #tpu.memory_space<hbm>> -> memref<250x80xi32, #tpu.memory_space<hbm>>
      %dma_wait3A_452 = arith.constant 0 : i32
      %dma_wait3A_453 = arith.constant 0 : i32
      %dma_wait3A_454 = tpu.memref_slice %arg4[%arg1, %dma_wait3A_452, %dma_wait3A_453] : memref<16x250x80xi32, #tpu.memory_space<hbm>> -> memref<1x250x80xi32, #tpu.memory_space<hbm>>
      %dma_wait3A_455 = tpu.memref_squeeze %dma_wait3A_454 : memref<1x250x80xi32, #tpu.memory_space<hbm>> -> memref<250x80xi32, #tpu.memory_space<hbm>>
      tpu.wait_dma2 semaphore(%run_scoped3A : memref<!tpu.dma_semaphore, #tpu.memory_space<semaphore_mem>>) src(%dma_wait3A_455 : memref<250x80xi32, #tpu.memory_space<hbm>>) dst(%arg8 : memref<250x80xi32, #tpu.memory_space<vmem>>)
      tpu.yield
    }) : () -> ()
    %dma_wait3A = arith.constant 0 : i32
    %dma_wait3A_4 = tpu.memref_slice %arg11[%mul3A_0, %dma_wait3A] : memref<10240x64xf32, #tpu.memory_space<vmem_shared>> -> memref<640x64xf32, #tpu.memory_space<vmem_shared>>
    %dma_wait3A_5 = arith.constant 0 : i32
    %dma_wait3A_6 = tpu.memref_slice %arg5[%mul3A_0, %dma_wait3A_5] : memref<10240x64xf32, #tpu.memory_space<hbm>> -> memref<640x64xf32, #tpu.memory_space<hbm>>
    tpu.wait_dma2 semaphore(%arg23 : memref<!tpu.dma_semaphore, #tpu.memory_space<semaphore_mem>>) src(%dma_wait3A_6 : memref<640x64xf32, #tpu.memory_space<hbm>>) dst(%dma_wait3A_4 : memref<640x64xf32, #tpu.memory_space<vmem_shared>>)
    %barrier3A = arith.constant 0 : index
    tpu.barrier barrier_id(%barrier3A)
    %get3A = arith.constant 0 : i32
    %get3A_7 = arith.index_cast %get3A : i32 to index
    %get3A_8 = arith.constant 0 : index
    %get3A_9 = tpu.vector_load %arg7[%get3A_7, %get3A_8] {strides = array<i32>} : memref<250x80xi32, #tpu.memory_space<vmem>>, vector<1x16xi32>,
    %get3A_10 = vector.shape_cast %get3A_9 : vector<1x16xi32> to vector<16xi32>
    %mul3A_11 = arith.constant 2 : i32
    %mul3A_12 = vector.broadcast %mul3A_11 : i32 to vector<16xi32>
    %mul3A_13 = arith.muli %get3A_10, %mul3A_12 : vector<16xi32>
    %add3A = vector.broadcast %arg0 : i32 to vector<16xi32>
    %add3A_14 = arith.addi %mul3A_13, %add3A : vector<16xi32>
    %swap3A = arith.constant 0 : i32
    %swap3A_15 = arith.index_cast %swap3A : i32 to index
    %swap3A_16 = arith.constant 0 : index
    %swap3A_17 = tpu.vector_load %arg9[%swap3A_15, %swap3A_16] {strides = array<i32>} : memref<5x80xi32, #tpu.memory_space<vmem>>, vector<1x16xi32>,
    %swap3A_18 = vector.shape_cast %swap3A_17 : vector<1x16xi32> to vector<16xi32>
    %swap3A_19 = vector.shape_cast %add3A_14 : vector<16xi32> to vector<1x16xi32>
    tpu.vector_store %arg9[%swap3A_15, %swap3A_16], %swap3A_19 {strides = array<i32>} : memref<5x80xi32, #tpu.memory_space<vmem>>, vector<1x16xi32>,
    %get3A_20 = arith.constant 0 : i32
    %get3A_21 = arith.index_cast %get3A_20 : i32 to index
    %get3A_22 = arith.constant 16 : index
    %get3A_23 = tpu.vector_load %arg7[%get3A_21, %get3A_22] {strides = array<i32>} : memref<250x80xi32, #tpu.memory_space<vmem>>, vector<1x16xi32>,
    %get3A_24 = vector.shape_cast %get3A_23 : vector<1x16xi32> to vector<16xi32>
    %mul3A_25 = arith.constant 2 : i32
    %mul3A_26 = vector.broadcast %mul3A_25 : i32 to vector<16xi32>
    %mul3A_27 = arith.muli %get3A_24, %mul3A_26 : vector<16xi32>
    %add3A_28 = vector.broadcast %arg0 : i32 to vector<16xi32>
    %add3A_29 = arith.addi %mul3A_27, %add3A_28 : vector<16xi32>
    %swap3A_30 = arith.constant 0 : i32
    %swap3A_31 = arith.index_cast %swap3A_30 : i32 to index
    %swap3A_32 = arith.constant 16 : index
    %swap3A_33 = tpu.vector_load %arg9[%swap3A_31, %swap3A_32] {strides = array<i32>} : memref<5x80xi32, #tpu.memory_space<vmem>>, vector<1x16xi32>,
    %swap3A_34 = vector.shape_cast %swap3A_33 : vector<1x16xi32> to vector<16xi32>
    %swap3A_35 = vector.shape_cast %add3A_29 : vector<16xi32> to vector<1x16xi32>
    tpu.vector_store %arg9[%swap3A_31, %swap3A_32], %swap3A_35 {strides = array<i32>} : memref<5x80xi32, #tpu.memory_space<vmem>>, vector<1x16xi32>,
    %get3A_36 = arith.constant 0 : i32
    %get3A_37 = arith.index_cast %get3A_36 : i32 to index
    %get3A_38 = arith.constant 32 : index
    %get3A_39 = tpu.vector_load %arg7[%get3A_37, %get3A_38] {strides = array<i32>} : memref<250x80xi32, #tpu.memory_space<vmem>>, vector<1x16xi32>,
    %get3A_40 = vector.shape_cast %get3A_39 : vector<1x16xi32> to vector<16xi32>
    %mul3A_41 = arith.constant 2 : i32
    %mul3A_42 = vector.broadcast %mul3A_41 : i32 to vector<16xi32>
    %mul3A_43 = arith.muli %get3A_40, %mul3A_42 : vector<16xi32>
    %add3A_44 = vector.broadcast %arg0 : i32 to vector<16xi32>
    %add3A_45 = arith.addi %mul3A_43, %add3A_44 : vector<16xi32>
    %swap3A_46 = arith.constant 0 : i32
    %swap3A_47 = arith.index_cast %swap3A_46 : i32 to index
    %swap3A_48 = arith.constant 32 : index
    %swap3A_49 = tpu.vector_load %arg9[%swap3A_47, %swap3A_48] {strides = array<i32>} : memref<5x80xi32, #tpu.memory_space<vmem>>, vector<1x16xi32>,
    %swap3A_50 = vector.shape_cast %swap3A_49 : vector<1x16xi32> to vector<16xi32>
    %swap3A_51 = vector.shape_cast %add3A_45 : vector<16xi32> to vector<1x16xi32>
    tpu.vector_store %arg9[%swap3A_47, %swap3A_48], %swap3A_51 {strides = array<i32>} : memref<5x80xi32, #tpu.memory_space<vmem>>, vector<1x16xi32>,
    %get3A_52 = arith.constant 0 : i32
    %get3A_53 = arith.index_cast %get3A_52 : i32 to index
    %get3A_54 = arith.constant 48 : index
    %get3A_55 = tpu.vector_load %arg7[%get3A_53, %get3A_54] {strides = array<i32>} : memref<250x80xi32, #tpu.memory_space<vmem>>, vector<1x16xi32>,
    %get3A_56 = vector.shape_cast %get3A_55 : vector<1x16xi32> to vector<16xi32>
    %mul3A_57 = arith.constant 2 : i32
    %mul3A_58 = vector.broadcast %mul3A_57 : i32 to vector<16xi32>
    %mul3A_59 = arith.muli %get3A_56, %mul3A_58 : vector<16xi32>
    %add3A_60 = vector.broadcast %arg0 : i32 to vector<16xi32>
    %add3A_61 = arith.addi %mul3A_59, %add3A_60 : vector<16xi32>
    %swap3A_62 = arith.constant 0 : i32
    %swap3A_63 = arith.index_cast %swap3A_62 : i32 to index
    %swap3A_64 = arith.constant 48 : index
    %swap3A_65 = tpu.vector_load %arg9[%swap3A_63, %swap3A_64] {strides = array<i32>} : memref<5x80xi32, #tpu.memory_space<vmem>>, vector<1x16xi32>,
    %swap3A_66 = vector.shape_cast %swap3A_65 : vector<1x16xi32> to vector<16xi32>
    %swap3A_67 = vector.shape_cast %add3A_61 : vector<16xi32> to vector<1x16xi32>
    tpu.vector_store %arg9[%swap3A_63, %swap3A_64], %swap3A_67 {strides = array<i32>} : memref<5x80xi32, #tpu.memory_space<vmem>>, vector<1x16xi32>,
    %get3A_68 = arith.constant 0 : i32
    %get3A_69 = arith.index_cast %get3A_68 : i32 to index
    %get3A_70 = arith.constant 64 : index
    %get3A_71 = tpu.vector_load %arg7[%get3A_69, %get3A_70] {strides = array<i32>} : memref<250x80xi32, #tpu.memory_space<vmem>>, vector<1x16xi32>,
    %get3A_72 = vector.shape_cast %get3A_71 : vector<1x16xi32> to vector<16xi32>
    %mul3A_73 = arith.constant 2 : i32
    %mul3A_74 = vector.broadcast %mul3A_73 : i32 to vector<16xi32>
    %mul3A_75 = arith.muli %get3A_72, %mul3A_74 : vector<16xi32>
    %add3A_76 = vector.broadcast %arg0 : i32 to vector<16xi32>
    %add3A_77 = arith.addi %mul3A_75, %add3A_76 : vector<16xi32>
    %swap3A_78 = arith.constant 0 : i32
    %swap3A_79 = arith.index_cast %swap3A_78 : i32 to index
    %swap3A_80 = arith.constant 64 : index
    %swap3A_81 = tpu.vector_load %arg9[%swap3A_79, %swap3A_80] {strides = array<i32>} : memref<5x80xi32, #tpu.memory_space<vmem>>, vector<1x16xi32>,
    %swap3A_82 = vector.shape_cast %swap3A_81 : vector<1x16xi32> to vector<16xi32>
    %swap3A_83 = vector.shape_cast %add3A_77 : vector<16xi32> to vector<1x16xi32>
    tpu.vector_store %arg9[%swap3A_79, %swap3A_80], %swap3A_83 {strides = array<i32>} : memref<5x80xi32, #tpu.memory_space<vmem>>, vector<1x16xi32>,
    %dma_start3A_84 = arith.constant 0 : i32
    %dma_start3A_85 = arith.constant 0 : i32
    %dma_start3A_86 = arith.constant 0 : i32
    %dma_start3A_87 = arith.constant 0 : i32
    %dma_start3A_88 = tpu.memref_slice %arg10[%dma_start3A_85, %dma_start3A_86, %dma_start3A_87] : memref<5x80x64xf32, #tpu.memory_space<vmem>> -> memref<1x80x64xf32, #tpu.memory_space<vmem>>
    %dma_start3A_89 = tpu.memref_squeeze %dma_start3A_88 : memref<1x80x64xf32, #tpu.memory_space<vmem>> -> memref<80x64xf32, #tpu.memory_space<vmem>>
    %dma_start3A_90 = arith.constant 0 : i32
    %dma_start3A_91 = tpu.memref_slice %arg9[%dma_start3A_84, %dma_start3A_90] : memref<5x80xi32, #tpu.memory_space<vmem>> -> memref<1x80xi32, #tpu.memory_space<vmem>>
    %dma_start3A_92 = tpu.memref_squeeze %dma_start3A_91 : memref<1x80xi32, #tpu.memory_space<vmem>> -> memref<80xi32, #tpu.memory_space<vmem>>
    %dma_start3A_93 = arith.constant 0 : i32
    %dma_start3A_94 = arith.constant 0 : i32
    %dma_start3A_95 = tpu.memref_slice %arg2[%dma_start3A_93, %dma_start3A_94] : memref<20000x64xf32, #tpu.memory_space<hbm>> -> memref<20000x64xf32, #tpu.memory_space<hbm>>
    tpu.enqueue_indirect_dma source(%dma_start3A_95 : memref<20000x64xf32, #tpu.memory_space<hbm>>) target(%dma_start3A_89 : memref<80x64xf32, #tpu.memory_space<vmem>>) offsets(%dma_start3A_92 : memref<80xi32, #tpu.memory_space<vmem>>) semaphore(%arg12 : memref<!tpu.dma_semaphore, #tpu.memory_space<semaphore_mem>>)
    %get3A_96 = arith.constant 1 : i32
    %get3A_97 = arith.index_cast %get3A_96 : i32 to index
    %get3A_98 = arith.constant 0 : index
    %get3A_99 = tpu.vector_load %arg7[%get3A_97, %get3A_98] {strides = array<i32>} : memref<250x80xi32, #tpu.memory_space<vmem>>, vector<1x16xi32>,
    %get3A_100 = vector.shape_cast %get3A_99 : vector<1x16xi32> to vector<16xi32>
    %mul3A_101 = arith.constant 2 : i32
    %mul3A_102 = vector.broadcast %mul3A_101 : i32 to vector<16xi32>
    %mul3A_103 = arith.muli %get3A_100, %mul3A_102 : vector<16xi32>
    %add3A_104 = vector.broadcast %arg0 : i32 to vector<16xi32>
    %add3A_105 = arith.addi %mul3A_103, %add3A_104 : vector<16xi32>
    %swap3A_106 = arith.constant 1 : i32
    %swap3A_107 = arith.index_cast %swap3A_106 : i32 to index
    %swap3A_108 = arith.constant 0 : index
    %swap3A_109 = tpu.vector_load %arg9[%swap3A_107, %swap3A_108] {strides = array<i32>} : memref<5x80xi32, #tpu.memory_space<vmem>>, vector<1x16xi32>,
    %swap3A_110 = vector.shape_cast %swap3A_109 : vector<1x16xi32> to vector<16xi32>
    %swap3A_111 = vector.shape_cast %add3A_105 : vector<16xi32> to vector<1x16xi32>
    tpu.vector_store %arg9[%swap3A_107, %swap3A_108], %swap3A_111 {strides = array<i32>} : memref<5x80xi32, #tpu.memory_space<vmem>>, vector<1x16xi32>,
    %get3A_112 = arith.constant 1 : i32
    %get3A_113 = arith.index_cast %get3A_112 : i32 to index
    %get3A_114 = arith.constant 16 : index
    %get3A_115 = tpu.vector_load %arg7[%get3A_113, %get3A_114] {strides = array<i32>} : memref<250x80xi32, #tpu.memory_space<vmem>>, vector<1x16xi32>,
    %get3A_116 = vector.shape_cast %get3A_115 : vector<1x16xi32> to vector<16xi32>
    %mul3A_117 = arith.constant 2 : i32
    %mul3A_118 = vector.broadcast %mul3A_117 : i32 to vector<16xi32>
    %mul3A_119 = arith.muli %get3A_116, %mul3A_118 : vector<16xi32>
    %add3A_120 = vector.broadcast %arg0 : i32 to vector<16xi32>
    %add3A_121 = arith.addi %mul3A_119, %add3A_120 : vector<16xi32>
    %swap3A_122 = arith.constant 1 : i32
    %swap3A_123 = arith.index_cast %swap3A_122 : i32 to index
    %swap3A_124 = arith.constant 16 : index
    %swap3A_125 = tpu.vector_load %arg9[%swap3A_123, %swap3A_124] {strides = array<i32>} : memref<5x80xi32, #tpu.memory_space<vmem>>, vector<1x16xi32>,
    %swap3A_126 = vector.shape_cast %swap3A_125 : vector<1x16xi32> to vector<16xi32>
    %swap3A_127 = vector.shape_cast %add3A_121 : vector<16xi32> to vector<1x16xi32>
    tpu.vector_store %arg9[%swap3A_123, %swap3A_124], %swap3A_127 {strides = array<i32>} : memref<5x80xi32, #tpu.memory_space<vmem>>, vector<1x16xi32>,
    %get3A_128 = arith.constant 1 : i32
    %get3A_129 = arith.index_cast %get3A_128 : i32 to index
    %get3A_130 = arith.constant 32 : index
    %get3A_131 = tpu.vector_load %arg7[%get3A_129, %get3A_130] {strides = array<i32>} : memref<250x80xi32, #tpu.memory_space<vmem>>, vector<1x16xi32>,
    %get3A_132 = vector.shape_cast %get3A_131 : vector<1x16xi32> to vector<16xi32>
    %mul3A_133 = arith.constant 2 : i32
    %mul3A_134 = vector.broadcast %mul3A_133 : i32 to vector<16xi32>
    %mul3A_135 = arith.muli %get3A_132, %mul3A_134 : vector<16xi32>
    %add3A_136 = vector.broadcast %arg0 : i32 to vector<16xi32>
    %add3A_137 = arith.addi %mul3A_135, %add3A_136 : vector<16xi32>
    %swap3A_138 = arith.constant 1 : i32
    %swap3A_139 = arith.index_cast %swap3A_138 : i32 to index
    %swap3A_140 = arith.constant 32 : index
    %swap3A_141 = tpu.vector_load %arg9[%swap3A_139, %swap3A_140] {strides = array<i32>} : memref<5x80xi32, #tpu.memory_space<vmem>>, vector<1x16xi32>,
    %swap3A_142 = vector.shape_cast %swap3A_141 : vector<1x16xi32> to vector<16xi32>
    %swap3A_143 = vector.shape_cast %add3A_137 : vector<16xi32> to vector<1x16xi32>
    tpu.vector_store %arg9[%swap3A_139, %swap3A_140], %swap3A_143 {strides = array<i32>} : memref<5x80xi32, #tpu.memory_space<vmem>>, vector<1x16xi32>,
    %get3A_144 = arith.constant 1 : i32
    %get3A_145 = arith.index_cast %get3A_144 : i32 to index
    %get3A_146 = arith.constant 48 : index
    %get3A_147 = tpu.vector_load %arg7[%get3A_145, %get3A_146] {strides = array<i32>} : memref<250x80xi32, #tpu.memory_space<vmem>>, vector<1x16xi32>,
    %get3A_148 = vector.shape_cast %get3A_147 : vector<1x16xi32> to vector<16xi32>
    %mul3A_149 = arith.constant 2 : i32
    %mul3A_150 = vector.broadcast %mul3A_149 : i32 to vector<16xi32>
    %mul3A_151 = arith.muli %get3A_148, %mul3A_150 : vector<16xi32>
    %add3A_152 = vector.broadcast %arg0 : i32 to vector<16xi32>
    %add3A_153 = arith.addi %mul3A_151, %add3A_152 : vector<16xi32>
    %swap3A_154 = arith.constant 1 : i32
    %swap3A_155 = arith.index_cast %swap3A_154 : i32 to index
    %swap3A_156 = arith.constant 48 : index
    %swap3A_157 = tpu.vector_load %arg9[%swap3A_155, %swap3A_156] {strides = array<i32>} : memref<5x80xi32, #tpu.memory_space<vmem>>, vector<1x16xi32>,
    %swap3A_158 = vector.shape_cast %swap3A_157 : vector<1x16xi32> to vector<16xi32>
    %swap3A_159 = vector.shape_cast %add3A_153 : vector<16xi32> to vector<1x16xi32>
    tpu.vector_store %arg9[%swap3A_155, %swap3A_156], %swap3A_159 {strides = array<i32>} : memref<5x80xi32, #tpu.memory_space<vmem>>, vector<1x16xi32>,
    %get3A_160 = arith.constant 1 : i32
    %get3A_161 = arith.index_cast %get3A_160 : i32 to index
    %get3A_162 = arith.constant 64 : index
    %get3A_163 = tpu.vector_load %arg7[%get3A_161, %get3A_162] {strides = array<i32>} : memref<250x80xi32, #tpu.memory_space<vmem>>, vector<1x16xi32>,
    %get3A_164 = vector.shape_cast %get3A_163 : vector<1x16xi32> to vector<16xi32>
    %mul3A_165 = arith.constant 2 : i32
    %mul3A_166 = vector.broadcast %mul3A_165 : i32 to vector<16xi32>
    %mul3A_167 = arith.muli %get3A_164, %mul3A_166 : vector<16xi32>
    %add3A_168 = vector.broadcast %arg0 : i32 to vector<16xi32>
    %add3A_169 = arith.addi %mul3A_167, %add3A_168 : vector<16xi32>
    %swap3A_170 = arith.constant 1 : i32
    %swap3A_171 = arith.index_cast %swap3A_170 : i32 to index
    %swap3A_172 = arith.constant 64 : index
    %swap3A_173 = tpu.vector_load %arg9[%swap3A_171, %swap3A_172] {strides = array<i32>} : memref<5x80xi32, #tpu.memory_space<vmem>>, vector<1x16xi32>,
    %swap3A_174 = vector.shape_cast %swap3A_173 : vector<1x16xi32> to vector<16xi32>
    %swap3A_175 = vector.shape_cast %add3A_169 : vector<16xi32> to vector<1x16xi32>
    tpu.vector_store %arg9[%swap3A_171, %swap3A_172], %swap3A_175 {strides = array<i32>} : memref<5x80xi32, #tpu.memory_space<vmem>>, vector<1x16xi32>,
    %dma_start3A_176 = arith.constant 1 : i32
    %dma_start3A_177 = arith.constant 1 : i32
    %dma_start3A_178 = arith.constant 0 : i32
    %dma_start3A_179 = arith.constant 0 : i32
    %dma_start3A_180 = tpu.memref_slice %arg10[%dma_start3A_177, %dma_start3A_178, %dma_start3A_179] : memref<5x80x64xf32, #tpu.memory_space<vmem>> -> memref<1x80x64xf32, #tpu.memory_space<vmem>>
    %dma_start3A_181 = tpu.memref_squeeze %dma_start3A_180 : memref<1x80x64xf32, #tpu.memory_space<vmem>> -> memref<80x64xf32, #tpu.memory_space<vmem>>
    %dma_start3A_182 = arith.constant 0 : i32
    %dma_start3A_183 = tpu.memref_slice %arg9[%dma_start3A_176, %dma_start3A_182] : memref<5x80xi32, #tpu.memory_space<vmem>> -> memref<1x80xi32, #tpu.memory_space<vmem>>
    %dma_start3A_184 = tpu.memref_squeeze %dma_start3A_183 : memref<1x80xi32, #tpu.memory_space<vmem>> -> memref<80xi32, #tpu.memory_space<vmem>>
    %dma_start3A_185 = arith.constant 0 : i32
    %dma_start3A_186 = arith.constant 0 : i32
    %dma_start3A_187 = tpu.memref_slice %arg2[%dma_start3A_185, %dma_start3A_186] : memref<20000x64xf32, #tpu.memory_space<hbm>> -> memref<20000x64xf32, #tpu.memory_space<hbm>>
    tpu.enqueue_indirect_dma source(%dma_start3A_187 : memref<20000x64xf32, #tpu.memory_space<hbm>>) target(%dma_start3A_181 : memref<80x64xf32, #tpu.memory_space<vmem>>) offsets(%dma_start3A_184 : memref<80xi32, #tpu.memory_space<vmem>>) semaphore(%arg13 : memref<!tpu.dma_semaphore, #tpu.memory_space<semaphore_mem>>)
    %get3A_188 = arith.constant 2 : i32
    %get3A_189 = arith.index_cast %get3A_188 : i32 to index
    %get3A_190 = arith.constant 0 : index
    %get3A_191 = tpu.vector_load %arg7[%get3A_189, %get3A_190] {strides = array<i32>} : memref<250x80xi32, #tpu.memory_space<vmem>>, vector<1x16xi32>,
    %get3A_192 = vector.shape_cast %get3A_191 : vector<1x16xi32> to vector<16xi32>
    %mul3A_193 = arith.constant 2 : i32
    %mul3A_194 = vector.broadcast %mul3A_193 : i32 to vector<16xi32>
    %mul3A_195 = arith.muli %get3A_192, %mul3A_194 : vector<16xi32>
    %add3A_196 = vector.broadcast %arg0 : i32 to vector<16xi32>
    %add3A_197 = arith.addi %mul3A_195, %add3A_196 : vector<16xi32>
    %swap3A_198 = arith.constant 2 : i32
    %swap3A_199 = arith.index_cast %swap3A_198 : i32 to index
    %swap3A_200 = arith.constant 0 : index
    %swap3A_201 = tpu.vector_load %arg9[%swap3A_199, %swap3A_200] {strides = array<i32>} : memref<5x80xi32, #tpu.memory_space<vmem>>, vector<1x16xi32>,
    %swap3A_202 = vector.shape_cast %swap3A_201 : vector<1x16xi32> to vector<16xi32>
    %swap3A_203 = vector.shape_cast %add3A_197 : vector<16xi32> to vector<1x16xi32>
    tpu.vector_store %arg9[%swap3A_199, %swap3A_200], %swap3A_203 {strides = array<i32>} : memref<5x80xi32, #tpu.memory_space<vmem>>, vector<1x16xi32>,
    %get3A_204 = arith.constant 2 : i32
    %get3A_205 = arith.index_cast %get3A_204 : i32 to index
    %get3A_206 = arith.constant 16 : index
    %get3A_207 = tpu.vector_load %arg7[%get3A_205, %get3A_206] {strides = array<i32>} : memref<250x80xi32, #tpu.memory_space<vmem>>, vector<1x16xi32>,
    %get3A_208 = vector.shape_cast %get3A_207 : vector<1x16xi32> to vector<16xi32>
    %mul3A_209 = arith.constant 2 : i32
    %mul3A_210 = vector.broadcast %mul3A_209 : i32 to vector<16xi32>
    %mul3A_211 = arith.muli %get3A_208, %mul3A_210 : vector<16xi32>
    %add3A_212 = vector.broadcast %arg0 : i32 to vector<16xi32>
    %add3A_213 = arith.addi %mul3A_211, %add3A_212 : vector<16xi32>
    %swap3A_214 = arith.constant 2 : i32
    %swap3A_215 = arith.index_cast %swap3A_214 : i32 to index
    %swap3A_216 = arith.constant 16 : index
    %swap3A_217 = tpu.vector_load %arg9[%swap3A_215, %swap3A_216] {strides = array<i32>} : memref<5x80xi32, #tpu.memory_space<vmem>>, vector<1x16xi32>,
    %swap3A_218 = vector.shape_cast %swap3A_217 : vector<1x16xi32> to vector<16xi32>
    %swap3A_219 = vector.shape_cast %add3A_213 : vector<16xi32> to vector<1x16xi32>
    tpu.vector_store %arg9[%swap3A_215, %swap3A_216], %swap3A_219 {strides = array<i32>} : memref<5x80xi32, #tpu.memory_space<vmem>>, vector<1x16xi32>,
    %get3A_220 = arith.constant 2 : i32
    %get3A_221 = arith.index_cast %get3A_220 : i32 to index
    %get3A_222 = arith.constant 32 : index
    %get3A_223 = tpu.vector_load %arg7[%get3A_221, %get3A_222] {strides = array<i32>} : memref<250x80xi32, #tpu.memory_space<vmem>>, vector<1x16xi32>,
    %get3A_224 = vector.shape_cast %get3A_223 : vector<1x16xi32> to vector<16xi32>
    %mul3A_225 = arith.constant 2 : i32
    %mul3A_226 = vector.broadcast %mul3A_225 : i32 to vector<16xi32>
    %mul3A_227 = arith.muli %get3A_224, %mul3A_226 : vector<16xi32>
    %add3A_228 = vector.broadcast %arg0 : i32 to vector<16xi32>
    %add3A_229 = arith.addi %mul3A_227, %add3A_228 : vector<16xi32>
    %swap3A_230 = arith.constant 2 : i32
    %swap3A_231 = arith.index_cast %swap3A_230 : i32 to index
    %swap3A_232 = arith.constant 32 : index
    %swap3A_233 = tpu.vector_load %arg9[%swap3A_231, %swap3A_232] {strides = array<i32>} : memref<5x80xi32, #tpu.memory_space<vmem>>, vector<1x16xi32>,
    %swap3A_234 = vector.shape_cast %swap3A_233 : vector<1x16xi32> to vector<16xi32>
    %swap3A_235 = vector.shape_cast %add3A_229 : vector<16xi32> to vector<1x16xi32>
    tpu.vector_store %arg9[%swap3A_231, %swap3A_232], %swap3A_235 {strides = array<i32>} : memref<5x80xi32, #tpu.memory_space<vmem>>, vector<1x16xi32>,
    %get3A_236 = arith.constant 2 : i32
    %get3A_237 = arith.index_cast %get3A_236 : i32 to index
    %get3A_238 = arith.constant 48 : index
    %get3A_239 = tpu.vector_load %arg7[%get3A_237, %get3A_238] {strides = array<i32>} : memref<250x80xi32, #tpu.memory_space<vmem>>, vector<1x16xi32>,
    %get3A_240 = vector.shape_cast %get3A_239 : vector<1x16xi32> to vector<16xi32>
    %mul3A_241 = arith.constant 2 : i32
    %mul3A_242 = vector.broadcast %mul3A_241 : i32 to vector<16xi32>
    %mul3A_243 = arith.muli %get3A_240, %mul3A_242 : vector<16xi32>
    %add3A_244 = vector.broadcast %arg0 : i32 to vector<16xi32>
    %add3A_245 = arith.addi %mul3A_243, %add3A_244 : vector<16xi32>
    %swap3A_246 = arith.constant 2 : i32
    %swap3A_247 = arith.index_cast %swap3A_246 : i32 to index
    %swap3A_248 = arith.constant 48 : index
    %swap3A_249 = tpu.vector_load %arg9[%swap3A_247, %swap3A_248] {strides = array<i32>} : memref<5x80xi32, #tpu.memory_space<vmem>>, vector<1x16xi32>,
    %swap3A_250 = vector.shape_cast %swap3A_249 : vector<1x16xi32> to vector<16xi32>
    %swap3A_251 = vector.shape_cast %add3A_245 : vector<16xi32> to vector<1x16xi32>
    tpu.vector_store %arg9[%swap3A_247, %swap3A_248], %swap3A_251 {strides = array<i32>} : memref<5x80xi32, #tpu.memory_space<vmem>>, vector<1x16xi32>,
    %get3A_252 = arith.constant 2 : i32
    %get3A_253 = arith.index_cast %get3A_252 : i32 to index
    %get3A_254 = arith.constant 64 : index
    %get3A_255 = tpu.vector_load %arg7[%get3A_253, %get3A_254] {strides = array<i32>} : memref<250x80xi32, #tpu.memory_space<vmem>>, vector<1x16xi32>,
    %get3A_256 = vector.shape_cast %get3A_255 : vector<1x16xi32> to vector<16xi32>
    %mul3A_257 = arith.constant 2 : i32
    %mul3A_258 = vector.broadcast %mul3A_257 : i32 to vector<16xi32>
    %mul3A_259 = arith.muli %get3A_256, %mul3A_258 : vector<16xi32>
    %add3A_260 = vector.broadcast %arg0 : i32 to vector<16xi32>
    %add3A_261 = arith.addi %mul3A_259, %add3A_260 : vector<16xi32>
    %swap3A_262 = arith.constant 2 : i32
    %swap3A_263 = arith.index_cast %swap3A_262 : i32 to index
    %swap3A_264 = arith.constant 64 : index
    %swap3A_265 = tpu.vector_load %arg9[%swap3A_263, %swap3A_264] {strides = array<i32>} : memref<5x80xi32, #tpu.memory_space<vmem>>, vector<1x16xi32>,
    %swap3A_266 = vector.shape_cast %swap3A_265 : vector<1x16xi32> to vector<16xi32>
    %swap3A_267 = vector.shape_cast %add3A_261 : vector<16xi32> to vector<1x16xi32>
    tpu.vector_store %arg9[%swap3A_263, %swap3A_264], %swap3A_267 {strides = array<i32>} : memref<5x80xi32, #tpu.memory_space<vmem>>, vector<1x16xi32>,
    %dma_start3A_268 = arith.constant 2 : i32
    %dma_start3A_269 = arith.constant 2 : i32
    %dma_start3A_270 = arith.constant 0 : i32
    %dma_start3A_271 = arith.constant 0 : i32
    %dma_start3A_272 = tpu.memref_slice %arg10[%dma_start3A_269, %dma_start3A_270, %dma_start3A_271] : memref<5x80x64xf32, #tpu.memory_space<vmem>> -> memref<1x80x64xf32, #tpu.memory_space<vmem>>
    %dma_start3A_273 = tpu.memref_squeeze %dma_start3A_272 : memref<1x80x64xf32, #tpu.memory_space<vmem>> -> memref<80x64xf32, #tpu.memory_space<vmem>>
    %dma_start3A_274 = arith.constant 0 : i32
    %dma_start3A_275 = tpu.memref_slice %arg9[%dma_start3A_268, %dma_start3A_274] : memref<5x80xi32, #tpu.memory_space<vmem>> -> memref<1x80xi32, #tpu.memory_space<vmem>>
    %dma_start3A_276 = tpu.memref_squeeze %dma_start3A_275 : memref<1x80xi32, #tpu.memory_space<vmem>> -> memref<80xi32, #tpu.memory_space<vmem>>
    %dma_start3A_277 = arith.constant 0 : i32
    %dma_start3A_278 = arith.constant 0 : i32
    %dma_start3A_279 = tpu.memref_slice %arg2[%dma_start3A_277, %dma_start3A_278] : memref<20000x64xf32, #tpu.memory_space<hbm>> -> memref<20000x64xf32, #tpu.memory_space<hbm>>
    tpu.enqueue_indirect_dma source(%dma_start3A_279 : memref<20000x64xf32, #tpu.memory_space<hbm>>) target(%dma_start3A_273 : memref<80x64xf32, #tpu.memory_space<vmem>>) offsets(%dma_start3A_276 : memref<80xi32, #tpu.memory_space<vmem>>) semaphore(%arg14 : memref<!tpu.dma_semaphore, #tpu.memory_space<semaphore_mem>>)
    %get3A_280 = arith.constant 3 : i32
    %get3A_281 = arith.index_cast %get3A_280 : i32 to index
    %get3A_282 = arith.constant 0 : index
    %get3A_283 = tpu.vector_load %arg7[%get3A_281, %get3A_282] {strides = array<i32>} : memref<250x80xi32, #tpu.memory_space<vmem>>, vector<1x16xi32>,
    %get3A_284 = vector.shape_cast %get3A_283 : vector<1x16xi32> to vector<16xi32>
    %mul3A_285 = arith.constant 2 : i32
    %mul3A_286 = vector.broadcast %mul3A_285 : i32 to vector<16xi32>
    %mul3A_287 = arith.muli %get3A_284, %mul3A_286 : vector<16xi32>
    %add3A_288 = vector.broadcast %arg0 : i32 to vector<16xi32>
    %add3A_289 = arith.addi %mul3A_287, %add3A_288 : vector<16xi32>
    %swap3A_290 = arith.constant 3 : i32
    %swap3A_291 = arith.index_cast %swap3A_290 : i32 to index
    %swap3A_292 = arith.constant 0 : index
    %swap3A_293 = tpu.vector_load %arg9[%swap3A_291, %swap3A_292] {strides = array<i32>} : memref<5x80xi32, #tpu.memory_space<vmem>>, vector<1x16xi32>,
    %swap3A_294 = vector.shape_cast %swap3A_293 : vector<1x16xi32> to vector<16xi32>
    %swap3A_295 = vector.shape_cast %add3A_289 : vector<16xi32> to vector<1x16xi32>
    tpu.vector_store %arg9[%swap3A_291, %swap3A_292], %swap3A_295 {strides = array<i32>} : memref<5x80xi32, #tpu.memory_space<vmem>>, vector<1x16xi32>,
    %get3A_296 = arith.constant 3 : i32
    %get3A_297 = arith.index_cast %get3A_296 : i32 to index
    %get3A_298 = arith.constant 16 : index
    %get3A_299 = tpu.vector_load %arg7[%get3A_297, %get3A_298] {strides = array<i32>} : memref<250x80xi32, #tpu.memory_space<vmem>>, vector<1x16xi32>,
    %get3A_300 = vector.shape_cast %get3A_299 : vector<1x16xi32> to vector<16xi32>
    %mul3A_301 = arith.constant 2 : i32
    %mul3A_302 = vector.broadcast %mul3A_301 : i32 to vector<16xi32>
    %mul3A_303 = arith.muli %get3A_300, %mul3A_302 : vector<16xi32>
    %add3A_304 = vector.broadcast %arg0 : i32 to vector<16xi32>
    %add3A_305 = arith.addi %mul3A_303, %add3A_304 : vector<16xi32>
    %swap3A_306 = arith.constant 3 : i32
    %swap3A_307 = arith.index_cast %swap3A_306 : i32 to index
    %swap3A_308 = arith.constant 16 : index
    %swap3A_309 = tpu.vector_load %arg9[%swap3A_307, %swap3A_308] {strides = array<i32>} : memref<5x80xi32, #tpu.memory_space<vmem>>, vector<1x16xi32>,
    %swap3A_310 = vector.shape_cast %swap3A_309 : vector<1x16xi32> to vector<16xi32>
    %swap3A_311 = vector.shape_cast %add3A_305 : vector<16xi32> to vector<1x16xi32>
    tpu.vector_store %arg9[%swap3A_307, %swap3A_308], %swap3A_311 {strides = array<i32>} : memref<5x80xi32, #tpu.memory_space<vmem>>, vector<1x16xi32>,
    %get3A_312 = arith.constant 3 : i32
    %get3A_313 = arith.index_cast %get3A_312 : i32 to index
    %get3A_314 = arith.constant 32 : index
    %get3A_315 = tpu.vector_load %arg7[%get3A_313, %get3A_314] {strides = array<i32>} : memref<250x80xi32, #tpu.memory_space<vmem>>, vector<1x16xi32>,
    %get3A_316 = vector.shape_cast %get3A_315 : vector<1x16xi32> to vector<16xi32>
    %mul3A_317 = arith.constant 2 : i32
    %mul3A_318 = vector.broadcast %mul3A_317 : i32 to vector<16xi32>
    %mul3A_319 = arith.muli %get3A_316, %mul3A_318 : vector<16xi32>
    %add3A_320 = vector.broadcast %arg0 : i32 to vector<16xi32>
    %add3A_321 = arith.addi %mul3A_319, %add3A_320 : vector<16xi32>
    %swap3A_322 = arith.constant 3 : i32
    %swap3A_323 = arith.index_cast %swap3A_322 : i32 to index
    %swap3A_324 = arith.constant 32 : index
    %swap3A_325 = tpu.vector_load %arg9[%swap3A_323, %swap3A_324] {strides = array<i32>} : memref<5x80xi32, #tpu.memory_space<vmem>>, vector<1x16xi32>,
    %swap3A_326 = vector.shape_cast %swap3A_325 : vector<1x16xi32> to vector<16xi32>
    %swap3A_327 = vector.shape_cast %add3A_321 : vector<16xi32> to vector<1x16xi32>
    tpu.vector_store %arg9[%swap3A_323, %swap3A_324], %swap3A_327 {strides = array<i32>} : memref<5x80xi32, #tpu.memory_space<vmem>>, vector<1x16xi32>,
    %get3A_328 = arith.constant 3 : i32
    %get3A_329 = arith.index_cast %get3A_328 : i32 to index
    %get3A_330 = arith.constant 48 : index
    %get3A_331 = tpu.vector_load %arg7[%get3A_329, %get3A_330] {strides = array<i32>} : memref<250x80xi32, #tpu.memory_space<vmem>>, vector<1x16xi32>,
    %get3A_332 = vector.shape_cast %get3A_331 : vector<1x16xi32> to vector<16xi32>
    %mul3A_333 = arith.constant 2 : i32
    %mul3A_334 = vector.broadcast %mul3A_333 : i32 to vector<16xi32>
    %mul3A_335 = arith.muli %get3A_332, %mul3A_334 : vector<16xi32>
    %add3A_336 = vector.broadcast %arg0 : i32 to vector<16xi32>
    %add3A_337 = arith.addi %mul3A_335, %add3A_336 : vector<16xi32>
    %swap3A_338 = arith.constant 3 : i32
    %swap3A_339 = arith.index_cast %swap3A_338 : i32 to index
    %swap3A_340 = arith.constant 48 : index
    %swap3A_341 = tpu.vector_load %arg9[%swap3A_339, %swap3A_340] {strides = array<i32>} : memref<5x80xi32, #tpu.memory_space<vmem>>, vector<1x16xi32>,
    %swap3A_342 = vector.shape_cast %swap3A_341 : vector<1x16xi32> to vector<16xi32>
    %swap3A_343 = vector.shape_cast %add3A_337 : vector<16xi32> to vector<1x16xi32>
    tpu.vector_store %arg9[%swap3A_339, %swap3A_340], %swap3A_343 {strides = array<i32>} : memref<5x80xi32, #tpu.memory_space<vmem>>, vector<1x16xi32>,
    %get3A_344 = arith.constant 3 : i32
    %get3A_345 = arith.index_cast %get3A_344 : i32 to index
    %get3A_346 = arith.constant 64 : index
    %get3A_347 = tpu.vector_load %arg7[%get3A_345, %get3A_346] {strides = array<i32>} : memref<250x80xi32, #tpu.memory_space<vmem>>, vector<1x16xi32>,
    %get3A_348 = vector.shape_cast %get3A_347 : vector<1x16xi32> to vector<16xi32>
    %mul3A_349 = arith.constant 2 : i32
    %mul3A_350 = vector.broadcast %mul3A_349 : i32 to vector<16xi32>
    %mul3A_351 = arith.muli %get3A_348, %mul3A_350 : vector<16xi32>
    %add3A_352 = vector.broadcast %arg0 : i32 to vector<16xi32>
    %add3A_353 = arith.addi %mul3A_351, %add3A_352 : vector<16xi32>
    %swap3A_354 = arith.constant 3 : i32
    %swap3A_355 = arith.index_cast %swap3A_354 : i32 to index
    %swap3A_356 = arith.constant 64 : index
    %swap3A_357 = tpu.vector_load %arg9[%swap3A_355, %swap3A_356] {strides = array<i32>} : memref<5x80xi32, #tpu.memory_space<vmem>>, vector<1x16xi32>,
    %swap3A_358 = vector.shape_cast %swap3A_357 : vector<1x16xi32> to vector<16xi32>
    %swap3A_359 = vector.shape_cast %add3A_353 : vector<16xi32> to vector<1x16xi32>
    tpu.vector_store %arg9[%swap3A_355, %swap3A_356], %swap3A_359 {strides = array<i32>} : memref<5x80xi32, #tpu.memory_space<vmem>>, vector<1x16xi32>,
    %dma_start3A_360 = arith.constant 3 : i32
    %dma_start3A_361 = arith.constant 3 : i32
    %dma_start3A_362 = arith.constant 0 : i32
    %dma_start3A_363 = arith.constant 0 : i32
    %dma_start3A_364 = tpu.memref_slice %arg10[%dma_start3A_361, %dma_start3A_362, %dma_start3A_363] : memref<5x80x64xf32, #tpu.memory_space<vmem>> -> memref<1x80x64xf32, #tpu.memory_space<vmem>>
    %dma_start3A_365 = tpu.memref_squeeze %dma_start3A_364 : memref<1x80x64xf32, #tpu.memory_space<vmem>> -> memref<80x64xf32, #tpu.memory_space<vmem>>
    %dma_start3A_366 = arith.constant 0 : i32
    %dma_start3A_367 = tpu.memref_slice %arg9[%dma_start3A_360, %dma_start3A_366] : memref<5x80xi32, #tpu.memory_space<vmem>> -> memref<1x80xi32, #tpu.memory_space<vmem>>
    %dma_start3A_368 = tpu.memref_squeeze %dma_start3A_367 : memref<1x80xi32, #tpu.memory_space<vmem>> -> memref<80xi32, #tpu.memory_space<vmem>>
    %dma_start3A_369 = arith.constant 0 : i32
    %dma_start3A_370 = arith.constant 0 : i32
    %dma_start3A_371 = tpu.memref_slice %arg2[%dma_start3A_369, %dma_start3A_370] : memref<20000x64xf32, #tpu.memory_space<hbm>> -> memref<20000x64xf32, #tpu.memory_space<hbm>>
    tpu.enqueue_indirect_dma source(%dma_start3A_371 : memref<20000x64xf32, #tpu.memory_space<hbm>>) target(%dma_start3A_365 : memref<80x64xf32, #tpu.memory_space<vmem>>) offsets(%dma_start3A_368 : memref<80xi32, #tpu.memory_space<vmem>>) semaphore(%arg15 : memref<!tpu.dma_semaphore, #tpu.memory_space<semaphore_mem>>)
    %scan3A = arith.constant 0 : i32
    %scan3A_372 = arith.constant 0 : i32
    %scan3A_373 = arith.constant 50 : i32
    %scan3A_374 = arith.addi %scan3A_372, %scan3A_373 : i32
    %scan3A_375 = arith.constant 1 : i32
    scf.for %scan3A_440 = %scan3A_372 to %scan3A_374 step %scan3A_375  : i32 {
      %mul3A_441 = arith.constant 5 : i32
      %mul3A_442 = arith.muli %mul3A_441, %scan3A_440 : i32
      %add3A_443 = arith.constant 0 : i32
      %add3A_444 = arith.addi %mul3A_442, %add3A_443 : i32
      %add3A_445 = arith.constant 4 : i32
      %add3A_446 = arith.addi %add3A_444, %add3A_445 : i32
      %lt3A = arith.constant 250 : i32
      %lt3A_447 = arith.cmpi slt, %add3A_446, %lt3A : i32
      %convert_element_type3A = arith.extui %lt3A_447 : i1 to i32
      %cond3A = arith.constant 0 : i32
      %cond3A_448 = arith.cmpi ne, %convert_element_type3A, %cond3A : i32
      scf.if %cond3A_448 {
        %ge3A = arith.constant 5 : i32
        %ge3A_608 = arith.cmpi sge, %add3A_446, %ge3A : i32
        %convert_element_type3A_609 = arith.extui %ge3A_608 : i1 to i32
        %cond3A_610 = arith.constant 0 : i32
        %cond3A_611 = arith.cmpi ne, %convert_element_type3A_609, %cond3A_610 : i32
        scf.if %cond3A_611 {
          %sub3A = arith.constant 5 : i32
          %sub3A_699 = arith.subi %add3A_446, %sub3A : i32
          %dma_wait3A_700 = arith.constant 4 : i32
          %dma_wait3A_701 = arith.constant 0 : i32
          %dma_wait3A_702 = arith.constant 0 : i32
          %dma_wait3A_703 = tpu.memref_slice %arg10[%dma_wait3A_700, %dma_wait3A_701, %dma_wait3A_702] : memref<5x80x64xf32, #tpu.memory_space<vmem>> -> memref<1x80x64xf32, #tpu.memory_space<vmem>>
          %dma_wait3A_704 = tpu.memref_squeeze %dma_wait3A_703 : memref<1x80x64xf32, #tpu.memory_space<vmem>> -> memref<80x64xf32, #tpu.memory_space<vmem>>
          %dma_wait3A_705 = arith.constant 0 : i32
          %dma_wait3A_706 = tpu.memref_slice %arg8[%sub3A_699, %dma_wait3A_705] : memref<250x80xi32, #tpu.memory_space<vmem>> -> memref<1x80xi32, #tpu.memory_space<vmem>>
          %dma_wait3A_707 = tpu.memref_squeeze %dma_wait3A_706 : memref<1x80xi32, #tpu.memory_space<vmem>> -> memref<80xi32, #tpu.memory_space<vmem>>
          %dma_wait3A_708 = arith.constant 0 : i32
          %dma_wait3A_709 = arith.constant 0 : i32
          %dma_wait3A_710 = tpu.memref_slice %arg11[%dma_wait3A_708, %dma_wait3A_709] : memref<10240x64xf32, #tpu.memory_space<vmem_shared>> -> memref<10240x64xf32, #tpu.memory_space<vmem_shared>>
          tpu.wait_indirect_dma semaphore(%arg21 : memref<!tpu.dma_semaphore, #tpu.memory_space<semaphore_mem>>) src(%dma_wait3A_704 : memref<80x64xf32, #tpu.memory_space<vmem>>) dst(%dma_wait3A_710 : memref<10240x64xf32, #tpu.memory_space<vmem_shared>>)
        } else {
        }
        %get3A_612 = arith.index_cast %add3A_446 : i32 to index
        %get3A_613 = arith.constant 0 : index
        %get3A_614 = tpu.vector_load %arg7[%get3A_612, %get3A_613] {strides = array<i32>} : memref<250x80xi32, #tpu.memory_space<vmem>>, vector<1x16xi32>,
        %get3A_615 = vector.shape_cast %get3A_614 : vector<1x16xi32> to vector<16xi32>
        %mul3A_616 = arith.constant 2 : i32
        %mul3A_617 = vector.broadcast %mul3A_616 : i32 to vector<16xi32>
        %mul3A_618 = arith.muli %get3A_615, %mul3A_617 : vector<16xi32>
        %add3A_619 = vector.broadcast %arg0 : i32 to vector<16xi32>
        %add3A_620 = arith.addi %mul3A_618, %add3A_619 : vector<16xi32>
        %swap3A_621 = arith.constant 4 : i32
        %swap3A_622 = arith.index_cast %swap3A_621 : i32 to index
        %swap3A_623 = arith.constant 0 : index
        %swap3A_624 = tpu.vector_load %arg9[%swap3A_622, %swap3A_623] {strides = array<i32>} : memref<5x80xi32, #tpu.memory_space<vmem>>, vector<1x16xi32>,
        %swap3A_625 = vector.shape_cast %swap3A_624 : vector<1x16xi32> to vector<16xi32>
        %swap3A_626 = vector.shape_cast %add3A_620 : vector<16xi32> to vector<1x16xi32>
        tpu.vector_store %arg9[%swap3A_622, %swap3A_623], %swap3A_626 {strides = array<i32>} : memref<5x80xi32, #tpu.memory_space<vmem>>, vector<1x16xi32>,
        %get3A_627 = arith.index_cast %add3A_446 : i32 to index
        %get3A_628 = arith.constant 16 : index
        %get3A_629 = tpu.vector_load %arg7[%get3A_627, %get3A_628] {strides = array<i32>} : memref<250x80xi32, #tpu.memory_space<vmem>>, vector<1x16xi32>,
        %get3A_630 = vector.shape_cast %get3A_629 : vector<1x16xi32> to vector<16xi32>
        %mul3A_631 = arith.constant 2 : i32
        %mul3A_632 = vector.broadcast %mul3A_631 : i32 to vector<16xi32>
        %mul3A_633 = arith.muli %get3A_630, %mul3A_632 : vector<16xi32>
        %add3A_634 = vector.broadcast %arg0 : i32 to vector<16xi32>
        %add3A_635 = arith.addi %mul3A_633, %add3A_634 : vector<16xi32>
        %swap3A_636 = arith.constant 4 : i32
        %swap3A_637 = arith.index_cast %swap3A_636 : i32 to index
        %swap3A_638 = arith.constant 16 : index
        %swap3A_639 = tpu.vector_load %arg9[%swap3A_637, %swap3A_638] {strides = array<i32>} : memref<5x80xi32, #tpu.memory_space<vmem>>, vector<1x16xi32>,
        %swap3A_640 = vector.shape_cast %swap3A_639 : vector<1x16xi32> to vector<16xi32>
        %swap3A_641 = vector.shape_cast %add3A_635 : vector<16xi32> to vector<1x16xi32>
        tpu.vector_store %arg9[%swap3A_637, %swap3A_638], %swap3A_641 {strides = array<i32>} : memref<5x80xi32, #tpu.memory_space<vmem>>, vector<1x16xi32>,
        %get3A_642 = arith.index_cast %add3A_446 : i32 to index
        %get3A_643 = arith.constant 32 : index
        %get3A_644 = tpu.vector_load %arg7[%get3A_642, %get3A_643] {strides = array<i32>} : memref<250x80xi32, #tpu.memory_space<vmem>>, vector<1x16xi32>,
        %get3A_645 = vector.shape_cast %get3A_644 : vector<1x16xi32> to vector<16xi32>
        %mul3A_646 = arith.constant 2 : i32
        %mul3A_647 = vector.broadcast %mul3A_646 : i32 to vector<16xi32>
        %mul3A_648 = arith.muli %get3A_645, %mul3A_647 : vector<16xi32>
        %add3A_649 = vector.broadcast %arg0 : i32 to vector<16xi32>
        %add3A_650 = arith.addi %mul3A_648, %add3A_649 : vector<16xi32>
        %swap3A_651 = arith.constant 4 : i32
        %swap3A_652 = arith.index_cast %swap3A_651 : i32 to index
        %swap3A_653 = arith.constant 32 : index
        %swap3A_654 = tpu.vector_load %arg9[%swap3A_652, %swap3A_653] {strides = array<i32>} : memref<5x80xi32, #tpu.memory_space<vmem>>, vector<1x16xi32>,
        %swap3A_655 = vector.shape_cast %swap3A_654 : vector<1x16xi32> to vector<16xi32>
        %swap3A_656 = vector.shape_cast %add3A_650 : vector<16xi32> to vector<1x16xi32>
        tpu.vector_store %arg9[%swap3A_652, %swap3A_653], %swap3A_656 {strides = array<i32>} : memref<5x80xi32, #tpu.memory_space<vmem>>, vector<1x16xi32>,
        %get3A_657 = arith.index_cast %add3A_446 : i32 to index
        %get3A_658 = arith.constant 48 : index
        %get3A_659 = tpu.vector_load %arg7[%get3A_657, %get3A_658] {strides = array<i32>} : memref<250x80xi32, #tpu.memory_space<vmem>>, vector<1x16xi32>,
        %get3A_660 = vector.shape_cast %get3A_659 : vector<1x16xi32> to vector<16xi32>
        %mul3A_661 = arith.constant 2 : i32
        %mul3A_662 = vector.broadcast %mul3A_661 : i32 to vector<16xi32>
        %mul3A_663 = arith.muli %get3A_660, %mul3A_662 : vector<16xi32>
        %add3A_664 = vector.broadcast %arg0 : i32 to vector<16xi32>
        %add3A_665 = arith.addi %mul3A_663, %add3A_664 : vector<16xi32>
        %swap3A_666 = arith.constant 4 : i32
        %swap3A_667 = arith.index_cast %swap3A_666 : i32 to index
        %swap3A_668 = arith.constant 48 : index
        %swap3A_669 = tpu.vector_load %arg9[%swap3A_667, %swap3A_668] {strides = array<i32>} : memref<5x80xi32, #tpu.memory_space<vmem>>, vector<1x16xi32>,
        %swap3A_670 = vector.shape_cast %swap3A_669 : vector<1x16xi32> to vector<16xi32>
        %swap3A_671 = vector.shape_cast %add3A_665 : vector<16xi32> to vector<1x16xi32>
        tpu.vector_store %arg9[%swap3A_667, %swap3A_668], %swap3A_671 {strides = array<i32>} : memref<5x80xi32, #tpu.memory_space<vmem>>, vector<1x16xi32>,
        %get3A_672 = arith.index_cast %add3A_446 : i32 to index
        %get3A_673 = arith.constant 64 : index
        %get3A_674 = tpu.vector_load %arg7[%get3A_672, %get3A_673] {strides = array<i32>} : memref<250x80xi32, #tpu.memory_space<vmem>>, vector<1x16xi32>,
        %get3A_675 = vector.shape_cast %get3A_674 : vector<1x16xi32> to vector<16xi32>
        %mul3A_676 = arith.constant 2 : i32
        %mul3A_677 = vector.broadcast %mul3A_676 : i32 to vector<16xi32>
        %mul3A_678 = arith.muli %get3A_675, %mul3A_677 : vector<16xi32>
        %add3A_679 = vector.broadcast %arg0 : i32 to vector<16xi32>
        %add3A_680 = arith.addi %mul3A_678, %add3A_679 : vector<16xi32>
        %swap3A_681 = arith.constant 4 : i32
        %swap3A_682 = arith.index_cast %swap3A_681 : i32 to index
        %swap3A_683 = arith.constant 64 : index
        %swap3A_684 = tpu.vector_load %arg9[%swap3A_682, %swap3A_683] {strides = array<i32>} : memref<5x80xi32, #tpu.memory_space<vmem>>, vector<1x16xi32>,
        %swap3A_685 = vector.shape_cast %swap3A_684 : vector<1x16xi32> to vector<16xi32>
        %swap3A_686 = vector.shape_cast %add3A_680 : vector<16xi32> to vector<1x16xi32>
        tpu.vector_store %arg9[%swap3A_682, %swap3A_683], %swap3A_686 {strides = array<i32>} : memref<5x80xi32, #tpu.memory_space<vmem>>, vector<1x16xi32>,
        %dma_start3A_687 = arith.constant 4 : i32
        %dma_start3A_688 = arith.constant 4 : i32
        %dma_start3A_689 = arith.constant 0 : i32
        %dma_start3A_690 = arith.constant 0 : i32
        %dma_start3A_691 = tpu.memref_slice %arg10[%dma_start3A_688, %dma_start3A_689, %dma_start3A_690] : memref<5x80x64xf32, #tpu.memory_space<vmem>> -> memref<1x80x64xf32, #tpu.memory_space<vmem>>
        %dma_start3A_692 = tpu.memref_squeeze %dma_start3A_691 : memref<1x80x64xf32, #tpu.memory_space<vmem>> -> memref<80x64xf32, #tpu.memory_space<vmem>>
        %dma_start3A_693 = arith.constant 0 : i32
        %dma_start3A_694 = tpu.memref_slice %arg9[%dma_start3A_687, %dma_start3A_693] : memref<5x80xi32, #tpu.memory_space<vmem>> -> memref<1x80xi32, #tpu.memory_space<vmem>>
        %dma_start3A_695 = tpu.memref_squeeze %dma_start3A_694 : memref<1x80xi32, #tpu.memory_space<vmem>> -> memref<80xi32, #tpu.memory_space<vmem>>
        %dma_start3A_696 = arith.constant 0 : i32
        %dma_start3A_697 = arith.constant 0 : i32
        %dma_start3A_698 = tpu.memref_slice %arg2[%dma_start3A_696, %dma_start3A_697] : memref<20000x64xf32, #tpu.memory_space<hbm>> -> memref<20000x64xf32, #tpu.memory_space<hbm>>
        tpu.enqueue_indirect_dma source(%dma_start3A_698 : memref<20000x64xf32, #tpu.memory_space<hbm>>) target(%dma_start3A_692 : memref<80x64xf32, #tpu.memory_space<vmem>>) offsets(%dma_start3A_695 : memref<80xi32, #tpu.memory_space<vmem>>) semaphore(%arg16 : memref<!tpu.dma_semaphore, #tpu.memory_space<semaphore_mem>>)
      } else {
      }
      %dma_wait3A_449 = arith.constant 0 : i32
      %dma_wait3A_450 = arith.constant 0 : i32
      %dma_wait3A_451 = arith.constant 0 : i32
      %dma_wait3A_452 = arith.constant 0 : i32
      %dma_wait3A_453 = tpu.memref_slice %arg10[%dma_wait3A_450, %dma_wait3A_451, %dma_wait3A_452] : memref<5x80x64xf32, #tpu.memory_space<vmem>> -> memref<1x80x64xf32, #tpu.memory_space<vmem>>
      %dma_wait3A_454 = tpu.memref_squeeze %dma_wait3A_453 : memref<1x80x64xf32, #tpu.memory_space<vmem>> -> memref<80x64xf32, #tpu.memory_space<vmem>>
      %dma_wait3A_455 = arith.constant 0 : i32
      %dma_wait3A_456 = tpu.memref_slice %arg9[%dma_wait3A_449, %dma_wait3A_455] : memref<5x80xi32, #tpu.memory_space<vmem>> -> memref<1x80xi32, #tpu.memory_space<vmem>>
      %dma_wait3A_457 = tpu.memref_squeeze %dma_wait3A_456 : memref<1x80xi32, #tpu.memory_space<vmem>> -> memref<80xi32, #tpu.memory_space<vmem>>
      %dma_wait3A_458 = arith.constant 0 : i32
      %dma_wait3A_459 = arith.constant 0 : i32
      %dma_wait3A_460 = tpu.memref_slice %arg2[%dma_wait3A_458, %dma_wait3A_459] : memref<20000x64xf32, #tpu.memory_space<hbm>> -> memref<20000x64xf32, #tpu.memory_space<hbm>>
      tpu.wait_indirect_dma semaphore(%arg12 : memref<!tpu.dma_semaphore, #tpu.memory_space<semaphore_mem>>) src(%dma_wait3A_460 : memref<20000x64xf32, #tpu.memory_space<hbm>>) dst(%dma_wait3A_454 : memref<80x64xf32, #tpu.memory_space<vmem>>)
      %dma_start3A_461 = arith.constant 0 : i32
      %dma_start3A_462 = arith.constant 0 : i32
      %dma_start3A_463 = arith.constant 0 : i32
      %dma_start3A_464 = tpu.memref_slice %arg10[%dma_start3A_461, %dma_start3A_462, %dma_start3A_463] : memref<5x80x64xf32, #tpu.memory_space<vmem>> -> memref<1x80x64xf32, #tpu.memory_space<vmem>>
      %dma_start3A_465 = tpu.memref_squeeze %dma_start3A_464 : memref<1x80x64xf32, #tpu.memory_space<vmem>> -> memref<80x64xf32, #tpu.memory_space<vmem>>
      %dma_start3A_466 = arith.constant 0 : i32
      %dma_start3A_467 = tpu.memref_slice %arg8[%add3A_444, %dma_start3A_466] : memref<250x80xi32, #tpu.memory_space<vmem>> -> memref<1x80xi32, #tpu.memory_space<vmem>>
      %dma_start3A_468 = tpu.memref_squeeze %dma_start3A_467 : memref<1x80xi32, #tpu.memory_space<vmem>> -> memref<80xi32, #tpu.memory_space<vmem>>
      %dma_start3A_469 = arith.constant 0 : i32
      %dma_start3A_470 = arith.constant 0 : i32
      %dma_start3A_471 = tpu.memref_slice %arg11[%dma_start3A_469, %dma_start3A_470] : memref<10240x64xf32, #tpu.memory_space<vmem_shared>> -> memref<10240x64xf32, #tpu.memory_space<vmem_shared>>
      tpu.enqueue_indirect_dma source(%dma_start3A_465 : memref<80x64xf32, #tpu.memory_space<vmem>>) target(%dma_start3A_471 : memref<10240x64xf32, #tpu.memory_space<vmem_shared>>) offsets(%dma_start3A_468 : memref<80xi32, #tpu.memory_space<vmem>>) semaphore(%arg17 : memref<!tpu.dma_semaphore, #tpu.memory_space<semaphore_mem>>) {add = true}
      %mul3A_472 = arith.constant 5 : i32
      %mul3A_473 = arith.muli %mul3A_472, %scan3A_440 : i32
      %add3A_474 = arith.constant 1 : i32
      %add3A_475 = arith.addi %mul3A_473, %add3A_474 : i32
      %add3A_476 = arith.constant 4 : i32
      %add3A_477 = arith.addi %add3A_475, %add3A_476 : i32
      %lt3A_478 = arith.constant 250 : i32
      %lt3A_479 = arith.cmpi slt, %add3A_477, %lt3A_478 : i32
      %convert_element_type3A_480 = arith.extui %lt3A_479 : i1 to i32
      %cond3A_481 = arith.constant 0 : i32
      %cond3A_482 = arith.cmpi ne, %convert_element_type3A_480, %cond3A_481 : i32
      scf.if %cond3A_482 {
        %ge3A = arith.constant 5 : i32
        %ge3A_608 = arith.cmpi sge, %add3A_477, %ge3A : i32
        %convert_element_type3A_609 = arith.extui %ge3A_608 : i1 to i32
        %cond3A_610 = arith.constant 0 : i32
        %cond3A_611 = arith.cmpi ne, %convert_element_type3A_609, %cond3A_610 : i32
        scf.if %cond3A_611 {
          %sub3A = arith.constant 5 : i32
          %sub3A_699 = arith.subi %add3A_477, %sub3A : i32
          %dma_wait3A_700 = arith.constant 0 : i32
          %dma_wait3A_701 = arith.constant 0 : i32
          %dma_wait3A_702 = arith.constant 0 : i32
          %dma_wait3A_703 = tpu.memref_slice %arg10[%dma_wait3A_700, %dma_wait3A_701, %dma_wait3A_702] : memref<5x80x64xf32, #tpu.memory_space<vmem>> -> memref<1x80x64xf32, #tpu.memory_space<vmem>>
          %dma_wait3A_704 = tpu.memref_squeeze %dma_wait3A_703 : memref<1x80x64xf32, #tpu.memory_space<vmem>> -> memref<80x64xf32, #tpu.memory_space<vmem>>
          %dma_wait3A_705 = arith.constant 0 : i32
          %dma_wait3A_706 = tpu.memref_slice %arg8[%sub3A_699, %dma_wait3A_705] : memref<250x80xi32, #tpu.memory_space<vmem>> -> memref<1x80xi32, #tpu.memory_space<vmem>>
          %dma_wait3A_707 = tpu.memref_squeeze %dma_wait3A_706 : memref<1x80xi32, #tpu.memory_space<vmem>> -> memref<80xi32, #tpu.memory_space<vmem>>
          %dma_wait3A_708 = arith.constant 0 : i32
          %dma_wait3A_709 = arith.constant 0 : i32
          %dma_wait3A_710 = tpu.memref_slice %arg11[%dma_wait3A_708, %dma_wait3A_709] : memref<10240x64xf32, #tpu.memory_space<vmem_shared>> -> memref<10240x64xf32, #tpu.memory_space<vmem_shared>>
          tpu.wait_indirect_dma semaphore(%arg17 : memref<!tpu.dma_semaphore, #tpu.memory_space<semaphore_mem>>) src(%dma_wait3A_704 : memref<80x64xf32, #tpu.memory_space<vmem>>) dst(%dma_wait3A_710 : memref<10240x64xf32, #tpu.memory_space<vmem_shared>>)
        } else {
        }
        %get3A_612 = arith.index_cast %add3A_477 : i32 to index
        %get3A_613 = arith.constant 0 : index
        %get3A_614 = tpu.vector_load %arg7[%get3A_612, %get3A_613] {strides = array<i32>} : memref<250x80xi32, #tpu.memory_space<vmem>>, vector<1x16xi32>,
        %get3A_615 = vector.shape_cast %get3A_614 : vector<1x16xi32> to vector<16xi32>
        %mul3A_616 = arith.constant 2 : i32
        %mul3A_617 = vector.broadcast %mul3A_616 : i32 to vector<16xi32>
        %mul3A_618 = arith.muli %get3A_615, %mul3A_617 : vector<16xi32>
        %add3A_619 = vector.broadcast %arg0 : i32 to vector<16xi32>
        %add3A_620 = arith.addi %mul3A_618, %add3A_619 : vector<16xi32>
        %swap3A_621 = arith.constant 0 : i32
        %swap3A_622 = arith.index_cast %swap3A_621 : i32 to index
        %swap3A_623 = arith.constant 0 : index
        %swap3A_624 = tpu.vector_load %arg9[%swap3A_622, %swap3A_623] {strides = array<i32>} : memref<5x80xi32, #tpu.memory_space<vmem>>, vector<1x16xi32>,
        %swap3A_625 = vector.shape_cast %swap3A_624 : vector<1x16xi32> to vector<16xi32>
        %swap3A_626 = vector.shape_cast %add3A_620 : vector<16xi32> to vector<1x16xi32>
        tpu.vector_store %arg9[%swap3A_622, %swap3A_623], %swap3A_626 {strides = array<i32>} : memref<5x80xi32, #tpu.memory_space<vmem>>, vector<1x16xi32>,
        %get3A_627 = arith.index_cast %add3A_477 : i32 to index
        %get3A_628 = arith.constant 16 : index
        %get3A_629 = tpu.vector_load %arg7[%get3A_627, %get3A_628] {strides = array<i32>} : memref<250x80xi32, #tpu.memory_space<vmem>>, vector<1x16xi32>,
        %get3A_630 = vector.shape_cast %get3A_629 : vector<1x16xi32> to vector<16xi32>
        %mul3A_631 = arith.constant 2 : i32
        %mul3A_632 = vector.broadcast %mul3A_631 : i32 to vector<16xi32>
        %mul3A_633 = arith.muli %get3A_630, %mul3A_632 : vector<16xi32>
        %add3A_634 = vector.broadcast %arg0 : i32 to vector<16xi32>
        %add3A_635 = arith.addi %mul3A_633, %add3A_634 : vector<16xi32>
        %swap3A_636 = arith.constant 0 : i32
        %swap3A_637 = arith.index_cast %swap3A_636 : i32 to index
        %swap3A_638 = arith.constant 16 : index
        %swap3A_639 = tpu.vector_load %arg9[%swap3A_637, %swap3A_638] {strides = array<i32>} : memref<5x80xi32, #tpu.memory_space<vmem>>, vector<1x16xi32>,
        %swap3A_640 = vector.shape_cast %swap3A_639 : vector<1x16xi32> to vector<16xi32>
        %swap3A_641 = vector.shape_cast %add3A_635 : vector<16xi32> to vector<1x16xi32>
        tpu.vector_store %arg9[%swap3A_637, %swap3A_638], %swap3A_641 {strides = array<i32>} : memref<5x80xi32, #tpu.memory_space<vmem>>, vector<1x16xi32>,
        %get3A_642 = arith.index_cast %add3A_477 : i32 to index
        %get3A_643 = arith.constant 32 : index
        %get3A_644 = tpu.vector_load %arg7[%get3A_642, %get3A_643] {strides = array<i32>} : memref<250x80xi32, #tpu.memory_space<vmem>>, vector<1x16xi32>,
        %get3A_645 = vector.shape_cast %get3A_644 : vector<1x16xi32> to vector<16xi32>
        %mul3A_646 = arith.constant 2 : i32
        %mul3A_647 = vector.broadcast %mul3A_646 : i32 to vector<16xi32>
        %mul3A_648 = arith.muli %get3A_645, %mul3A_647 : vector<16xi32>
        %add3A_649 = vector.broadcast %arg0 : i32 to vector<16xi32>
        %add3A_650 = arith.addi %mul3A_648, %add3A_649 : vector<16xi32>
        %swap3A_651 = arith.constant 0 : i32
        %swap3A_652 = arith.index_cast %swap3A_651 : i32 to index
        %swap3A_653 = arith.constant 32 : index
        %swap3A_654 = tpu.vector_load %arg9[%swap3A_652, %swap3A_653] {strides = array<i32>} : memref<5x80xi32, #tpu.memory_space<vmem>>, vector<1x16xi32>,
        %swap3A_655 = vector.shape_cast %swap3A_654 : vector<1x16xi32> to vector<16xi32>
        %swap3A_656 = vector.shape_cast %add3A_650 : vector<16xi32> to vector<1x16xi32>
        tpu.vector_store %arg9[%swap3A_652, %swap3A_653], %swap3A_656 {strides = array<i32>} : memref<5x80xi32, #tpu.memory_space<vmem>>, vector<1x16xi32>,
        %get3A_657 = arith.index_cast %add3A_477 : i32 to index
        %get3A_658 = arith.constant 48 : index
        %get3A_659 = tpu.vector_load %arg7[%get3A_657, %get3A_658] {strides = array<i32>} : memref<250x80xi32, #tpu.memory_space<vmem>>, vector<1x16xi32>,
        %get3A_660 = vector.shape_cast %get3A_659 : vector<1x16xi32> to vector<16xi32>
        %mul3A_661 = arith.constant 2 : i32
        %mul3A_662 = vector.broadcast %mul3A_661 : i32 to vector<16xi32>
        %mul3A_663 = arith.muli %get3A_660, %mul3A_662 : vector<16xi32>
        %add3A_664 = vector.broadcast %arg0 : i32 to vector<16xi32>
        %add3A_665 = arith.addi %mul3A_663, %add3A_664 : vector<16xi32>
        %swap3A_666 = arith.constant 0 : i32
        %swap3A_667 = arith.index_cast %swap3A_666 : i32 to index
        %swap3A_668 = arith.constant 48 : index
        %swap3A_669 = tpu.vector_load %arg9[%swap3A_667, %swap3A_668] {strides = array<i32>} : memref<5x80xi32, #tpu.memory_space<vmem>>, vector<1x16xi32>,
        %swap3A_670 = vector.shape_cast %swap3A_669 : vector<1x16xi32> to vector<16xi32>
        %swap3A_671 = vector.shape_cast %add3A_665 : vector<16xi32> to vector<1x16xi32>
        tpu.vector_store %arg9[%swap3A_667, %swap3A_668], %swap3A_671 {strides = array<i32>} : memref<5x80xi32, #tpu.memory_space<vmem>>, vector<1x16xi32>,
        %get3A_672 = arith.index_cast %add3A_477 : i32 to index
        %get3A_673 = arith.constant 64 : index
        %get3A_674 = tpu.vector_load %arg7[%get3A_672, %get3A_673] {strides = array<i32>} : memref<250x80xi32, #tpu.memory_space<vmem>>, vector<1x16xi32>,
        %get3A_675 = vector.shape_cast %get3A_674 : vector<1x16xi32> to vector<16xi32>
        %mul3A_676 = arith.constant 2 : i32
        %mul3A_677 = vector.broadcast %mul3A_676 : i32 to vector<16xi32>
        %mul3A_678 = arith.muli %get3A_675, %mul3A_677 : vector<16xi32>
        %add3A_679 = vector.broadcast %arg0 : i32 to vector<16xi32>
        %add3A_680 = arith.addi %mul3A_678, %add3A_679 : vector<16xi32>
        %swap3A_681 = arith.constant 0 : i32
        %swap3A_682 = arith.index_cast %swap3A_681 : i32 to index
        %swap3A_683 = arith.constant 64 : index
        %swap3A_684 = tpu.vector_load %arg9[%swap3A_682, %swap3A_683] {strides = array<i32>} : memref<5x80xi32, #tpu.memory_space<vmem>>, vector<1x16xi32>,
        %swap3A_685 = vector.shape_cast %swap3A_684 : vector<1x16xi32> to vector<16xi32>
        %swap3A_686 = vector.shape_cast %add3A_680 : vector<16xi32> to vector<1x16xi32>
        tpu.vector_store %arg9[%swap3A_682, %swap3A_683], %swap3A_686 {strides = array<i32>} : memref<5x80xi32, #tpu.memory_space<vmem>>, vector<1x16xi32>,
        %dma_start3A_687 = arith.constant 0 : i32
        %dma_start3A_688 = arith.constant 0 : i32
        %dma_start3A_689 = arith.constant 0 : i32
        %dma_start3A_690 = arith.constant 0 : i32
        %dma_start3A_691 = tpu.memref_slice %arg10[%dma_start3A_688, %dma_start3A_689, %dma_start3A_690] : memref<5x80x64xf32, #tpu.memory_space<vmem>> -> memref<1x80x64xf32, #tpu.memory_space<vmem>>
        %dma_start3A_692 = tpu.memref_squeeze %dma_start3A_691 : memref<1x80x64xf32, #tpu.memory_space<vmem>> -> memref<80x64xf32, #tpu.memory_space<vmem>>
        %dma_start3A_693 = arith.constant 0 : i32
        %dma_start3A_694 = tpu.memref_slice %arg9[%dma_start3A_687, %dma_start3A_693] : memref<5x80xi32, #tpu.memory_space<vmem>> -> memref<1x80xi32, #tpu.memory_space<vmem>>
        %dma_start3A_695 = tpu.memref_squeeze %dma_start3A_694 : memref<1x80xi32, #tpu.memory_space<vmem>> -> memref<80xi32, #tpu.memory_space<vmem>>
        %dma_start3A_696 = arith.constant 0 : i32
        %dma_start3A_697 = arith.constant 0 : i32
        %dma_start3A_698 = tpu.memref_slice %arg2[%dma_start3A_696, %dma_start3A_697] : memref<20000x64xf32, #tpu.memory_space<hbm>> -> memref<20000x64xf32, #tpu.memory_space<hbm>>
        tpu.enqueue_indirect_dma source(%dma_start3A_698 : memref<20000x64xf32, #tpu.memory_space<hbm>>) target(%dma_start3A_692 : memref<80x64xf32, #tpu.memory_space<vmem>>) offsets(%dma_start3A_695 : memref<80xi32, #tpu.memory_space<vmem>>) semaphore(%arg12 : memref<!tpu.dma_semaphore, #tpu.memory_space<semaphore_mem>>)
      } else {
      }
      %dma_wait3A_483 = arith.constant 1 : i32
      %dma_wait3A_484 = arith.constant 1 : i32
      %dma_wait3A_485 = arith.constant 0 : i32
      %dma_wait3A_486 = arith.constant 0 : i32
      %dma_wait3A_487 = tpu.memref_slice %arg10[%dma_wait3A_484, %dma_wait3A_485, %dma_wait3A_486] : memref<5x80x64xf32, #tpu.memory_space<vmem>> -> memref<1x80x64xf32, #tpu.memory_space<vmem>>
      %dma_wait3A_488 = tpu.memref_squeeze %dma_wait3A_487 : memref<1x80x64xf32, #tpu.memory_space<vmem>> -> memref<80x64xf32, #tpu.memory_space<vmem>>
      %dma_wait3A_489 = arith.constant 0 : i32
      %dma_wait3A_490 = tpu.memref_slice %arg9[%dma_wait3A_483, %dma_wait3A_489] : memref<5x80xi32, #tpu.memory_space<vmem>> -> memref<1x80xi32, #tpu.memory_space<vmem>>
      %dma_wait3A_491 = tpu.memref_squeeze %dma_wait3A_490 : memref<1x80xi32, #tpu.memory_space<vmem>> -> memref<80xi32, #tpu.memory_space<vmem>>
      %dma_wait3A_492 = arith.constant 0 : i32
      %dma_wait3A_493 = arith.constant 0 : i32
      %dma_wait3A_494 = tpu.memref_slice %arg2[%dma_wait3A_492, %dma_wait3A_493] : memref<20000x64xf32, #tpu.memory_space<hbm>> -> memref<20000x64xf32, #tpu.memory_space<hbm>>
      tpu.wait_indirect_dma semaphore(%arg13 : memref<!tpu.dma_semaphore, #tpu.memory_space<semaphore_mem>>) src(%dma_wait3A_494 : memref<20000x64xf32, #tpu.memory_space<hbm>>) dst(%dma_wait3A_488 : memref<80x64xf32, #tpu.memory_space<vmem>>)
      %dma_start3A_495 = arith.constant 1 : i32
      %dma_start3A_496 = arith.constant 0 : i32
      %dma_start3A_497 = arith.constant 0 : i32
      %dma_start3A_498 = tpu.memref_slice %arg10[%dma_start3A_495, %dma_start3A_496, %dma_start3A_497] : memref<5x80x64xf32, #tpu.memory_space<vmem>> -> memref<1x80x64xf32, #tpu.memory_space<vmem>>
      %dma_start3A_499 = tpu.memref_squeeze %dma_start3A_498 : memref<1x80x64xf32, #tpu.memory_space<vmem>> -> memref<80x64xf32, #tpu.memory_space<vmem>>
      %dma_start3A_500 = arith.constant 0 : i32
      %dma_start3A_501 = tpu.memref_slice %arg8[%add3A_475, %dma_start3A_500] : memref<250x80xi32, #tpu.memory_space<vmem>> -> memref<1x80xi32, #tpu.memory_space<vmem>>
      %dma_start3A_502 = tpu.memref_squeeze %dma_start3A_501 : memref<1x80xi32, #tpu.memory_space<vmem>> -> memref<80xi32, #tpu.memory_space<vmem>>
      %dma_start3A_503 = arith.constant 0 : i32
      %dma_start3A_504 = arith.constant 0 : i32
      %dma_start3A_505 = tpu.memref_slice %arg11[%dma_start3A_503, %dma_start3A_504] : memref<10240x64xf32, #tpu.memory_space<vmem_shared>> -> memref<10240x64xf32, #tpu.memory_space<vmem_shared>>
      tpu.enqueue_indirect_dma source(%dma_start3A_499 : memref<80x64xf32, #tpu.memory_space<vmem>>) target(%dma_start3A_505 : memref<10240x64xf32, #tpu.memory_space<vmem_shared>>) offsets(%dma_start3A_502 : memref<80xi32, #tpu.memory_space<vmem>>) semaphore(%arg18 : memref<!tpu.dma_semaphore, #tpu.memory_space<semaphore_mem>>) {add = true}
      %mul3A_506 = arith.constant 5 : i32
      %mul3A_507 = arith.muli %mul3A_506, %scan3A_440 : i32
      %add3A_508 = arith.constant 2 : i32
      %add3A_509 = arith.addi %mul3A_507, %add3A_508 : i32
      %add3A_510 = arith.constant 4 : i32
      %add3A_511 = arith.addi %add3A_509, %add3A_510 : i32
      %lt3A_512 = arith.constant 250 : i32
      %lt3A_513 = arith.cmpi slt, %add3A_511, %lt3A_512 : i32
      %convert_element_type3A_514 = arith.extui %lt3A_513 : i1 to i32
      %cond3A_515 = arith.constant 0 : i32
      %cond3A_516 = arith.cmpi ne, %convert_element_type3A_514, %cond3A_515 : i32
      scf.if %cond3A_516 {
        %ge3A = arith.constant 5 : i32
        %ge3A_608 = arith.cmpi sge, %add3A_511, %ge3A : i32
        %convert_element_type3A_609 = arith.extui %ge3A_608 : i1 to i32
        %cond3A_610 = arith.constant 0 : i32
        %cond3A_611 = arith.cmpi ne, %convert_element_type3A_609, %cond3A_610 : i32
        scf.if %cond3A_611 {
          %sub3A = arith.constant 5 : i32
          %sub3A_699 = arith.subi %add3A_511, %sub3A : i32
          %dma_wait3A_700 = arith.constant 1 : i32
          %dma_wait3A_701 = arith.constant 0 : i32
          %dma_wait3A_702 = arith.constant 0 : i32
          %dma_wait3A_703 = tpu.memref_slice %arg10[%dma_wait3A_700, %dma_wait3A_701, %dma_wait3A_702] : memref<5x80x64xf32, #tpu.memory_space<vmem>> -> memref<1x80x64xf32, #tpu.memory_space<vmem>>
          %dma_wait3A_704 = tpu.memref_squeeze %dma_wait3A_703 : memref<1x80x64xf32, #tpu.memory_space<vmem>> -> memref<80x64xf32, #tpu.memory_space<vmem>>
          %dma_wait3A_705 = arith.constant 0 : i32
          %dma_wait3A_706 = tpu.memref_slice %arg8[%sub3A_699, %dma_wait3A_705] : memref<250x80xi32, #tpu.memory_space<vmem>> -> memref<1x80xi32, #tpu.memory_space<vmem>>
          %dma_wait3A_707 = tpu.memref_squeeze %dma_wait3A_706 : memref<1x80xi32, #tpu.memory_space<vmem>> -> memref<80xi32, #tpu.memory_space<vmem>>
          %dma_wait3A_708 = arith.constant 0 : i32
          %dma_wait3A_709 = arith.constant 0 : i32
          %dma_wait3A_710 = tpu.memref_slice %arg11[%dma_wait3A_708, %dma_wait3A_709] : memref<10240x64xf32, #tpu.memory_space<vmem_shared>> -> memref<10240x64xf32, #tpu.memory_space<vmem_shared>>
          tpu.wait_indirect_dma semaphore(%arg18 : memref<!tpu.dma_semaphore, #tpu.memory_space<semaphore_mem>>) src(%dma_wait3A_704 : memref<80x64xf32, #tpu.memory_space<vmem>>) dst(%dma_wait3A_710 : memref<10240x64xf32, #tpu.memory_space<vmem_shared>>)
        } else {
        }
        %get3A_612 = arith.index_cast %add3A_511 : i32 to index
        %get3A_613 = arith.constant 0 : index
        %get3A_614 = tpu.vector_load %arg7[%get3A_612, %get3A_613] {strides = array<i32>} : memref<250x80xi32, #tpu.memory_space<vmem>>, vector<1x16xi32>,
        %get3A_615 = vector.shape_cast %get3A_614 : vector<1x16xi32> to vector<16xi32>
        %mul3A_616 = arith.constant 2 : i32
        %mul3A_617 = vector.broadcast %mul3A_616 : i32 to vector<16xi32>
        %mul3A_618 = arith.muli %get3A_615, %mul3A_617 : vector<16xi32>
        %add3A_619 = vector.broadcast %arg0 : i32 to vector<16xi32>
        %add3A_620 = arith.addi %mul3A_618, %add3A_619 : vector<16xi32>
        %swap3A_621 = arith.constant 1 : i32
        %swap3A_622 = arith.index_cast %swap3A_621 : i32 to index
        %swap3A_623 = arith.constant 0 : index
        %swap3A_624 = tpu.vector_load %arg9[%swap3A_622, %swap3A_623] {strides = array<i32>} : memref<5x80xi32, #tpu.memory_space<vmem>>, vector<1x16xi32>,
        %swap3A_625 = vector.shape_cast %swap3A_624 : vector<1x16xi32> to vector<16xi32>
        %swap3A_626 = vector.shape_cast %add3A_620 : vector<16xi32> to vector<1x16xi32>
        tpu.vector_store %arg9[%swap3A_622, %swap3A_623], %swap3A_626 {strides = array<i32>} : memref<5x80xi32, #tpu.memory_space<vmem>>, vector<1x16xi32>,
        %get3A_627 = arith.index_cast %add3A_511 : i32 to index
        %get3A_628 = arith.constant 16 : index
        %get3A_629 = tpu.vector_load %arg7[%get3A_627, %get3A_628] {strides = array<i32>} : memref<250x80xi32, #tpu.memory_space<vmem>>, vector<1x16xi32>,
        %get3A_630 = vector.shape_cast %get3A_629 : vector<1x16xi32> to vector<16xi32>
        %mul3A_631 = arith.constant 2 : i32
        %mul3A_632 = vector.broadcast %mul3A_631 : i32 to vector<16xi32>
        %mul3A_633 = arith.muli %get3A_630, %mul3A_632 : vector<16xi32>
        %add3A_634 = vector.broadcast %arg0 : i32 to vector<16xi32>
        %add3A_635 = arith.addi %mul3A_633, %add3A_634 : vector<16xi32>
        %swap3A_636 = arith.constant 1 : i32
        %swap3A_637 = arith.index_cast %swap3A_636 : i32 to index
        %swap3A_638 = arith.constant 16 : index
        %swap3A_639 = tpu.vector_load %arg9[%swap3A_637, %swap3A_638] {strides = array<i32>} : memref<5x80xi32, #tpu.memory_space<vmem>>, vector<1x16xi32>,
        %swap3A_640 = vector.shape_cast %swap3A_639 : vector<1x16xi32> to vector<16xi32>
        %swap3A_641 = vector.shape_cast %add3A_635 : vector<16xi32> to vector<1x16xi32>
        tpu.vector_store %arg9[%swap3A_637, %swap3A_638], %swap3A_641 {strides = array<i32>} : memref<5x80xi32, #tpu.memory_space<vmem>>, vector<1x16xi32>,
        %get3A_642 = arith.index_cast %add3A_511 : i32 to index
        %get3A_643 = arith.constant 32 : index
        %get3A_644 = tpu.vector_load %arg7[%get3A_642, %get3A_643] {strides = array<i32>} : memref<250x80xi32, #tpu.memory_space<vmem>>, vector<1x16xi32>,
        %get3A_645 = vector.shape_cast %get3A_644 : vector<1x16xi32> to vector<16xi32>
        %mul3A_646 = arith.constant 2 : i32
        %mul3A_647 = vector.broadcast %mul3A_646 : i32 to vector<16xi32>
        %mul3A_648 = arith.muli %get3A_645, %mul3A_647 : vector<16xi32>
        %add3A_649 = vector.broadcast %arg0 : i32 to vector<16xi32>
        %add3A_650 = arith.addi %mul3A_648, %add3A_649 : vector<16xi32>
        %swap3A_651 = arith.constant 1 : i32
        %swap3A_652 = arith.index_cast %swap3A_651 : i32 to index
        %swap3A_653 = arith.constant 32 : index
        %swap3A_654 = tpu.vector_load %arg9[%swap3A_652, %swap3A_653] {strides = array<i32>} : memref<5x80xi32, #tpu.memory_space<vmem>>, vector<1x16xi32>,
        %swap3A_655 = vector.shape_cast %swap3A_654 : vector<1x16xi32> to vector<16xi32>
        %swap3A_656 = vector.shape_cast %add3A_650 : vector<16xi32> to vector<1x16xi32>
        tpu.vector_store %arg9[%swap3A_652, %swap3A_653], %swap3A_656 {strides = array<i32>} : memref<5x80xi32, #tpu.memory_space<vmem>>, vector<1x16xi32>,
        %get3A_657 = arith.index_cast %add3A_511 : i32 to index
        %get3A_658 = arith.constant 48 : index
        %get3A_659 = tpu.vector_load %arg7[%get3A_657, %get3A_658] {strides = array<i32>} : memref<250x80xi32, #tpu.memory_space<vmem>>, vector<1x16xi32>,
        %get3A_660 = vector.shape_cast %get3A_659 : vector<1x16xi32> to vector<16xi32>
        %mul3A_661 = arith.constant 2 : i32
        %mul3A_662 = vector.broadcast %mul3A_661 : i32 to vector<16xi32>
        %mul3A_663 = arith.muli %get3A_660, %mul3A_662 : vector<16xi32>
        %add3A_664 = vector.broadcast %arg0 : i32 to vector<16xi32>
        %add3A_665 = arith.addi %mul3A_663, %add3A_664 : vector<16xi32>
        %swap3A_666 = arith.constant 1 : i32
        %swap3A_667 = arith.index_cast %swap3A_666 : i32 to index
        %swap3A_668 = arith.constant 48 : index
        %swap3A_669 = tpu.vector_load %arg9[%swap3A_667, %swap3A_668] {strides = array<i32>} : memref<5x80xi32, #tpu.memory_space<vmem>>, vector<1x16xi32>,
        %swap3A_670 = vector.shape_cast %swap3A_669 : vector<1x16xi32> to vector<16xi32>
        %swap3A_671 = vector.shape_cast %add3A_665 : vector<16xi32> to vector<1x16xi32>
        tpu.vector_store %arg9[%swap3A_667, %swap3A_668], %swap3A_671 {strides = array<i32>} : memref<5x80xi32, #tpu.memory_space<vmem>>, vector<1x16xi32>,
        %get3A_672 = arith.index_cast %add3A_511 : i32 to index
        %get3A_673 = arith.constant 64 : index
        %get3A_674 = tpu.vector_load %arg7[%get3A_672, %get3A_673] {strides = array<i32>} : memref<250x80xi32, #tpu.memory_space<vmem>>, vector<1x16xi32>,
        %get3A_675 = vector.shape_cast %get3A_674 : vector<1x16xi32> to vector<16xi32>
        %mul3A_676 = arith.constant 2 : i32
        %mul3A_677 = vector.broadcast %mul3A_676 : i32 to vector<16xi32>
        %mul3A_678 = arith.muli %get3A_675, %mul3A_677 : vector<16xi32>
        %add3A_679 = vector.broadcast %arg0 : i32 to vector<16xi32>
        %add3A_680 = arith.addi %mul3A_678, %add3A_679 : vector<16xi32>
        %swap3A_681 = arith.constant 1 : i32
        %swap3A_682 = arith.index_cast %swap3A_681 : i32 to index
        %swap3A_683 = arith.constant 64 : index
        %swap3A_684 = tpu.vector_load %arg9[%swap3A_682, %swap3A_683] {strides = array<i32>} : memref<5x80xi32, #tpu.memory_space<vmem>>, vector<1x16xi32>,
        %swap3A_685 = vector.shape_cast %swap3A_684 : vector<1x16xi32> to vector<16xi32>
        %swap3A_686 = vector.shape_cast %add3A_680 : vector<16xi32> to vector<1x16xi32>
        tpu.vector_store %arg9[%swap3A_682, %swap3A_683], %swap3A_686 {strides = array<i32>} : memref<5x80xi32, #tpu.memory_space<vmem>>, vector<1x16xi32>,
        %dma_start3A_687 = arith.constant 1 : i32
        %dma_start3A_688 = arith.constant 1 : i32
        %dma_start3A_689 = arith.constant 0 : i32
        %dma_start3A_690 = arith.constant 0 : i32
        %dma_start3A_691 = tpu.memref_slice %arg10[%dma_start3A_688, %dma_start3A_689, %dma_start3A_690] : memref<5x80x64xf32, #tpu.memory_space<vmem>> -> memref<1x80x64xf32, #tpu.memory_space<vmem>>
        %dma_start3A_692 = tpu.memref_squeeze %dma_start3A_691 : memref<1x80x64xf32, #tpu.memory_space<vmem>> -> memref<80x64xf32, #tpu.memory_space<vmem>>
        %dma_start3A_693 = arith.constant 0 : i32
        %dma_start3A_694 = tpu.memref_slice %arg9[%dma_start3A_687, %dma_start3A_693] : memref<5x80xi32, #tpu.memory_space<vmem>> -> memref<1x80xi32, #tpu.memory_space<vmem>>
        %dma_start3A_695 = tpu.memref_squeeze %dma_start3A_694 : memref<1x80xi32, #tpu.memory_space<vmem>> -> memref<80xi32, #tpu.memory_space<vmem>>
        %dma_start3A_696 = arith.constant 0 : i32
        %dma_start3A_697 = arith.constant 0 : i32
        %dma_start3A_698 = tpu.memref_slice %arg2[%dma_start3A_696, %dma_start3A_697] : memref<20000x64xf32, #tpu.memory_space<hbm>> -> memref<20000x64xf32, #tpu.memory_space<hbm>>
        tpu.enqueue_indirect_dma source(%dma_start3A_698 : memref<20000x64xf32, #tpu.memory_space<hbm>>) target(%dma_start3A_692 : memref<80x64xf32, #tpu.memory_space<vmem>>) offsets(%dma_start3A_695 : memref<80xi32, #tpu.memory_space<vmem>>) semaphore(%arg13 : memref<!tpu.dma_semaphore, #tpu.memory_space<semaphore_mem>>)
      } else {
      }
      %dma_wait3A_517 = arith.constant 2 : i32
      %dma_wait3A_518 = arith.constant 2 : i32
      %dma_wait3A_519 = arith.constant 0 : i32
      %dma_wait3A_520 = arith.constant 0 : i32
      %dma_wait3A_521 = tpu.memref_slice %arg10[%dma_wait3A_518, %dma_wait3A_519, %dma_wait3A_520] : memref<5x80x64xf32, #tpu.memory_space<vmem>> -> memref<1x80x64xf32, #tpu.memory_space<vmem>>
      %dma_wait3A_522 = tpu.memref_squeeze %dma_wait3A_521 : memref<1x80x64xf32, #tpu.memory_space<vmem>> -> memref<80x64xf32, #tpu.memory_space<vmem>>
      %dma_wait3A_523 = arith.constant 0 : i32
      %dma_wait3A_524 = tpu.memref_slice %arg9[%dma_wait3A_517, %dma_wait3A_523] : memref<5x80xi32, #tpu.memory_space<vmem>> -> memref<1x80xi32, #tpu.memory_space<vmem>>
      %dma_wait3A_525 = tpu.memref_squeeze %dma_wait3A_524 : memref<1x80xi32, #tpu.memory_space<vmem>> -> memref<80xi32, #tpu.memory_space<vmem>>
      %dma_wait3A_526 = arith.constant 0 : i32
      %dma_wait3A_527 = arith.constant 0 : i32
      %dma_wait3A_528 = tpu.memref_slice %arg2[%dma_wait3A_526, %dma_wait3A_527] : memref<20000x64xf32, #tpu.memory_space<hbm>> -> memref<20000x64xf32, #tpu.memory_space<hbm>>
      tpu.wait_indirect_dma semaphore(%arg14 : memref<!tpu.dma_semaphore, #tpu.memory_space<semaphore_mem>>) src(%dma_wait3A_528 : memref<20000x64xf32, #tpu.memory_space<hbm>>) dst(%dma_wait3A_522 : memref<80x64xf32, #tpu.memory_space<vmem>>)
      %dma_start3A_529 = arith.constant 2 : i32
      %dma_start3A_530 = arith.constant 0 : i32
      %dma_start3A_531 = arith.constant 0 : i32
      %dma_start3A_532 = tpu.memref_slice %arg10[%dma_start3A_529, %dma_start3A_530, %dma_start3A_531] : memref<5x80x64xf32, #tpu.memory_space<vmem>> -> memref<1x80x64xf32, #tpu.memory_space<vmem>>
      %dma_start3A_533 = tpu.memref_squeeze %dma_start3A_532 : memref<1x80x64xf32, #tpu.memory_space<vmem>> -> memref<80x64xf32, #tpu.memory_space<vmem>>
      %dma_start3A_534 = arith.constant 0 : i32
      %dma_start3A_535 = tpu.memref_slice %arg8[%add3A_509, %dma_start3A_534] : memref<250x80xi32, #tpu.memory_space<vmem>> -> memref<1x80xi32, #tpu.memory_space<vmem>>
      %dma_start3A_536 = tpu.memref_squeeze %dma_start3A_535 : memref<1x80xi32, #tpu.memory_space<vmem>> -> memref<80xi32, #tpu.memory_space<vmem>>
      %dma_start3A_537 = arith.constant 0 : i32
      %dma_start3A_538 = arith.constant 0 : i32
      %dma_start3A_539 = tpu.memref_slice %arg11[%dma_start3A_537, %dma_start3A_538] : memref<10240x64xf32, #tpu.memory_space<vmem_shared>> -> memref<10240x64xf32, #tpu.memory_space<vmem_shared>>
      tpu.enqueue_indirect_dma source(%dma_start3A_533 : memref<80x64xf32, #tpu.memory_space<vmem>>) target(%dma_start3A_539 : memref<10240x64xf32, #tpu.memory_space<vmem_shared>>) offsets(%dma_start3A_536 : memref<80xi32, #tpu.memory_space<vmem>>) semaphore(%arg19 : memref<!tpu.dma_semaphore, #tpu.memory_space<semaphore_mem>>) {add = true}
      %mul3A_540 = arith.constant 5 : i32
      %mul3A_541 = arith.muli %mul3A_540, %scan3A_440 : i32
      %add3A_542 = arith.constant 3 : i32
      %add3A_543 = arith.addi %mul3A_541, %add3A_542 : i32
      %add3A_544 = arith.constant 4 : i32
      %add3A_545 = arith.addi %add3A_543, %add3A_544 : i32
      %lt3A_546 = arith.constant 250 : i32
      %lt3A_547 = arith.cmpi slt, %add3A_545, %lt3A_546 : i32
      %convert_element_type3A_548 = arith.extui %lt3A_547 : i1 to i32
      %cond3A_549 = arith.constant 0 : i32
      %cond3A_550 = arith.cmpi ne, %convert_element_type3A_548, %cond3A_549 : i32
      scf.if %cond3A_550 {
        %ge3A = arith.constant 5 : i32
        %ge3A_608 = arith.cmpi sge, %add3A_545, %ge3A : i32
        %convert_element_type3A_609 = arith.extui %ge3A_608 : i1 to i32
        %cond3A_610 = arith.constant 0 : i32
        %cond3A_611 = arith.cmpi ne, %convert_element_type3A_609, %cond3A_610 : i32
        scf.if %cond3A_611 {
          %sub3A = arith.constant 5 : i32
          %sub3A_699 = arith.subi %add3A_545, %sub3A : i32
          %dma_wait3A_700 = arith.constant 2 : i32
          %dma_wait3A_701 = arith.constant 0 : i32
          %dma_wait3A_702 = arith.constant 0 : i32
          %dma_wait3A_703 = tpu.memref_slice %arg10[%dma_wait3A_700, %dma_wait3A_701, %dma_wait3A_702] : memref<5x80x64xf32, #tpu.memory_space<vmem>> -> memref<1x80x64xf32, #tpu.memory_space<vmem>>
          %dma_wait3A_704 = tpu.memref_squeeze %dma_wait3A_703 : memref<1x80x64xf32, #tpu.memory_space<vmem>> -> memref<80x64xf32, #tpu.memory_space<vmem>>
          %dma_wait3A_705 = arith.constant 0 : i32
          %dma_wait3A_706 = tpu.memref_slice %arg8[%sub3A_699, %dma_wait3A_705] : memref<250x80xi32, #tpu.memory_space<vmem>> -> memref<1x80xi32, #tpu.memory_space<vmem>>
          %dma_wait3A_707 = tpu.memref_squeeze %dma_wait3A_706 : memref<1x80xi32, #tpu.memory_space<vmem>> -> memref<80xi32, #tpu.memory_space<vmem>>
          %dma_wait3A_708 = arith.constant 0 : i32
          %dma_wait3A_709 = arith.constant 0 : i32
          %dma_wait3A_710 = tpu.memref_slice %arg11[%dma_wait3A_708, %dma_wait3A_709] : memref<10240x64xf32, #tpu.memory_space<vmem_shared>> -> memref<10240x64xf32, #tpu.memory_space<vmem_shared>>
          tpu.wait_indirect_dma semaphore(%arg19 : memref<!tpu.dma_semaphore, #tpu.memory_space<semaphore_mem>>) src(%dma_wait3A_704 : memref<80x64xf32, #tpu.memory_space<vmem>>) dst(%dma_wait3A_710 : memref<10240x64xf32, #tpu.memory_space<vmem_shared>>)
        } else {
        }
        %get3A_612 = arith.index_cast %add3A_545 : i32 to index
        %get3A_613 = arith.constant 0 : index
        %get3A_614 = tpu.vector_load %arg7[%get3A_612, %get3A_613] {strides = array<i32>} : memref<250x80xi32, #tpu.memory_space<vmem>>, vector<1x16xi32>,
        %get3A_615 = vector.shape_cast %get3A_614 : vector<1x16xi32> to vector<16xi32>
        %mul3A_616 = arith.constant 2 : i32
        %mul3A_617 = vector.broadcast %mul3A_616 : i32 to vector<16xi32>
        %mul3A_618 = arith.muli %get3A_615, %mul3A_617 : vector<16xi32>
        %add3A_619 = vector.broadcast %arg0 : i32 to vector<16xi32>
        %add3A_620 = arith.addi %mul3A_618, %add3A_619 : vector<16xi32>
        %swap3A_621 = arith.constant 2 : i32
        %swap3A_622 = arith.index_cast %swap3A_621 : i32 to index
        %swap3A_623 = arith.constant 0 : index
        %swap3A_624 = tpu.vector_load %arg9[%swap3A_622, %swap3A_623] {strides = array<i32>} : memref<5x80xi32, #tpu.memory_space<vmem>>, vector<1x16xi32>,
        %swap3A_625 = vector.shape_cast %swap3A_624 : vector<1x16xi32> to vector<16xi32>
        %swap3A_626 = vector.shape_cast %add3A_620 : vector<16xi32> to vector<1x16xi32>
        tpu.vector_store %arg9[%swap3A_622, %swap3A_623], %swap3A_626 {strides = array<i32>} : memref<5x80xi32, #tpu.memory_space<vmem>>, vector<1x16xi32>,
        %get3A_627 = arith.index_cast %add3A_545 : i32 to index
        %get3A_628 = arith.constant 16 : index
        %get3A_629 = tpu.vector_load %arg7[%get3A_627, %get3A_628] {strides = array<i32>} : memref<250x80xi32, #tpu.memory_space<vmem>>, vector<1x16xi32>,
        %get3A_630 = vector.shape_cast %get3A_629 : vector<1x16xi32> to vector<16xi32>
        %mul3A_631 = arith.constant 2 : i32
        %mul3A_632 = vector.broadcast %mul3A_631 : i32 to vector<16xi32>
        %mul3A_633 = arith.muli %get3A_630, %mul3A_632 : vector<16xi32>
        %add3A_634 = vector.broadcast %arg0 : i32 to vector<16xi32>
        %add3A_635 = arith.addi %mul3A_633, %add3A_634 : vector<16xi32>
        %swap3A_636 = arith.constant 2 : i32
        %swap3A_637 = arith.index_cast %swap3A_636 : i32 to index
        %swap3A_638 = arith.constant 16 : index
        %swap3A_639 = tpu.vector_load %arg9[%swap3A_637, %swap3A_638] {strides = array<i32>} : memref<5x80xi32, #tpu.memory_space<vmem>>, vector<1x16xi32>,
        %swap3A_640 = vector.shape_cast %swap3A_639 : vector<1x16xi32> to vector<16xi32>
        %swap3A_641 = vector.shape_cast %add3A_635 : vector<16xi32> to vector<1x16xi32>
        tpu.vector_store %arg9[%swap3A_637, %swap3A_638], %swap3A_641 {strides = array<i32>} : memref<5x80xi32, #tpu.memory_space<vmem>>, vector<1x16xi32>,
        %get3A_642 = arith.index_cast %add3A_545 : i32 to index
        %get3A_643 = arith.constant 32 : index
        %get3A_644 = tpu.vector_load %arg7[%get3A_642, %get3A_643] {strides = array<i32>} : memref<250x80xi32, #tpu.memory_space<vmem>>, vector<1x16xi32>,
        %get3A_645 = vector.shape_cast %get3A_644 : vector<1x16xi32> to vector<16xi32>
        %mul3A_646 = arith.constant 2 : i32
        %mul3A_647 = vector.broadcast %mul3A_646 : i32 to vector<16xi32>
        %mul3A_648 = arith.muli %get3A_645, %mul3A_647 : vector<16xi32>
        %add3A_649 = vector.broadcast %arg0 : i32 to vector<16xi32>
        %add3A_650 = arith.addi %mul3A_648, %add3A_649 : vector<16xi32>
        %swap3A_651 = arith.constant 2 : i32
        %swap3A_652 = arith.index_cast %swap3A_651 : i32 to index
        %swap3A_653 = arith.constant 32 : index
        %swap3A_654 = tpu.vector_load %arg9[%swap3A_652, %swap3A_653] {strides = array<i32>} : memref<5x80xi32, #tpu.memory_space<vmem>>, vector<1x16xi32>,
        %swap3A_655 = vector.shape_cast %swap3A_654 : vector<1x16xi32> to vector<16xi32>
        %swap3A_656 = vector.shape_cast %add3A_650 : vector<16xi32> to vector<1x16xi32>
        tpu.vector_store %arg9[%swap3A_652, %swap3A_653], %swap3A_656 {strides = array<i32>} : memref<5x80xi32, #tpu.memory_space<vmem>>, vector<1x16xi32>,
        %get3A_657 = arith.index_cast %add3A_545 : i32 to index
        %get3A_658 = arith.constant 48 : index
        %get3A_659 = tpu.vector_load %arg7[%get3A_657, %get3A_658] {strides = array<i32>} : memref<250x80xi32, #tpu.memory_space<vmem>>, vector<1x16xi32>,
        %get3A_660 = vector.shape_cast %get3A_659 : vector<1x16xi32> to vector<16xi32>
        %mul3A_661 = arith.constant 2 : i32
        %mul3A_662 = vector.broadcast %mul3A_661 : i32 to vector<16xi32>
        %mul3A_663 = arith.muli %get3A_660, %mul3A_662 : vector<16xi32>
        %add3A_664 = vector.broadcast %arg0 : i32 to vector<16xi32>
        %add3A_665 = arith.addi %mul3A_663, %add3A_664 : vector<16xi32>
        %swap3A_666 = arith.constant 2 : i32
        %swap3A_667 = arith.index_cast %swap3A_666 : i32 to index
        %swap3A_668 = arith.constant 48 : index
        %swap3A_669 = tpu.vector_load %arg9[%swap3A_667, %swap3A_668] {strides = array<i32>} : memref<5x80xi32, #tpu.memory_space<vmem>>, vector<1x16xi32>,
        %swap3A_670 = vector.shape_cast %swap3A_669 : vector<1x16xi32> to vector<16xi32>
        %swap3A_671 = vector.shape_cast %add3A_665 : vector<16xi32> to vector<1x16xi32>
        tpu.vector_store %arg9[%swap3A_667, %swap3A_668], %swap3A_671 {strides = array<i32>} : memref<5x80xi32, #tpu.memory_space<vmem>>, vector<1x16xi32>,
        %get3A_672 = arith.index_cast %add3A_545 : i32 to index
        %get3A_673 = arith.constant 64 : index
        %get3A_674 = tpu.vector_load %arg7[%get3A_672, %get3A_673] {strides = array<i32>} : memref<250x80xi32, #tpu.memory_space<vmem>>, vector<1x16xi32>,
        %get3A_675 = vector.shape_cast %get3A_674 : vector<1x16xi32> to vector<16xi32>
        %mul3A_676 = arith.constant 2 : i32
        %mul3A_677 = vector.broadcast %mul3A_676 : i32 to vector<16xi32>
        %mul3A_678 = arith.muli %get3A_675, %mul3A_677 : vector<16xi32>
        %add3A_679 = vector.broadcast %arg0 : i32 to vector<16xi32>
        %add3A_680 = arith.addi %mul3A_678, %add3A_679 : vector<16xi32>
        %swap3A_681 = arith.constant 2 : i32
        %swap3A_682 = arith.index_cast %swap3A_681 : i32 to index
        %swap3A_683 = arith.constant 64 : index
        %swap3A_684 = tpu.vector_load %arg9[%swap3A_682, %swap3A_683] {strides = array<i32>} : memref<5x80xi32, #tpu.memory_space<vmem>>, vector<1x16xi32>,
        %swap3A_685 = vector.shape_cast %swap3A_684 : vector<1x16xi32> to vector<16xi32>
        %swap3A_686 = vector.shape_cast %add3A_680 : vector<16xi32> to vector<1x16xi32>
        tpu.vector_store %arg9[%swap3A_682, %swap3A_683], %swap3A_686 {strides = array<i32>} : memref<5x80xi32, #tpu.memory_space<vmem>>, vector<1x16xi32>,
        %dma_start3A_687 = arith.constant 2 : i32
        %dma_start3A_688 = arith.constant 2 : i32
        %dma_start3A_689 = arith.constant 0 : i32
        %dma_start3A_690 = arith.constant 0 : i32
        %dma_start3A_691 = tpu.memref_slice %arg10[%dma_start3A_688, %dma_start3A_689, %dma_start3A_690] : memref<5x80x64xf32, #tpu.memory_space<vmem>> -> memref<1x80x64xf32, #tpu.memory_space<vmem>>
        %dma_start3A_692 = tpu.memref_squeeze %dma_start3A_691 : memref<1x80x64xf32, #tpu.memory_space<vmem>> -> memref<80x64xf32, #tpu.memory_space<vmem>>
        %dma_start3A_693 = arith.constant 0 : i32
        %dma_start3A_694 = tpu.memref_slice %arg9[%dma_start3A_687, %dma_start3A_693] : memref<5x80xi32, #tpu.memory_space<vmem>> -> memref<1x80xi32, #tpu.memory_space<vmem>>
        %dma_start3A_695 = tpu.memref_squeeze %dma_start3A_694 : memref<1x80xi32, #tpu.memory_space<vmem>> -> memref<80xi32, #tpu.memory_space<vmem>>
        %dma_start3A_696 = arith.constant 0 : i32
        %dma_start3A_697 = arith.constant 0 : i32
        %dma_start3A_698 = tpu.memref_slice %arg2[%dma_start3A_696, %dma_start3A_697] : memref<20000x64xf32, #tpu.memory_space<hbm>> -> memref<20000x64xf32, #tpu.memory_space<hbm>>
        tpu.enqueue_indirect_dma source(%dma_start3A_698 : memref<20000x64xf32, #tpu.memory_space<hbm>>) target(%dma_start3A_692 : memref<80x64xf32, #tpu.memory_space<vmem>>) offsets(%dma_start3A_695 : memref<80xi32, #tpu.memory_space<vmem>>) semaphore(%arg14 : memref<!tpu.dma_semaphore, #tpu.memory_space<semaphore_mem>>)
      } else {
      }
      %dma_wait3A_551 = arith.constant 3 : i32
      %dma_wait3A_552 = arith.constant 3 : i32
      %dma_wait3A_553 = arith.constant 0 : i32
      %dma_wait3A_554 = arith.constant 0 : i32
      %dma_wait3A_555 = tpu.memref_slice %arg10[%dma_wait3A_552, %dma_wait3A_553, %dma_wait3A_554] : memref<5x80x64xf32, #tpu.memory_space<vmem>> -> memref<1x80x64xf32, #tpu.memory_space<vmem>>
      %dma_wait3A_556 = tpu.memref_squeeze %dma_wait3A_555 : memref<1x80x64xf32, #tpu.memory_space<vmem>> -> memref<80x64xf32, #tpu.memory_space<vmem>>
      %dma_wait3A_557 = arith.constant 0 : i32
      %dma_wait3A_558 = tpu.memref_slice %arg9[%dma_wait3A_551, %dma_wait3A_557] : memref<5x80xi32, #tpu.memory_space<vmem>> -> memref<1x80xi32, #tpu.memory_space<vmem>>
      %dma_wait3A_559 = tpu.memref_squeeze %dma_wait3A_558 : memref<1x80xi32, #tpu.memory_space<vmem>> -> memref<80xi32, #tpu.memory_space<vmem>>
      %dma_wait3A_560 = arith.constant 0 : i32
      %dma_wait3A_561 = arith.constant 0 : i32
      %dma_wait3A_562 = tpu.memref_slice %arg2[%dma_wait3A_560, %dma_wait3A_561] : memref<20000x64xf32, #tpu.memory_space<hbm>> -> memref<20000x64xf32, #tpu.memory_space<hbm>>
      tpu.wait_indirect_dma semaphore(%arg15 : memref<!tpu.dma_semaphore, #tpu.memory_space<semaphore_mem>>) src(%dma_wait3A_562 : memref<20000x64xf32, #tpu.memory_space<hbm>>) dst(%dma_wait3A_556 : memref<80x64xf32, #tpu.memory_space<vmem>>)
      %dma_start3A_563 = arith.constant 3 : i32
      %dma_start3A_564 = arith.constant 0 : i32
      %dma_start3A_565 = arith.constant 0 : i32
      %dma_start3A_566 = tpu.memref_slice %arg10[%dma_start3A_563, %dma_start3A_564, %dma_start3A_565] : memref<5x80x64xf32, #tpu.memory_space<vmem>> -> memref<1x80x64xf32, #tpu.memory_space<vmem>>
      %dma_start3A_567 = tpu.memref_squeeze %dma_start3A_566 : memref<1x80x64xf32, #tpu.memory_space<vmem>> -> memref<80x64xf32, #tpu.memory_space<vmem>>
      %dma_start3A_568 = arith.constant 0 : i32
      %dma_start3A_569 = tpu.memref_slice %arg8[%add3A_543, %dma_start3A_568] : memref<250x80xi32, #tpu.memory_space<vmem>> -> memref<1x80xi32, #tpu.memory_space<vmem>>
      %dma_start3A_570 = tpu.memref_squeeze %dma_start3A_569 : memref<1x80xi32, #tpu.memory_space<vmem>> -> memref<80xi32, #tpu.memory_space<vmem>>
      %dma_start3A_571 = arith.constant 0 : i32
      %dma_start3A_572 = arith.constant 0 : i32
      %dma_start3A_573 = tpu.memref_slice %arg11[%dma_start3A_571, %dma_start3A_572] : memref<10240x64xf32, #tpu.memory_space<vmem_shared>> -> memref<10240x64xf32, #tpu.memory_space<vmem_shared>>
      tpu.enqueue_indirect_dma source(%dma_start3A_567 : memref<80x64xf32, #tpu.memory_space<vmem>>) target(%dma_start3A_573 : memref<10240x64xf32, #tpu.memory_space<vmem_shared>>) offsets(%dma_start3A_570 : memref<80xi32, #tpu.memory_space<vmem>>) semaphore(%arg20 : memref<!tpu.dma_semaphore, #tpu.memory_space<semaphore_mem>>) {add = true}
      %mul3A_574 = arith.constant 5 : i32
      %mul3A_575 = arith.muli %mul3A_574, %scan3A_440 : i32
      %add3A_576 = arith.constant 4 : i32
      %add3A_577 = arith.addi %mul3A_575, %add3A_576 : i32
      %add3A_578 = arith.constant 4 : i32
      %add3A_579 = arith.addi %add3A_577, %add3A_578 : i32
      %lt3A_580 = arith.constant 250 : i32
      %lt3A_581 = arith.cmpi slt, %add3A_579, %lt3A_580 : i32
      %convert_element_type3A_582 = arith.extui %lt3A_581 : i1 to i32
      %cond3A_583 = arith.constant 0 : i32
      %cond3A_584 = arith.cmpi ne, %convert_element_type3A_582, %cond3A_583 : i32
      scf.if %cond3A_584 {
        %ge3A = arith.constant 5 : i32
        %ge3A_608 = arith.cmpi sge, %add3A_579, %ge3A : i32
        %convert_element_type3A_609 = arith.extui %ge3A_608 : i1 to i32
        %cond3A_610 = arith.constant 0 : i32
        %cond3A_611 = arith.cmpi ne, %convert_element_type3A_609, %cond3A_610 : i32
        scf.if %cond3A_611 {
          %sub3A = arith.constant 5 : i32
          %sub3A_699 = arith.subi %add3A_579, %sub3A : i32
          %dma_wait3A_700 = arith.constant 3 : i32
          %dma_wait3A_701 = arith.constant 0 : i32
          %dma_wait3A_702 = arith.constant 0 : i32
          %dma_wait3A_703 = tpu.memref_slice %arg10[%dma_wait3A_700, %dma_wait3A_701, %dma_wait3A_702] : memref<5x80x64xf32, #tpu.memory_space<vmem>> -> memref<1x80x64xf32, #tpu.memory_space<vmem>>
          %dma_wait3A_704 = tpu.memref_squeeze %dma_wait3A_703 : memref<1x80x64xf32, #tpu.memory_space<vmem>> -> memref<80x64xf32, #tpu.memory_space<vmem>>
          %dma_wait3A_705 = arith.constant 0 : i32
          %dma_wait3A_706 = tpu.memref_slice %arg8[%sub3A_699, %dma_wait3A_705] : memref<250x80xi32, #tpu.memory_space<vmem>> -> memref<1x80xi32, #tpu.memory_space<vmem>>
          %dma_wait3A_707 = tpu.memref_squeeze %dma_wait3A_706 : memref<1x80xi32, #tpu.memory_space<vmem>> -> memref<80xi32, #tpu.memory_space<vmem>>
          %dma_wait3A_708 = arith.constant 0 : i32
          %dma_wait3A_709 = arith.constant 0 : i32
          %dma_wait3A_710 = tpu.memref_slice %arg11[%dma_wait3A_708, %dma_wait3A_709] : memref<10240x64xf32, #tpu.memory_space<vmem_shared>> -> memref<10240x64xf32, #tpu.memory_space<vmem_shared>>
          tpu.wait_indirect_dma semaphore(%arg20 : memref<!tpu.dma_semaphore, #tpu.memory_space<semaphore_mem>>) src(%dma_wait3A_704 : memref<80x64xf32, #tpu.memory_space<vmem>>) dst(%dma_wait3A_710 : memref<10240x64xf32, #tpu.memory_space<vmem_shared>>)
        } else {
        }
        %get3A_612 = arith.index_cast %add3A_579 : i32 to index
        %get3A_613 = arith.constant 0 : index
        %get3A_614 = tpu.vector_load %arg7[%get3A_612, %get3A_613] {strides = array<i32>} : memref<250x80xi32, #tpu.memory_space<vmem>>, vector<1x16xi32>,
        %get3A_615 = vector.shape_cast %get3A_614 : vector<1x16xi32> to vector<16xi32>
        %mul3A_616 = arith.constant 2 : i32
        %mul3A_617 = vector.broadcast %mul3A_616 : i32 to vector<16xi32>
        %mul3A_618 = arith.muli %get3A_615, %mul3A_617 : vector<16xi32>
        %add3A_619 = vector.broadcast %arg0 : i32 to vector<16xi32>
        %add3A_620 = arith.addi %mul3A_618, %add3A_619 : vector<16xi32>
        %swap3A_621 = arith.constant 3 : i32
        %swap3A_622 = arith.index_cast %swap3A_621 : i32 to index
        %swap3A_623 = arith.constant 0 : index
        %swap3A_624 = tpu.vector_load %arg9[%swap3A_622, %swap3A_623] {strides = array<i32>} : memref<5x80xi32, #tpu.memory_space<vmem>>, vector<1x16xi32>,
        %swap3A_625 = vector.shape_cast %swap3A_624 : vector<1x16xi32> to vector<16xi32>
        %swap3A_626 = vector.shape_cast %add3A_620 : vector<16xi32> to vector<1x16xi32>
        tpu.vector_store %arg9[%swap3A_622, %swap3A_623], %swap3A_626 {strides = array<i32>} : memref<5x80xi32, #tpu.memory_space<vmem>>, vector<1x16xi32>,
        %get3A_627 = arith.index_cast %add3A_579 : i32 to index
        %get3A_628 = arith.constant 16 : index
        %get3A_629 = tpu.vector_load %arg7[%get3A_627, %get3A_628] {strides = array<i32>} : memref<250x80xi32, #tpu.memory_space<vmem>>, vector<1x16xi32>,
        %get3A_630 = vector.shape_cast %get3A_629 : vector<1x16xi32> to vector<16xi32>
        %mul3A_631 = arith.constant 2 : i32
        %mul3A_632 = vector.broadcast %mul3A_631 : i32 to vector<16xi32>
        %mul3A_633 = arith.muli %get3A_630, %mul3A_632 : vector<16xi32>
        %add3A_634 = vector.broadcast %arg0 : i32 to vector<16xi32>
        %add3A_635 = arith.addi %mul3A_633, %add3A_634 : vector<16xi32>
        %swap3A_636 = arith.constant 3 : i32
        %swap3A_637 = arith.index_cast %swap3A_636 : i32 to index
        %swap3A_638 = arith.constant 16 : index
        %swap3A_639 = tpu.vector_load %arg9[%swap3A_637, %swap3A_638] {strides = array<i32>} : memref<5x80xi32, #tpu.memory_space<vmem>>, vector<1x16xi32>,
        %swap3A_640 = vector.shape_cast %swap3A_639 : vector<1x16xi32> to vector<16xi32>
        %swap3A_641 = vector.shape_cast %add3A_635 : vector<16xi32> to vector<1x16xi32>
        tpu.vector_store %arg9[%swap3A_637, %swap3A_638], %swap3A_641 {strides = array<i32>} : memref<5x80xi32, #tpu.memory_space<vmem>>, vector<1x16xi32>,
        %get3A_642 = arith.index_cast %add3A_579 : i32 to index
        %get3A_643 = arith.constant 32 : index
        %get3A_644 = tpu.vector_load %arg7[%get3A_642, %get3A_643] {strides = array<i32>} : memref<250x80xi32, #tpu.memory_space<vmem>>, vector<1x16xi32>,
        %get3A_645 = vector.shape_cast %get3A_644 : vector<1x16xi32> to vector<16xi32>
        %mul3A_646 = arith.constant 2 : i32
        %mul3A_647 = vector.broadcast %mul3A_646 : i32 to vector<16xi32>
        %mul3A_648 = arith.muli %get3A_645, %mul3A_647 : vector<16xi32>
        %add3A_649 = vector.broadcast %arg0 : i32 to vector<16xi32>
        %add3A_650 = arith.addi %mul3A_648, %add3A_649 : vector<16xi32>
        %swap3A_651 = arith.constant 3 : i32
        %swap3A_652 = arith.index_cast %swap3A_651 : i32 to index
        %swap3A_653 = arith.constant 32 : index
        %swap3A_654 = tpu.vector_load %arg9[%swap3A_652, %swap3A_653] {strides = array<i32>} : memref<5x80xi32, #tpu.memory_space<vmem>>, vector<1x16xi32>,
        %swap3A_655 = vector.shape_cast %swap3A_654 : vector<1x16xi32> to vector<16xi32>
        %swap3A_656 = vector.shape_cast %add3A_650 : vector<16xi32> to vector<1x16xi32>
        tpu.vector_store %arg9[%swap3A_652, %swap3A_653], %swap3A_656 {strides = array<i32>} : memref<5x80xi32, #tpu.memory_space<vmem>>, vector<1x16xi32>,
        %get3A_657 = arith.index_cast %add3A_579 : i32 to index
        %get3A_658 = arith.constant 48 : index
        %get3A_659 = tpu.vector_load %arg7[%get3A_657, %get3A_658] {strides = array<i32>} : memref<250x80xi32, #tpu.memory_space<vmem>>, vector<1x16xi32>,
        %get3A_660 = vector.shape_cast %get3A_659 : vector<1x16xi32> to vector<16xi32>
        %mul3A_661 = arith.constant 2 : i32
        %mul3A_662 = vector.broadcast %mul3A_661 : i32 to vector<16xi32>
        %mul3A_663 = arith.muli %get3A_660, %mul3A_662 : vector<16xi32>
        %add3A_664 = vector.broadcast %arg0 : i32 to vector<16xi32>
        %add3A_665 = arith.addi %mul3A_663, %add3A_664 : vector<16xi32>
        %swap3A_666 = arith.constant 3 : i32
        %swap3A_667 = arith.index_cast %swap3A_666 : i32 to index
        %swap3A_668 = arith.constant 48 : index
        %swap3A_669 = tpu.vector_load %arg9[%swap3A_667, %swap3A_668] {strides = array<i32>} : memref<5x80xi32, #tpu.memory_space<vmem>>, vector<1x16xi32>,
        %swap3A_670 = vector.shape_cast %swap3A_669 : vector<1x16xi32> to vector<16xi32>
        %swap3A_671 = vector.shape_cast %add3A_665 : vector<16xi32> to vector<1x16xi32>
        tpu.vector_store %arg9[%swap3A_667, %swap3A_668], %swap3A_671 {strides = array<i32>} : memref<5x80xi32, #tpu.memory_space<vmem>>, vector<1x16xi32>,
        %get3A_672 = arith.index_cast %add3A_579 : i32 to index
        %get3A_673 = arith.constant 64 : index
        %get3A_674 = tpu.vector_load %arg7[%get3A_672, %get3A_673] {strides = array<i32>} : memref<250x80xi32, #tpu.memory_space<vmem>>, vector<1x16xi32>,
        %get3A_675 = vector.shape_cast %get3A_674 : vector<1x16xi32> to vector<16xi32>
        %mul3A_676 = arith.constant 2 : i32
        %mul3A_677 = vector.broadcast %mul3A_676 : i32 to vector<16xi32>
        %mul3A_678 = arith.muli %get3A_675, %mul3A_677 : vector<16xi32>
        %add3A_679 = vector.broadcast %arg0 : i32 to vector<16xi32>
        %add3A_680 = arith.addi %mul3A_678, %add3A_679 : vector<16xi32>
        %swap3A_681 = arith.constant 3 : i32
        %swap3A_682 = arith.index_cast %swap3A_681 : i32 to index
        %swap3A_683 = arith.constant 64 : index
        %swap3A_684 = tpu.vector_load %arg9[%swap3A_682, %swap3A_683] {strides = array<i32>} : memref<5x80xi32, #tpu.memory_space<vmem>>, vector<1x16xi32>,
        %swap3A_685 = vector.shape_cast %swap3A_684 : vector<1x16xi32> to vector<16xi32>
        %swap3A_686 = vector.shape_cast %add3A_680 : vector<16xi32> to vector<1x16xi32>
        tpu.vector_store %arg9[%swap3A_682, %swap3A_683], %swap3A_686 {strides = array<i32>} : memref<5x80xi32, #tpu.memory_space<vmem>>, vector<1x16xi32>,
        %dma_start3A_687 = arith.constant 3 : i32
        %dma_start3A_688 = arith.constant 3 : i32
        %dma_start3A_689 = arith.constant 0 : i32
        %dma_start3A_690 = arith.constant 0 : i32
        %dma_start3A_691 = tpu.memref_slice %arg10[%dma_start3A_688, %dma_start3A_689, %dma_start3A_690] : memref<5x80x64xf32, #tpu.memory_space<vmem>> -> memref<1x80x64xf32, #tpu.memory_space<vmem>>
        %dma_start3A_692 = tpu.memref_squeeze %dma_start3A_691 : memref<1x80x64xf32, #tpu.memory_space<vmem>> -> memref<80x64xf32, #tpu.memory_space<vmem>>
        %dma_start3A_693 = arith.constant 0 : i32
        %dma_start3A_694 = tpu.memref_slice %arg9[%dma_start3A_687, %dma_start3A_693] : memref<5x80xi32, #tpu.memory_space<vmem>> -> memref<1x80xi32, #tpu.memory_space<vmem>>
        %dma_start3A_695 = tpu.memref_squeeze %dma_start3A_694 : memref<1x80xi32, #tpu.memory_space<vmem>> -> memref<80xi32, #tpu.memory_space<vmem>>
        %dma_start3A_696 = arith.constant 0 : i32
        %dma_start3A_697 = arith.constant 0 : i32
        %dma_start3A_698 = tpu.memref_slice %arg2[%dma_start3A_696, %dma_start3A_697] : memref<20000x64xf32, #tpu.memory_space<hbm>> -> memref<20000x64xf32, #tpu.memory_space<hbm>>
        tpu.enqueue_indirect_dma source(%dma_start3A_698 : memref<20000x64xf32, #tpu.memory_space<hbm>>) target(%dma_start3A_692 : memref<80x64xf32, #tpu.memory_space<vmem>>) offsets(%dma_start3A_695 : memref<80xi32, #tpu.memory_space<vmem>>) semaphore(%arg15 : memref<!tpu.dma_semaphore, #tpu.memory_space<semaphore_mem>>)
      } else {
      }
      %dma_wait3A_585 = arith.constant 4 : i32
      %dma_wait3A_586 = arith.constant 4 : i32
      %dma_wait3A_587 = arith.constant 0 : i32
      %dma_wait3A_588 = arith.constant 0 : i32
      %dma_wait3A_589 = tpu.memref_slice %arg10[%dma_wait3A_586, %dma_wait3A_587, %dma_wait3A_588] : memref<5x80x64xf32, #tpu.memory_space<vmem>> -> memref<1x80x64xf32, #tpu.memory_space<vmem>>
      %dma_wait3A_590 = tpu.memref_squeeze %dma_wait3A_589 : memref<1x80x64xf32, #tpu.memory_space<vmem>> -> memref<80x64xf32, #tpu.memory_space<vmem>>
      %dma_wait3A_591 = arith.constant 0 : i32
      %dma_wait3A_592 = tpu.memref_slice %arg9[%dma_wait3A_585, %dma_wait3A_591] : memref<5x80xi32, #tpu.memory_space<vmem>> -> memref<1x80xi32, #tpu.memory_space<vmem>>
      %dma_wait3A_593 = tpu.memref_squeeze %dma_wait3A_592 : memref<1x80xi32, #tpu.memory_space<vmem>> -> memref<80xi32, #tpu.memory_space<vmem>>
      %dma_wait3A_594 = arith.constant 0 : i32
      %dma_wait3A_595 = arith.constant 0 : i32
      %dma_wait3A_596 = tpu.memref_slice %arg2[%dma_wait3A_594, %dma_wait3A_595] : memref<20000x64xf32, #tpu.memory_space<hbm>> -> memref<20000x64xf32, #tpu.memory_space<hbm>>
      tpu.wait_indirect_dma semaphore(%arg16 : memref<!tpu.dma_semaphore, #tpu.memory_space<semaphore_mem>>) src(%dma_wait3A_596 : memref<20000x64xf32, #tpu.memory_space<hbm>>) dst(%dma_wait3A_590 : memref<80x64xf32, #tpu.memory_space<vmem>>)
      %dma_start3A_597 = arith.constant 4 : i32
      %dma_start3A_598 = arith.constant 0 : i32
      %dma_start3A_599 = arith.constant 0 : i32
      %dma_start3A_600 = tpu.memref_slice %arg10[%dma_start3A_597, %dma_start3A_598, %dma_start3A_599] : memref<5x80x64xf32, #tpu.memory_space<vmem>> -> memref<1x80x64xf32, #tpu.memory_space<vmem>>
      %dma_start3A_601 = tpu.memref_squeeze %dma_start3A_600 : memref<1x80x64xf32, #tpu.memory_space<vmem>> -> memref<80x64xf32, #tpu.memory_space<vmem>>
      %dma_start3A_602 = arith.constant 0 : i32
      %dma_start3A_603 = tpu.memref_slice %arg8[%add3A_577, %dma_start3A_602] : memref<250x80xi32, #tpu.memory_space<vmem>> -> memref<1x80xi32, #tpu.memory_space<vmem>>
      %dma_start3A_604 = tpu.memref_squeeze %dma_start3A_603 : memref<1x80xi32, #tpu.memory_space<vmem>> -> memref<80xi32, #tpu.memory_space<vmem>>
      %dma_start3A_605 = arith.constant 0 : i32
      %dma_start3A_606 = arith.constant 0 : i32
      %dma_start3A_607 = tpu.memref_slice %arg11[%dma_start3A_605, %dma_start3A_606] : memref<10240x64xf32, #tpu.memory_space<vmem_shared>> -> memref<10240x64xf32, #tpu.memory_space<vmem_shared>>
      tpu.enqueue_indirect_dma source(%dma_start3A_601 : memref<80x64xf32, #tpu.memory_space<vmem>>) target(%dma_start3A_607 : memref<10240x64xf32, #tpu.memory_space<vmem_shared>>) offsets(%dma_start3A_604 : memref<80xi32, #tpu.memory_space<vmem>>) semaphore(%arg21 : memref<!tpu.dma_semaphore, #tpu.memory_space<semaphore_mem>>) {add = true}
    }
    %scan3A_376 = arith.constant 50 : i32
    %dma_wait3A_377 = arith.constant 0 : i32
    %dma_wait3A_378 = arith.constant 245 : i32
    %dma_wait3A_379 = arith.constant 0 : i32
    %dma_wait3A_380 = arith.constant 0 : i32
    %dma_wait3A_381 = tpu.memref_slice %arg10[%dma_wait3A_377, %dma_wait3A_379, %dma_wait3A_380] : memref<5x80x64xf32, #tpu.memory_space<vmem>> -> memref<1x80x64xf32, #tpu.memory_space<vmem>>
    %dma_wait3A_382 = tpu.memref_squeeze %dma_wait3A_381 : memref<1x80x64xf32, #tpu.memory_space<vmem>> -> memref<80x64xf32, #tpu.memory_space<vmem>>
    %dma_wait3A_383 = arith.constant 0 : i32
    %dma_wait3A_384 = tpu.memref_slice %arg8[%dma_wait3A_378, %dma_wait3A_383] : memref<250x80xi32, #tpu.memory_space<vmem>> -> memref<1x80xi32, #tpu.memory_space<vmem>>
    %dma_wait3A_385 = tpu.memref_squeeze %dma_wait3A_384 : memref<1x80xi32, #tpu.memory_space<vmem>> -> memref<80xi32, #tpu.memory_space<vmem>>
    %dma_wait3A_386 = arith.constant 0 : i32
    %dma_wait3A_387 = arith.constant 0 : i32
    %dma_wait3A_388 = tpu.memref_slice %arg11[%dma_wait3A_386, %dma_wait3A_387] : memref<10240x64xf32, #tpu.memory_space<vmem_shared>> -> memref<10240x64xf32, #tpu.memory_space<vmem_shared>>
    tpu.wait_indirect_dma semaphore(%arg17 : memref<!tpu.dma_semaphore, #tpu.memory_space<semaphore_mem>>) src(%dma_wait3A_382 : memref<80x64xf32, #tpu.memory_space<vmem>>) dst(%dma_wait3A_388 : memref<10240x64xf32, #tpu.memory_space<vmem_shared>>)
    %dma_wait3A_389 = arith.constant 1 : i32
    %dma_wait3A_390 = arith.constant 246 : i32
    %dma_wait3A_391 = arith.constant 0 : i32
    %dma_wait3A_392 = arith.constant 0 : i32
    %dma_wait3A_393 = tpu.memref_slice %arg10[%dma_wait3A_389, %dma_wait3A_391, %dma_wait3A_392] : memref<5x80x64xf32, #tpu.memory_space<vmem>> -> memref<1x80x64xf32, #tpu.memory_space<vmem>>
    %dma_wait3A_394 = tpu.memref_squeeze %dma_wait3A_393 : memref<1x80x64xf32, #tpu.memory_space<vmem>> -> memref<80x64xf32, #tpu.memory_space<vmem>>
    %dma_wait3A_395 = arith.constant 0 : i32
    %dma_wait3A_396 = tpu.memref_slice %arg8[%dma_wait3A_390, %dma_wait3A_395] : memref<250x80xi32, #tpu.memory_space<vmem>> -> memref<1x80xi32, #tpu.memory_space<vmem>>
    %dma_wait3A_397 = tpu.memref_squeeze %dma_wait3A_396 : memref<1x80xi32, #tpu.memory_space<vmem>> -> memref<80xi32, #tpu.memory_space<vmem>>
    %dma_wait3A_398 = arith.constant 0 : i32
    %dma_wait3A_399 = arith.constant 0 : i32
    %dma_wait3A_400 = tpu.memref_slice %arg11[%dma_wait3A_398, %dma_wait3A_399] : memref<10240x64xf32, #tpu.memory_space<vmem_shared>> -> memref<10240x64xf32, #tpu.memory_space<vmem_shared>>
    tpu.wait_indirect_dma semaphore(%arg18 : memref<!tpu.dma_semaphore, #tpu.memory_space<semaphore_mem>>) src(%dma_wait3A_394 : memref<80x64xf32, #tpu.memory_space<vmem>>) dst(%dma_wait3A_400 : memref<10240x64xf32, #tpu.memory_space<vmem_shared>>)
    %dma_wait3A_401 = arith.constant 2 : i32
    %dma_wait3A_402 = arith.constant 247 : i32
    %dma_wait3A_403 = arith.constant 0 : i32
    %dma_wait3A_404 = arith.constant 0 : i32
    %dma_wait3A_405 = tpu.memref_slice %arg10[%dma_wait3A_401, %dma_wait3A_403, %dma_wait3A_404] : memref<5x80x64xf32, #tpu.memory_space<vmem>> -> memref<1x80x64xf32, #tpu.memory_space<vmem>>
    %dma_wait3A_406 = tpu.memref_squeeze %dma_wait3A_405 : memref<1x80x64xf32, #tpu.memory_space<vmem>> -> memref<80x64xf32, #tpu.memory_space<vmem>>
    %dma_wait3A_407 = arith.constant 0 : i32
    %dma_wait3A_408 = tpu.memref_slice %arg8[%dma_wait3A_402, %dma_wait3A_407] : memref<250x80xi32, #tpu.memory_space<vmem>> -> memref<1x80xi32, #tpu.memory_space<vmem>>
    %dma_wait3A_409 = tpu.memref_squeeze %dma_wait3A_408 : memref<1x80xi32, #tpu.memory_space<vmem>> -> memref<80xi32, #tpu.memory_space<vmem>>
    %dma_wait3A_410 = arith.constant 0 : i32
    %dma_wait3A_411 = arith.constant 0 : i32
    %dma_wait3A_412 = tpu.memref_slice %arg11[%dma_wait3A_410, %dma_wait3A_411] : memref<10240x64xf32, #tpu.memory_space<vmem_shared>> -> memref<10240x64xf32, #tpu.memory_space<vmem_shared>>
    tpu.wait_indirect_dma semaphore(%arg19 : memref<!tpu.dma_semaphore, #tpu.memory_space<semaphore_mem>>) src(%dma_wait3A_406 : memref<80x64xf32, #tpu.memory_space<vmem>>) dst(%dma_wait3A_412 : memref<10240x64xf32, #tpu.memory_space<vmem_shared>>)
    %dma_wait3A_413 = arith.constant 3 : i32
    %dma_wait3A_414 = arith.constant 248 : i32
    %dma_wait3A_415 = arith.constant 0 : i32
    %dma_wait3A_416 = arith.constant 0 : i32
    %dma_wait3A_417 = tpu.memref_slice %arg10[%dma_wait3A_413, %dma_wait3A_415, %dma_wait3A_416] : memref<5x80x64xf32, #tpu.memory_space<vmem>> -> memref<1x80x64xf32, #tpu.memory_space<vmem>>
    %dma_wait3A_418 = tpu.memref_squeeze %dma_wait3A_417 : memref<1x80x64xf32, #tpu.memory_space<vmem>> -> memref<80x64xf32, #tpu.memory_space<vmem>>
    %dma_wait3A_419 = arith.constant 0 : i32
    %dma_wait3A_420 = tpu.memref_slice %arg8[%dma_wait3A_414, %dma_wait3A_419] : memref<250x80xi32, #tpu.memory_space<vmem>> -> memref<1x80xi32, #tpu.memory_space<vmem>>
    %dma_wait3A_421 = tpu.memref_squeeze %dma_wait3A_420 : memref<1x80xi32, #tpu.memory_space<vmem>> -> memref<80xi32, #tpu.memory_space<vmem>>
    %dma_wait3A_422 = arith.constant 0 : i32
    %dma_wait3A_423 = arith.constant 0 : i32
    %dma_wait3A_424 = tpu.memref_slice %arg11[%dma_wait3A_422, %dma_wait3A_423] : memref<10240x64xf32, #tpu.memory_space<vmem_shared>> -> memref<10240x64xf32, #tpu.memory_space<vmem_shared>>
    tpu.wait_indirect_dma semaphore(%arg20 : memref<!tpu.dma_semaphore, #tpu.memory_space<semaphore_mem>>) src(%dma_wait3A_418 : memref<80x64xf32, #tpu.memory_space<vmem>>) dst(%dma_wait3A_424 : memref<10240x64xf32, #tpu.memory_space<vmem_shared>>)
    %dma_wait3A_425 = arith.constant 4 : i32
    %dma_wait3A_426 = arith.constant 249 : i32
    %dma_wait3A_427 = arith.constant 0 : i32
    %dma_wait3A_428 = arith.constant 0 : i32
    %dma_wait3A_429 = tpu.memref_slice %arg10[%dma_wait3A_425, %dma_wait3A_427, %dma_wait3A_428] : memref<5x80x64xf32, #tpu.memory_space<vmem>> -> memref<1x80x64xf32, #tpu.memory_space<vmem>>
    %dma_wait3A_430 = tpu.memref_squeeze %dma_wait3A_429 : memref<1x80x64xf32, #tpu.memory_space<vmem>> -> memref<80x64xf32, #tpu.memory_space<vmem>>
    %dma_wait3A_431 = arith.constant 0 : i32
    %dma_wait3A_432 = tpu.memref_slice %arg8[%dma_wait3A_426, %dma_wait3A_431] : memref<250x80xi32, #tpu.memory_space<vmem>> -> memref<1x80xi32, #tpu.memory_space<vmem>>
    %dma_wait3A_433 = tpu.memref_squeeze %dma_wait3A_432 : memref<1x80xi32, #tpu.memory_space<vmem>> -> memref<80xi32, #tpu.memory_space<vmem>>
    %dma_wait3A_434 = arith.constant 0 : i32
    %dma_wait3A_435 = arith.constant 0 : i32
    %dma_wait3A_436 = tpu.memref_slice %arg11[%dma_wait3A_434, %dma_wait3A_435] : memref<10240x64xf32, #tpu.memory_space<vmem_shared>> -> memref<10240x64xf32, #tpu.memory_space<vmem_shared>>
    tpu.wait_indirect_dma semaphore(%arg21 : memref<!tpu.dma_semaphore, #tpu.memory_space<semaphore_mem>>) src(%dma_wait3A_430 : memref<80x64xf32, #tpu.memory_space<vmem>>) dst(%dma_wait3A_436 : memref<10240x64xf32, #tpu.memory_space<vmem_shared>>)
    %barrier3A_437 = arith.constant 0 : index
    tpu.barrier barrier_id(%barrier3A_437)
    %mul3A_438 = arith.constant 64 : i32
    %mul3A_439 = arith.muli %arg0, %mul3A_438 : i32
    "tpu.region"() ({
      %run_scoped3A = tpu.sem_alloc : memref<!tpu.dma_semaphore, #tpu.memory_space<semaphore_mem>>
      %dma_start3A_440 = tpu.memref_slice %arg6[%mul3A_0, %mul3A_439] : memref<10240x128xf32, #tpu.memory_space<hbm>> -> memref<640x64xf32, #tpu.memory_space<hbm>>
      %dma_start3A_441 = arith.constant 0 : i32
      %dma_start3A_442 = tpu.memref_slice %arg11[%mul3A_0, %dma_start3A_441] : memref<10240x64xf32, #tpu.memory_space<vmem_shared>> -> memref<640x64xf32, #tpu.memory_space<vmem_shared>>
      tpu.enqueue_dma source(%dma_start3A_442 : memref<640x64xf32, #tpu.memory_space<vmem_shared>>) target(%dma_start3A_440 : memref<640x64xf32, #tpu.memory_space<hbm>>) target_semaphore(%run_scoped3A : memref<!tpu.dma_semaphore, #tpu.memory_space<semaphore_mem>>)
      %dma_wait3A_443 = tpu.memref_slice %arg6[%mul3A_0, %mul3A_439] : memref<10240x128xf32, #tpu.memory_space<hbm>> -> memref<640x64xf32, #tpu.memory_space<hbm>>
      %dma_wait3A_444 = arith.constant 0 : i32
      %dma_wait3A_445 = tpu.memref_slice %arg11[%mul3A_0, %dma_wait3A_444] : memref<10240x64xf32, #tpu.memory_space<vmem_shared>> -> memref<640x64xf32, #tpu.memory_space<vmem_shared>>
      tpu.wait_dma2 semaphore(%run_scoped3A : memref<!tpu.dma_semaphore, #tpu.memory_space<semaphore_mem>>) src(%dma_wait3A_445 : memref<640x64xf32, #tpu.memory_space<vmem_shared>>) dst(%dma_wait3A_443 : memref<640x64xf32, #tpu.memory_space<hbm>>)
      tpu.yield
    }) : () -> ()
    return
  }
}

#map = affine_map<(d0, d1) -> (0, 0)>
#map1 = affine_map<(d0, d1) -> (0, 0, 0)>
module attributes {stable_mosaic.version = 14 : i64} {
  func.func @_sc_agg_body(%arg0: i32, %arg1: i32, %arg2: memref<20000x64xf32, #tpu.memory_space<hbm>>, %arg3: memref<16x250x80xi32, #tpu.memory_space<hbm>>, %arg4: memref<16x250x80xi32, #tpu.memory_space<hbm>>, %arg5: memref<10240x64xf32, #tpu.memory_space<hbm>>, %arg6: memref<10240x8xf32, #tpu.memory_space<hbm>>, %arg7: memref<80x8xf32, #tpu.memory_space<hbm>>, %arg8: memref<10240x128xf32, #tpu.memory_space<hbm>>, %arg9: memref<10240x128xf32, #tpu.memory_space<hbm>>, %arg10: memref<250x80xi32, #tpu.memory_space<vmem>>, %arg11: memref<250x80xi32, #tpu.memory_space<vmem>>, %arg12: memref<5x80xi32, #tpu.memory_space<vmem>>, %arg13: memref<5x80x64xf32, #tpu.memory_space<vmem>>, %arg14: memref<80x8xf32, #tpu.memory_space<vmem>>, %arg15: memref<10240x64xf32, #tpu.memory_space<vmem_shared>>, %arg16: memref<10240x8xf32, #tpu.memory_space<vmem_shared>>, %arg17: memref<!tpu.dma_semaphore, #tpu.memory_space<semaphore_mem>>, %arg18: memref<!tpu.dma_semaphore, #tpu.memory_space<semaphore_mem>>, %arg19: memref<!tpu.dma_semaphore, #tpu.memory_space<semaphore_mem>>, %arg20: memref<!tpu.dma_semaphore, #tpu.memory_space<semaphore_mem>>, %arg21: memref<!tpu.dma_semaphore, #tpu.memory_space<semaphore_mem>>, %arg22: memref<!tpu.dma_semaphore, #tpu.memory_space<semaphore_mem>>, %arg23: memref<!tpu.dma_semaphore, #tpu.memory_space<semaphore_mem>>, %arg24: memref<!tpu.dma_semaphore, #tpu.memory_space<semaphore_mem>>, %arg25: memref<!tpu.dma_semaphore, #tpu.memory_space<semaphore_mem>>, %arg26: memref<!tpu.dma_semaphore, #tpu.memory_space<semaphore_mem>>, %arg27: memref<!tpu.dma_semaphore, #tpu.memory_space<semaphore_mem>>, %arg28: memref<!tpu.dma_semaphore, #tpu.memory_space<semaphore_mem>>, %arg29: memref<!tpu.dma_semaphore, #tpu.memory_space<semaphore_mem>>) attributes {dimension_semantics = [#tpu.dimension_semantics<core_parallel>, #tpu.dimension_semantics<subcore_parallel>], iteration_bounds = array<i64: 2, 16>, scalar_prefetch = 0 : i64, scratch_operands = 20 : i64, tpu.core_type = #tpu.core_type<sc_vector_subcore>, window_params = [{transform_indices = #map}, {transform_indices = #map1}, {transform_indices = #map1}, {transform_indices = #map}, {transform_indices = #map}, {transform_indices = #map}, {transform_indices = #map}, {transform_indices = #map}]} {
    %mul3A = arith.constant 640 : i32
    %mul3A_0 = arith.muli %arg1, %mul3A : i32
    %dma_start3A = arith.constant 0 : i32
    %dma_start3A_1 = tpu.memref_slice %arg15[%mul3A_0, %dma_start3A] : memref<10240x64xf32, #tpu.memory_space<vmem_shared>> -> memref<640x64xf32, #tpu.memory_space<vmem_shared>>
    %dma_start3A_2 = arith.constant 0 : i32
    %dma_start3A_3 = tpu.memref_slice %arg5[%mul3A_0, %dma_start3A_2] : memref<10240x64xf32, #tpu.memory_space<hbm>> -> memref<640x64xf32, #tpu.memory_space<hbm>>
    tpu.enqueue_dma source(%dma_start3A_3 : memref<640x64xf32, #tpu.memory_space<hbm>>) target(%dma_start3A_1 : memref<640x64xf32, #tpu.memory_space<vmem_shared>>) target_semaphore(%arg28 : memref<!tpu.dma_semaphore, #tpu.memory_space<semaphore_mem>>)
    %dma_start3A_4 = arith.constant 0 : i32
    %dma_start3A_5 = tpu.memref_slice %arg16[%mul3A_0, %dma_start3A_4] : memref<10240x8xf32, #tpu.memory_space<vmem_shared>> -> memref<640x8xf32, #tpu.memory_space<vmem_shared>>
    %dma_start3A_6 = arith.constant 0 : i32
    %dma_start3A_7 = tpu.memref_slice %arg6[%mul3A_0, %dma_start3A_6] : memref<10240x8xf32, #tpu.memory_space<hbm>> -> memref<640x8xf32, #tpu.memory_space<hbm>>
    tpu.enqueue_dma source(%dma_start3A_7 : memref<640x8xf32, #tpu.memory_space<hbm>>) target(%dma_start3A_5 : memref<640x8xf32, #tpu.memory_space<vmem_shared>>) target_semaphore(%arg29 : memref<!tpu.dma_semaphore, #tpu.memory_space<semaphore_mem>>)
    "tpu.region"() ({
      %run_scoped3A = tpu.sem_alloc : memref<!tpu.dma_semaphore, #tpu.memory_space<semaphore_mem>>
      tpu.enqueue_dma source(%arg7 : memref<80x8xf32, #tpu.memory_space<hbm>>) target(%arg14 : memref<80x8xf32, #tpu.memory_space<vmem>>) target_semaphore(%run_scoped3A : memref<!tpu.dma_semaphore, #tpu.memory_space<semaphore_mem>>)
      tpu.wait_dma2 semaphore(%run_scoped3A : memref<!tpu.dma_semaphore, #tpu.memory_space<semaphore_mem>>) src(%arg7 : memref<80x8xf32, #tpu.memory_space<hbm>>) dst(%arg14 : memref<80x8xf32, #tpu.memory_space<vmem>>)
      tpu.yield
    }) : () -> ()
    "tpu.region"() ({
      %run_scoped3A = tpu.sem_alloc : memref<!tpu.dma_semaphore, #tpu.memory_space<semaphore_mem>>
      %dma_start3A_491 = arith.constant 0 : i32
      %dma_start3A_492 = arith.constant 0 : i32
      %dma_start3A_493 = tpu.memref_slice %arg3[%arg1, %dma_start3A_491, %dma_start3A_492] : memref<16x250x80xi32, #tpu.memory_space<hbm>> -> memref<1x250x80xi32, #tpu.memory_space<hbm>>
      %dma_start3A_494 = tpu.memref_squeeze %dma_start3A_493 : memref<1x250x80xi32, #tpu.memory_space<hbm>> -> memref<250x80xi32, #tpu.memory_space<hbm>>
      %dma_start3A_495 = arith.constant 0 : i32
      %dma_start3A_496 = arith.constant 0 : i32
      %dma_start3A_497 = tpu.memref_slice %arg3[%arg1, %dma_start3A_495, %dma_start3A_496] : memref<16x250x80xi32, #tpu.memory_space<hbm>> -> memref<1x250x80xi32, #tpu.memory_space<hbm>>
      %dma_start3A_498 = tpu.memref_squeeze %dma_start3A_497 : memref<1x250x80xi32, #tpu.memory_space<hbm>> -> memref<250x80xi32, #tpu.memory_space<hbm>>
      tpu.enqueue_dma source(%dma_start3A_498 : memref<250x80xi32, #tpu.memory_space<hbm>>) target(%arg10 : memref<250x80xi32, #tpu.memory_space<vmem>>) target_semaphore(%run_scoped3A : memref<!tpu.dma_semaphore, #tpu.memory_space<semaphore_mem>>)
      %dma_wait3A_499 = arith.constant 0 : i32
      %dma_wait3A_500 = arith.constant 0 : i32
      %dma_wait3A_501 = tpu.memref_slice %arg3[%arg1, %dma_wait3A_499, %dma_wait3A_500] : memref<16x250x80xi32, #tpu.memory_space<hbm>> -> memref<1x250x80xi32, #tpu.memory_space<hbm>>
      %dma_wait3A_502 = tpu.memref_squeeze %dma_wait3A_501 : memref<1x250x80xi32, #tpu.memory_space<hbm>> -> memref<250x80xi32, #tpu.memory_space<hbm>>
      %dma_wait3A_503 = arith.constant 0 : i32
      %dma_wait3A_504 = arith.constant 0 : i32
      %dma_wait3A_505 = tpu.memref_slice %arg3[%arg1, %dma_wait3A_503, %dma_wait3A_504] : memref<16x250x80xi32, #tpu.memory_space<hbm>> -> memref<1x250x80xi32, #tpu.memory_space<hbm>>
      %dma_wait3A_506 = tpu.memref_squeeze %dma_wait3A_505 : memref<1x250x80xi32, #tpu.memory_space<hbm>> -> memref<250x80xi32, #tpu.memory_space<hbm>>
      tpu.wait_dma2 semaphore(%run_scoped3A : memref<!tpu.dma_semaphore, #tpu.memory_space<semaphore_mem>>) src(%dma_wait3A_506 : memref<250x80xi32, #tpu.memory_space<hbm>>) dst(%arg10 : memref<250x80xi32, #tpu.memory_space<vmem>>)
      tpu.yield
    }) : () -> ()
    "tpu.region"() ({
      %run_scoped3A = tpu.sem_alloc : memref<!tpu.dma_semaphore, #tpu.memory_space<semaphore_mem>>
      %dma_start3A_491 = arith.constant 0 : i32
      %dma_start3A_492 = arith.constant 0 : i32
      %dma_start3A_493 = tpu.memref_slice %arg4[%arg1, %dma_start3A_491, %dma_start3A_492] : memref<16x250x80xi32, #tpu.memory_space<hbm>> -> memref<1x250x80xi32, #tpu.memory_space<hbm>>
      %dma_start3A_494 = tpu.memref_squeeze %dma_start3A_493 : memref<1x250x80xi32, #tpu.memory_space<hbm>> -> memref<250x80xi32, #tpu.memory_space<hbm>>
      %dma_start3A_495 = arith.constant 0 : i32
      %dma_start3A_496 = arith.constant 0 : i32
      %dma_start3A_497 = tpu.memref_slice %arg4[%arg1, %dma_start3A_495, %dma_start3A_496] : memref<16x250x80xi32, #tpu.memory_space<hbm>> -> memref<1x250x80xi32, #tpu.memory_space<hbm>>
      %dma_start3A_498 = tpu.memref_squeeze %dma_start3A_497 : memref<1x250x80xi32, #tpu.memory_space<hbm>> -> memref<250x80xi32, #tpu.memory_space<hbm>>
      tpu.enqueue_dma source(%dma_start3A_498 : memref<250x80xi32, #tpu.memory_space<hbm>>) target(%arg11 : memref<250x80xi32, #tpu.memory_space<vmem>>) target_semaphore(%run_scoped3A : memref<!tpu.dma_semaphore, #tpu.memory_space<semaphore_mem>>)
      %dma_wait3A_499 = arith.constant 0 : i32
      %dma_wait3A_500 = arith.constant 0 : i32
      %dma_wait3A_501 = tpu.memref_slice %arg4[%arg1, %dma_wait3A_499, %dma_wait3A_500] : memref<16x250x80xi32, #tpu.memory_space<hbm>> -> memref<1x250x80xi32, #tpu.memory_space<hbm>>
      %dma_wait3A_502 = tpu.memref_squeeze %dma_wait3A_501 : memref<1x250x80xi32, #tpu.memory_space<hbm>> -> memref<250x80xi32, #tpu.memory_space<hbm>>
      %dma_wait3A_503 = arith.constant 0 : i32
      %dma_wait3A_504 = arith.constant 0 : i32
      %dma_wait3A_505 = tpu.memref_slice %arg4[%arg1, %dma_wait3A_503, %dma_wait3A_504] : memref<16x250x80xi32, #tpu.memory_space<hbm>> -> memref<1x250x80xi32, #tpu.memory_space<hbm>>
      %dma_wait3A_506 = tpu.memref_squeeze %dma_wait3A_505 : memref<1x250x80xi32, #tpu.memory_space<hbm>> -> memref<250x80xi32, #tpu.memory_space<hbm>>
      tpu.wait_dma2 semaphore(%run_scoped3A : memref<!tpu.dma_semaphore, #tpu.memory_space<semaphore_mem>>) src(%dma_wait3A_506 : memref<250x80xi32, #tpu.memory_space<hbm>>) dst(%arg11 : memref<250x80xi32, #tpu.memory_space<vmem>>)
      tpu.yield
    }) : () -> ()
    %dma_wait3A = arith.constant 0 : i32
    %dma_wait3A_8 = tpu.memref_slice %arg15[%mul3A_0, %dma_wait3A] : memref<10240x64xf32, #tpu.memory_space<vmem_shared>> -> memref<640x64xf32, #tpu.memory_space<vmem_shared>>
    %dma_wait3A_9 = arith.constant 0 : i32
    %dma_wait3A_10 = tpu.memref_slice %arg5[%mul3A_0, %dma_wait3A_9] : memref<10240x64xf32, #tpu.memory_space<hbm>> -> memref<640x64xf32, #tpu.memory_space<hbm>>
    tpu.wait_dma2 semaphore(%arg28 : memref<!tpu.dma_semaphore, #tpu.memory_space<semaphore_mem>>) src(%dma_wait3A_10 : memref<640x64xf32, #tpu.memory_space<hbm>>) dst(%dma_wait3A_8 : memref<640x64xf32, #tpu.memory_space<vmem_shared>>)
    %dma_wait3A_11 = arith.constant 0 : i32
    %dma_wait3A_12 = tpu.memref_slice %arg16[%mul3A_0, %dma_wait3A_11] : memref<10240x8xf32, #tpu.memory_space<vmem_shared>> -> memref<640x8xf32, #tpu.memory_space<vmem_shared>>
    %dma_wait3A_13 = arith.constant 0 : i32
    %dma_wait3A_14 = tpu.memref_slice %arg6[%mul3A_0, %dma_wait3A_13] : memref<10240x8xf32, #tpu.memory_space<hbm>> -> memref<640x8xf32, #tpu.memory_space<hbm>>
    tpu.wait_dma2 semaphore(%arg29 : memref<!tpu.dma_semaphore, #tpu.memory_space<semaphore_mem>>) src(%dma_wait3A_14 : memref<640x8xf32, #tpu.memory_space<hbm>>) dst(%dma_wait3A_12 : memref<640x8xf32, #tpu.memory_space<vmem_shared>>)
    %barrier3A = arith.constant 0 : index
    tpu.barrier barrier_id(%barrier3A)
    %get3A = arith.constant 0 : i32
    %get3A_15 = arith.index_cast %get3A : i32 to index
    %get3A_16 = arith.constant 0 : index
    %get3A_17 = tpu.vector_load %arg10[%get3A_15, %get3A_16] {strides = array<i32>} : memref<250x80xi32, #tpu.memory_space<vmem>>, vector<1x16xi32>,
    %get3A_18 = vector.shape_cast %get3A_17 : vector<1x16xi32> to vector<16xi32>
    %mul3A_19 = arith.constant 2 : i32
    %mul3A_20 = vector.broadcast %mul3A_19 : i32 to vector<16xi32>
    %mul3A_21 = arith.muli %get3A_18, %mul3A_20 : vector<16xi32>
    %add3A = vector.broadcast %arg0 : i32 to vector<16xi32>
    %add3A_22 = arith.addi %mul3A_21, %add3A : vector<16xi32>
    %swap3A = arith.constant 0 : i32
    %swap3A_23 = arith.index_cast %swap3A : i32 to index
    %swap3A_24 = arith.constant 0 : index
    %swap3A_25 = tpu.vector_load %arg12[%swap3A_23, %swap3A_24] {strides = array<i32>} : memref<5x80xi32, #tpu.memory_space<vmem>>, vector<1x16xi32>,
    %swap3A_26 = vector.shape_cast %swap3A_25 : vector<1x16xi32> to vector<16xi32>
    %swap3A_27 = vector.shape_cast %add3A_22 : vector<16xi32> to vector<1x16xi32>
    tpu.vector_store %arg12[%swap3A_23, %swap3A_24], %swap3A_27 {strides = array<i32>} : memref<5x80xi32, #tpu.memory_space<vmem>>, vector<1x16xi32>,
    %get3A_28 = arith.constant 0 : i32
    %get3A_29 = arith.index_cast %get3A_28 : i32 to index
    %get3A_30 = arith.constant 16 : index
    %get3A_31 = tpu.vector_load %arg10[%get3A_29, %get3A_30] {strides = array<i32>} : memref<250x80xi32, #tpu.memory_space<vmem>>, vector<1x16xi32>,
    %get3A_32 = vector.shape_cast %get3A_31 : vector<1x16xi32> to vector<16xi32>
    %mul3A_33 = arith.constant 2 : i32
    %mul3A_34 = vector.broadcast %mul3A_33 : i32 to vector<16xi32>
    %mul3A_35 = arith.muli %get3A_32, %mul3A_34 : vector<16xi32>
    %add3A_36 = vector.broadcast %arg0 : i32 to vector<16xi32>
    %add3A_37 = arith.addi %mul3A_35, %add3A_36 : vector<16xi32>
    %swap3A_38 = arith.constant 0 : i32
    %swap3A_39 = arith.index_cast %swap3A_38 : i32 to index
    %swap3A_40 = arith.constant 16 : index
    %swap3A_41 = tpu.vector_load %arg12[%swap3A_39, %swap3A_40] {strides = array<i32>} : memref<5x80xi32, #tpu.memory_space<vmem>>, vector<1x16xi32>,
    %swap3A_42 = vector.shape_cast %swap3A_41 : vector<1x16xi32> to vector<16xi32>
    %swap3A_43 = vector.shape_cast %add3A_37 : vector<16xi32> to vector<1x16xi32>
    tpu.vector_store %arg12[%swap3A_39, %swap3A_40], %swap3A_43 {strides = array<i32>} : memref<5x80xi32, #tpu.memory_space<vmem>>, vector<1x16xi32>,
    %get3A_44 = arith.constant 0 : i32
    %get3A_45 = arith.index_cast %get3A_44 : i32 to index
    %get3A_46 = arith.constant 32 : index
    %get3A_47 = tpu.vector_load %arg10[%get3A_45, %get3A_46] {strides = array<i32>} : memref<250x80xi32, #tpu.memory_space<vmem>>, vector<1x16xi32>,
    %get3A_48 = vector.shape_cast %get3A_47 : vector<1x16xi32> to vector<16xi32>
    %mul3A_49 = arith.constant 2 : i32
    %mul3A_50 = vector.broadcast %mul3A_49 : i32 to vector<16xi32>
    %mul3A_51 = arith.muli %get3A_48, %mul3A_50 : vector<16xi32>
    %add3A_52 = vector.broadcast %arg0 : i32 to vector<16xi32>
    %add3A_53 = arith.addi %mul3A_51, %add3A_52 : vector<16xi32>
    %swap3A_54 = arith.constant 0 : i32
    %swap3A_55 = arith.index_cast %swap3A_54 : i32 to index
    %swap3A_56 = arith.constant 32 : index
    %swap3A_57 = tpu.vector_load %arg12[%swap3A_55, %swap3A_56] {strides = array<i32>} : memref<5x80xi32, #tpu.memory_space<vmem>>, vector<1x16xi32>,
    %swap3A_58 = vector.shape_cast %swap3A_57 : vector<1x16xi32> to vector<16xi32>
    %swap3A_59 = vector.shape_cast %add3A_53 : vector<16xi32> to vector<1x16xi32>
    tpu.vector_store %arg12[%swap3A_55, %swap3A_56], %swap3A_59 {strides = array<i32>} : memref<5x80xi32, #tpu.memory_space<vmem>>, vector<1x16xi32>,
    %get3A_60 = arith.constant 0 : i32
    %get3A_61 = arith.index_cast %get3A_60 : i32 to index
    %get3A_62 = arith.constant 48 : index
    %get3A_63 = tpu.vector_load %arg10[%get3A_61, %get3A_62] {strides = array<i32>} : memref<250x80xi32, #tpu.memory_space<vmem>>, vector<1x16xi32>,
    %get3A_64 = vector.shape_cast %get3A_63 : vector<1x16xi32> to vector<16xi32>
    %mul3A_65 = arith.constant 2 : i32
    %mul3A_66 = vector.broadcast %mul3A_65 : i32 to vector<16xi32>
    %mul3A_67 = arith.muli %get3A_64, %mul3A_66 : vector<16xi32>
    %add3A_68 = vector.broadcast %arg0 : i32 to vector<16xi32>
    %add3A_69 = arith.addi %mul3A_67, %add3A_68 : vector<16xi32>
    %swap3A_70 = arith.constant 0 : i32
    %swap3A_71 = arith.index_cast %swap3A_70 : i32 to index
    %swap3A_72 = arith.constant 48 : index
    %swap3A_73 = tpu.vector_load %arg12[%swap3A_71, %swap3A_72] {strides = array<i32>} : memref<5x80xi32, #tpu.memory_space<vmem>>, vector<1x16xi32>,
    %swap3A_74 = vector.shape_cast %swap3A_73 : vector<1x16xi32> to vector<16xi32>
    %swap3A_75 = vector.shape_cast %add3A_69 : vector<16xi32> to vector<1x16xi32>
    tpu.vector_store %arg12[%swap3A_71, %swap3A_72], %swap3A_75 {strides = array<i32>} : memref<5x80xi32, #tpu.memory_space<vmem>>, vector<1x16xi32>,
    %get3A_76 = arith.constant 0 : i32
    %get3A_77 = arith.index_cast %get3A_76 : i32 to index
    %get3A_78 = arith.constant 64 : index
    %get3A_79 = tpu.vector_load %arg10[%get3A_77, %get3A_78] {strides = array<i32>} : memref<250x80xi32, #tpu.memory_space<vmem>>, vector<1x16xi32>,
    %get3A_80 = vector.shape_cast %get3A_79 : vector<1x16xi32> to vector<16xi32>
    %mul3A_81 = arith.constant 2 : i32
    %mul3A_82 = vector.broadcast %mul3A_81 : i32 to vector<16xi32>
    %mul3A_83 = arith.muli %get3A_80, %mul3A_82 : vector<16xi32>
    %add3A_84 = vector.broadcast %arg0 : i32 to vector<16xi32>
    %add3A_85 = arith.addi %mul3A_83, %add3A_84 : vector<16xi32>
    %swap3A_86 = arith.constant 0 : i32
    %swap3A_87 = arith.index_cast %swap3A_86 : i32 to index
    %swap3A_88 = arith.constant 64 : index
    %swap3A_89 = tpu.vector_load %arg12[%swap3A_87, %swap3A_88] {strides = array<i32>} : memref<5x80xi32, #tpu.memory_space<vmem>>, vector<1x16xi32>,
    %swap3A_90 = vector.shape_cast %swap3A_89 : vector<1x16xi32> to vector<16xi32>
    %swap3A_91 = vector.shape_cast %add3A_85 : vector<16xi32> to vector<1x16xi32>
    tpu.vector_store %arg12[%swap3A_87, %swap3A_88], %swap3A_91 {strides = array<i32>} : memref<5x80xi32, #tpu.memory_space<vmem>>, vector<1x16xi32>,
    %dma_start3A_92 = arith.constant 0 : i32
    %dma_start3A_93 = arith.constant 0 : i32
    %dma_start3A_94 = arith.constant 0 : i32
    %dma_start3A_95 = arith.constant 0 : i32
    %dma_start3A_96 = tpu.memref_slice %arg13[%dma_start3A_93, %dma_start3A_94, %dma_start3A_95] : memref<5x80x64xf32, #tpu.memory_space<vmem>> -> memref<1x80x64xf32, #tpu.memory_space<vmem>>
    %dma_start3A_97 = tpu.memref_squeeze %dma_start3A_96 : memref<1x80x64xf32, #tpu.memory_space<vmem>> -> memref<80x64xf32, #tpu.memory_space<vmem>>
    %dma_start3A_98 = arith.constant 0 : i32
    %dma_start3A_99 = tpu.memref_slice %arg12[%dma_start3A_92, %dma_start3A_98] : memref<5x80xi32, #tpu.memory_space<vmem>> -> memref<1x80xi32, #tpu.memory_space<vmem>>
    %dma_start3A_100 = tpu.memref_squeeze %dma_start3A_99 : memref<1x80xi32, #tpu.memory_space<vmem>> -> memref<80xi32, #tpu.memory_space<vmem>>
    %dma_start3A_101 = arith.constant 0 : i32
    %dma_start3A_102 = arith.constant 0 : i32
    %dma_start3A_103 = tpu.memref_slice %arg2[%dma_start3A_101, %dma_start3A_102] : memref<20000x64xf32, #tpu.memory_space<hbm>> -> memref<20000x64xf32, #tpu.memory_space<hbm>>
    tpu.enqueue_indirect_dma source(%dma_start3A_103 : memref<20000x64xf32, #tpu.memory_space<hbm>>) target(%dma_start3A_97 : memref<80x64xf32, #tpu.memory_space<vmem>>) offsets(%dma_start3A_100 : memref<80xi32, #tpu.memory_space<vmem>>) semaphore(%arg17 : memref<!tpu.dma_semaphore, #tpu.memory_space<semaphore_mem>>)
    %get3A_104 = arith.constant 1 : i32
    %get3A_105 = arith.index_cast %get3A_104 : i32 to index
    %get3A_106 = arith.constant 0 : index
    %get3A_107 = tpu.vector_load %arg10[%get3A_105, %get3A_106] {strides = array<i32>} : memref<250x80xi32, #tpu.memory_space<vmem>>, vector<1x16xi32>,
    %get3A_108 = vector.shape_cast %get3A_107 : vector<1x16xi32> to vector<16xi32>
    %mul3A_109 = arith.constant 2 : i32
    %mul3A_110 = vector.broadcast %mul3A_109 : i32 to vector<16xi32>
    %mul3A_111 = arith.muli %get3A_108, %mul3A_110 : vector<16xi32>
    %add3A_112 = vector.broadcast %arg0 : i32 to vector<16xi32>
    %add3A_113 = arith.addi %mul3A_111, %add3A_112 : vector<16xi32>
    %swap3A_114 = arith.constant 1 : i32
    %swap3A_115 = arith.index_cast %swap3A_114 : i32 to index
    %swap3A_116 = arith.constant 0 : index
    %swap3A_117 = tpu.vector_load %arg12[%swap3A_115, %swap3A_116] {strides = array<i32>} : memref<5x80xi32, #tpu.memory_space<vmem>>, vector<1x16xi32>,
    %swap3A_118 = vector.shape_cast %swap3A_117 : vector<1x16xi32> to vector<16xi32>
    %swap3A_119 = vector.shape_cast %add3A_113 : vector<16xi32> to vector<1x16xi32>
    tpu.vector_store %arg12[%swap3A_115, %swap3A_116], %swap3A_119 {strides = array<i32>} : memref<5x80xi32, #tpu.memory_space<vmem>>, vector<1x16xi32>,
    %get3A_120 = arith.constant 1 : i32
    %get3A_121 = arith.index_cast %get3A_120 : i32 to index
    %get3A_122 = arith.constant 16 : index
    %get3A_123 = tpu.vector_load %arg10[%get3A_121, %get3A_122] {strides = array<i32>} : memref<250x80xi32, #tpu.memory_space<vmem>>, vector<1x16xi32>,
    %get3A_124 = vector.shape_cast %get3A_123 : vector<1x16xi32> to vector<16xi32>
    %mul3A_125 = arith.constant 2 : i32
    %mul3A_126 = vector.broadcast %mul3A_125 : i32 to vector<16xi32>
    %mul3A_127 = arith.muli %get3A_124, %mul3A_126 : vector<16xi32>
    %add3A_128 = vector.broadcast %arg0 : i32 to vector<16xi32>
    %add3A_129 = arith.addi %mul3A_127, %add3A_128 : vector<16xi32>
    %swap3A_130 = arith.constant 1 : i32
    %swap3A_131 = arith.index_cast %swap3A_130 : i32 to index
    %swap3A_132 = arith.constant 16 : index
    %swap3A_133 = tpu.vector_load %arg12[%swap3A_131, %swap3A_132] {strides = array<i32>} : memref<5x80xi32, #tpu.memory_space<vmem>>, vector<1x16xi32>,
    %swap3A_134 = vector.shape_cast %swap3A_133 : vector<1x16xi32> to vector<16xi32>
    %swap3A_135 = vector.shape_cast %add3A_129 : vector<16xi32> to vector<1x16xi32>
    tpu.vector_store %arg12[%swap3A_131, %swap3A_132], %swap3A_135 {strides = array<i32>} : memref<5x80xi32, #tpu.memory_space<vmem>>, vector<1x16xi32>,
    %get3A_136 = arith.constant 1 : i32
    %get3A_137 = arith.index_cast %get3A_136 : i32 to index
    %get3A_138 = arith.constant 32 : index
    %get3A_139 = tpu.vector_load %arg10[%get3A_137, %get3A_138] {strides = array<i32>} : memref<250x80xi32, #tpu.memory_space<vmem>>, vector<1x16xi32>,
    %get3A_140 = vector.shape_cast %get3A_139 : vector<1x16xi32> to vector<16xi32>
    %mul3A_141 = arith.constant 2 : i32
    %mul3A_142 = vector.broadcast %mul3A_141 : i32 to vector<16xi32>
    %mul3A_143 = arith.muli %get3A_140, %mul3A_142 : vector<16xi32>
    %add3A_144 = vector.broadcast %arg0 : i32 to vector<16xi32>
    %add3A_145 = arith.addi %mul3A_143, %add3A_144 : vector<16xi32>
    %swap3A_146 = arith.constant 1 : i32
    %swap3A_147 = arith.index_cast %swap3A_146 : i32 to index
    %swap3A_148 = arith.constant 32 : index
    %swap3A_149 = tpu.vector_load %arg12[%swap3A_147, %swap3A_148] {strides = array<i32>} : memref<5x80xi32, #tpu.memory_space<vmem>>, vector<1x16xi32>,
    %swap3A_150 = vector.shape_cast %swap3A_149 : vector<1x16xi32> to vector<16xi32>
    %swap3A_151 = vector.shape_cast %add3A_145 : vector<16xi32> to vector<1x16xi32>
    tpu.vector_store %arg12[%swap3A_147, %swap3A_148], %swap3A_151 {strides = array<i32>} : memref<5x80xi32, #tpu.memory_space<vmem>>, vector<1x16xi32>,
    %get3A_152 = arith.constant 1 : i32
    %get3A_153 = arith.index_cast %get3A_152 : i32 to index
    %get3A_154 = arith.constant 48 : index
    %get3A_155 = tpu.vector_load %arg10[%get3A_153, %get3A_154] {strides = array<i32>} : memref<250x80xi32, #tpu.memory_space<vmem>>, vector<1x16xi32>,
    %get3A_156 = vector.shape_cast %get3A_155 : vector<1x16xi32> to vector<16xi32>
    %mul3A_157 = arith.constant 2 : i32
    %mul3A_158 = vector.broadcast %mul3A_157 : i32 to vector<16xi32>
    %mul3A_159 = arith.muli %get3A_156, %mul3A_158 : vector<16xi32>
    %add3A_160 = vector.broadcast %arg0 : i32 to vector<16xi32>
    %add3A_161 = arith.addi %mul3A_159, %add3A_160 : vector<16xi32>
    %swap3A_162 = arith.constant 1 : i32
    %swap3A_163 = arith.index_cast %swap3A_162 : i32 to index
    %swap3A_164 = arith.constant 48 : index
    %swap3A_165 = tpu.vector_load %arg12[%swap3A_163, %swap3A_164] {strides = array<i32>} : memref<5x80xi32, #tpu.memory_space<vmem>>, vector<1x16xi32>,
    %swap3A_166 = vector.shape_cast %swap3A_165 : vector<1x16xi32> to vector<16xi32>
    %swap3A_167 = vector.shape_cast %add3A_161 : vector<16xi32> to vector<1x16xi32>
    tpu.vector_store %arg12[%swap3A_163, %swap3A_164], %swap3A_167 {strides = array<i32>} : memref<5x80xi32, #tpu.memory_space<vmem>>, vector<1x16xi32>,
    %get3A_168 = arith.constant 1 : i32
    %get3A_169 = arith.index_cast %get3A_168 : i32 to index
    %get3A_170 = arith.constant 64 : index
    %get3A_171 = tpu.vector_load %arg10[%get3A_169, %get3A_170] {strides = array<i32>} : memref<250x80xi32, #tpu.memory_space<vmem>>, vector<1x16xi32>,
    %get3A_172 = vector.shape_cast %get3A_171 : vector<1x16xi32> to vector<16xi32>
    %mul3A_173 = arith.constant 2 : i32
    %mul3A_174 = vector.broadcast %mul3A_173 : i32 to vector<16xi32>
    %mul3A_175 = arith.muli %get3A_172, %mul3A_174 : vector<16xi32>
    %add3A_176 = vector.broadcast %arg0 : i32 to vector<16xi32>
    %add3A_177 = arith.addi %mul3A_175, %add3A_176 : vector<16xi32>
    %swap3A_178 = arith.constant 1 : i32
    %swap3A_179 = arith.index_cast %swap3A_178 : i32 to index
    %swap3A_180 = arith.constant 64 : index
    %swap3A_181 = tpu.vector_load %arg12[%swap3A_179, %swap3A_180] {strides = array<i32>} : memref<5x80xi32, #tpu.memory_space<vmem>>, vector<1x16xi32>,
    %swap3A_182 = vector.shape_cast %swap3A_181 : vector<1x16xi32> to vector<16xi32>
    %swap3A_183 = vector.shape_cast %add3A_177 : vector<16xi32> to vector<1x16xi32>
    tpu.vector_store %arg12[%swap3A_179, %swap3A_180], %swap3A_183 {strides = array<i32>} : memref<5x80xi32, #tpu.memory_space<vmem>>, vector<1x16xi32>,
    %dma_start3A_184 = arith.constant 1 : i32
    %dma_start3A_185 = arith.constant 1 : i32
    %dma_start3A_186 = arith.constant 0 : i32
    %dma_start3A_187 = arith.constant 0 : i32
    %dma_start3A_188 = tpu.memref_slice %arg13[%dma_start3A_185, %dma_start3A_186, %dma_start3A_187] : memref<5x80x64xf32, #tpu.memory_space<vmem>> -> memref<1x80x64xf32, #tpu.memory_space<vmem>>
    %dma_start3A_189 = tpu.memref_squeeze %dma_start3A_188 : memref<1x80x64xf32, #tpu.memory_space<vmem>> -> memref<80x64xf32, #tpu.memory_space<vmem>>
    %dma_start3A_190 = arith.constant 0 : i32
    %dma_start3A_191 = tpu.memref_slice %arg12[%dma_start3A_184, %dma_start3A_190] : memref<5x80xi32, #tpu.memory_space<vmem>> -> memref<1x80xi32, #tpu.memory_space<vmem>>
    %dma_start3A_192 = tpu.memref_squeeze %dma_start3A_191 : memref<1x80xi32, #tpu.memory_space<vmem>> -> memref<80xi32, #tpu.memory_space<vmem>>
    %dma_start3A_193 = arith.constant 0 : i32
    %dma_start3A_194 = arith.constant 0 : i32
    %dma_start3A_195 = tpu.memref_slice %arg2[%dma_start3A_193, %dma_start3A_194] : memref<20000x64xf32, #tpu.memory_space<hbm>> -> memref<20000x64xf32, #tpu.memory_space<hbm>>
    tpu.enqueue_indirect_dma source(%dma_start3A_195 : memref<20000x64xf32, #tpu.memory_space<hbm>>) target(%dma_start3A_189 : memref<80x64xf32, #tpu.memory_space<vmem>>) offsets(%dma_start3A_192 : memref<80xi32, #tpu.memory_space<vmem>>) semaphore(%arg18 : memref<!tpu.dma_semaphore, #tpu.memory_space<semaphore_mem>>)
    %get3A_196 = arith.constant 2 : i32
    %get3A_197 = arith.index_cast %get3A_196 : i32 to index
    %get3A_198 = arith.constant 0 : index
    %get3A_199 = tpu.vector_load %arg10[%get3A_197, %get3A_198] {strides = array<i32>} : memref<250x80xi32, #tpu.memory_space<vmem>>, vector<1x16xi32>,
    %get3A_200 = vector.shape_cast %get3A_199 : vector<1x16xi32> to vector<16xi32>
    %mul3A_201 = arith.constant 2 : i32
    %mul3A_202 = vector.broadcast %mul3A_201 : i32 to vector<16xi32>
    %mul3A_203 = arith.muli %get3A_200, %mul3A_202 : vector<16xi32>
    %add3A_204 = vector.broadcast %arg0 : i32 to vector<16xi32>
    %add3A_205 = arith.addi %mul3A_203, %add3A_204 : vector<16xi32>
    %swap3A_206 = arith.constant 2 : i32
    %swap3A_207 = arith.index_cast %swap3A_206 : i32 to index
    %swap3A_208 = arith.constant 0 : index
    %swap3A_209 = tpu.vector_load %arg12[%swap3A_207, %swap3A_208] {strides = array<i32>} : memref<5x80xi32, #tpu.memory_space<vmem>>, vector<1x16xi32>,
    %swap3A_210 = vector.shape_cast %swap3A_209 : vector<1x16xi32> to vector<16xi32>
    %swap3A_211 = vector.shape_cast %add3A_205 : vector<16xi32> to vector<1x16xi32>
    tpu.vector_store %arg12[%swap3A_207, %swap3A_208], %swap3A_211 {strides = array<i32>} : memref<5x80xi32, #tpu.memory_space<vmem>>, vector<1x16xi32>,
    %get3A_212 = arith.constant 2 : i32
    %get3A_213 = arith.index_cast %get3A_212 : i32 to index
    %get3A_214 = arith.constant 16 : index
    %get3A_215 = tpu.vector_load %arg10[%get3A_213, %get3A_214] {strides = array<i32>} : memref<250x80xi32, #tpu.memory_space<vmem>>, vector<1x16xi32>,
    %get3A_216 = vector.shape_cast %get3A_215 : vector<1x16xi32> to vector<16xi32>
    %mul3A_217 = arith.constant 2 : i32
    %mul3A_218 = vector.broadcast %mul3A_217 : i32 to vector<16xi32>
    %mul3A_219 = arith.muli %get3A_216, %mul3A_218 : vector<16xi32>
    %add3A_220 = vector.broadcast %arg0 : i32 to vector<16xi32>
    %add3A_221 = arith.addi %mul3A_219, %add3A_220 : vector<16xi32>
    %swap3A_222 = arith.constant 2 : i32
    %swap3A_223 = arith.index_cast %swap3A_222 : i32 to index
    %swap3A_224 = arith.constant 16 : index
    %swap3A_225 = tpu.vector_load %arg12[%swap3A_223, %swap3A_224] {strides = array<i32>} : memref<5x80xi32, #tpu.memory_space<vmem>>, vector<1x16xi32>,
    %swap3A_226 = vector.shape_cast %swap3A_225 : vector<1x16xi32> to vector<16xi32>
    %swap3A_227 = vector.shape_cast %add3A_221 : vector<16xi32> to vector<1x16xi32>
    tpu.vector_store %arg12[%swap3A_223, %swap3A_224], %swap3A_227 {strides = array<i32>} : memref<5x80xi32, #tpu.memory_space<vmem>>, vector<1x16xi32>,
    %get3A_228 = arith.constant 2 : i32
    %get3A_229 = arith.index_cast %get3A_228 : i32 to index
    %get3A_230 = arith.constant 32 : index
    %get3A_231 = tpu.vector_load %arg10[%get3A_229, %get3A_230] {strides = array<i32>} : memref<250x80xi32, #tpu.memory_space<vmem>>, vector<1x16xi32>,
    %get3A_232 = vector.shape_cast %get3A_231 : vector<1x16xi32> to vector<16xi32>
    %mul3A_233 = arith.constant 2 : i32
    %mul3A_234 = vector.broadcast %mul3A_233 : i32 to vector<16xi32>
    %mul3A_235 = arith.muli %get3A_232, %mul3A_234 : vector<16xi32>
    %add3A_236 = vector.broadcast %arg0 : i32 to vector<16xi32>
    %add3A_237 = arith.addi %mul3A_235, %add3A_236 : vector<16xi32>
    %swap3A_238 = arith.constant 2 : i32
    %swap3A_239 = arith.index_cast %swap3A_238 : i32 to index
    %swap3A_240 = arith.constant 32 : index
    %swap3A_241 = tpu.vector_load %arg12[%swap3A_239, %swap3A_240] {strides = array<i32>} : memref<5x80xi32, #tpu.memory_space<vmem>>, vector<1x16xi32>,
    %swap3A_242 = vector.shape_cast %swap3A_241 : vector<1x16xi32> to vector<16xi32>
    %swap3A_243 = vector.shape_cast %add3A_237 : vector<16xi32> to vector<1x16xi32>
    tpu.vector_store %arg12[%swap3A_239, %swap3A_240], %swap3A_243 {strides = array<i32>} : memref<5x80xi32, #tpu.memory_space<vmem>>, vector<1x16xi32>,
    %get3A_244 = arith.constant 2 : i32
    %get3A_245 = arith.index_cast %get3A_244 : i32 to index
    %get3A_246 = arith.constant 48 : index
    %get3A_247 = tpu.vector_load %arg10[%get3A_245, %get3A_246] {strides = array<i32>} : memref<250x80xi32, #tpu.memory_space<vmem>>, vector<1x16xi32>,
    %get3A_248 = vector.shape_cast %get3A_247 : vector<1x16xi32> to vector<16xi32>
    %mul3A_249 = arith.constant 2 : i32
    %mul3A_250 = vector.broadcast %mul3A_249 : i32 to vector<16xi32>
    %mul3A_251 = arith.muli %get3A_248, %mul3A_250 : vector<16xi32>
    %add3A_252 = vector.broadcast %arg0 : i32 to vector<16xi32>
    %add3A_253 = arith.addi %mul3A_251, %add3A_252 : vector<16xi32>
    %swap3A_254 = arith.constant 2 : i32
    %swap3A_255 = arith.index_cast %swap3A_254 : i32 to index
    %swap3A_256 = arith.constant 48 : index
    %swap3A_257 = tpu.vector_load %arg12[%swap3A_255, %swap3A_256] {strides = array<i32>} : memref<5x80xi32, #tpu.memory_space<vmem>>, vector<1x16xi32>,
    %swap3A_258 = vector.shape_cast %swap3A_257 : vector<1x16xi32> to vector<16xi32>
    %swap3A_259 = vector.shape_cast %add3A_253 : vector<16xi32> to vector<1x16xi32>
    tpu.vector_store %arg12[%swap3A_255, %swap3A_256], %swap3A_259 {strides = array<i32>} : memref<5x80xi32, #tpu.memory_space<vmem>>, vector<1x16xi32>,
    %get3A_260 = arith.constant 2 : i32
    %get3A_261 = arith.index_cast %get3A_260 : i32 to index
    %get3A_262 = arith.constant 64 : index
    %get3A_263 = tpu.vector_load %arg10[%get3A_261, %get3A_262] {strides = array<i32>} : memref<250x80xi32, #tpu.memory_space<vmem>>, vector<1x16xi32>,
    %get3A_264 = vector.shape_cast %get3A_263 : vector<1x16xi32> to vector<16xi32>
    %mul3A_265 = arith.constant 2 : i32
    %mul3A_266 = vector.broadcast %mul3A_265 : i32 to vector<16xi32>
    %mul3A_267 = arith.muli %get3A_264, %mul3A_266 : vector<16xi32>
    %add3A_268 = vector.broadcast %arg0 : i32 to vector<16xi32>
    %add3A_269 = arith.addi %mul3A_267, %add3A_268 : vector<16xi32>
    %swap3A_270 = arith.constant 2 : i32
    %swap3A_271 = arith.index_cast %swap3A_270 : i32 to index
    %swap3A_272 = arith.constant 64 : index
    %swap3A_273 = tpu.vector_load %arg12[%swap3A_271, %swap3A_272] {strides = array<i32>} : memref<5x80xi32, #tpu.memory_space<vmem>>, vector<1x16xi32>,
    %swap3A_274 = vector.shape_cast %swap3A_273 : vector<1x16xi32> to vector<16xi32>
    %swap3A_275 = vector.shape_cast %add3A_269 : vector<16xi32> to vector<1x16xi32>
    tpu.vector_store %arg12[%swap3A_271, %swap3A_272], %swap3A_275 {strides = array<i32>} : memref<5x80xi32, #tpu.memory_space<vmem>>, vector<1x16xi32>,
    %dma_start3A_276 = arith.constant 2 : i32
    %dma_start3A_277 = arith.constant 2 : i32
    %dma_start3A_278 = arith.constant 0 : i32
    %dma_start3A_279 = arith.constant 0 : i32
    %dma_start3A_280 = tpu.memref_slice %arg13[%dma_start3A_277, %dma_start3A_278, %dma_start3A_279] : memref<5x80x64xf32, #tpu.memory_space<vmem>> -> memref<1x80x64xf32, #tpu.memory_space<vmem>>
    %dma_start3A_281 = tpu.memref_squeeze %dma_start3A_280 : memref<1x80x64xf32, #tpu.memory_space<vmem>> -> memref<80x64xf32, #tpu.memory_space<vmem>>
    %dma_start3A_282 = arith.constant 0 : i32
    %dma_start3A_283 = tpu.memref_slice %arg12[%dma_start3A_276, %dma_start3A_282] : memref<5x80xi32, #tpu.memory_space<vmem>> -> memref<1x80xi32, #tpu.memory_space<vmem>>
    %dma_start3A_284 = tpu.memref_squeeze %dma_start3A_283 : memref<1x80xi32, #tpu.memory_space<vmem>> -> memref<80xi32, #tpu.memory_space<vmem>>
    %dma_start3A_285 = arith.constant 0 : i32
    %dma_start3A_286 = arith.constant 0 : i32
    %dma_start3A_287 = tpu.memref_slice %arg2[%dma_start3A_285, %dma_start3A_286] : memref<20000x64xf32, #tpu.memory_space<hbm>> -> memref<20000x64xf32, #tpu.memory_space<hbm>>
    tpu.enqueue_indirect_dma source(%dma_start3A_287 : memref<20000x64xf32, #tpu.memory_space<hbm>>) target(%dma_start3A_281 : memref<80x64xf32, #tpu.memory_space<vmem>>) offsets(%dma_start3A_284 : memref<80xi32, #tpu.memory_space<vmem>>) semaphore(%arg19 : memref<!tpu.dma_semaphore, #tpu.memory_space<semaphore_mem>>)
    %get3A_288 = arith.constant 3 : i32
    %get3A_289 = arith.index_cast %get3A_288 : i32 to index
    %get3A_290 = arith.constant 0 : index
    %get3A_291 = tpu.vector_load %arg10[%get3A_289, %get3A_290] {strides = array<i32>} : memref<250x80xi32, #tpu.memory_space<vmem>>, vector<1x16xi32>,
    %get3A_292 = vector.shape_cast %get3A_291 : vector<1x16xi32> to vector<16xi32>
    %mul3A_293 = arith.constant 2 : i32
    %mul3A_294 = vector.broadcast %mul3A_293 : i32 to vector<16xi32>
    %mul3A_295 = arith.muli %get3A_292, %mul3A_294 : vector<16xi32>
    %add3A_296 = vector.broadcast %arg0 : i32 to vector<16xi32>
    %add3A_297 = arith.addi %mul3A_295, %add3A_296 : vector<16xi32>
    %swap3A_298 = arith.constant 3 : i32
    %swap3A_299 = arith.index_cast %swap3A_298 : i32 to index
    %swap3A_300 = arith.constant 0 : index
    %swap3A_301 = tpu.vector_load %arg12[%swap3A_299, %swap3A_300] {strides = array<i32>} : memref<5x80xi32, #tpu.memory_space<vmem>>, vector<1x16xi32>,
    %swap3A_302 = vector.shape_cast %swap3A_301 : vector<1x16xi32> to vector<16xi32>
    %swap3A_303 = vector.shape_cast %add3A_297 : vector<16xi32> to vector<1x16xi32>
    tpu.vector_store %arg12[%swap3A_299, %swap3A_300], %swap3A_303 {strides = array<i32>} : memref<5x80xi32, #tpu.memory_space<vmem>>, vector<1x16xi32>,
    %get3A_304 = arith.constant 3 : i32
    %get3A_305 = arith.index_cast %get3A_304 : i32 to index
    %get3A_306 = arith.constant 16 : index
    %get3A_307 = tpu.vector_load %arg10[%get3A_305, %get3A_306] {strides = array<i32>} : memref<250x80xi32, #tpu.memory_space<vmem>>, vector<1x16xi32>,
    %get3A_308 = vector.shape_cast %get3A_307 : vector<1x16xi32> to vector<16xi32>
    %mul3A_309 = arith.constant 2 : i32
    %mul3A_310 = vector.broadcast %mul3A_309 : i32 to vector<16xi32>
    %mul3A_311 = arith.muli %get3A_308, %mul3A_310 : vector<16xi32>
    %add3A_312 = vector.broadcast %arg0 : i32 to vector<16xi32>
    %add3A_313 = arith.addi %mul3A_311, %add3A_312 : vector<16xi32>
    %swap3A_314 = arith.constant 3 : i32
    %swap3A_315 = arith.index_cast %swap3A_314 : i32 to index
    %swap3A_316 = arith.constant 16 : index
    %swap3A_317 = tpu.vector_load %arg12[%swap3A_315, %swap3A_316] {strides = array<i32>} : memref<5x80xi32, #tpu.memory_space<vmem>>, vector<1x16xi32>,
    %swap3A_318 = vector.shape_cast %swap3A_317 : vector<1x16xi32> to vector<16xi32>
    %swap3A_319 = vector.shape_cast %add3A_313 : vector<16xi32> to vector<1x16xi32>
    tpu.vector_store %arg12[%swap3A_315, %swap3A_316], %swap3A_319 {strides = array<i32>} : memref<5x80xi32, #tpu.memory_space<vmem>>, vector<1x16xi32>,
    %get3A_320 = arith.constant 3 : i32
    %get3A_321 = arith.index_cast %get3A_320 : i32 to index
    %get3A_322 = arith.constant 32 : index
    %get3A_323 = tpu.vector_load %arg10[%get3A_321, %get3A_322] {strides = array<i32>} : memref<250x80xi32, #tpu.memory_space<vmem>>, vector<1x16xi32>,
    %get3A_324 = vector.shape_cast %get3A_323 : vector<1x16xi32> to vector<16xi32>
    %mul3A_325 = arith.constant 2 : i32
    %mul3A_326 = vector.broadcast %mul3A_325 : i32 to vector<16xi32>
    %mul3A_327 = arith.muli %get3A_324, %mul3A_326 : vector<16xi32>
    %add3A_328 = vector.broadcast %arg0 : i32 to vector<16xi32>
    %add3A_329 = arith.addi %mul3A_327, %add3A_328 : vector<16xi32>
    %swap3A_330 = arith.constant 3 : i32
    %swap3A_331 = arith.index_cast %swap3A_330 : i32 to index
    %swap3A_332 = arith.constant 32 : index
    %swap3A_333 = tpu.vector_load %arg12[%swap3A_331, %swap3A_332] {strides = array<i32>} : memref<5x80xi32, #tpu.memory_space<vmem>>, vector<1x16xi32>,
    %swap3A_334 = vector.shape_cast %swap3A_333 : vector<1x16xi32> to vector<16xi32>
    %swap3A_335 = vector.shape_cast %add3A_329 : vector<16xi32> to vector<1x16xi32>
    tpu.vector_store %arg12[%swap3A_331, %swap3A_332], %swap3A_335 {strides = array<i32>} : memref<5x80xi32, #tpu.memory_space<vmem>>, vector<1x16xi32>,
    %get3A_336 = arith.constant 3 : i32
    %get3A_337 = arith.index_cast %get3A_336 : i32 to index
    %get3A_338 = arith.constant 48 : index
    %get3A_339 = tpu.vector_load %arg10[%get3A_337, %get3A_338] {strides = array<i32>} : memref<250x80xi32, #tpu.memory_space<vmem>>, vector<1x16xi32>,
    %get3A_340 = vector.shape_cast %get3A_339 : vector<1x16xi32> to vector<16xi32>
    %mul3A_341 = arith.constant 2 : i32
    %mul3A_342 = vector.broadcast %mul3A_341 : i32 to vector<16xi32>
    %mul3A_343 = arith.muli %get3A_340, %mul3A_342 : vector<16xi32>
    %add3A_344 = vector.broadcast %arg0 : i32 to vector<16xi32>
    %add3A_345 = arith.addi %mul3A_343, %add3A_344 : vector<16xi32>
    %swap3A_346 = arith.constant 3 : i32
    %swap3A_347 = arith.index_cast %swap3A_346 : i32 to index
    %swap3A_348 = arith.constant 48 : index
    %swap3A_349 = tpu.vector_load %arg12[%swap3A_347, %swap3A_348] {strides = array<i32>} : memref<5x80xi32, #tpu.memory_space<vmem>>, vector<1x16xi32>,
    %swap3A_350 = vector.shape_cast %swap3A_349 : vector<1x16xi32> to vector<16xi32>
    %swap3A_351 = vector.shape_cast %add3A_345 : vector<16xi32> to vector<1x16xi32>
    tpu.vector_store %arg12[%swap3A_347, %swap3A_348], %swap3A_351 {strides = array<i32>} : memref<5x80xi32, #tpu.memory_space<vmem>>, vector<1x16xi32>,
    %get3A_352 = arith.constant 3 : i32
    %get3A_353 = arith.index_cast %get3A_352 : i32 to index
    %get3A_354 = arith.constant 64 : index
    %get3A_355 = tpu.vector_load %arg10[%get3A_353, %get3A_354] {strides = array<i32>} : memref<250x80xi32, #tpu.memory_space<vmem>>, vector<1x16xi32>,
    %get3A_356 = vector.shape_cast %get3A_355 : vector<1x16xi32> to vector<16xi32>
    %mul3A_357 = arith.constant 2 : i32
    %mul3A_358 = vector.broadcast %mul3A_357 : i32 to vector<16xi32>
    %mul3A_359 = arith.muli %get3A_356, %mul3A_358 : vector<16xi32>
    %add3A_360 = vector.broadcast %arg0 : i32 to vector<16xi32>
    %add3A_361 = arith.addi %mul3A_359, %add3A_360 : vector<16xi32>
    %swap3A_362 = arith.constant 3 : i32
    %swap3A_363 = arith.index_cast %swap3A_362 : i32 to index
    %swap3A_364 = arith.constant 64 : index
    %swap3A_365 = tpu.vector_load %arg12[%swap3A_363, %swap3A_364] {strides = array<i32>} : memref<5x80xi32, #tpu.memory_space<vmem>>, vector<1x16xi32>,
    %swap3A_366 = vector.shape_cast %swap3A_365 : vector<1x16xi32> to vector<16xi32>
    %swap3A_367 = vector.shape_cast %add3A_361 : vector<16xi32> to vector<1x16xi32>
    tpu.vector_store %arg12[%swap3A_363, %swap3A_364], %swap3A_367 {strides = array<i32>} : memref<5x80xi32, #tpu.memory_space<vmem>>, vector<1x16xi32>,
    %dma_start3A_368 = arith.constant 3 : i32
    %dma_start3A_369 = arith.constant 3 : i32
    %dma_start3A_370 = arith.constant 0 : i32
    %dma_start3A_371 = arith.constant 0 : i32
    %dma_start3A_372 = tpu.memref_slice %arg13[%dma_start3A_369, %dma_start3A_370, %dma_start3A_371] : memref<5x80x64xf32, #tpu.memory_space<vmem>> -> memref<1x80x64xf32, #tpu.memory_space<vmem>>
    %dma_start3A_373 = tpu.memref_squeeze %dma_start3A_372 : memref<1x80x64xf32, #tpu.memory_space<vmem>> -> memref<80x64xf32, #tpu.memory_space<vmem>>
    %dma_start3A_374 = arith.constant 0 : i32
    %dma_start3A_375 = tpu.memref_slice %arg12[%dma_start3A_368, %dma_start3A_374] : memref<5x80xi32, #tpu.memory_space<vmem>> -> memref<1x80xi32, #tpu.memory_space<vmem>>
    %dma_start3A_376 = tpu.memref_squeeze %dma_start3A_375 : memref<1x80xi32, #tpu.memory_space<vmem>> -> memref<80xi32, #tpu.memory_space<vmem>>
    %dma_start3A_377 = arith.constant 0 : i32
    %dma_start3A_378 = arith.constant 0 : i32
    %dma_start3A_379 = tpu.memref_slice %arg2[%dma_start3A_377, %dma_start3A_378] : memref<20000x64xf32, #tpu.memory_space<hbm>> -> memref<20000x64xf32, #tpu.memory_space<hbm>>
    tpu.enqueue_indirect_dma source(%dma_start3A_379 : memref<20000x64xf32, #tpu.memory_space<hbm>>) target(%dma_start3A_373 : memref<80x64xf32, #tpu.memory_space<vmem>>) offsets(%dma_start3A_376 : memref<80xi32, #tpu.memory_space<vmem>>) semaphore(%arg20 : memref<!tpu.dma_semaphore, #tpu.memory_space<semaphore_mem>>)
    %scan3A = arith.constant 0 : i32
    %scan3A_380 = arith.constant 0 : i32
    %scan3A_381 = arith.constant 50 : i32
    %scan3A_382 = arith.addi %scan3A_380, %scan3A_381 : i32
    %scan3A_383 = arith.constant 1 : i32
    scf.for %scan3A_491 = %scan3A_380 to %scan3A_382 step %scan3A_383  : i32 {
      %mul3A_492 = arith.constant 5 : i32
      %mul3A_493 = arith.muli %mul3A_492, %scan3A_491 : i32
      %add3A_494 = arith.constant 0 : i32
      %add3A_495 = arith.addi %mul3A_493, %add3A_494 : i32
      %add3A_496 = arith.constant 4 : i32
      %add3A_497 = arith.addi %add3A_495, %add3A_496 : i32
      %lt3A = arith.constant 250 : i32
      %lt3A_498 = arith.cmpi slt, %add3A_497, %lt3A : i32
      %convert_element_type3A_499 = arith.extui %lt3A_498 : i1 to i32
      %cond3A_500 = arith.constant 0 : i32
      %cond3A_501 = arith.cmpi ne, %convert_element_type3A_499, %cond3A_500 : i32
      scf.if %cond3A_501 {
        %ge3A_754 = arith.constant 5 : i32
        %ge3A_755 = arith.cmpi sge, %add3A_497, %ge3A_754 : i32
        %convert_element_type3A_756 = arith.extui %ge3A_755 : i1 to i32
        %cond3A_757 = arith.constant 0 : i32
        %cond3A_758 = arith.cmpi ne, %convert_element_type3A_756, %cond3A_757 : i32
        scf.if %cond3A_758 {
          %sub3A = arith.constant 5 : i32
          %sub3A_846 = arith.subi %add3A_497, %sub3A : i32
          %dma_wait3A_847 = arith.constant 4 : i32
          %dma_wait3A_848 = arith.constant 0 : i32
          %dma_wait3A_849 = arith.constant 0 : i32
          %dma_wait3A_850 = tpu.memref_slice %arg13[%dma_wait3A_847, %dma_wait3A_848, %dma_wait3A_849] : memref<5x80x64xf32, #tpu.memory_space<vmem>> -> memref<1x80x64xf32, #tpu.memory_space<vmem>>
          %dma_wait3A_851 = tpu.memref_squeeze %dma_wait3A_850 : memref<1x80x64xf32, #tpu.memory_space<vmem>> -> memref<80x64xf32, #tpu.memory_space<vmem>>
          %dma_wait3A_852 = arith.constant 0 : i32
          %dma_wait3A_853 = tpu.memref_slice %arg11[%sub3A_846, %dma_wait3A_852] : memref<250x80xi32, #tpu.memory_space<vmem>> -> memref<1x80xi32, #tpu.memory_space<vmem>>
          %dma_wait3A_854 = tpu.memref_squeeze %dma_wait3A_853 : memref<1x80xi32, #tpu.memory_space<vmem>> -> memref<80xi32, #tpu.memory_space<vmem>>
          %dma_wait3A_855 = arith.constant 0 : i32
          %dma_wait3A_856 = arith.constant 0 : i32
          %dma_wait3A_857 = tpu.memref_slice %arg15[%dma_wait3A_855, %dma_wait3A_856] : memref<10240x64xf32, #tpu.memory_space<vmem_shared>> -> memref<10240x64xf32, #tpu.memory_space<vmem_shared>>
          tpu.wait_indirect_dma semaphore(%arg26 : memref<!tpu.dma_semaphore, #tpu.memory_space<semaphore_mem>>) src(%dma_wait3A_851 : memref<80x64xf32, #tpu.memory_space<vmem>>) dst(%dma_wait3A_857 : memref<10240x64xf32, #tpu.memory_space<vmem_shared>>)
        } else {
        }
        %get3A_759 = arith.index_cast %add3A_497 : i32 to index
        %get3A_760 = arith.constant 0 : index
        %get3A_761 = tpu.vector_load %arg10[%get3A_759, %get3A_760] {strides = array<i32>} : memref<250x80xi32, #tpu.memory_space<vmem>>, vector<1x16xi32>,
        %get3A_762 = vector.shape_cast %get3A_761 : vector<1x16xi32> to vector<16xi32>
        %mul3A_763 = arith.constant 2 : i32
        %mul3A_764 = vector.broadcast %mul3A_763 : i32 to vector<16xi32>
        %mul3A_765 = arith.muli %get3A_762, %mul3A_764 : vector<16xi32>
        %add3A_766 = vector.broadcast %arg0 : i32 to vector<16xi32>
        %add3A_767 = arith.addi %mul3A_765, %add3A_766 : vector<16xi32>
        %swap3A_768 = arith.constant 4 : i32
        %swap3A_769 = arith.index_cast %swap3A_768 : i32 to index
        %swap3A_770 = arith.constant 0 : index
        %swap3A_771 = tpu.vector_load %arg12[%swap3A_769, %swap3A_770] {strides = array<i32>} : memref<5x80xi32, #tpu.memory_space<vmem>>, vector<1x16xi32>,
        %swap3A_772 = vector.shape_cast %swap3A_771 : vector<1x16xi32> to vector<16xi32>
        %swap3A_773 = vector.shape_cast %add3A_767 : vector<16xi32> to vector<1x16xi32>
        tpu.vector_store %arg12[%swap3A_769, %swap3A_770], %swap3A_773 {strides = array<i32>} : memref<5x80xi32, #tpu.memory_space<vmem>>, vector<1x16xi32>,
        %get3A_774 = arith.index_cast %add3A_497 : i32 to index
        %get3A_775 = arith.constant 16 : index
        %get3A_776 = tpu.vector_load %arg10[%get3A_774, %get3A_775] {strides = array<i32>} : memref<250x80xi32, #tpu.memory_space<vmem>>, vector<1x16xi32>,
        %get3A_777 = vector.shape_cast %get3A_776 : vector<1x16xi32> to vector<16xi32>
        %mul3A_778 = arith.constant 2 : i32
        %mul3A_779 = vector.broadcast %mul3A_778 : i32 to vector<16xi32>
        %mul3A_780 = arith.muli %get3A_777, %mul3A_779 : vector<16xi32>
        %add3A_781 = vector.broadcast %arg0 : i32 to vector<16xi32>
        %add3A_782 = arith.addi %mul3A_780, %add3A_781 : vector<16xi32>
        %swap3A_783 = arith.constant 4 : i32
        %swap3A_784 = arith.index_cast %swap3A_783 : i32 to index
        %swap3A_785 = arith.constant 16 : index
        %swap3A_786 = tpu.vector_load %arg12[%swap3A_784, %swap3A_785] {strides = array<i32>} : memref<5x80xi32, #tpu.memory_space<vmem>>, vector<1x16xi32>,
        %swap3A_787 = vector.shape_cast %swap3A_786 : vector<1x16xi32> to vector<16xi32>
        %swap3A_788 = vector.shape_cast %add3A_782 : vector<16xi32> to vector<1x16xi32>
        tpu.vector_store %arg12[%swap3A_784, %swap3A_785], %swap3A_788 {strides = array<i32>} : memref<5x80xi32, #tpu.memory_space<vmem>>, vector<1x16xi32>,
        %get3A_789 = arith.index_cast %add3A_497 : i32 to index
        %get3A_790 = arith.constant 32 : index
        %get3A_791 = tpu.vector_load %arg10[%get3A_789, %get3A_790] {strides = array<i32>} : memref<250x80xi32, #tpu.memory_space<vmem>>, vector<1x16xi32>,
        %get3A_792 = vector.shape_cast %get3A_791 : vector<1x16xi32> to vector<16xi32>
        %mul3A_793 = arith.constant 2 : i32
        %mul3A_794 = vector.broadcast %mul3A_793 : i32 to vector<16xi32>
        %mul3A_795 = arith.muli %get3A_792, %mul3A_794 : vector<16xi32>
        %add3A_796 = vector.broadcast %arg0 : i32 to vector<16xi32>
        %add3A_797 = arith.addi %mul3A_795, %add3A_796 : vector<16xi32>
        %swap3A_798 = arith.constant 4 : i32
        %swap3A_799 = arith.index_cast %swap3A_798 : i32 to index
        %swap3A_800 = arith.constant 32 : index
        %swap3A_801 = tpu.vector_load %arg12[%swap3A_799, %swap3A_800] {strides = array<i32>} : memref<5x80xi32, #tpu.memory_space<vmem>>, vector<1x16xi32>,
        %swap3A_802 = vector.shape_cast %swap3A_801 : vector<1x16xi32> to vector<16xi32>
        %swap3A_803 = vector.shape_cast %add3A_797 : vector<16xi32> to vector<1x16xi32>
        tpu.vector_store %arg12[%swap3A_799, %swap3A_800], %swap3A_803 {strides = array<i32>} : memref<5x80xi32, #tpu.memory_space<vmem>>, vector<1x16xi32>,
        %get3A_804 = arith.index_cast %add3A_497 : i32 to index
        %get3A_805 = arith.constant 48 : index
        %get3A_806 = tpu.vector_load %arg10[%get3A_804, %get3A_805] {strides = array<i32>} : memref<250x80xi32, #tpu.memory_space<vmem>>, vector<1x16xi32>,
        %get3A_807 = vector.shape_cast %get3A_806 : vector<1x16xi32> to vector<16xi32>
        %mul3A_808 = arith.constant 2 : i32
        %mul3A_809 = vector.broadcast %mul3A_808 : i32 to vector<16xi32>
        %mul3A_810 = arith.muli %get3A_807, %mul3A_809 : vector<16xi32>
        %add3A_811 = vector.broadcast %arg0 : i32 to vector<16xi32>
        %add3A_812 = arith.addi %mul3A_810, %add3A_811 : vector<16xi32>
        %swap3A_813 = arith.constant 4 : i32
        %swap3A_814 = arith.index_cast %swap3A_813 : i32 to index
        %swap3A_815 = arith.constant 48 : index
        %swap3A_816 = tpu.vector_load %arg12[%swap3A_814, %swap3A_815] {strides = array<i32>} : memref<5x80xi32, #tpu.memory_space<vmem>>, vector<1x16xi32>,
        %swap3A_817 = vector.shape_cast %swap3A_816 : vector<1x16xi32> to vector<16xi32>
        %swap3A_818 = vector.shape_cast %add3A_812 : vector<16xi32> to vector<1x16xi32>
        tpu.vector_store %arg12[%swap3A_814, %swap3A_815], %swap3A_818 {strides = array<i32>} : memref<5x80xi32, #tpu.memory_space<vmem>>, vector<1x16xi32>,
        %get3A_819 = arith.index_cast %add3A_497 : i32 to index
        %get3A_820 = arith.constant 64 : index
        %get3A_821 = tpu.vector_load %arg10[%get3A_819, %get3A_820] {strides = array<i32>} : memref<250x80xi32, #tpu.memory_space<vmem>>, vector<1x16xi32>,
        %get3A_822 = vector.shape_cast %get3A_821 : vector<1x16xi32> to vector<16xi32>
        %mul3A_823 = arith.constant 2 : i32
        %mul3A_824 = vector.broadcast %mul3A_823 : i32 to vector<16xi32>
        %mul3A_825 = arith.muli %get3A_822, %mul3A_824 : vector<16xi32>
        %add3A_826 = vector.broadcast %arg0 : i32 to vector<16xi32>
        %add3A_827 = arith.addi %mul3A_825, %add3A_826 : vector<16xi32>
        %swap3A_828 = arith.constant 4 : i32
        %swap3A_829 = arith.index_cast %swap3A_828 : i32 to index
        %swap3A_830 = arith.constant 64 : index
        %swap3A_831 = tpu.vector_load %arg12[%swap3A_829, %swap3A_830] {strides = array<i32>} : memref<5x80xi32, #tpu.memory_space<vmem>>, vector<1x16xi32>,
        %swap3A_832 = vector.shape_cast %swap3A_831 : vector<1x16xi32> to vector<16xi32>
        %swap3A_833 = vector.shape_cast %add3A_827 : vector<16xi32> to vector<1x16xi32>
        tpu.vector_store %arg12[%swap3A_829, %swap3A_830], %swap3A_833 {strides = array<i32>} : memref<5x80xi32, #tpu.memory_space<vmem>>, vector<1x16xi32>,
        %dma_start3A_834 = arith.constant 4 : i32
        %dma_start3A_835 = arith.constant 4 : i32
        %dma_start3A_836 = arith.constant 0 : i32
        %dma_start3A_837 = arith.constant 0 : i32
        %dma_start3A_838 = tpu.memref_slice %arg13[%dma_start3A_835, %dma_start3A_836, %dma_start3A_837] : memref<5x80x64xf32, #tpu.memory_space<vmem>> -> memref<1x80x64xf32, #tpu.memory_space<vmem>>
        %dma_start3A_839 = tpu.memref_squeeze %dma_start3A_838 : memref<1x80x64xf32, #tpu.memory_space<vmem>> -> memref<80x64xf32, #tpu.memory_space<vmem>>
        %dma_start3A_840 = arith.constant 0 : i32
        %dma_start3A_841 = tpu.memref_slice %arg12[%dma_start3A_834, %dma_start3A_840] : memref<5x80xi32, #tpu.memory_space<vmem>> -> memref<1x80xi32, #tpu.memory_space<vmem>>
        %dma_start3A_842 = tpu.memref_squeeze %dma_start3A_841 : memref<1x80xi32, #tpu.memory_space<vmem>> -> memref<80xi32, #tpu.memory_space<vmem>>
        %dma_start3A_843 = arith.constant 0 : i32
        %dma_start3A_844 = arith.constant 0 : i32
        %dma_start3A_845 = tpu.memref_slice %arg2[%dma_start3A_843, %dma_start3A_844] : memref<20000x64xf32, #tpu.memory_space<hbm>> -> memref<20000x64xf32, #tpu.memory_space<hbm>>
        tpu.enqueue_indirect_dma source(%dma_start3A_845 : memref<20000x64xf32, #tpu.memory_space<hbm>>) target(%dma_start3A_839 : memref<80x64xf32, #tpu.memory_space<vmem>>) offsets(%dma_start3A_842 : memref<80xi32, #tpu.memory_space<vmem>>) semaphore(%arg21 : memref<!tpu.dma_semaphore, #tpu.memory_space<semaphore_mem>>)
      } else {
      }
      %dma_wait3A_502 = arith.constant 0 : i32
      %dma_wait3A_503 = arith.constant 0 : i32
      %dma_wait3A_504 = arith.constant 0 : i32
      %dma_wait3A_505 = arith.constant 0 : i32
      %dma_wait3A_506 = tpu.memref_slice %arg13[%dma_wait3A_503, %dma_wait3A_504, %dma_wait3A_505] : memref<5x80x64xf32, #tpu.memory_space<vmem>> -> memref<1x80x64xf32, #tpu.memory_space<vmem>>
      %dma_wait3A_507 = tpu.memref_squeeze %dma_wait3A_506 : memref<1x80x64xf32, #tpu.memory_space<vmem>> -> memref<80x64xf32, #tpu.memory_space<vmem>>
      %dma_wait3A_508 = arith.constant 0 : i32
      %dma_wait3A_509 = tpu.memref_slice %arg12[%dma_wait3A_502, %dma_wait3A_508] : memref<5x80xi32, #tpu.memory_space<vmem>> -> memref<1x80xi32, #tpu.memory_space<vmem>>
      %dma_wait3A_510 = tpu.memref_squeeze %dma_wait3A_509 : memref<1x80xi32, #tpu.memory_space<vmem>> -> memref<80xi32, #tpu.memory_space<vmem>>
      %dma_wait3A_511 = arith.constant 0 : i32
      %dma_wait3A_512 = arith.constant 0 : i32
      %dma_wait3A_513 = tpu.memref_slice %arg2[%dma_wait3A_511, %dma_wait3A_512] : memref<20000x64xf32, #tpu.memory_space<hbm>> -> memref<20000x64xf32, #tpu.memory_space<hbm>>
      tpu.wait_indirect_dma semaphore(%arg17 : memref<!tpu.dma_semaphore, #tpu.memory_space<semaphore_mem>>) src(%dma_wait3A_513 : memref<20000x64xf32, #tpu.memory_space<hbm>>) dst(%dma_wait3A_507 : memref<80x64xf32, #tpu.memory_space<vmem>>)
      %dma_start3A_514 = arith.constant 0 : i32
      %dma_start3A_515 = arith.constant 0 : i32
      %dma_start3A_516 = arith.constant 0 : i32
      %dma_start3A_517 = tpu.memref_slice %arg13[%dma_start3A_514, %dma_start3A_515, %dma_start3A_516] : memref<5x80x64xf32, #tpu.memory_space<vmem>> -> memref<1x80x64xf32, #tpu.memory_space<vmem>>
      %dma_start3A_518 = tpu.memref_squeeze %dma_start3A_517 : memref<1x80x64xf32, #tpu.memory_space<vmem>> -> memref<80x64xf32, #tpu.memory_space<vmem>>
      %dma_start3A_519 = arith.constant 0 : i32
      %dma_start3A_520 = tpu.memref_slice %arg11[%add3A_495, %dma_start3A_519] : memref<250x80xi32, #tpu.memory_space<vmem>> -> memref<1x80xi32, #tpu.memory_space<vmem>>
      %dma_start3A_521 = tpu.memref_squeeze %dma_start3A_520 : memref<1x80xi32, #tpu.memory_space<vmem>> -> memref<80xi32, #tpu.memory_space<vmem>>
      %dma_start3A_522 = arith.constant 0 : i32
      %dma_start3A_523 = arith.constant 0 : i32
      %dma_start3A_524 = tpu.memref_slice %arg15[%dma_start3A_522, %dma_start3A_523] : memref<10240x64xf32, #tpu.memory_space<vmem_shared>> -> memref<10240x64xf32, #tpu.memory_space<vmem_shared>>
      tpu.enqueue_indirect_dma source(%dma_start3A_518 : memref<80x64xf32, #tpu.memory_space<vmem>>) target(%dma_start3A_524 : memref<10240x64xf32, #tpu.memory_space<vmem_shared>>) offsets(%dma_start3A_521 : memref<80xi32, #tpu.memory_space<vmem>>) semaphore(%arg22 : memref<!tpu.dma_semaphore, #tpu.memory_space<semaphore_mem>>) {add = true}
      %add3A_525 = arith.addi %add3A_495, %arg0 : i32
      %rem3A_526 = arith.constant 2 : i32
      %rem3A_527 = arith.remsi %add3A_525, %rem3A_526 : i32
      %eq3A_528 = arith.constant 0 : i32
      %eq3A_529 = arith.cmpi eq, %rem3A_527, %eq3A_528 : i32
      %convert_element_type3A_530 = arith.extui %eq3A_529 : i1 to i32
      %cond3A_531 = arith.constant 0 : i32
      %cond3A_532 = arith.cmpi ne, %convert_element_type3A_530, %cond3A_531 : i32
      scf.if %cond3A_532 {
        %dma_start3A_754 = arith.constant 0 : i32
        %dma_start3A_755 = tpu.memref_slice %arg11[%add3A_495, %dma_start3A_754] : memref<250x80xi32, #tpu.memory_space<vmem>> -> memref<1x80xi32, #tpu.memory_space<vmem>>
        %dma_start3A_756 = tpu.memref_squeeze %dma_start3A_755 : memref<1x80xi32, #tpu.memory_space<vmem>> -> memref<80xi32, #tpu.memory_space<vmem>>
        %dma_start3A_757 = arith.constant 0 : i32
        %dma_start3A_758 = arith.constant 0 : i32
        %dma_start3A_759 = tpu.memref_slice %arg16[%dma_start3A_757, %dma_start3A_758] : memref<10240x8xf32, #tpu.memory_space<vmem_shared>> -> memref<10240x8xf32, #tpu.memory_space<vmem_shared>>
        tpu.enqueue_indirect_dma source(%arg14 : memref<80x8xf32, #tpu.memory_space<vmem>>) target(%dma_start3A_759 : memref<10240x8xf32, #tpu.memory_space<vmem_shared>>) offsets(%dma_start3A_756 : memref<80xi32, #tpu.memory_space<vmem>>) semaphore(%arg27 : memref<!tpu.dma_semaphore, #tpu.memory_space<semaphore_mem>>) {add = true}
      } else {
      }
      %add3A_533 = arith.addi %add3A_495, %arg0 : i32
      %rem3A_534 = arith.constant 2 : i32
      %rem3A_535 = arith.remsi %add3A_533, %rem3A_534 : i32
      %eq3A_536 = arith.constant 1 : i32
      %eq3A_537 = arith.cmpi eq, %rem3A_535, %eq3A_536 : i32
      %ge3A = arith.constant 5 : i32
      %ge3A_538 = arith.cmpi sge, %add3A_495, %ge3A : i32
      %and3A = arith.andi %eq3A_537, %ge3A_538 : i1
      %convert_element_type3A_539 = arith.extui %and3A : i1 to i32
      %cond3A_540 = arith.constant 0 : i32
      %cond3A_541 = arith.cmpi ne, %convert_element_type3A_539, %cond3A_540 : i32
      scf.if %cond3A_541 {
        %sub3A = arith.constant 5 : i32
        %sub3A_754 = arith.subi %add3A_495, %sub3A : i32
        %dma_wait3A_755 = arith.constant 0 : i32
        %dma_wait3A_756 = tpu.memref_slice %arg11[%sub3A_754, %dma_wait3A_755] : memref<250x80xi32, #tpu.memory_space<vmem>> -> memref<1x80xi32, #tpu.memory_space<vmem>>
        %dma_wait3A_757 = tpu.memref_squeeze %dma_wait3A_756 : memref<1x80xi32, #tpu.memory_space<vmem>> -> memref<80xi32, #tpu.memory_space<vmem>>
        %dma_wait3A_758 = arith.constant 0 : i32
        %dma_wait3A_759 = arith.constant 0 : i32
        %dma_wait3A_760 = tpu.memref_slice %arg16[%dma_wait3A_758, %dma_wait3A_759] : memref<10240x8xf32, #tpu.memory_space<vmem_shared>> -> memref<10240x8xf32, #tpu.memory_space<vmem_shared>>
        tpu.wait_indirect_dma semaphore(%arg27 : memref<!tpu.dma_semaphore, #tpu.memory_space<semaphore_mem>>) src(%arg14 : memref<80x8xf32, #tpu.memory_space<vmem>>) dst(%dma_wait3A_760 : memref<10240x8xf32, #tpu.memory_space<vmem_shared>>)
      } else {
      }
      %mul3A_542 = arith.constant 5 : i32
      %mul3A_543 = arith.muli %mul3A_542, %scan3A_491 : i32
      %add3A_544 = arith.constant 1 : i32
      %add3A_545 = arith.addi %mul3A_543, %add3A_544 : i32
      %add3A_546 = arith.constant 4 : i32
      %add3A_547 = arith.addi %add3A_545, %add3A_546 : i32
      %lt3A_548 = arith.constant 250 : i32
      %lt3A_549 = arith.cmpi slt, %add3A_547, %lt3A_548 : i32
      %convert_element_type3A_550 = arith.extui %lt3A_549 : i1 to i32
      %cond3A_551 = arith.constant 0 : i32
      %cond3A_552 = arith.cmpi ne, %convert_element_type3A_550, %cond3A_551 : i32
      scf.if %cond3A_552 {
        %ge3A_754 = arith.constant 5 : i32
        %ge3A_755 = arith.cmpi sge, %add3A_547, %ge3A_754 : i32
        %convert_element_type3A_756 = arith.extui %ge3A_755 : i1 to i32
        %cond3A_757 = arith.constant 0 : i32
        %cond3A_758 = arith.cmpi ne, %convert_element_type3A_756, %cond3A_757 : i32
        scf.if %cond3A_758 {
          %sub3A = arith.constant 5 : i32
          %sub3A_846 = arith.subi %add3A_547, %sub3A : i32
          %dma_wait3A_847 = arith.constant 0 : i32
          %dma_wait3A_848 = arith.constant 0 : i32
          %dma_wait3A_849 = arith.constant 0 : i32
          %dma_wait3A_850 = tpu.memref_slice %arg13[%dma_wait3A_847, %dma_wait3A_848, %dma_wait3A_849] : memref<5x80x64xf32, #tpu.memory_space<vmem>> -> memref<1x80x64xf32, #tpu.memory_space<vmem>>
          %dma_wait3A_851 = tpu.memref_squeeze %dma_wait3A_850 : memref<1x80x64xf32, #tpu.memory_space<vmem>> -> memref<80x64xf32, #tpu.memory_space<vmem>>
          %dma_wait3A_852 = arith.constant 0 : i32
          %dma_wait3A_853 = tpu.memref_slice %arg11[%sub3A_846, %dma_wait3A_852] : memref<250x80xi32, #tpu.memory_space<vmem>> -> memref<1x80xi32, #tpu.memory_space<vmem>>
          %dma_wait3A_854 = tpu.memref_squeeze %dma_wait3A_853 : memref<1x80xi32, #tpu.memory_space<vmem>> -> memref<80xi32, #tpu.memory_space<vmem>>
          %dma_wait3A_855 = arith.constant 0 : i32
          %dma_wait3A_856 = arith.constant 0 : i32
          %dma_wait3A_857 = tpu.memref_slice %arg15[%dma_wait3A_855, %dma_wait3A_856] : memref<10240x64xf32, #tpu.memory_space<vmem_shared>> -> memref<10240x64xf32, #tpu.memory_space<vmem_shared>>
          tpu.wait_indirect_dma semaphore(%arg22 : memref<!tpu.dma_semaphore, #tpu.memory_space<semaphore_mem>>) src(%dma_wait3A_851 : memref<80x64xf32, #tpu.memory_space<vmem>>) dst(%dma_wait3A_857 : memref<10240x64xf32, #tpu.memory_space<vmem_shared>>)
        } else {
        }
        %get3A_759 = arith.index_cast %add3A_547 : i32 to index
        %get3A_760 = arith.constant 0 : index
        %get3A_761 = tpu.vector_load %arg10[%get3A_759, %get3A_760] {strides = array<i32>} : memref<250x80xi32, #tpu.memory_space<vmem>>, vector<1x16xi32>,
        %get3A_762 = vector.shape_cast %get3A_761 : vector<1x16xi32> to vector<16xi32>
        %mul3A_763 = arith.constant 2 : i32
        %mul3A_764 = vector.broadcast %mul3A_763 : i32 to vector<16xi32>
        %mul3A_765 = arith.muli %get3A_762, %mul3A_764 : vector<16xi32>
        %add3A_766 = vector.broadcast %arg0 : i32 to vector<16xi32>
        %add3A_767 = arith.addi %mul3A_765, %add3A_766 : vector<16xi32>
        %swap3A_768 = arith.constant 0 : i32
        %swap3A_769 = arith.index_cast %swap3A_768 : i32 to index
        %swap3A_770 = arith.constant 0 : index
        %swap3A_771 = tpu.vector_load %arg12[%swap3A_769, %swap3A_770] {strides = array<i32>} : memref<5x80xi32, #tpu.memory_space<vmem>>, vector<1x16xi32>,
        %swap3A_772 = vector.shape_cast %swap3A_771 : vector<1x16xi32> to vector<16xi32>
        %swap3A_773 = vector.shape_cast %add3A_767 : vector<16xi32> to vector<1x16xi32>
        tpu.vector_store %arg12[%swap3A_769, %swap3A_770], %swap3A_773 {strides = array<i32>} : memref<5x80xi32, #tpu.memory_space<vmem>>, vector<1x16xi32>,
        %get3A_774 = arith.index_cast %add3A_547 : i32 to index
        %get3A_775 = arith.constant 16 : index
        %get3A_776 = tpu.vector_load %arg10[%get3A_774, %get3A_775] {strides = array<i32>} : memref<250x80xi32, #tpu.memory_space<vmem>>, vector<1x16xi32>,
        %get3A_777 = vector.shape_cast %get3A_776 : vector<1x16xi32> to vector<16xi32>
        %mul3A_778 = arith.constant 2 : i32
        %mul3A_779 = vector.broadcast %mul3A_778 : i32 to vector<16xi32>
        %mul3A_780 = arith.muli %get3A_777, %mul3A_779 : vector<16xi32>
        %add3A_781 = vector.broadcast %arg0 : i32 to vector<16xi32>
        %add3A_782 = arith.addi %mul3A_780, %add3A_781 : vector<16xi32>
        %swap3A_783 = arith.constant 0 : i32
        %swap3A_784 = arith.index_cast %swap3A_783 : i32 to index
        %swap3A_785 = arith.constant 16 : index
        %swap3A_786 = tpu.vector_load %arg12[%swap3A_784, %swap3A_785] {strides = array<i32>} : memref<5x80xi32, #tpu.memory_space<vmem>>, vector<1x16xi32>,
        %swap3A_787 = vector.shape_cast %swap3A_786 : vector<1x16xi32> to vector<16xi32>
        %swap3A_788 = vector.shape_cast %add3A_782 : vector<16xi32> to vector<1x16xi32>
        tpu.vector_store %arg12[%swap3A_784, %swap3A_785], %swap3A_788 {strides = array<i32>} : memref<5x80xi32, #tpu.memory_space<vmem>>, vector<1x16xi32>,
        %get3A_789 = arith.index_cast %add3A_547 : i32 to index
        %get3A_790 = arith.constant 32 : index
        %get3A_791 = tpu.vector_load %arg10[%get3A_789, %get3A_790] {strides = array<i32>} : memref<250x80xi32, #tpu.memory_space<vmem>>, vector<1x16xi32>,
        %get3A_792 = vector.shape_cast %get3A_791 : vector<1x16xi32> to vector<16xi32>
        %mul3A_793 = arith.constant 2 : i32
        %mul3A_794 = vector.broadcast %mul3A_793 : i32 to vector<16xi32>
        %mul3A_795 = arith.muli %get3A_792, %mul3A_794 : vector<16xi32>
        %add3A_796 = vector.broadcast %arg0 : i32 to vector<16xi32>
        %add3A_797 = arith.addi %mul3A_795, %add3A_796 : vector<16xi32>
        %swap3A_798 = arith.constant 0 : i32
        %swap3A_799 = arith.index_cast %swap3A_798 : i32 to index
        %swap3A_800 = arith.constant 32 : index
        %swap3A_801 = tpu.vector_load %arg12[%swap3A_799, %swap3A_800] {strides = array<i32>} : memref<5x80xi32, #tpu.memory_space<vmem>>, vector<1x16xi32>,
        %swap3A_802 = vector.shape_cast %swap3A_801 : vector<1x16xi32> to vector<16xi32>
        %swap3A_803 = vector.shape_cast %add3A_797 : vector<16xi32> to vector<1x16xi32>
        tpu.vector_store %arg12[%swap3A_799, %swap3A_800], %swap3A_803 {strides = array<i32>} : memref<5x80xi32, #tpu.memory_space<vmem>>, vector<1x16xi32>,
        %get3A_804 = arith.index_cast %add3A_547 : i32 to index
        %get3A_805 = arith.constant 48 : index
        %get3A_806 = tpu.vector_load %arg10[%get3A_804, %get3A_805] {strides = array<i32>} : memref<250x80xi32, #tpu.memory_space<vmem>>, vector<1x16xi32>,
        %get3A_807 = vector.shape_cast %get3A_806 : vector<1x16xi32> to vector<16xi32>
        %mul3A_808 = arith.constant 2 : i32
        %mul3A_809 = vector.broadcast %mul3A_808 : i32 to vector<16xi32>
        %mul3A_810 = arith.muli %get3A_807, %mul3A_809 : vector<16xi32>
        %add3A_811 = vector.broadcast %arg0 : i32 to vector<16xi32>
        %add3A_812 = arith.addi %mul3A_810, %add3A_811 : vector<16xi32>
        %swap3A_813 = arith.constant 0 : i32
        %swap3A_814 = arith.index_cast %swap3A_813 : i32 to index
        %swap3A_815 = arith.constant 48 : index
        %swap3A_816 = tpu.vector_load %arg12[%swap3A_814, %swap3A_815] {strides = array<i32>} : memref<5x80xi32, #tpu.memory_space<vmem>>, vector<1x16xi32>,
        %swap3A_817 = vector.shape_cast %swap3A_816 : vector<1x16xi32> to vector<16xi32>
        %swap3A_818 = vector.shape_cast %add3A_812 : vector<16xi32> to vector<1x16xi32>
        tpu.vector_store %arg12[%swap3A_814, %swap3A_815], %swap3A_818 {strides = array<i32>} : memref<5x80xi32, #tpu.memory_space<vmem>>, vector<1x16xi32>,
        %get3A_819 = arith.index_cast %add3A_547 : i32 to index
        %get3A_820 = arith.constant 64 : index
        %get3A_821 = tpu.vector_load %arg10[%get3A_819, %get3A_820] {strides = array<i32>} : memref<250x80xi32, #tpu.memory_space<vmem>>, vector<1x16xi32>,
        %get3A_822 = vector.shape_cast %get3A_821 : vector<1x16xi32> to vector<16xi32>
        %mul3A_823 = arith.constant 2 : i32
        %mul3A_824 = vector.broadcast %mul3A_823 : i32 to vector<16xi32>
        %mul3A_825 = arith.muli %get3A_822, %mul3A_824 : vector<16xi32>
        %add3A_826 = vector.broadcast %arg0 : i32 to vector<16xi32>
        %add3A_827 = arith.addi %mul3A_825, %add3A_826 : vector<16xi32>
        %swap3A_828 = arith.constant 0 : i32
        %swap3A_829 = arith.index_cast %swap3A_828 : i32 to index
        %swap3A_830 = arith.constant 64 : index
        %swap3A_831 = tpu.vector_load %arg12[%swap3A_829, %swap3A_830] {strides = array<i32>} : memref<5x80xi32, #tpu.memory_space<vmem>>, vector<1x16xi32>,
        %swap3A_832 = vector.shape_cast %swap3A_831 : vector<1x16xi32> to vector<16xi32>
        %swap3A_833 = vector.shape_cast %add3A_827 : vector<16xi32> to vector<1x16xi32>
        tpu.vector_store %arg12[%swap3A_829, %swap3A_830], %swap3A_833 {strides = array<i32>} : memref<5x80xi32, #tpu.memory_space<vmem>>, vector<1x16xi32>,
        %dma_start3A_834 = arith.constant 0 : i32
        %dma_start3A_835 = arith.constant 0 : i32
        %dma_start3A_836 = arith.constant 0 : i32
        %dma_start3A_837 = arith.constant 0 : i32
        %dma_start3A_838 = tpu.memref_slice %arg13[%dma_start3A_835, %dma_start3A_836, %dma_start3A_837] : memref<5x80x64xf32, #tpu.memory_space<vmem>> -> memref<1x80x64xf32, #tpu.memory_space<vmem>>
        %dma_start3A_839 = tpu.memref_squeeze %dma_start3A_838 : memref<1x80x64xf32, #tpu.memory_space<vmem>> -> memref<80x64xf32, #tpu.memory_space<vmem>>
        %dma_start3A_840 = arith.constant 0 : i32
        %dma_start3A_841 = tpu.memref_slice %arg12[%dma_start3A_834, %dma_start3A_840] : memref<5x80xi32, #tpu.memory_space<vmem>> -> memref<1x80xi32, #tpu.memory_space<vmem>>
        %dma_start3A_842 = tpu.memref_squeeze %dma_start3A_841 : memref<1x80xi32, #tpu.memory_space<vmem>> -> memref<80xi32, #tpu.memory_space<vmem>>
        %dma_start3A_843 = arith.constant 0 : i32
        %dma_start3A_844 = arith.constant 0 : i32
        %dma_start3A_845 = tpu.memref_slice %arg2[%dma_start3A_843, %dma_start3A_844] : memref<20000x64xf32, #tpu.memory_space<hbm>> -> memref<20000x64xf32, #tpu.memory_space<hbm>>
        tpu.enqueue_indirect_dma source(%dma_start3A_845 : memref<20000x64xf32, #tpu.memory_space<hbm>>) target(%dma_start3A_839 : memref<80x64xf32, #tpu.memory_space<vmem>>) offsets(%dma_start3A_842 : memref<80xi32, #tpu.memory_space<vmem>>) semaphore(%arg17 : memref<!tpu.dma_semaphore, #tpu.memory_space<semaphore_mem>>)
      } else {
      }
      %dma_wait3A_553 = arith.constant 1 : i32
      %dma_wait3A_554 = arith.constant 1 : i32
      %dma_wait3A_555 = arith.constant 0 : i32
      %dma_wait3A_556 = arith.constant 0 : i32
      %dma_wait3A_557 = tpu.memref_slice %arg13[%dma_wait3A_554, %dma_wait3A_555, %dma_wait3A_556] : memref<5x80x64xf32, #tpu.memory_space<vmem>> -> memref<1x80x64xf32, #tpu.memory_space<vmem>>
      %dma_wait3A_558 = tpu.memref_squeeze %dma_wait3A_557 : memref<1x80x64xf32, #tpu.memory_space<vmem>> -> memref<80x64xf32, #tpu.memory_space<vmem>>
      %dma_wait3A_559 = arith.constant 0 : i32
      %dma_wait3A_560 = tpu.memref_slice %arg12[%dma_wait3A_553, %dma_wait3A_559] : memref<5x80xi32, #tpu.memory_space<vmem>> -> memref<1x80xi32, #tpu.memory_space<vmem>>
      %dma_wait3A_561 = tpu.memref_squeeze %dma_wait3A_560 : memref<1x80xi32, #tpu.memory_space<vmem>> -> memref<80xi32, #tpu.memory_space<vmem>>
      %dma_wait3A_562 = arith.constant 0 : i32
      %dma_wait3A_563 = arith.constant 0 : i32
      %dma_wait3A_564 = tpu.memref_slice %arg2[%dma_wait3A_562, %dma_wait3A_563] : memref<20000x64xf32, #tpu.memory_space<hbm>> -> memref<20000x64xf32, #tpu.memory_space<hbm>>
      tpu.wait_indirect_dma semaphore(%arg18 : memref<!tpu.dma_semaphore, #tpu.memory_space<semaphore_mem>>) src(%dma_wait3A_564 : memref<20000x64xf32, #tpu.memory_space<hbm>>) dst(%dma_wait3A_558 : memref<80x64xf32, #tpu.memory_space<vmem>>)
      %dma_start3A_565 = arith.constant 1 : i32
      %dma_start3A_566 = arith.constant 0 : i32
      %dma_start3A_567 = arith.constant 0 : i32
      %dma_start3A_568 = tpu.memref_slice %arg13[%dma_start3A_565, %dma_start3A_566, %dma_start3A_567] : memref<5x80x64xf32, #tpu.memory_space<vmem>> -> memref<1x80x64xf32, #tpu.memory_space<vmem>>
      %dma_start3A_569 = tpu.memref_squeeze %dma_start3A_568 : memref<1x80x64xf32, #tpu.memory_space<vmem>> -> memref<80x64xf32, #tpu.memory_space<vmem>>
      %dma_start3A_570 = arith.constant 0 : i32
      %dma_start3A_571 = tpu.memref_slice %arg11[%add3A_545, %dma_start3A_570] : memref<250x80xi32, #tpu.memory_space<vmem>> -> memref<1x80xi32, #tpu.memory_space<vmem>>
      %dma_start3A_572 = tpu.memref_squeeze %dma_start3A_571 : memref<1x80xi32, #tpu.memory_space<vmem>> -> memref<80xi32, #tpu.memory_space<vmem>>
      %dma_start3A_573 = arith.constant 0 : i32
      %dma_start3A_574 = arith.constant 0 : i32
      %dma_start3A_575 = tpu.memref_slice %arg15[%dma_start3A_573, %dma_start3A_574] : memref<10240x64xf32, #tpu.memory_space<vmem_shared>> -> memref<10240x64xf32, #tpu.memory_space<vmem_shared>>
      tpu.enqueue_indirect_dma source(%dma_start3A_569 : memref<80x64xf32, #tpu.memory_space<vmem>>) target(%dma_start3A_575 : memref<10240x64xf32, #tpu.memory_space<vmem_shared>>) offsets(%dma_start3A_572 : memref<80xi32, #tpu.memory_space<vmem>>) semaphore(%arg23 : memref<!tpu.dma_semaphore, #tpu.memory_space<semaphore_mem>>) {add = true}
      %add3A_576 = arith.addi %add3A_545, %arg0 : i32
      %rem3A_577 = arith.constant 2 : i32
      %rem3A_578 = arith.remsi %add3A_576, %rem3A_577 : i32
      %eq3A_579 = arith.constant 0 : i32
      %eq3A_580 = arith.cmpi eq, %rem3A_578, %eq3A_579 : i32
      %convert_element_type3A_581 = arith.extui %eq3A_580 : i1 to i32
      %cond3A_582 = arith.constant 0 : i32
      %cond3A_583 = arith.cmpi ne, %convert_element_type3A_581, %cond3A_582 : i32
      scf.if %cond3A_583 {
        %dma_start3A_754 = arith.constant 0 : i32
        %dma_start3A_755 = tpu.memref_slice %arg11[%add3A_545, %dma_start3A_754] : memref<250x80xi32, #tpu.memory_space<vmem>> -> memref<1x80xi32, #tpu.memory_space<vmem>>
        %dma_start3A_756 = tpu.memref_squeeze %dma_start3A_755 : memref<1x80xi32, #tpu.memory_space<vmem>> -> memref<80xi32, #tpu.memory_space<vmem>>
        %dma_start3A_757 = arith.constant 0 : i32
        %dma_start3A_758 = arith.constant 0 : i32
        %dma_start3A_759 = tpu.memref_slice %arg16[%dma_start3A_757, %dma_start3A_758] : memref<10240x8xf32, #tpu.memory_space<vmem_shared>> -> memref<10240x8xf32, #tpu.memory_space<vmem_shared>>
        tpu.enqueue_indirect_dma source(%arg14 : memref<80x8xf32, #tpu.memory_space<vmem>>) target(%dma_start3A_759 : memref<10240x8xf32, #tpu.memory_space<vmem_shared>>) offsets(%dma_start3A_756 : memref<80xi32, #tpu.memory_space<vmem>>) semaphore(%arg27 : memref<!tpu.dma_semaphore, #tpu.memory_space<semaphore_mem>>) {add = true}
      } else {
      }
      %add3A_584 = arith.addi %add3A_545, %arg0 : i32
      %rem3A_585 = arith.constant 2 : i32
      %rem3A_586 = arith.remsi %add3A_584, %rem3A_585 : i32
      %eq3A_587 = arith.constant 1 : i32
      %eq3A_588 = arith.cmpi eq, %rem3A_586, %eq3A_587 : i32
      %ge3A_589 = arith.constant 5 : i32
      %ge3A_590 = arith.cmpi sge, %add3A_545, %ge3A_589 : i32
      %and3A_591 = arith.andi %eq3A_588, %ge3A_590 : i1
      %convert_element_type3A_592 = arith.extui %and3A_591 : i1 to i32
      %cond3A_593 = arith.constant 0 : i32
      %cond3A_594 = arith.cmpi ne, %convert_element_type3A_592, %cond3A_593 : i32
      scf.if %cond3A_594 {
        %sub3A = arith.constant 5 : i32
        %sub3A_754 = arith.subi %add3A_545, %sub3A : i32
        %dma_wait3A_755 = arith.constant 0 : i32
        %dma_wait3A_756 = tpu.memref_slice %arg11[%sub3A_754, %dma_wait3A_755] : memref<250x80xi32, #tpu.memory_space<vmem>> -> memref<1x80xi32, #tpu.memory_space<vmem>>
        %dma_wait3A_757 = tpu.memref_squeeze %dma_wait3A_756 : memref<1x80xi32, #tpu.memory_space<vmem>> -> memref<80xi32, #tpu.memory_space<vmem>>
        %dma_wait3A_758 = arith.constant 0 : i32
        %dma_wait3A_759 = arith.constant 0 : i32
        %dma_wait3A_760 = tpu.memref_slice %arg16[%dma_wait3A_758, %dma_wait3A_759] : memref<10240x8xf32, #tpu.memory_space<vmem_shared>> -> memref<10240x8xf32, #tpu.memory_space<vmem_shared>>
        tpu.wait_indirect_dma semaphore(%arg27 : memref<!tpu.dma_semaphore, #tpu.memory_space<semaphore_mem>>) src(%arg14 : memref<80x8xf32, #tpu.memory_space<vmem>>) dst(%dma_wait3A_760 : memref<10240x8xf32, #tpu.memory_space<vmem_shared>>)
      } else {
      }
      %mul3A_595 = arith.constant 5 : i32
      %mul3A_596 = arith.muli %mul3A_595, %scan3A_491 : i32
      %add3A_597 = arith.constant 2 : i32
      %add3A_598 = arith.addi %mul3A_596, %add3A_597 : i32
      %add3A_599 = arith.constant 4 : i32
      %add3A_600 = arith.addi %add3A_598, %add3A_599 : i32
      %lt3A_601 = arith.constant 250 : i32
      %lt3A_602 = arith.cmpi slt, %add3A_600, %lt3A_601 : i32
      %convert_element_type3A_603 = arith.extui %lt3A_602 : i1 to i32
      %cond3A_604 = arith.constant 0 : i32
      %cond3A_605 = arith.cmpi ne, %convert_element_type3A_603, %cond3A_604 : i32
      scf.if %cond3A_605 {
        %ge3A_754 = arith.constant 5 : i32
        %ge3A_755 = arith.cmpi sge, %add3A_600, %ge3A_754 : i32
        %convert_element_type3A_756 = arith.extui %ge3A_755 : i1 to i32
        %cond3A_757 = arith.constant 0 : i32
        %cond3A_758 = arith.cmpi ne, %convert_element_type3A_756, %cond3A_757 : i32
        scf.if %cond3A_758 {
          %sub3A = arith.constant 5 : i32
          %sub3A_846 = arith.subi %add3A_600, %sub3A : i32
          %dma_wait3A_847 = arith.constant 1 : i32
          %dma_wait3A_848 = arith.constant 0 : i32
          %dma_wait3A_849 = arith.constant 0 : i32
          %dma_wait3A_850 = tpu.memref_slice %arg13[%dma_wait3A_847, %dma_wait3A_848, %dma_wait3A_849] : memref<5x80x64xf32, #tpu.memory_space<vmem>> -> memref<1x80x64xf32, #tpu.memory_space<vmem>>
          %dma_wait3A_851 = tpu.memref_squeeze %dma_wait3A_850 : memref<1x80x64xf32, #tpu.memory_space<vmem>> -> memref<80x64xf32, #tpu.memory_space<vmem>>
          %dma_wait3A_852 = arith.constant 0 : i32
          %dma_wait3A_853 = tpu.memref_slice %arg11[%sub3A_846, %dma_wait3A_852] : memref<250x80xi32, #tpu.memory_space<vmem>> -> memref<1x80xi32, #tpu.memory_space<vmem>>
          %dma_wait3A_854 = tpu.memref_squeeze %dma_wait3A_853 : memref<1x80xi32, #tpu.memory_space<vmem>> -> memref<80xi32, #tpu.memory_space<vmem>>
          %dma_wait3A_855 = arith.constant 0 : i32
          %dma_wait3A_856 = arith.constant 0 : i32
          %dma_wait3A_857 = tpu.memref_slice %arg15[%dma_wait3A_855, %dma_wait3A_856] : memref<10240x64xf32, #tpu.memory_space<vmem_shared>> -> memref<10240x64xf32, #tpu.memory_space<vmem_shared>>
          tpu.wait_indirect_dma semaphore(%arg23 : memref<!tpu.dma_semaphore, #tpu.memory_space<semaphore_mem>>) src(%dma_wait3A_851 : memref<80x64xf32, #tpu.memory_space<vmem>>) dst(%dma_wait3A_857 : memref<10240x64xf32, #tpu.memory_space<vmem_shared>>)
        } else {
        }
        %get3A_759 = arith.index_cast %add3A_600 : i32 to index
        %get3A_760 = arith.constant 0 : index
        %get3A_761 = tpu.vector_load %arg10[%get3A_759, %get3A_760] {strides = array<i32>} : memref<250x80xi32, #tpu.memory_space<vmem>>, vector<1x16xi32>,
        %get3A_762 = vector.shape_cast %get3A_761 : vector<1x16xi32> to vector<16xi32>
        %mul3A_763 = arith.constant 2 : i32
        %mul3A_764 = vector.broadcast %mul3A_763 : i32 to vector<16xi32>
        %mul3A_765 = arith.muli %get3A_762, %mul3A_764 : vector<16xi32>
        %add3A_766 = vector.broadcast %arg0 : i32 to vector<16xi32>
        %add3A_767 = arith.addi %mul3A_765, %add3A_766 : vector<16xi32>
        %swap3A_768 = arith.constant 1 : i32
        %swap3A_769 = arith.index_cast %swap3A_768 : i32 to index
        %swap3A_770 = arith.constant 0 : index
        %swap3A_771 = tpu.vector_load %arg12[%swap3A_769, %swap3A_770] {strides = array<i32>} : memref<5x80xi32, #tpu.memory_space<vmem>>, vector<1x16xi32>,
        %swap3A_772 = vector.shape_cast %swap3A_771 : vector<1x16xi32> to vector<16xi32>
        %swap3A_773 = vector.shape_cast %add3A_767 : vector<16xi32> to vector<1x16xi32>
        tpu.vector_store %arg12[%swap3A_769, %swap3A_770], %swap3A_773 {strides = array<i32>} : memref<5x80xi32, #tpu.memory_space<vmem>>, vector<1x16xi32>,
        %get3A_774 = arith.index_cast %add3A_600 : i32 to index
        %get3A_775 = arith.constant 16 : index
        %get3A_776 = tpu.vector_load %arg10[%get3A_774, %get3A_775] {strides = array<i32>} : memref<250x80xi32, #tpu.memory_space<vmem>>, vector<1x16xi32>,
        %get3A_777 = vector.shape_cast %get3A_776 : vector<1x16xi32> to vector<16xi32>
        %mul3A_778 = arith.constant 2 : i32
        %mul3A_779 = vector.broadcast %mul3A_778 : i32 to vector<16xi32>
        %mul3A_780 = arith.muli %get3A_777, %mul3A_779 : vector<16xi32>
        %add3A_781 = vector.broadcast %arg0 : i32 to vector<16xi32>
        %add3A_782 = arith.addi %mul3A_780, %add3A_781 : vector<16xi32>
        %swap3A_783 = arith.constant 1 : i32
        %swap3A_784 = arith.index_cast %swap3A_783 : i32 to index
        %swap3A_785 = arith.constant 16 : index
        %swap3A_786 = tpu.vector_load %arg12[%swap3A_784, %swap3A_785] {strides = array<i32>} : memref<5x80xi32, #tpu.memory_space<vmem>>, vector<1x16xi32>,
        %swap3A_787 = vector.shape_cast %swap3A_786 : vector<1x16xi32> to vector<16xi32>
        %swap3A_788 = vector.shape_cast %add3A_782 : vector<16xi32> to vector<1x16xi32>
        tpu.vector_store %arg12[%swap3A_784, %swap3A_785], %swap3A_788 {strides = array<i32>} : memref<5x80xi32, #tpu.memory_space<vmem>>, vector<1x16xi32>,
        %get3A_789 = arith.index_cast %add3A_600 : i32 to index
        %get3A_790 = arith.constant 32 : index
        %get3A_791 = tpu.vector_load %arg10[%get3A_789, %get3A_790] {strides = array<i32>} : memref<250x80xi32, #tpu.memory_space<vmem>>, vector<1x16xi32>,
        %get3A_792 = vector.shape_cast %get3A_791 : vector<1x16xi32> to vector<16xi32>
        %mul3A_793 = arith.constant 2 : i32
        %mul3A_794 = vector.broadcast %mul3A_793 : i32 to vector<16xi32>
        %mul3A_795 = arith.muli %get3A_792, %mul3A_794 : vector<16xi32>
        %add3A_796 = vector.broadcast %arg0 : i32 to vector<16xi32>
        %add3A_797 = arith.addi %mul3A_795, %add3A_796 : vector<16xi32>
        %swap3A_798 = arith.constant 1 : i32
        %swap3A_799 = arith.index_cast %swap3A_798 : i32 to index
        %swap3A_800 = arith.constant 32 : index
        %swap3A_801 = tpu.vector_load %arg12[%swap3A_799, %swap3A_800] {strides = array<i32>} : memref<5x80xi32, #tpu.memory_space<vmem>>, vector<1x16xi32>,
        %swap3A_802 = vector.shape_cast %swap3A_801 : vector<1x16xi32> to vector<16xi32>
        %swap3A_803 = vector.shape_cast %add3A_797 : vector<16xi32> to vector<1x16xi32>
        tpu.vector_store %arg12[%swap3A_799, %swap3A_800], %swap3A_803 {strides = array<i32>} : memref<5x80xi32, #tpu.memory_space<vmem>>, vector<1x16xi32>,
        %get3A_804 = arith.index_cast %add3A_600 : i32 to index
        %get3A_805 = arith.constant 48 : index
        %get3A_806 = tpu.vector_load %arg10[%get3A_804, %get3A_805] {strides = array<i32>} : memref<250x80xi32, #tpu.memory_space<vmem>>, vector<1x16xi32>,
        %get3A_807 = vector.shape_cast %get3A_806 : vector<1x16xi32> to vector<16xi32>
        %mul3A_808 = arith.constant 2 : i32
        %mul3A_809 = vector.broadcast %mul3A_808 : i32 to vector<16xi32>
        %mul3A_810 = arith.muli %get3A_807, %mul3A_809 : vector<16xi32>
        %add3A_811 = vector.broadcast %arg0 : i32 to vector<16xi32>
        %add3A_812 = arith.addi %mul3A_810, %add3A_811 : vector<16xi32>
        %swap3A_813 = arith.constant 1 : i32
        %swap3A_814 = arith.index_cast %swap3A_813 : i32 to index
        %swap3A_815 = arith.constant 48 : index
        %swap3A_816 = tpu.vector_load %arg12[%swap3A_814, %swap3A_815] {strides = array<i32>} : memref<5x80xi32, #tpu.memory_space<vmem>>, vector<1x16xi32>,
        %swap3A_817 = vector.shape_cast %swap3A_816 : vector<1x16xi32> to vector<16xi32>
        %swap3A_818 = vector.shape_cast %add3A_812 : vector<16xi32> to vector<1x16xi32>
        tpu.vector_store %arg12[%swap3A_814, %swap3A_815], %swap3A_818 {strides = array<i32>} : memref<5x80xi32, #tpu.memory_space<vmem>>, vector<1x16xi32>,
        %get3A_819 = arith.index_cast %add3A_600 : i32 to index
        %get3A_820 = arith.constant 64 : index
        %get3A_821 = tpu.vector_load %arg10[%get3A_819, %get3A_820] {strides = array<i32>} : memref<250x80xi32, #tpu.memory_space<vmem>>, vector<1x16xi32>,
        %get3A_822 = vector.shape_cast %get3A_821 : vector<1x16xi32> to vector<16xi32>
        %mul3A_823 = arith.constant 2 : i32
        %mul3A_824 = vector.broadcast %mul3A_823 : i32 to vector<16xi32>
        %mul3A_825 = arith.muli %get3A_822, %mul3A_824 : vector<16xi32>
        %add3A_826 = vector.broadcast %arg0 : i32 to vector<16xi32>
        %add3A_827 = arith.addi %mul3A_825, %add3A_826 : vector<16xi32>
        %swap3A_828 = arith.constant 1 : i32
        %swap3A_829 = arith.index_cast %swap3A_828 : i32 to index
        %swap3A_830 = arith.constant 64 : index
        %swap3A_831 = tpu.vector_load %arg12[%swap3A_829, %swap3A_830] {strides = array<i32>} : memref<5x80xi32, #tpu.memory_space<vmem>>, vector<1x16xi32>,
        %swap3A_832 = vector.shape_cast %swap3A_831 : vector<1x16xi32> to vector<16xi32>
        %swap3A_833 = vector.shape_cast %add3A_827 : vector<16xi32> to vector<1x16xi32>
        tpu.vector_store %arg12[%swap3A_829, %swap3A_830], %swap3A_833 {strides = array<i32>} : memref<5x80xi32, #tpu.memory_space<vmem>>, vector<1x16xi32>,
        %dma_start3A_834 = arith.constant 1 : i32
        %dma_start3A_835 = arith.constant 1 : i32
        %dma_start3A_836 = arith.constant 0 : i32
        %dma_start3A_837 = arith.constant 0 : i32
        %dma_start3A_838 = tpu.memref_slice %arg13[%dma_start3A_835, %dma_start3A_836, %dma_start3A_837] : memref<5x80x64xf32, #tpu.memory_space<vmem>> -> memref<1x80x64xf32, #tpu.memory_space<vmem>>
        %dma_start3A_839 = tpu.memref_squeeze %dma_start3A_838 : memref<1x80x64xf32, #tpu.memory_space<vmem>> -> memref<80x64xf32, #tpu.memory_space<vmem>>
        %dma_start3A_840 = arith.constant 0 : i32
        %dma_start3A_841 = tpu.memref_slice %arg12[%dma_start3A_834, %dma_start3A_840] : memref<5x80xi32, #tpu.memory_space<vmem>> -> memref<1x80xi32, #tpu.memory_space<vmem>>
        %dma_start3A_842 = tpu.memref_squeeze %dma_start3A_841 : memref<1x80xi32, #tpu.memory_space<vmem>> -> memref<80xi32, #tpu.memory_space<vmem>>
        %dma_start3A_843 = arith.constant 0 : i32
        %dma_start3A_844 = arith.constant 0 : i32
        %dma_start3A_845 = tpu.memref_slice %arg2[%dma_start3A_843, %dma_start3A_844] : memref<20000x64xf32, #tpu.memory_space<hbm>> -> memref<20000x64xf32, #tpu.memory_space<hbm>>
        tpu.enqueue_indirect_dma source(%dma_start3A_845 : memref<20000x64xf32, #tpu.memory_space<hbm>>) target(%dma_start3A_839 : memref<80x64xf32, #tpu.memory_space<vmem>>) offsets(%dma_start3A_842 : memref<80xi32, #tpu.memory_space<vmem>>) semaphore(%arg18 : memref<!tpu.dma_semaphore, #tpu.memory_space<semaphore_mem>>)
      } else {
      }
      %dma_wait3A_606 = arith.constant 2 : i32
      %dma_wait3A_607 = arith.constant 2 : i32
      %dma_wait3A_608 = arith.constant 0 : i32
      %dma_wait3A_609 = arith.constant 0 : i32
      %dma_wait3A_610 = tpu.memref_slice %arg13[%dma_wait3A_607, %dma_wait3A_608, %dma_wait3A_609] : memref<5x80x64xf32, #tpu.memory_space<vmem>> -> memref<1x80x64xf32, #tpu.memory_space<vmem>>
      %dma_wait3A_611 = tpu.memref_squeeze %dma_wait3A_610 : memref<1x80x64xf32, #tpu.memory_space<vmem>> -> memref<80x64xf32, #tpu.memory_space<vmem>>
      %dma_wait3A_612 = arith.constant 0 : i32
      %dma_wait3A_613 = tpu.memref_slice %arg12[%dma_wait3A_606, %dma_wait3A_612] : memref<5x80xi32, #tpu.memory_space<vmem>> -> memref<1x80xi32, #tpu.memory_space<vmem>>
      %dma_wait3A_614 = tpu.memref_squeeze %dma_wait3A_613 : memref<1x80xi32, #tpu.memory_space<vmem>> -> memref<80xi32, #tpu.memory_space<vmem>>
      %dma_wait3A_615 = arith.constant 0 : i32
      %dma_wait3A_616 = arith.constant 0 : i32
      %dma_wait3A_617 = tpu.memref_slice %arg2[%dma_wait3A_615, %dma_wait3A_616] : memref<20000x64xf32, #tpu.memory_space<hbm>> -> memref<20000x64xf32, #tpu.memory_space<hbm>>
      tpu.wait_indirect_dma semaphore(%arg19 : memref<!tpu.dma_semaphore, #tpu.memory_space<semaphore_mem>>) src(%dma_wait3A_617 : memref<20000x64xf32, #tpu.memory_space<hbm>>) dst(%dma_wait3A_611 : memref<80x64xf32, #tpu.memory_space<vmem>>)
      %dma_start3A_618 = arith.constant 2 : i32
      %dma_start3A_619 = arith.constant 0 : i32
      %dma_start3A_620 = arith.constant 0 : i32
      %dma_start3A_621 = tpu.memref_slice %arg13[%dma_start3A_618, %dma_start3A_619, %dma_start3A_620] : memref<5x80x64xf32, #tpu.memory_space<vmem>> -> memref<1x80x64xf32, #tpu.memory_space<vmem>>
      %dma_start3A_622 = tpu.memref_squeeze %dma_start3A_621 : memref<1x80x64xf32, #tpu.memory_space<vmem>> -> memref<80x64xf32, #tpu.memory_space<vmem>>
      %dma_start3A_623 = arith.constant 0 : i32
      %dma_start3A_624 = tpu.memref_slice %arg11[%add3A_598, %dma_start3A_623] : memref<250x80xi32, #tpu.memory_space<vmem>> -> memref<1x80xi32, #tpu.memory_space<vmem>>
      %dma_start3A_625 = tpu.memref_squeeze %dma_start3A_624 : memref<1x80xi32, #tpu.memory_space<vmem>> -> memref<80xi32, #tpu.memory_space<vmem>>
      %dma_start3A_626 = arith.constant 0 : i32
      %dma_start3A_627 = arith.constant 0 : i32
      %dma_start3A_628 = tpu.memref_slice %arg15[%dma_start3A_626, %dma_start3A_627] : memref<10240x64xf32, #tpu.memory_space<vmem_shared>> -> memref<10240x64xf32, #tpu.memory_space<vmem_shared>>
      tpu.enqueue_indirect_dma source(%dma_start3A_622 : memref<80x64xf32, #tpu.memory_space<vmem>>) target(%dma_start3A_628 : memref<10240x64xf32, #tpu.memory_space<vmem_shared>>) offsets(%dma_start3A_625 : memref<80xi32, #tpu.memory_space<vmem>>) semaphore(%arg24 : memref<!tpu.dma_semaphore, #tpu.memory_space<semaphore_mem>>) {add = true}
      %add3A_629 = arith.addi %add3A_598, %arg0 : i32
      %rem3A_630 = arith.constant 2 : i32
      %rem3A_631 = arith.remsi %add3A_629, %rem3A_630 : i32
      %eq3A_632 = arith.constant 0 : i32
      %eq3A_633 = arith.cmpi eq, %rem3A_631, %eq3A_632 : i32
      %convert_element_type3A_634 = arith.extui %eq3A_633 : i1 to i32
      %cond3A_635 = arith.constant 0 : i32
      %cond3A_636 = arith.cmpi ne, %convert_element_type3A_634, %cond3A_635 : i32
      scf.if %cond3A_636 {
        %dma_start3A_754 = arith.constant 0 : i32
        %dma_start3A_755 = tpu.memref_slice %arg11[%add3A_598, %dma_start3A_754] : memref<250x80xi32, #tpu.memory_space<vmem>> -> memref<1x80xi32, #tpu.memory_space<vmem>>
        %dma_start3A_756 = tpu.memref_squeeze %dma_start3A_755 : memref<1x80xi32, #tpu.memory_space<vmem>> -> memref<80xi32, #tpu.memory_space<vmem>>
        %dma_start3A_757 = arith.constant 0 : i32
        %dma_start3A_758 = arith.constant 0 : i32
        %dma_start3A_759 = tpu.memref_slice %arg16[%dma_start3A_757, %dma_start3A_758] : memref<10240x8xf32, #tpu.memory_space<vmem_shared>> -> memref<10240x8xf32, #tpu.memory_space<vmem_shared>>
        tpu.enqueue_indirect_dma source(%arg14 : memref<80x8xf32, #tpu.memory_space<vmem>>) target(%dma_start3A_759 : memref<10240x8xf32, #tpu.memory_space<vmem_shared>>) offsets(%dma_start3A_756 : memref<80xi32, #tpu.memory_space<vmem>>) semaphore(%arg27 : memref<!tpu.dma_semaphore, #tpu.memory_space<semaphore_mem>>) {add = true}
      } else {
      }
      %add3A_637 = arith.addi %add3A_598, %arg0 : i32
      %rem3A_638 = arith.constant 2 : i32
      %rem3A_639 = arith.remsi %add3A_637, %rem3A_638 : i32
      %eq3A_640 = arith.constant 1 : i32
      %eq3A_641 = arith.cmpi eq, %rem3A_639, %eq3A_640 : i32
      %ge3A_642 = arith.constant 5 : i32
      %ge3A_643 = arith.cmpi sge, %add3A_598, %ge3A_642 : i32
      %and3A_644 = arith.andi %eq3A_641, %ge3A_643 : i1
      %convert_element_type3A_645 = arith.extui %and3A_644 : i1 to i32
      %cond3A_646 = arith.constant 0 : i32
      %cond3A_647 = arith.cmpi ne, %convert_element_type3A_645, %cond3A_646 : i32
      scf.if %cond3A_647 {
        %sub3A = arith.constant 5 : i32
        %sub3A_754 = arith.subi %add3A_598, %sub3A : i32
        %dma_wait3A_755 = arith.constant 0 : i32
        %dma_wait3A_756 = tpu.memref_slice %arg11[%sub3A_754, %dma_wait3A_755] : memref<250x80xi32, #tpu.memory_space<vmem>> -> memref<1x80xi32, #tpu.memory_space<vmem>>
        %dma_wait3A_757 = tpu.memref_squeeze %dma_wait3A_756 : memref<1x80xi32, #tpu.memory_space<vmem>> -> memref<80xi32, #tpu.memory_space<vmem>>
        %dma_wait3A_758 = arith.constant 0 : i32
        %dma_wait3A_759 = arith.constant 0 : i32
        %dma_wait3A_760 = tpu.memref_slice %arg16[%dma_wait3A_758, %dma_wait3A_759] : memref<10240x8xf32, #tpu.memory_space<vmem_shared>> -> memref<10240x8xf32, #tpu.memory_space<vmem_shared>>
        tpu.wait_indirect_dma semaphore(%arg27 : memref<!tpu.dma_semaphore, #tpu.memory_space<semaphore_mem>>) src(%arg14 : memref<80x8xf32, #tpu.memory_space<vmem>>) dst(%dma_wait3A_760 : memref<10240x8xf32, #tpu.memory_space<vmem_shared>>)
      } else {
      }
      %mul3A_648 = arith.constant 5 : i32
      %mul3A_649 = arith.muli %mul3A_648, %scan3A_491 : i32
      %add3A_650 = arith.constant 3 : i32
      %add3A_651 = arith.addi %mul3A_649, %add3A_650 : i32
      %add3A_652 = arith.constant 4 : i32
      %add3A_653 = arith.addi %add3A_651, %add3A_652 : i32
      %lt3A_654 = arith.constant 250 : i32
      %lt3A_655 = arith.cmpi slt, %add3A_653, %lt3A_654 : i32
      %convert_element_type3A_656 = arith.extui %lt3A_655 : i1 to i32
      %cond3A_657 = arith.constant 0 : i32
      %cond3A_658 = arith.cmpi ne, %convert_element_type3A_656, %cond3A_657 : i32
      scf.if %cond3A_658 {
        %ge3A_754 = arith.constant 5 : i32
        %ge3A_755 = arith.cmpi sge, %add3A_653, %ge3A_754 : i32
        %convert_element_type3A_756 = arith.extui %ge3A_755 : i1 to i32
        %cond3A_757 = arith.constant 0 : i32
        %cond3A_758 = arith.cmpi ne, %convert_element_type3A_756, %cond3A_757 : i32
        scf.if %cond3A_758 {
          %sub3A = arith.constant 5 : i32
          %sub3A_846 = arith.subi %add3A_653, %sub3A : i32
          %dma_wait3A_847 = arith.constant 2 : i32
          %dma_wait3A_848 = arith.constant 0 : i32
          %dma_wait3A_849 = arith.constant 0 : i32
          %dma_wait3A_850 = tpu.memref_slice %arg13[%dma_wait3A_847, %dma_wait3A_848, %dma_wait3A_849] : memref<5x80x64xf32, #tpu.memory_space<vmem>> -> memref<1x80x64xf32, #tpu.memory_space<vmem>>
          %dma_wait3A_851 = tpu.memref_squeeze %dma_wait3A_850 : memref<1x80x64xf32, #tpu.memory_space<vmem>> -> memref<80x64xf32, #tpu.memory_space<vmem>>
          %dma_wait3A_852 = arith.constant 0 : i32
          %dma_wait3A_853 = tpu.memref_slice %arg11[%sub3A_846, %dma_wait3A_852] : memref<250x80xi32, #tpu.memory_space<vmem>> -> memref<1x80xi32, #tpu.memory_space<vmem>>
          %dma_wait3A_854 = tpu.memref_squeeze %dma_wait3A_853 : memref<1x80xi32, #tpu.memory_space<vmem>> -> memref<80xi32, #tpu.memory_space<vmem>>
          %dma_wait3A_855 = arith.constant 0 : i32
          %dma_wait3A_856 = arith.constant 0 : i32
          %dma_wait3A_857 = tpu.memref_slice %arg15[%dma_wait3A_855, %dma_wait3A_856] : memref<10240x64xf32, #tpu.memory_space<vmem_shared>> -> memref<10240x64xf32, #tpu.memory_space<vmem_shared>>
          tpu.wait_indirect_dma semaphore(%arg24 : memref<!tpu.dma_semaphore, #tpu.memory_space<semaphore_mem>>) src(%dma_wait3A_851 : memref<80x64xf32, #tpu.memory_space<vmem>>) dst(%dma_wait3A_857 : memref<10240x64xf32, #tpu.memory_space<vmem_shared>>)
        } else {
        }
        %get3A_759 = arith.index_cast %add3A_653 : i32 to index
        %get3A_760 = arith.constant 0 : index
        %get3A_761 = tpu.vector_load %arg10[%get3A_759, %get3A_760] {strides = array<i32>} : memref<250x80xi32, #tpu.memory_space<vmem>>, vector<1x16xi32>,
        %get3A_762 = vector.shape_cast %get3A_761 : vector<1x16xi32> to vector<16xi32>
        %mul3A_763 = arith.constant 2 : i32
        %mul3A_764 = vector.broadcast %mul3A_763 : i32 to vector<16xi32>
        %mul3A_765 = arith.muli %get3A_762, %mul3A_764 : vector<16xi32>
        %add3A_766 = vector.broadcast %arg0 : i32 to vector<16xi32>
        %add3A_767 = arith.addi %mul3A_765, %add3A_766 : vector<16xi32>
        %swap3A_768 = arith.constant 2 : i32
        %swap3A_769 = arith.index_cast %swap3A_768 : i32 to index
        %swap3A_770 = arith.constant 0 : index
        %swap3A_771 = tpu.vector_load %arg12[%swap3A_769, %swap3A_770] {strides = array<i32>} : memref<5x80xi32, #tpu.memory_space<vmem>>, vector<1x16xi32>,
        %swap3A_772 = vector.shape_cast %swap3A_771 : vector<1x16xi32> to vector<16xi32>
        %swap3A_773 = vector.shape_cast %add3A_767 : vector<16xi32> to vector<1x16xi32>
        tpu.vector_store %arg12[%swap3A_769, %swap3A_770], %swap3A_773 {strides = array<i32>} : memref<5x80xi32, #tpu.memory_space<vmem>>, vector<1x16xi32>,
        %get3A_774 = arith.index_cast %add3A_653 : i32 to index
        %get3A_775 = arith.constant 16 : index
        %get3A_776 = tpu.vector_load %arg10[%get3A_774, %get3A_775] {strides = array<i32>} : memref<250x80xi32, #tpu.memory_space<vmem>>, vector<1x16xi32>,
        %get3A_777 = vector.shape_cast %get3A_776 : vector<1x16xi32> to vector<16xi32>
        %mul3A_778 = arith.constant 2 : i32
        %mul3A_779 = vector.broadcast %mul3A_778 : i32 to vector<16xi32>
        %mul3A_780 = arith.muli %get3A_777, %mul3A_779 : vector<16xi32>
        %add3A_781 = vector.broadcast %arg0 : i32 to vector<16xi32>
        %add3A_782 = arith.addi %mul3A_780, %add3A_781 : vector<16xi32>
        %swap3A_783 = arith.constant 2 : i32
        %swap3A_784 = arith.index_cast %swap3A_783 : i32 to index
        %swap3A_785 = arith.constant 16 : index
        %swap3A_786 = tpu.vector_load %arg12[%swap3A_784, %swap3A_785] {strides = array<i32>} : memref<5x80xi32, #tpu.memory_space<vmem>>, vector<1x16xi32>,
        %swap3A_787 = vector.shape_cast %swap3A_786 : vector<1x16xi32> to vector<16xi32>
        %swap3A_788 = vector.shape_cast %add3A_782 : vector<16xi32> to vector<1x16xi32>
        tpu.vector_store %arg12[%swap3A_784, %swap3A_785], %swap3A_788 {strides = array<i32>} : memref<5x80xi32, #tpu.memory_space<vmem>>, vector<1x16xi32>,
        %get3A_789 = arith.index_cast %add3A_653 : i32 to index
        %get3A_790 = arith.constant 32 : index
        %get3A_791 = tpu.vector_load %arg10[%get3A_789, %get3A_790] {strides = array<i32>} : memref<250x80xi32, #tpu.memory_space<vmem>>, vector<1x16xi32>,
        %get3A_792 = vector.shape_cast %get3A_791 : vector<1x16xi32> to vector<16xi32>
        %mul3A_793 = arith.constant 2 : i32
        %mul3A_794 = vector.broadcast %mul3A_793 : i32 to vector<16xi32>
        %mul3A_795 = arith.muli %get3A_792, %mul3A_794 : vector<16xi32>
        %add3A_796 = vector.broadcast %arg0 : i32 to vector<16xi32>
        %add3A_797 = arith.addi %mul3A_795, %add3A_796 : vector<16xi32>
        %swap3A_798 = arith.constant 2 : i32
        %swap3A_799 = arith.index_cast %swap3A_798 : i32 to index
        %swap3A_800 = arith.constant 32 : index
        %swap3A_801 = tpu.vector_load %arg12[%swap3A_799, %swap3A_800] {strides = array<i32>} : memref<5x80xi32, #tpu.memory_space<vmem>>, vector<1x16xi32>,
        %swap3A_802 = vector.shape_cast %swap3A_801 : vector<1x16xi32> to vector<16xi32>
        %swap3A_803 = vector.shape_cast %add3A_797 : vector<16xi32> to vector<1x16xi32>
        tpu.vector_store %arg12[%swap3A_799, %swap3A_800], %swap3A_803 {strides = array<i32>} : memref<5x80xi32, #tpu.memory_space<vmem>>, vector<1x16xi32>,
        %get3A_804 = arith.index_cast %add3A_653 : i32 to index
        %get3A_805 = arith.constant 48 : index
        %get3A_806 = tpu.vector_load %arg10[%get3A_804, %get3A_805] {strides = array<i32>} : memref<250x80xi32, #tpu.memory_space<vmem>>, vector<1x16xi32>,
        %get3A_807 = vector.shape_cast %get3A_806 : vector<1x16xi32> to vector<16xi32>
        %mul3A_808 = arith.constant 2 : i32
        %mul3A_809 = vector.broadcast %mul3A_808 : i32 to vector<16xi32>
        %mul3A_810 = arith.muli %get3A_807, %mul3A_809 : vector<16xi32>
        %add3A_811 = vector.broadcast %arg0 : i32 to vector<16xi32>
        %add3A_812 = arith.addi %mul3A_810, %add3A_811 : vector<16xi32>
        %swap3A_813 = arith.constant 2 : i32
        %swap3A_814 = arith.index_cast %swap3A_813 : i32 to index
        %swap3A_815 = arith.constant 48 : index
        %swap3A_816 = tpu.vector_load %arg12[%swap3A_814, %swap3A_815] {strides = array<i32>} : memref<5x80xi32, #tpu.memory_space<vmem>>, vector<1x16xi32>,
        %swap3A_817 = vector.shape_cast %swap3A_816 : vector<1x16xi32> to vector<16xi32>
        %swap3A_818 = vector.shape_cast %add3A_812 : vector<16xi32> to vector<1x16xi32>
        tpu.vector_store %arg12[%swap3A_814, %swap3A_815], %swap3A_818 {strides = array<i32>} : memref<5x80xi32, #tpu.memory_space<vmem>>, vector<1x16xi32>,
        %get3A_819 = arith.index_cast %add3A_653 : i32 to index
        %get3A_820 = arith.constant 64 : index
        %get3A_821 = tpu.vector_load %arg10[%get3A_819, %get3A_820] {strides = array<i32>} : memref<250x80xi32, #tpu.memory_space<vmem>>, vector<1x16xi32>,
        %get3A_822 = vector.shape_cast %get3A_821 : vector<1x16xi32> to vector<16xi32>
        %mul3A_823 = arith.constant 2 : i32
        %mul3A_824 = vector.broadcast %mul3A_823 : i32 to vector<16xi32>
        %mul3A_825 = arith.muli %get3A_822, %mul3A_824 : vector<16xi32>
        %add3A_826 = vector.broadcast %arg0 : i32 to vector<16xi32>
        %add3A_827 = arith.addi %mul3A_825, %add3A_826 : vector<16xi32>
        %swap3A_828 = arith.constant 2 : i32
        %swap3A_829 = arith.index_cast %swap3A_828 : i32 to index
        %swap3A_830 = arith.constant 64 : index
        %swap3A_831 = tpu.vector_load %arg12[%swap3A_829, %swap3A_830] {strides = array<i32>} : memref<5x80xi32, #tpu.memory_space<vmem>>, vector<1x16xi32>,
        %swap3A_832 = vector.shape_cast %swap3A_831 : vector<1x16xi32> to vector<16xi32>
        %swap3A_833 = vector.shape_cast %add3A_827 : vector<16xi32> to vector<1x16xi32>
        tpu.vector_store %arg12[%swap3A_829, %swap3A_830], %swap3A_833 {strides = array<i32>} : memref<5x80xi32, #tpu.memory_space<vmem>>, vector<1x16xi32>,
        %dma_start3A_834 = arith.constant 2 : i32
        %dma_start3A_835 = arith.constant 2 : i32
        %dma_start3A_836 = arith.constant 0 : i32
        %dma_start3A_837 = arith.constant 0 : i32
        %dma_start3A_838 = tpu.memref_slice %arg13[%dma_start3A_835, %dma_start3A_836, %dma_start3A_837] : memref<5x80x64xf32, #tpu.memory_space<vmem>> -> memref<1x80x64xf32, #tpu.memory_space<vmem>>
        %dma_start3A_839 = tpu.memref_squeeze %dma_start3A_838 : memref<1x80x64xf32, #tpu.memory_space<vmem>> -> memref<80x64xf32, #tpu.memory_space<vmem>>
        %dma_start3A_840 = arith.constant 0 : i32
        %dma_start3A_841 = tpu.memref_slice %arg12[%dma_start3A_834, %dma_start3A_840] : memref<5x80xi32, #tpu.memory_space<vmem>> -> memref<1x80xi32, #tpu.memory_space<vmem>>
        %dma_start3A_842 = tpu.memref_squeeze %dma_start3A_841 : memref<1x80xi32, #tpu.memory_space<vmem>> -> memref<80xi32, #tpu.memory_space<vmem>>
        %dma_start3A_843 = arith.constant 0 : i32
        %dma_start3A_844 = arith.constant 0 : i32
        %dma_start3A_845 = tpu.memref_slice %arg2[%dma_start3A_843, %dma_start3A_844] : memref<20000x64xf32, #tpu.memory_space<hbm>> -> memref<20000x64xf32, #tpu.memory_space<hbm>>
        tpu.enqueue_indirect_dma source(%dma_start3A_845 : memref<20000x64xf32, #tpu.memory_space<hbm>>) target(%dma_start3A_839 : memref<80x64xf32, #tpu.memory_space<vmem>>) offsets(%dma_start3A_842 : memref<80xi32, #tpu.memory_space<vmem>>) semaphore(%arg19 : memref<!tpu.dma_semaphore, #tpu.memory_space<semaphore_mem>>)
      } else {
      }
      %dma_wait3A_659 = arith.constant 3 : i32
      %dma_wait3A_660 = arith.constant 3 : i32
      %dma_wait3A_661 = arith.constant 0 : i32
      %dma_wait3A_662 = arith.constant 0 : i32
      %dma_wait3A_663 = tpu.memref_slice %arg13[%dma_wait3A_660, %dma_wait3A_661, %dma_wait3A_662] : memref<5x80x64xf32, #tpu.memory_space<vmem>> -> memref<1x80x64xf32, #tpu.memory_space<vmem>>
      %dma_wait3A_664 = tpu.memref_squeeze %dma_wait3A_663 : memref<1x80x64xf32, #tpu.memory_space<vmem>> -> memref<80x64xf32, #tpu.memory_space<vmem>>
      %dma_wait3A_665 = arith.constant 0 : i32
      %dma_wait3A_666 = tpu.memref_slice %arg12[%dma_wait3A_659, %dma_wait3A_665] : memref<5x80xi32, #tpu.memory_space<vmem>> -> memref<1x80xi32, #tpu.memory_space<vmem>>
      %dma_wait3A_667 = tpu.memref_squeeze %dma_wait3A_666 : memref<1x80xi32, #tpu.memory_space<vmem>> -> memref<80xi32, #tpu.memory_space<vmem>>
      %dma_wait3A_668 = arith.constant 0 : i32
      %dma_wait3A_669 = arith.constant 0 : i32
      %dma_wait3A_670 = tpu.memref_slice %arg2[%dma_wait3A_668, %dma_wait3A_669] : memref<20000x64xf32, #tpu.memory_space<hbm>> -> memref<20000x64xf32, #tpu.memory_space<hbm>>
      tpu.wait_indirect_dma semaphore(%arg20 : memref<!tpu.dma_semaphore, #tpu.memory_space<semaphore_mem>>) src(%dma_wait3A_670 : memref<20000x64xf32, #tpu.memory_space<hbm>>) dst(%dma_wait3A_664 : memref<80x64xf32, #tpu.memory_space<vmem>>)
      %dma_start3A_671 = arith.constant 3 : i32
      %dma_start3A_672 = arith.constant 0 : i32
      %dma_start3A_673 = arith.constant 0 : i32
      %dma_start3A_674 = tpu.memref_slice %arg13[%dma_start3A_671, %dma_start3A_672, %dma_start3A_673] : memref<5x80x64xf32, #tpu.memory_space<vmem>> -> memref<1x80x64xf32, #tpu.memory_space<vmem>>
      %dma_start3A_675 = tpu.memref_squeeze %dma_start3A_674 : memref<1x80x64xf32, #tpu.memory_space<vmem>> -> memref<80x64xf32, #tpu.memory_space<vmem>>
      %dma_start3A_676 = arith.constant 0 : i32
      %dma_start3A_677 = tpu.memref_slice %arg11[%add3A_651, %dma_start3A_676] : memref<250x80xi32, #tpu.memory_space<vmem>> -> memref<1x80xi32, #tpu.memory_space<vmem>>
      %dma_start3A_678 = tpu.memref_squeeze %dma_start3A_677 : memref<1x80xi32, #tpu.memory_space<vmem>> -> memref<80xi32, #tpu.memory_space<vmem>>
      %dma_start3A_679 = arith.constant 0 : i32
      %dma_start3A_680 = arith.constant 0 : i32
      %dma_start3A_681 = tpu.memref_slice %arg15[%dma_start3A_679, %dma_start3A_680] : memref<10240x64xf32, #tpu.memory_space<vmem_shared>> -> memref<10240x64xf32, #tpu.memory_space<vmem_shared>>
      tpu.enqueue_indirect_dma source(%dma_start3A_675 : memref<80x64xf32, #tpu.memory_space<vmem>>) target(%dma_start3A_681 : memref<10240x64xf32, #tpu.memory_space<vmem_shared>>) offsets(%dma_start3A_678 : memref<80xi32, #tpu.memory_space<vmem>>) semaphore(%arg25 : memref<!tpu.dma_semaphore, #tpu.memory_space<semaphore_mem>>) {add = true}
      %add3A_682 = arith.addi %add3A_651, %arg0 : i32
      %rem3A_683 = arith.constant 2 : i32
      %rem3A_684 = arith.remsi %add3A_682, %rem3A_683 : i32
      %eq3A_685 = arith.constant 0 : i32
      %eq3A_686 = arith.cmpi eq, %rem3A_684, %eq3A_685 : i32
      %convert_element_type3A_687 = arith.extui %eq3A_686 : i1 to i32
      %cond3A_688 = arith.constant 0 : i32
      %cond3A_689 = arith.cmpi ne, %convert_element_type3A_687, %cond3A_688 : i32
      scf.if %cond3A_689 {
        %dma_start3A_754 = arith.constant 0 : i32
        %dma_start3A_755 = tpu.memref_slice %arg11[%add3A_651, %dma_start3A_754] : memref<250x80xi32, #tpu.memory_space<vmem>> -> memref<1x80xi32, #tpu.memory_space<vmem>>
        %dma_start3A_756 = tpu.memref_squeeze %dma_start3A_755 : memref<1x80xi32, #tpu.memory_space<vmem>> -> memref<80xi32, #tpu.memory_space<vmem>>
        %dma_start3A_757 = arith.constant 0 : i32
        %dma_start3A_758 = arith.constant 0 : i32
        %dma_start3A_759 = tpu.memref_slice %arg16[%dma_start3A_757, %dma_start3A_758] : memref<10240x8xf32, #tpu.memory_space<vmem_shared>> -> memref<10240x8xf32, #tpu.memory_space<vmem_shared>>
        tpu.enqueue_indirect_dma source(%arg14 : memref<80x8xf32, #tpu.memory_space<vmem>>) target(%dma_start3A_759 : memref<10240x8xf32, #tpu.memory_space<vmem_shared>>) offsets(%dma_start3A_756 : memref<80xi32, #tpu.memory_space<vmem>>) semaphore(%arg27 : memref<!tpu.dma_semaphore, #tpu.memory_space<semaphore_mem>>) {add = true}
      } else {
      }
      %add3A_690 = arith.addi %add3A_651, %arg0 : i32
      %rem3A_691 = arith.constant 2 : i32
      %rem3A_692 = arith.remsi %add3A_690, %rem3A_691 : i32
      %eq3A_693 = arith.constant 1 : i32
      %eq3A_694 = arith.cmpi eq, %rem3A_692, %eq3A_693 : i32
      %ge3A_695 = arith.constant 5 : i32
      %ge3A_696 = arith.cmpi sge, %add3A_651, %ge3A_695 : i32
      %and3A_697 = arith.andi %eq3A_694, %ge3A_696 : i1
      %convert_element_type3A_698 = arith.extui %and3A_697 : i1 to i32
      %cond3A_699 = arith.constant 0 : i32
      %cond3A_700 = arith.cmpi ne, %convert_element_type3A_698, %cond3A_699 : i32
      scf.if %cond3A_700 {
        %sub3A = arith.constant 5 : i32
        %sub3A_754 = arith.subi %add3A_651, %sub3A : i32
        %dma_wait3A_755 = arith.constant 0 : i32
        %dma_wait3A_756 = tpu.memref_slice %arg11[%sub3A_754, %dma_wait3A_755] : memref<250x80xi32, #tpu.memory_space<vmem>> -> memref<1x80xi32, #tpu.memory_space<vmem>>
        %dma_wait3A_757 = tpu.memref_squeeze %dma_wait3A_756 : memref<1x80xi32, #tpu.memory_space<vmem>> -> memref<80xi32, #tpu.memory_space<vmem>>
        %dma_wait3A_758 = arith.constant 0 : i32
        %dma_wait3A_759 = arith.constant 0 : i32
        %dma_wait3A_760 = tpu.memref_slice %arg16[%dma_wait3A_758, %dma_wait3A_759] : memref<10240x8xf32, #tpu.memory_space<vmem_shared>> -> memref<10240x8xf32, #tpu.memory_space<vmem_shared>>
        tpu.wait_indirect_dma semaphore(%arg27 : memref<!tpu.dma_semaphore, #tpu.memory_space<semaphore_mem>>) src(%arg14 : memref<80x8xf32, #tpu.memory_space<vmem>>) dst(%dma_wait3A_760 : memref<10240x8xf32, #tpu.memory_space<vmem_shared>>)
      } else {
      }
      %mul3A_701 = arith.constant 5 : i32
      %mul3A_702 = arith.muli %mul3A_701, %scan3A_491 : i32
      %add3A_703 = arith.constant 4 : i32
      %add3A_704 = arith.addi %mul3A_702, %add3A_703 : i32
      %add3A_705 = arith.constant 4 : i32
      %add3A_706 = arith.addi %add3A_704, %add3A_705 : i32
      %lt3A_707 = arith.constant 250 : i32
      %lt3A_708 = arith.cmpi slt, %add3A_706, %lt3A_707 : i32
      %convert_element_type3A_709 = arith.extui %lt3A_708 : i1 to i32
      %cond3A_710 = arith.constant 0 : i32
      %cond3A_711 = arith.cmpi ne, %convert_element_type3A_709, %cond3A_710 : i32
      scf.if %cond3A_711 {
        %ge3A_754 = arith.constant 5 : i32
        %ge3A_755 = arith.cmpi sge, %add3A_706, %ge3A_754 : i32
        %convert_element_type3A_756 = arith.extui %ge3A_755 : i1 to i32
        %cond3A_757 = arith.constant 0 : i32
        %cond3A_758 = arith.cmpi ne, %convert_element_type3A_756, %cond3A_757 : i32
        scf.if %cond3A_758 {
          %sub3A = arith.constant 5 : i32
          %sub3A_846 = arith.subi %add3A_706, %sub3A : i32
          %dma_wait3A_847 = arith.constant 3 : i32
          %dma_wait3A_848 = arith.constant 0 : i32
          %dma_wait3A_849 = arith.constant 0 : i32
          %dma_wait3A_850 = tpu.memref_slice %arg13[%dma_wait3A_847, %dma_wait3A_848, %dma_wait3A_849] : memref<5x80x64xf32, #tpu.memory_space<vmem>> -> memref<1x80x64xf32, #tpu.memory_space<vmem>>
          %dma_wait3A_851 = tpu.memref_squeeze %dma_wait3A_850 : memref<1x80x64xf32, #tpu.memory_space<vmem>> -> memref<80x64xf32, #tpu.memory_space<vmem>>
          %dma_wait3A_852 = arith.constant 0 : i32
          %dma_wait3A_853 = tpu.memref_slice %arg11[%sub3A_846, %dma_wait3A_852] : memref<250x80xi32, #tpu.memory_space<vmem>> -> memref<1x80xi32, #tpu.memory_space<vmem>>
          %dma_wait3A_854 = tpu.memref_squeeze %dma_wait3A_853 : memref<1x80xi32, #tpu.memory_space<vmem>> -> memref<80xi32, #tpu.memory_space<vmem>>
          %dma_wait3A_855 = arith.constant 0 : i32
          %dma_wait3A_856 = arith.constant 0 : i32
          %dma_wait3A_857 = tpu.memref_slice %arg15[%dma_wait3A_855, %dma_wait3A_856] : memref<10240x64xf32, #tpu.memory_space<vmem_shared>> -> memref<10240x64xf32, #tpu.memory_space<vmem_shared>>
          tpu.wait_indirect_dma semaphore(%arg25 : memref<!tpu.dma_semaphore, #tpu.memory_space<semaphore_mem>>) src(%dma_wait3A_851 : memref<80x64xf32, #tpu.memory_space<vmem>>) dst(%dma_wait3A_857 : memref<10240x64xf32, #tpu.memory_space<vmem_shared>>)
        } else {
        }
        %get3A_759 = arith.index_cast %add3A_706 : i32 to index
        %get3A_760 = arith.constant 0 : index
        %get3A_761 = tpu.vector_load %arg10[%get3A_759, %get3A_760] {strides = array<i32>} : memref<250x80xi32, #tpu.memory_space<vmem>>, vector<1x16xi32>,
        %get3A_762 = vector.shape_cast %get3A_761 : vector<1x16xi32> to vector<16xi32>
        %mul3A_763 = arith.constant 2 : i32
        %mul3A_764 = vector.broadcast %mul3A_763 : i32 to vector<16xi32>
        %mul3A_765 = arith.muli %get3A_762, %mul3A_764 : vector<16xi32>
        %add3A_766 = vector.broadcast %arg0 : i32 to vector<16xi32>
        %add3A_767 = arith.addi %mul3A_765, %add3A_766 : vector<16xi32>
        %swap3A_768 = arith.constant 3 : i32
        %swap3A_769 = arith.index_cast %swap3A_768 : i32 to index
        %swap3A_770 = arith.constant 0 : index
        %swap3A_771 = tpu.vector_load %arg12[%swap3A_769, %swap3A_770] {strides = array<i32>} : memref<5x80xi32, #tpu.memory_space<vmem>>, vector<1x16xi32>,
        %swap3A_772 = vector.shape_cast %swap3A_771 : vector<1x16xi32> to vector<16xi32>
        %swap3A_773 = vector.shape_cast %add3A_767 : vector<16xi32> to vector<1x16xi32>
        tpu.vector_store %arg12[%swap3A_769, %swap3A_770], %swap3A_773 {strides = array<i32>} : memref<5x80xi32, #tpu.memory_space<vmem>>, vector<1x16xi32>,
        %get3A_774 = arith.index_cast %add3A_706 : i32 to index
        %get3A_775 = arith.constant 16 : index
        %get3A_776 = tpu.vector_load %arg10[%get3A_774, %get3A_775] {strides = array<i32>} : memref<250x80xi32, #tpu.memory_space<vmem>>, vector<1x16xi32>,
        %get3A_777 = vector.shape_cast %get3A_776 : vector<1x16xi32> to vector<16xi32>
        %mul3A_778 = arith.constant 2 : i32
        %mul3A_779 = vector.broadcast %mul3A_778 : i32 to vector<16xi32>
        %mul3A_780 = arith.muli %get3A_777, %mul3A_779 : vector<16xi32>
        %add3A_781 = vector.broadcast %arg0 : i32 to vector<16xi32>
        %add3A_782 = arith.addi %mul3A_780, %add3A_781 : vector<16xi32>
        %swap3A_783 = arith.constant 3 : i32
        %swap3A_784 = arith.index_cast %swap3A_783 : i32 to index
        %swap3A_785 = arith.constant 16 : index
        %swap3A_786 = tpu.vector_load %arg12[%swap3A_784, %swap3A_785] {strides = array<i32>} : memref<5x80xi32, #tpu.memory_space<vmem>>, vector<1x16xi32>,
        %swap3A_787 = vector.shape_cast %swap3A_786 : vector<1x16xi32> to vector<16xi32>
        %swap3A_788 = vector.shape_cast %add3A_782 : vector<16xi32> to vector<1x16xi32>
        tpu.vector_store %arg12[%swap3A_784, %swap3A_785], %swap3A_788 {strides = array<i32>} : memref<5x80xi32, #tpu.memory_space<vmem>>, vector<1x16xi32>,
        %get3A_789 = arith.index_cast %add3A_706 : i32 to index
        %get3A_790 = arith.constant 32 : index
        %get3A_791 = tpu.vector_load %arg10[%get3A_789, %get3A_790] {strides = array<i32>} : memref<250x80xi32, #tpu.memory_space<vmem>>, vector<1x16xi32>,
        %get3A_792 = vector.shape_cast %get3A_791 : vector<1x16xi32> to vector<16xi32>
        %mul3A_793 = arith.constant 2 : i32
        %mul3A_794 = vector.broadcast %mul3A_793 : i32 to vector<16xi32>
        %mul3A_795 = arith.muli %get3A_792, %mul3A_794 : vector<16xi32>
        %add3A_796 = vector.broadcast %arg0 : i32 to vector<16xi32>
        %add3A_797 = arith.addi %mul3A_795, %add3A_796 : vector<16xi32>
        %swap3A_798 = arith.constant 3 : i32
        %swap3A_799 = arith.index_cast %swap3A_798 : i32 to index
        %swap3A_800 = arith.constant 32 : index
        %swap3A_801 = tpu.vector_load %arg12[%swap3A_799, %swap3A_800] {strides = array<i32>} : memref<5x80xi32, #tpu.memory_space<vmem>>, vector<1x16xi32>,
        %swap3A_802 = vector.shape_cast %swap3A_801 : vector<1x16xi32> to vector<16xi32>
        %swap3A_803 = vector.shape_cast %add3A_797 : vector<16xi32> to vector<1x16xi32>
        tpu.vector_store %arg12[%swap3A_799, %swap3A_800], %swap3A_803 {strides = array<i32>} : memref<5x80xi32, #tpu.memory_space<vmem>>, vector<1x16xi32>,
        %get3A_804 = arith.index_cast %add3A_706 : i32 to index
        %get3A_805 = arith.constant 48 : index
        %get3A_806 = tpu.vector_load %arg10[%get3A_804, %get3A_805] {strides = array<i32>} : memref<250x80xi32, #tpu.memory_space<vmem>>, vector<1x16xi32>,
        %get3A_807 = vector.shape_cast %get3A_806 : vector<1x16xi32> to vector<16xi32>
        %mul3A_808 = arith.constant 2 : i32
        %mul3A_809 = vector.broadcast %mul3A_808 : i32 to vector<16xi32>
        %mul3A_810 = arith.muli %get3A_807, %mul3A_809 : vector<16xi32>
        %add3A_811 = vector.broadcast %arg0 : i32 to vector<16xi32>
        %add3A_812 = arith.addi %mul3A_810, %add3A_811 : vector<16xi32>
        %swap3A_813 = arith.constant 3 : i32
        %swap3A_814 = arith.index_cast %swap3A_813 : i32 to index
        %swap3A_815 = arith.constant 48 : index
        %swap3A_816 = tpu.vector_load %arg12[%swap3A_814, %swap3A_815] {strides = array<i32>} : memref<5x80xi32, #tpu.memory_space<vmem>>, vector<1x16xi32>,
        %swap3A_817 = vector.shape_cast %swap3A_816 : vector<1x16xi32> to vector<16xi32>
        %swap3A_818 = vector.shape_cast %add3A_812 : vector<16xi32> to vector<1x16xi32>
        tpu.vector_store %arg12[%swap3A_814, %swap3A_815], %swap3A_818 {strides = array<i32>} : memref<5x80xi32, #tpu.memory_space<vmem>>, vector<1x16xi32>,
        %get3A_819 = arith.index_cast %add3A_706 : i32 to index
        %get3A_820 = arith.constant 64 : index
        %get3A_821 = tpu.vector_load %arg10[%get3A_819, %get3A_820] {strides = array<i32>} : memref<250x80xi32, #tpu.memory_space<vmem>>, vector<1x16xi32>,
        %get3A_822 = vector.shape_cast %get3A_821 : vector<1x16xi32> to vector<16xi32>
        %mul3A_823 = arith.constant 2 : i32
        %mul3A_824 = vector.broadcast %mul3A_823 : i32 to vector<16xi32>
        %mul3A_825 = arith.muli %get3A_822, %mul3A_824 : vector<16xi32>
        %add3A_826 = vector.broadcast %arg0 : i32 to vector<16xi32>
        %add3A_827 = arith.addi %mul3A_825, %add3A_826 : vector<16xi32>
        %swap3A_828 = arith.constant 3 : i32
        %swap3A_829 = arith.index_cast %swap3A_828 : i32 to index
        %swap3A_830 = arith.constant 64 : index
        %swap3A_831 = tpu.vector_load %arg12[%swap3A_829, %swap3A_830] {strides = array<i32>} : memref<5x80xi32, #tpu.memory_space<vmem>>, vector<1x16xi32>,
        %swap3A_832 = vector.shape_cast %swap3A_831 : vector<1x16xi32> to vector<16xi32>
        %swap3A_833 = vector.shape_cast %add3A_827 : vector<16xi32> to vector<1x16xi32>
        tpu.vector_store %arg12[%swap3A_829, %swap3A_830], %swap3A_833 {strides = array<i32>} : memref<5x80xi32, #tpu.memory_space<vmem>>, vector<1x16xi32>,
        %dma_start3A_834 = arith.constant 3 : i32
        %dma_start3A_835 = arith.constant 3 : i32
        %dma_start3A_836 = arith.constant 0 : i32
        %dma_start3A_837 = arith.constant 0 : i32
        %dma_start3A_838 = tpu.memref_slice %arg13[%dma_start3A_835, %dma_start3A_836, %dma_start3A_837] : memref<5x80x64xf32, #tpu.memory_space<vmem>> -> memref<1x80x64xf32, #tpu.memory_space<vmem>>
        %dma_start3A_839 = tpu.memref_squeeze %dma_start3A_838 : memref<1x80x64xf32, #tpu.memory_space<vmem>> -> memref<80x64xf32, #tpu.memory_space<vmem>>
        %dma_start3A_840 = arith.constant 0 : i32
        %dma_start3A_841 = tpu.memref_slice %arg12[%dma_start3A_834, %dma_start3A_840] : memref<5x80xi32, #tpu.memory_space<vmem>> -> memref<1x80xi32, #tpu.memory_space<vmem>>
        %dma_start3A_842 = tpu.memref_squeeze %dma_start3A_841 : memref<1x80xi32, #tpu.memory_space<vmem>> -> memref<80xi32, #tpu.memory_space<vmem>>
        %dma_start3A_843 = arith.constant 0 : i32
        %dma_start3A_844 = arith.constant 0 : i32
        %dma_start3A_845 = tpu.memref_slice %arg2[%dma_start3A_843, %dma_start3A_844] : memref<20000x64xf32, #tpu.memory_space<hbm>> -> memref<20000x64xf32, #tpu.memory_space<hbm>>
        tpu.enqueue_indirect_dma source(%dma_start3A_845 : memref<20000x64xf32, #tpu.memory_space<hbm>>) target(%dma_start3A_839 : memref<80x64xf32, #tpu.memory_space<vmem>>) offsets(%dma_start3A_842 : memref<80xi32, #tpu.memory_space<vmem>>) semaphore(%arg20 : memref<!tpu.dma_semaphore, #tpu.memory_space<semaphore_mem>>)
      } else {
      }
      %dma_wait3A_712 = arith.constant 4 : i32
      %dma_wait3A_713 = arith.constant 4 : i32
      %dma_wait3A_714 = arith.constant 0 : i32
      %dma_wait3A_715 = arith.constant 0 : i32
      %dma_wait3A_716 = tpu.memref_slice %arg13[%dma_wait3A_713, %dma_wait3A_714, %dma_wait3A_715] : memref<5x80x64xf32, #tpu.memory_space<vmem>> -> memref<1x80x64xf32, #tpu.memory_space<vmem>>
      %dma_wait3A_717 = tpu.memref_squeeze %dma_wait3A_716 : memref<1x80x64xf32, #tpu.memory_space<vmem>> -> memref<80x64xf32, #tpu.memory_space<vmem>>
      %dma_wait3A_718 = arith.constant 0 : i32
      %dma_wait3A_719 = tpu.memref_slice %arg12[%dma_wait3A_712, %dma_wait3A_718] : memref<5x80xi32, #tpu.memory_space<vmem>> -> memref<1x80xi32, #tpu.memory_space<vmem>>
      %dma_wait3A_720 = tpu.memref_squeeze %dma_wait3A_719 : memref<1x80xi32, #tpu.memory_space<vmem>> -> memref<80xi32, #tpu.memory_space<vmem>>
      %dma_wait3A_721 = arith.constant 0 : i32
      %dma_wait3A_722 = arith.constant 0 : i32
      %dma_wait3A_723 = tpu.memref_slice %arg2[%dma_wait3A_721, %dma_wait3A_722] : memref<20000x64xf32, #tpu.memory_space<hbm>> -> memref<20000x64xf32, #tpu.memory_space<hbm>>
      tpu.wait_indirect_dma semaphore(%arg21 : memref<!tpu.dma_semaphore, #tpu.memory_space<semaphore_mem>>) src(%dma_wait3A_723 : memref<20000x64xf32, #tpu.memory_space<hbm>>) dst(%dma_wait3A_717 : memref<80x64xf32, #tpu.memory_space<vmem>>)
      %dma_start3A_724 = arith.constant 4 : i32
      %dma_start3A_725 = arith.constant 0 : i32
      %dma_start3A_726 = arith.constant 0 : i32
      %dma_start3A_727 = tpu.memref_slice %arg13[%dma_start3A_724, %dma_start3A_725, %dma_start3A_726] : memref<5x80x64xf32, #tpu.memory_space<vmem>> -> memref<1x80x64xf32, #tpu.memory_space<vmem>>
      %dma_start3A_728 = tpu.memref_squeeze %dma_start3A_727 : memref<1x80x64xf32, #tpu.memory_space<vmem>> -> memref<80x64xf32, #tpu.memory_space<vmem>>
      %dma_start3A_729 = arith.constant 0 : i32
      %dma_start3A_730 = tpu.memref_slice %arg11[%add3A_704, %dma_start3A_729] : memref<250x80xi32, #tpu.memory_space<vmem>> -> memref<1x80xi32, #tpu.memory_space<vmem>>
      %dma_start3A_731 = tpu.memref_squeeze %dma_start3A_730 : memref<1x80xi32, #tpu.memory_space<vmem>> -> memref<80xi32, #tpu.memory_space<vmem>>
      %dma_start3A_732 = arith.constant 0 : i32
      %dma_start3A_733 = arith.constant 0 : i32
      %dma_start3A_734 = tpu.memref_slice %arg15[%dma_start3A_732, %dma_start3A_733] : memref<10240x64xf32, #tpu.memory_space<vmem_shared>> -> memref<10240x64xf32, #tpu.memory_space<vmem_shared>>
      tpu.enqueue_indirect_dma source(%dma_start3A_728 : memref<80x64xf32, #tpu.memory_space<vmem>>) target(%dma_start3A_734 : memref<10240x64xf32, #tpu.memory_space<vmem_shared>>) offsets(%dma_start3A_731 : memref<80xi32, #tpu.memory_space<vmem>>) semaphore(%arg26 : memref<!tpu.dma_semaphore, #tpu.memory_space<semaphore_mem>>) {add = true}
      %add3A_735 = arith.addi %add3A_704, %arg0 : i32
      %rem3A_736 = arith.constant 2 : i32
      %rem3A_737 = arith.remsi %add3A_735, %rem3A_736 : i32
      %eq3A_738 = arith.constant 0 : i32
      %eq3A_739 = arith.cmpi eq, %rem3A_737, %eq3A_738 : i32
      %convert_element_type3A_740 = arith.extui %eq3A_739 : i1 to i32
      %cond3A_741 = arith.constant 0 : i32
      %cond3A_742 = arith.cmpi ne, %convert_element_type3A_740, %cond3A_741 : i32
      scf.if %cond3A_742 {
        %dma_start3A_754 = arith.constant 0 : i32
        %dma_start3A_755 = tpu.memref_slice %arg11[%add3A_704, %dma_start3A_754] : memref<250x80xi32, #tpu.memory_space<vmem>> -> memref<1x80xi32, #tpu.memory_space<vmem>>
        %dma_start3A_756 = tpu.memref_squeeze %dma_start3A_755 : memref<1x80xi32, #tpu.memory_space<vmem>> -> memref<80xi32, #tpu.memory_space<vmem>>
        %dma_start3A_757 = arith.constant 0 : i32
        %dma_start3A_758 = arith.constant 0 : i32
        %dma_start3A_759 = tpu.memref_slice %arg16[%dma_start3A_757, %dma_start3A_758] : memref<10240x8xf32, #tpu.memory_space<vmem_shared>> -> memref<10240x8xf32, #tpu.memory_space<vmem_shared>>
        tpu.enqueue_indirect_dma source(%arg14 : memref<80x8xf32, #tpu.memory_space<vmem>>) target(%dma_start3A_759 : memref<10240x8xf32, #tpu.memory_space<vmem_shared>>) offsets(%dma_start3A_756 : memref<80xi32, #tpu.memory_space<vmem>>) semaphore(%arg27 : memref<!tpu.dma_semaphore, #tpu.memory_space<semaphore_mem>>) {add = true}
      } else {
      }
      %add3A_743 = arith.addi %add3A_704, %arg0 : i32
      %rem3A_744 = arith.constant 2 : i32
      %rem3A_745 = arith.remsi %add3A_743, %rem3A_744 : i32
      %eq3A_746 = arith.constant 1 : i32
      %eq3A_747 = arith.cmpi eq, %rem3A_745, %eq3A_746 : i32
      %ge3A_748 = arith.constant 5 : i32
      %ge3A_749 = arith.cmpi sge, %add3A_704, %ge3A_748 : i32
      %and3A_750 = arith.andi %eq3A_747, %ge3A_749 : i1
      %convert_element_type3A_751 = arith.extui %and3A_750 : i1 to i32
      %cond3A_752 = arith.constant 0 : i32
      %cond3A_753 = arith.cmpi ne, %convert_element_type3A_751, %cond3A_752 : i32
      scf.if %cond3A_753 {
        %sub3A = arith.constant 5 : i32
        %sub3A_754 = arith.subi %add3A_704, %sub3A : i32
        %dma_wait3A_755 = arith.constant 0 : i32
        %dma_wait3A_756 = tpu.memref_slice %arg11[%sub3A_754, %dma_wait3A_755] : memref<250x80xi32, #tpu.memory_space<vmem>> -> memref<1x80xi32, #tpu.memory_space<vmem>>
        %dma_wait3A_757 = tpu.memref_squeeze %dma_wait3A_756 : memref<1x80xi32, #tpu.memory_space<vmem>> -> memref<80xi32, #tpu.memory_space<vmem>>
        %dma_wait3A_758 = arith.constant 0 : i32
        %dma_wait3A_759 = arith.constant 0 : i32
        %dma_wait3A_760 = tpu.memref_slice %arg16[%dma_wait3A_758, %dma_wait3A_759] : memref<10240x8xf32, #tpu.memory_space<vmem_shared>> -> memref<10240x8xf32, #tpu.memory_space<vmem_shared>>
        tpu.wait_indirect_dma semaphore(%arg27 : memref<!tpu.dma_semaphore, #tpu.memory_space<semaphore_mem>>) src(%arg14 : memref<80x8xf32, #tpu.memory_space<vmem>>) dst(%dma_wait3A_760 : memref<10240x8xf32, #tpu.memory_space<vmem_shared>>)
      } else {
      }
    }
    %scan3A_384 = arith.constant 50 : i32
    %dma_wait3A_385 = arith.constant 0 : i32
    %dma_wait3A_386 = arith.constant 245 : i32
    %dma_wait3A_387 = arith.constant 0 : i32
    %dma_wait3A_388 = arith.constant 0 : i32
    %dma_wait3A_389 = tpu.memref_slice %arg13[%dma_wait3A_385, %dma_wait3A_387, %dma_wait3A_388] : memref<5x80x64xf32, #tpu.memory_space<vmem>> -> memref<1x80x64xf32, #tpu.memory_space<vmem>>
    %dma_wait3A_390 = tpu.memref_squeeze %dma_wait3A_389 : memref<1x80x64xf32, #tpu.memory_space<vmem>> -> memref<80x64xf32, #tpu.memory_space<vmem>>
    %dma_wait3A_391 = arith.constant 0 : i32
    %dma_wait3A_392 = tpu.memref_slice %arg11[%dma_wait3A_386, %dma_wait3A_391] : memref<250x80xi32, #tpu.memory_space<vmem>> -> memref<1x80xi32, #tpu.memory_space<vmem>>
    %dma_wait3A_393 = tpu.memref_squeeze %dma_wait3A_392 : memref<1x80xi32, #tpu.memory_space<vmem>> -> memref<80xi32, #tpu.memory_space<vmem>>
    %dma_wait3A_394 = arith.constant 0 : i32
    %dma_wait3A_395 = arith.constant 0 : i32
    %dma_wait3A_396 = tpu.memref_slice %arg15[%dma_wait3A_394, %dma_wait3A_395] : memref<10240x64xf32, #tpu.memory_space<vmem_shared>> -> memref<10240x64xf32, #tpu.memory_space<vmem_shared>>
    tpu.wait_indirect_dma semaphore(%arg22 : memref<!tpu.dma_semaphore, #tpu.memory_space<semaphore_mem>>) src(%dma_wait3A_390 : memref<80x64xf32, #tpu.memory_space<vmem>>) dst(%dma_wait3A_396 : memref<10240x64xf32, #tpu.memory_space<vmem_shared>>)
    %add3A_397 = arith.constant 245 : i32
    %add3A_398 = arith.addi %add3A_397, %arg0 : i32
    %rem3A = arith.constant 2 : i32
    %rem3A_399 = arith.remsi %add3A_398, %rem3A : i32
    %eq3A = arith.constant 0 : i32
    %eq3A_400 = arith.cmpi eq, %rem3A_399, %eq3A : i32
    %convert_element_type3A = arith.extui %eq3A_400 : i1 to i32
    %cond3A = arith.constant 0 : i32
    %cond3A_401 = arith.cmpi ne, %convert_element_type3A, %cond3A : i32
    scf.if %cond3A_401 {
      %dma_wait3A_491 = arith.constant 245 : i32
      %dma_wait3A_492 = arith.constant 0 : i32
      %dma_wait3A_493 = tpu.memref_slice %arg11[%dma_wait3A_491, %dma_wait3A_492] : memref<250x80xi32, #tpu.memory_space<vmem>> -> memref<1x80xi32, #tpu.memory_space<vmem>>
      %dma_wait3A_494 = tpu.memref_squeeze %dma_wait3A_493 : memref<1x80xi32, #tpu.memory_space<vmem>> -> memref<80xi32, #tpu.memory_space<vmem>>
      %dma_wait3A_495 = arith.constant 0 : i32
      %dma_wait3A_496 = arith.constant 0 : i32
      %dma_wait3A_497 = tpu.memref_slice %arg16[%dma_wait3A_495, %dma_wait3A_496] : memref<10240x8xf32, #tpu.memory_space<vmem_shared>> -> memref<10240x8xf32, #tpu.memory_space<vmem_shared>>
      tpu.wait_indirect_dma semaphore(%arg27 : memref<!tpu.dma_semaphore, #tpu.memory_space<semaphore_mem>>) src(%arg14 : memref<80x8xf32, #tpu.memory_space<vmem>>) dst(%dma_wait3A_497 : memref<10240x8xf32, #tpu.memory_space<vmem_shared>>)
    } else {
    }
    %dma_wait3A_402 = arith.constant 1 : i32
    %dma_wait3A_403 = arith.constant 246 : i32
    %dma_wait3A_404 = arith.constant 0 : i32
    %dma_wait3A_405 = arith.constant 0 : i32
    %dma_wait3A_406 = tpu.memref_slice %arg13[%dma_wait3A_402, %dma_wait3A_404, %dma_wait3A_405] : memref<5x80x64xf32, #tpu.memory_space<vmem>> -> memref<1x80x64xf32, #tpu.memory_space<vmem>>
    %dma_wait3A_407 = tpu.memref_squeeze %dma_wait3A_406 : memref<1x80x64xf32, #tpu.memory_space<vmem>> -> memref<80x64xf32, #tpu.memory_space<vmem>>
    %dma_wait3A_408 = arith.constant 0 : i32
    %dma_wait3A_409 = tpu.memref_slice %arg11[%dma_wait3A_403, %dma_wait3A_408] : memref<250x80xi32, #tpu.memory_space<vmem>> -> memref<1x80xi32, #tpu.memory_space<vmem>>
    %dma_wait3A_410 = tpu.memref_squeeze %dma_wait3A_409 : memref<1x80xi32, #tpu.memory_space<vmem>> -> memref<80xi32, #tpu.memory_space<vmem>>
    %dma_wait3A_411 = arith.constant 0 : i32
    %dma_wait3A_412 = arith.constant 0 : i32
    %dma_wait3A_413 = tpu.memref_slice %arg15[%dma_wait3A_411, %dma_wait3A_412] : memref<10240x64xf32, #tpu.memory_space<vmem_shared>> -> memref<10240x64xf32, #tpu.memory_space<vmem_shared>>
    tpu.wait_indirect_dma semaphore(%arg23 : memref<!tpu.dma_semaphore, #tpu.memory_space<semaphore_mem>>) src(%dma_wait3A_407 : memref<80x64xf32, #tpu.memory_space<vmem>>) dst(%dma_wait3A_413 : memref<10240x64xf32, #tpu.memory_space<vmem_shared>>)
    %add3A_414 = arith.constant 246 : i32
    %add3A_415 = arith.addi %add3A_414, %arg0 : i32
    %rem3A_416 = arith.constant 2 : i32
    %rem3A_417 = arith.remsi %add3A_415, %rem3A_416 : i32
    %eq3A_418 = arith.constant 0 : i32
    %eq3A_419 = arith.cmpi eq, %rem3A_417, %eq3A_418 : i32
    %convert_element_type3A_420 = arith.extui %eq3A_419 : i1 to i32
    %cond3A_421 = arith.constant 0 : i32
    %cond3A_422 = arith.cmpi ne, %convert_element_type3A_420, %cond3A_421 : i32
    scf.if %cond3A_422 {
      %dma_wait3A_491 = arith.constant 246 : i32
      %dma_wait3A_492 = arith.constant 0 : i32
      %dma_wait3A_493 = tpu.memref_slice %arg11[%dma_wait3A_491, %dma_wait3A_492] : memref<250x80xi32, #tpu.memory_space<vmem>> -> memref<1x80xi32, #tpu.memory_space<vmem>>
      %dma_wait3A_494 = tpu.memref_squeeze %dma_wait3A_493 : memref<1x80xi32, #tpu.memory_space<vmem>> -> memref<80xi32, #tpu.memory_space<vmem>>
      %dma_wait3A_495 = arith.constant 0 : i32
      %dma_wait3A_496 = arith.constant 0 : i32
      %dma_wait3A_497 = tpu.memref_slice %arg16[%dma_wait3A_495, %dma_wait3A_496] : memref<10240x8xf32, #tpu.memory_space<vmem_shared>> -> memref<10240x8xf32, #tpu.memory_space<vmem_shared>>
      tpu.wait_indirect_dma semaphore(%arg27 : memref<!tpu.dma_semaphore, #tpu.memory_space<semaphore_mem>>) src(%arg14 : memref<80x8xf32, #tpu.memory_space<vmem>>) dst(%dma_wait3A_497 : memref<10240x8xf32, #tpu.memory_space<vmem_shared>>)
    } else {
    }
    %dma_wait3A_423 = arith.constant 2 : i32
    %dma_wait3A_424 = arith.constant 247 : i32
    %dma_wait3A_425 = arith.constant 0 : i32
    %dma_wait3A_426 = arith.constant 0 : i32
    %dma_wait3A_427 = tpu.memref_slice %arg13[%dma_wait3A_423, %dma_wait3A_425, %dma_wait3A_426] : memref<5x80x64xf32, #tpu.memory_space<vmem>> -> memref<1x80x64xf32, #tpu.memory_space<vmem>>
    %dma_wait3A_428 = tpu.memref_squeeze %dma_wait3A_427 : memref<1x80x64xf32, #tpu.memory_space<vmem>> -> memref<80x64xf32, #tpu.memory_space<vmem>>
    %dma_wait3A_429 = arith.constant 0 : i32
    %dma_wait3A_430 = tpu.memref_slice %arg11[%dma_wait3A_424, %dma_wait3A_429] : memref<250x80xi32, #tpu.memory_space<vmem>> -> memref<1x80xi32, #tpu.memory_space<vmem>>
    %dma_wait3A_431 = tpu.memref_squeeze %dma_wait3A_430 : memref<1x80xi32, #tpu.memory_space<vmem>> -> memref<80xi32, #tpu.memory_space<vmem>>
    %dma_wait3A_432 = arith.constant 0 : i32
    %dma_wait3A_433 = arith.constant 0 : i32
    %dma_wait3A_434 = tpu.memref_slice %arg15[%dma_wait3A_432, %dma_wait3A_433] : memref<10240x64xf32, #tpu.memory_space<vmem_shared>> -> memref<10240x64xf32, #tpu.memory_space<vmem_shared>>
    tpu.wait_indirect_dma semaphore(%arg24 : memref<!tpu.dma_semaphore, #tpu.memory_space<semaphore_mem>>) src(%dma_wait3A_428 : memref<80x64xf32, #tpu.memory_space<vmem>>) dst(%dma_wait3A_434 : memref<10240x64xf32, #tpu.memory_space<vmem_shared>>)
    %add3A_435 = arith.constant 247 : i32
    %add3A_436 = arith.addi %add3A_435, %arg0 : i32
    %rem3A_437 = arith.constant 2 : i32
    %rem3A_438 = arith.remsi %add3A_436, %rem3A_437 : i32
    %eq3A_439 = arith.constant 0 : i32
    %eq3A_440 = arith.cmpi eq, %rem3A_438, %eq3A_439 : i32
    %convert_element_type3A_441 = arith.extui %eq3A_440 : i1 to i32
    %cond3A_442 = arith.constant 0 : i32
    %cond3A_443 = arith.cmpi ne, %convert_element_type3A_441, %cond3A_442 : i32
    scf.if %cond3A_443 {
      %dma_wait3A_491 = arith.constant 247 : i32
      %dma_wait3A_492 = arith.constant 0 : i32
      %dma_wait3A_493 = tpu.memref_slice %arg11[%dma_wait3A_491, %dma_wait3A_492] : memref<250x80xi32, #tpu.memory_space<vmem>> -> memref<1x80xi32, #tpu.memory_space<vmem>>
      %dma_wait3A_494 = tpu.memref_squeeze %dma_wait3A_493 : memref<1x80xi32, #tpu.memory_space<vmem>> -> memref<80xi32, #tpu.memory_space<vmem>>
      %dma_wait3A_495 = arith.constant 0 : i32
      %dma_wait3A_496 = arith.constant 0 : i32
      %dma_wait3A_497 = tpu.memref_slice %arg16[%dma_wait3A_495, %dma_wait3A_496] : memref<10240x8xf32, #tpu.memory_space<vmem_shared>> -> memref<10240x8xf32, #tpu.memory_space<vmem_shared>>
      tpu.wait_indirect_dma semaphore(%arg27 : memref<!tpu.dma_semaphore, #tpu.memory_space<semaphore_mem>>) src(%arg14 : memref<80x8xf32, #tpu.memory_space<vmem>>) dst(%dma_wait3A_497 : memref<10240x8xf32, #tpu.memory_space<vmem_shared>>)
    } else {
    }
    %dma_wait3A_444 = arith.constant 3 : i32
    %dma_wait3A_445 = arith.constant 248 : i32
    %dma_wait3A_446 = arith.constant 0 : i32
    %dma_wait3A_447 = arith.constant 0 : i32
    %dma_wait3A_448 = tpu.memref_slice %arg13[%dma_wait3A_444, %dma_wait3A_446, %dma_wait3A_447] : memref<5x80x64xf32, #tpu.memory_space<vmem>> -> memref<1x80x64xf32, #tpu.memory_space<vmem>>
    %dma_wait3A_449 = tpu.memref_squeeze %dma_wait3A_448 : memref<1x80x64xf32, #tpu.memory_space<vmem>> -> memref<80x64xf32, #tpu.memory_space<vmem>>
    %dma_wait3A_450 = arith.constant 0 : i32
    %dma_wait3A_451 = tpu.memref_slice %arg11[%dma_wait3A_445, %dma_wait3A_450] : memref<250x80xi32, #tpu.memory_space<vmem>> -> memref<1x80xi32, #tpu.memory_space<vmem>>
    %dma_wait3A_452 = tpu.memref_squeeze %dma_wait3A_451 : memref<1x80xi32, #tpu.memory_space<vmem>> -> memref<80xi32, #tpu.memory_space<vmem>>
    %dma_wait3A_453 = arith.constant 0 : i32
    %dma_wait3A_454 = arith.constant 0 : i32
    %dma_wait3A_455 = tpu.memref_slice %arg15[%dma_wait3A_453, %dma_wait3A_454] : memref<10240x64xf32, #tpu.memory_space<vmem_shared>> -> memref<10240x64xf32, #tpu.memory_space<vmem_shared>>
    tpu.wait_indirect_dma semaphore(%arg25 : memref<!tpu.dma_semaphore, #tpu.memory_space<semaphore_mem>>) src(%dma_wait3A_449 : memref<80x64xf32, #tpu.memory_space<vmem>>) dst(%dma_wait3A_455 : memref<10240x64xf32, #tpu.memory_space<vmem_shared>>)
    %add3A_456 = arith.constant 248 : i32
    %add3A_457 = arith.addi %add3A_456, %arg0 : i32
    %rem3A_458 = arith.constant 2 : i32
    %rem3A_459 = arith.remsi %add3A_457, %rem3A_458 : i32
    %eq3A_460 = arith.constant 0 : i32
    %eq3A_461 = arith.cmpi eq, %rem3A_459, %eq3A_460 : i32
    %convert_element_type3A_462 = arith.extui %eq3A_461 : i1 to i32
    %cond3A_463 = arith.constant 0 : i32
    %cond3A_464 = arith.cmpi ne, %convert_element_type3A_462, %cond3A_463 : i32
    scf.if %cond3A_464 {
      %dma_wait3A_491 = arith.constant 248 : i32
      %dma_wait3A_492 = arith.constant 0 : i32
      %dma_wait3A_493 = tpu.memref_slice %arg11[%dma_wait3A_491, %dma_wait3A_492] : memref<250x80xi32, #tpu.memory_space<vmem>> -> memref<1x80xi32, #tpu.memory_space<vmem>>
      %dma_wait3A_494 = tpu.memref_squeeze %dma_wait3A_493 : memref<1x80xi32, #tpu.memory_space<vmem>> -> memref<80xi32, #tpu.memory_space<vmem>>
      %dma_wait3A_495 = arith.constant 0 : i32
      %dma_wait3A_496 = arith.constant 0 : i32
      %dma_wait3A_497 = tpu.memref_slice %arg16[%dma_wait3A_495, %dma_wait3A_496] : memref<10240x8xf32, #tpu.memory_space<vmem_shared>> -> memref<10240x8xf32, #tpu.memory_space<vmem_shared>>
      tpu.wait_indirect_dma semaphore(%arg27 : memref<!tpu.dma_semaphore, #tpu.memory_space<semaphore_mem>>) src(%arg14 : memref<80x8xf32, #tpu.memory_space<vmem>>) dst(%dma_wait3A_497 : memref<10240x8xf32, #tpu.memory_space<vmem_shared>>)
    } else {
    }
    %dma_wait3A_465 = arith.constant 4 : i32
    %dma_wait3A_466 = arith.constant 249 : i32
    %dma_wait3A_467 = arith.constant 0 : i32
    %dma_wait3A_468 = arith.constant 0 : i32
    %dma_wait3A_469 = tpu.memref_slice %arg13[%dma_wait3A_465, %dma_wait3A_467, %dma_wait3A_468] : memref<5x80x64xf32, #tpu.memory_space<vmem>> -> memref<1x80x64xf32, #tpu.memory_space<vmem>>
    %dma_wait3A_470 = tpu.memref_squeeze %dma_wait3A_469 : memref<1x80x64xf32, #tpu.memory_space<vmem>> -> memref<80x64xf32, #tpu.memory_space<vmem>>
    %dma_wait3A_471 = arith.constant 0 : i32
    %dma_wait3A_472 = tpu.memref_slice %arg11[%dma_wait3A_466, %dma_wait3A_471] : memref<250x80xi32, #tpu.memory_space<vmem>> -> memref<1x80xi32, #tpu.memory_space<vmem>>
    %dma_wait3A_473 = tpu.memref_squeeze %dma_wait3A_472 : memref<1x80xi32, #tpu.memory_space<vmem>> -> memref<80xi32, #tpu.memory_space<vmem>>
    %dma_wait3A_474 = arith.constant 0 : i32
    %dma_wait3A_475 = arith.constant 0 : i32
    %dma_wait3A_476 = tpu.memref_slice %arg15[%dma_wait3A_474, %dma_wait3A_475] : memref<10240x64xf32, #tpu.memory_space<vmem_shared>> -> memref<10240x64xf32, #tpu.memory_space<vmem_shared>>
    tpu.wait_indirect_dma semaphore(%arg26 : memref<!tpu.dma_semaphore, #tpu.memory_space<semaphore_mem>>) src(%dma_wait3A_470 : memref<80x64xf32, #tpu.memory_space<vmem>>) dst(%dma_wait3A_476 : memref<10240x64xf32, #tpu.memory_space<vmem_shared>>)
    %add3A_477 = arith.constant 249 : i32
    %add3A_478 = arith.addi %add3A_477, %arg0 : i32
    %rem3A_479 = arith.constant 2 : i32
    %rem3A_480 = arith.remsi %add3A_478, %rem3A_479 : i32
    %eq3A_481 = arith.constant 0 : i32
    %eq3A_482 = arith.cmpi eq, %rem3A_480, %eq3A_481 : i32
    %convert_element_type3A_483 = arith.extui %eq3A_482 : i1 to i32
    %cond3A_484 = arith.constant 0 : i32
    %cond3A_485 = arith.cmpi ne, %convert_element_type3A_483, %cond3A_484 : i32
    scf.if %cond3A_485 {
      %dma_wait3A_491 = arith.constant 249 : i32
      %dma_wait3A_492 = arith.constant 0 : i32
      %dma_wait3A_493 = tpu.memref_slice %arg11[%dma_wait3A_491, %dma_wait3A_492] : memref<250x80xi32, #tpu.memory_space<vmem>> -> memref<1x80xi32, #tpu.memory_space<vmem>>
      %dma_wait3A_494 = tpu.memref_squeeze %dma_wait3A_493 : memref<1x80xi32, #tpu.memory_space<vmem>> -> memref<80xi32, #tpu.memory_space<vmem>>
      %dma_wait3A_495 = arith.constant 0 : i32
      %dma_wait3A_496 = arith.constant 0 : i32
      %dma_wait3A_497 = tpu.memref_slice %arg16[%dma_wait3A_495, %dma_wait3A_496] : memref<10240x8xf32, #tpu.memory_space<vmem_shared>> -> memref<10240x8xf32, #tpu.memory_space<vmem_shared>>
      tpu.wait_indirect_dma semaphore(%arg27 : memref<!tpu.dma_semaphore, #tpu.memory_space<semaphore_mem>>) src(%arg14 : memref<80x8xf32, #tpu.memory_space<vmem>>) dst(%dma_wait3A_497 : memref<10240x8xf32, #tpu.memory_space<vmem_shared>>)
    } else {
    }
    %barrier3A_486 = arith.constant 0 : index
    tpu.barrier barrier_id(%barrier3A_486)
    %mul3A_487 = arith.constant 64 : i32
    %mul3A_488 = arith.muli %arg0, %mul3A_487 : i32
    "tpu.region"() ({
      %run_scoped3A = tpu.sem_alloc : memref<!tpu.dma_semaphore, #tpu.memory_space<semaphore_mem>>
      %dma_start3A_491 = tpu.memref_slice %arg8[%mul3A_0, %mul3A_488] : memref<10240x128xf32, #tpu.memory_space<hbm>> -> memref<640x64xf32, #tpu.memory_space<hbm>>
      %dma_start3A_492 = arith.constant 0 : i32
      %dma_start3A_493 = tpu.memref_slice %arg15[%mul3A_0, %dma_start3A_492] : memref<10240x64xf32, #tpu.memory_space<vmem_shared>> -> memref<640x64xf32, #tpu.memory_space<vmem_shared>>
      tpu.enqueue_dma source(%dma_start3A_493 : memref<640x64xf32, #tpu.memory_space<vmem_shared>>) target(%dma_start3A_491 : memref<640x64xf32, #tpu.memory_space<hbm>>) target_semaphore(%run_scoped3A : memref<!tpu.dma_semaphore, #tpu.memory_space<semaphore_mem>>)
      %dma_wait3A_494 = tpu.memref_slice %arg8[%mul3A_0, %mul3A_488] : memref<10240x128xf32, #tpu.memory_space<hbm>> -> memref<640x64xf32, #tpu.memory_space<hbm>>
      %dma_wait3A_495 = arith.constant 0 : i32
      %dma_wait3A_496 = tpu.memref_slice %arg15[%mul3A_0, %dma_wait3A_495] : memref<10240x64xf32, #tpu.memory_space<vmem_shared>> -> memref<640x64xf32, #tpu.memory_space<vmem_shared>>
      tpu.wait_dma2 semaphore(%run_scoped3A : memref<!tpu.dma_semaphore, #tpu.memory_space<semaphore_mem>>) src(%dma_wait3A_496 : memref<640x64xf32, #tpu.memory_space<vmem_shared>>) dst(%dma_wait3A_494 : memref<640x64xf32, #tpu.memory_space<hbm>>)
      tpu.yield
    }) : () -> ()
    %mul3A_489 = arith.constant 8 : i32
    %mul3A_490 = arith.muli %arg0, %mul3A_489 : i32
    "tpu.region"() ({
      %run_scoped3A = tpu.sem_alloc : memref<!tpu.dma_semaphore, #tpu.memory_space<semaphore_mem>>
      %dma_start3A_491 = tpu.memref_slice %arg9[%mul3A_0, %mul3A_490] : memref<10240x128xf32, #tpu.memory_space<hbm>> -> memref<640x8xf32, #tpu.memory_space<hbm>>
      %dma_start3A_492 = arith.constant 0 : i32
      %dma_start3A_493 = tpu.memref_slice %arg16[%mul3A_0, %dma_start3A_492] : memref<10240x8xf32, #tpu.memory_space<vmem_shared>> -> memref<640x8xf32, #tpu.memory_space<vmem_shared>>
      tpu.enqueue_dma source(%dma_start3A_493 : memref<640x8xf32, #tpu.memory_space<vmem_shared>>) target(%dma_start3A_491 : memref<640x8xf32, #tpu.memory_space<hbm>>) target_semaphore(%run_scoped3A : memref<!tpu.dma_semaphore, #tpu.memory_space<semaphore_mem>>)
      %dma_wait3A_494 = tpu.memref_slice %arg9[%mul3A_0, %mul3A_490] : memref<10240x128xf32, #tpu.memory_space<hbm>> -> memref<640x8xf32, #tpu.memory_space<hbm>>
      %dma_wait3A_495 = arith.constant 0 : i32
      %dma_wait3A_496 = tpu.memref_slice %arg16[%mul3A_0, %dma_wait3A_495] : memref<10240x8xf32, #tpu.memory_space<vmem_shared>> -> memref<640x8xf32, #tpu.memory_space<vmem_shared>>
      tpu.wait_dma2 semaphore(%run_scoped3A : memref<!tpu.dma_semaphore, #tpu.memory_space<semaphore_mem>>) src(%dma_wait3A_496 : memref<640x8xf32, #tpu.memory_space<vmem_shared>>) dst(%dma_wait3A_494 : memref<640x8xf32, #tpu.memory_space<hbm>>)
      tpu.yield
    }) : () -> ()
    return
  }
}

module attributes {stable_mosaic.version = 14 : i64} {
  func.func @_tc_layer1_body(%arg0: i32, %arg1: memref<2000x128xf32, #tpu.memory_space<vmem>>, %arg2: memref<2000x128xf32, #tpu.memory_space<vmem>>, %arg3: memref<2000x128xf32, #tpu.memory_space<vmem>>, %arg4: memref<128x128xf32, #tpu.memory_space<vmem>>, %arg5: memref<1x128xf32, #tpu.memory_space<vmem>>, %arg6: memref<128x128xf32, #tpu.memory_space<vmem>>, %arg7: memref<2000x128xf32, #tpu.memory_space<vmem>>) attributes {dimension_semantics = [#tpu.dimension_semantics<arbitrary>], iteration_bounds = array<i64: 5>, scalar_prefetch = 0 : i64, scratch_operands = 0 : i64, tpu.core_type = #tpu.core_type<tc>, window_params = [{transform_indices = @transform_0, window_bounds = array<i64: 2000, 128>}, {transform_indices = @transform_1, window_bounds = array<i64: 2000, 128>}, {transform_indices = @transform_2, window_bounds = array<i64: 2000, 128>}, {pipeline_mode = #tpu.pipeline_mode<synchronous>, transform_indices = @transform_3, window_bounds = array<i64: 128, 128>}, {pipeline_mode = #tpu.pipeline_mode<synchronous>, transform_indices = @transform_4, window_bounds = array<i64: 1, 128>}, {pipeline_mode = #tpu.pipeline_mode<synchronous>, transform_indices = @transform_5, window_bounds = array<i64: 128, 128>}, {transform_indices = @transform_6, window_bounds = array<i64: 2000, 128>}]} {
    %get3A = arith.constant 0 : index
    %get3A_0 = arith.constant 0 : index
    %get3A_1 = vector.load %arg1[%get3A, %get3A_0] : memref<2000x128xf32, #tpu.memory_space<vmem>>, vector<2000x128xf32>
    %get3A_2 = arith.constant 0 : index
    %get3A_3 = arith.constant 0 : index
    %get3A_4 = vector.load %arg2[%get3A_2, %get3A_3] : memref<2000x128xf32, #tpu.memory_space<vmem>>, vector<2000x1xf32>
    %get3A_5 = arith.constant 0 : index
    %get3A_6 = arith.constant 8 : index
    %get3A_7 = vector.load %arg2[%get3A_5, %get3A_6] : memref<2000x128xf32, #tpu.memory_space<vmem>>, vector<2000x1xf32>
    %add3A = arith.addf %get3A_4, %get3A_7 : vector<2000x1xf32>
    %max3A = arith.constant 1.000000e+00 : f32
    %max3A_8 = vector.broadcast %max3A : f32 to vector<2000x1xf32>
    %max3A_9 = arith.maximumf %add3A, %max3A_8 : vector<2000x1xf32>
    %div3A = arith.constant 1.000000e+00 : f32
    %div3A_10 = vector.broadcast %div3A : f32 to vector<2000x1xf32>
    %div3A_11 = arith.divf %div3A_10, %max3A_9 : vector<2000x1xf32>
    %mul3A = vector.broadcast %div3A_11 : vector<2000x1xf32> to vector<2000x128xf32>
    %mul3A_12 = arith.mulf %get3A_1, %mul3A : vector<2000x128xf32>
    %get3A_13 = arith.constant 0 : index
    %get3A_14 = arith.constant 0 : index
    %get3A_15 = vector.load %arg4[%get3A_13, %get3A_14] : memref<128x128xf32, #tpu.memory_space<vmem>>, vector<128x128xf32>
    %dot_general3A = arith.constant dense<0.000000e+00> : vector<2000x128xf32>
    %dot_general3A_16 = tpu.matmul %mul3A_12, %get3A_15, %dot_general3A {dimension_numbers = #tpu.dot_dimension_numbers<[1], [0], [0], [1], [0, 0, 1, 1], [], []>, transpose_lhs_hint = false} : vector<2000x128xf32>, vector<128x128xf32>, vector<2000x128xf32> -> vector<2000x128xf32>
    %get3A_17 = arith.constant 0 : index
    %get3A_18 = arith.constant 0 : index
    %get3A_19 = vector.load %arg3[%get3A_17, %get3A_18] : memref<2000x128xf32, #tpu.memory_space<vmem>>, vector<2000x128xf32>
    %get3A_20 = arith.constant 0 : index
    %get3A_21 = arith.constant 0 : index
    %get3A_22 = vector.load %arg6[%get3A_20, %get3A_21] : memref<128x128xf32, #tpu.memory_space<vmem>>, vector<128x128xf32>
    %dot_general3A_23 = arith.constant dense<0.000000e+00> : vector<2000x128xf32>
    %dot_general3A_24 = tpu.matmul %get3A_19, %get3A_22, %dot_general3A_23 {dimension_numbers = #tpu.dot_dimension_numbers<[1], [0], [0], [1], [0, 0, 1, 1], [], []>, transpose_lhs_hint = false} : vector<2000x128xf32>, vector<128x128xf32>, vector<2000x128xf32> -> vector<2000x128xf32>
    %add3A_25 = arith.addf %dot_general3A_16, %dot_general3A_24 : vector<2000x128xf32>
    %get3A_26 = arith.constant 0 : index
    %get3A_27 = arith.constant 0 : index
    %get3A_28 = vector.load %arg5[%get3A_26, %get3A_27] : memref<1x128xf32, #tpu.memory_space<vmem>>, vector<1x128xf32>
    %add3A_29 = vector.broadcast %get3A_28 : vector<1x128xf32> to vector<2000x128xf32>
    %add3A_30 = arith.addf %add3A_25, %add3A_29 : vector<2000x128xf32>
    %max3A_31 = arith.constant 0.000000e+00 : f32
    %max3A_32 = vector.broadcast %max3A_31 : f32 to vector<2000x128xf32>
    %max3A_33 = arith.maximumf %add3A_30, %max3A_32 : vector<2000x128xf32>
    %swap3A = arith.constant 0 : index
    %swap3A_34 = arith.constant 0 : index
    %swap3A_35 = vector.load %arg7[%swap3A, %swap3A_34] : memref<2000x128xf32, #tpu.memory_space<vmem>>, vector<2000x128xf32>
    tpu.vector_store %arg7[%swap3A, %swap3A_34], %max3A_33 {strides = array<i32>} : memref<2000x128xf32, #tpu.memory_space<vmem>>, vector<2000x128xf32>,
    return
  }
  func.func @transform_0(%arg0: i32) -> (i32, i32) {
    %c0_i32 = arith.constant 0 : i32
    %c0_i32_0 = arith.constant 0 : i32
    return %arg0, %c0_i32 : i32, i32
  }
  func.func @transform_1(%arg0: i32) -> (i32, i32) {
    %c0_i32 = arith.constant 0 : i32
    %c0_i32_0 = arith.constant 0 : i32
    return %arg0, %c0_i32 : i32, i32
  }
  func.func @transform_2(%arg0: i32) -> (i32, i32) {
    %c0_i32 = arith.constant 0 : i32
    %c0_i32_0 = arith.constant 0 : i32
    return %arg0, %c0_i32 : i32, i32
  }
  func.func @transform_3(%arg0: i32) -> (i32, i32) {
    %c0_i32 = arith.constant 0 : i32
    %c0_i32_0 = arith.constant 0 : i32
    %c0_i32_1 = arith.constant 0 : i32
    return %c0_i32, %c0_i32_0 : i32, i32
  }
  func.func @transform_4(%arg0: i32) -> (i32, i32) {
    %c0_i32 = arith.constant 0 : i32
    %c0_i32_0 = arith.constant 0 : i32
    %c0_i32_1 = arith.constant 0 : i32
    return %c0_i32, %c0_i32_0 : i32, i32
  }
  func.func @transform_5(%arg0: i32) -> (i32, i32) {
    %c0_i32 = arith.constant 0 : i32
    %c0_i32_0 = arith.constant 0 : i32
    %c0_i32_1 = arith.constant 0 : i32
    return %c0_i32, %c0_i32_0 : i32, i32
  }
  func.func @transform_6(%arg0: i32) -> (i32, i32) {
    %c0_i32 = arith.constant 0 : i32
    %c0_i32_0 = arith.constant 0 : i32
    return %arg0, %c0_i32 : i32, i32
  }
}

module attributes {stable_mosaic.version = 14 : i64} {
  func.func @_tc_layer2_body(%arg0: i32, %arg1: memref<2000x128xf32, #tpu.memory_space<vmem>>, %arg2: memref<2000x128xf32, #tpu.memory_space<vmem>>, %arg3: memref<2000x128xf32, #tpu.memory_space<vmem>>, %arg4: memref<128x128xf32, #tpu.memory_space<vmem>>, %arg5: memref<1x128xf32, #tpu.memory_space<vmem>>, %arg6: memref<128x128xf32, #tpu.memory_space<vmem>>, %arg7: memref<128x64xf32, #tpu.memory_space<vmem>>, %arg8: memref<1x64xf32, #tpu.memory_space<vmem>>, %arg9: memref<2000x64xf32, #tpu.memory_space<vmem>>) attributes {dimension_semantics = [#tpu.dimension_semantics<arbitrary>], iteration_bounds = array<i64: 5>, scalar_prefetch = 0 : i64, scratch_operands = 0 : i64, tpu.core_type = #tpu.core_type<tc>, window_params = [{transform_indices = @transform_0, window_bounds = array<i64: 2000, 128>}, {transform_indices = @transform_1, window_bounds = array<i64: 2000, 128>}, {transform_indices = @transform_2, window_bounds = array<i64: 2000, 128>}, {pipeline_mode = #tpu.pipeline_mode<synchronous>, transform_indices = @transform_3, window_bounds = array<i64: 128, 128>}, {pipeline_mode = #tpu.pipeline_mode<synchronous>, transform_indices = @transform_4, window_bounds = array<i64: 1, 128>}, {pipeline_mode = #tpu.pipeline_mode<synchronous>, transform_indices = @transform_5, window_bounds = array<i64: 128, 128>}, {pipeline_mode = #tpu.pipeline_mode<synchronous>, transform_indices = @transform_6, window_bounds = array<i64: 128, 64>}, {pipeline_mode = #tpu.pipeline_mode<synchronous>, transform_indices = @transform_7, window_bounds = array<i64: 1, 64>}, {transform_indices = @transform_8, window_bounds = array<i64: 2000, 64>}]} {
    %get3A = arith.constant 0 : index
    %get3A_0 = arith.constant 0 : index
    %get3A_1 = vector.load %arg1[%get3A, %get3A_0] : memref<2000x128xf32, #tpu.memory_space<vmem>>, vector<2000x128xf32>
    %get3A_2 = arith.constant 0 : index
    %get3A_3 = arith.constant 0 : index
    %get3A_4 = vector.load %arg2[%get3A_2, %get3A_3] : memref<2000x128xf32, #tpu.memory_space<vmem>>, vector<2000x1xf32>
    %get3A_5 = arith.constant 0 : index
    %get3A_6 = arith.constant 8 : index
    %get3A_7 = vector.load %arg2[%get3A_5, %get3A_6] : memref<2000x128xf32, #tpu.memory_space<vmem>>, vector<2000x1xf32>
    %add3A = arith.addf %get3A_4, %get3A_7 : vector<2000x1xf32>
    %max3A = arith.constant 1.000000e+00 : f32
    %max3A_8 = vector.broadcast %max3A : f32 to vector<2000x1xf32>
    %max3A_9 = arith.maximumf %add3A, %max3A_8 : vector<2000x1xf32>
    %div3A = arith.constant 1.000000e+00 : f32
    %div3A_10 = vector.broadcast %div3A : f32 to vector<2000x1xf32>
    %div3A_11 = arith.divf %div3A_10, %max3A_9 : vector<2000x1xf32>
    %mul3A = vector.broadcast %div3A_11 : vector<2000x1xf32> to vector<2000x128xf32>
    %mul3A_12 = arith.mulf %get3A_1, %mul3A : vector<2000x128xf32>
    %get3A_13 = arith.constant 0 : index
    %get3A_14 = arith.constant 0 : index
    %get3A_15 = vector.load %arg4[%get3A_13, %get3A_14] : memref<128x128xf32, #tpu.memory_space<vmem>>, vector<128x128xf32>
    %dot_general3A = arith.constant dense<0.000000e+00> : vector<2000x128xf32>
    %dot_general3A_16 = tpu.matmul %mul3A_12, %get3A_15, %dot_general3A {dimension_numbers = #tpu.dot_dimension_numbers<[1], [0], [0], [1], [0, 0, 1, 1], [], []>, transpose_lhs_hint = false} : vector<2000x128xf32>, vector<128x128xf32>, vector<2000x128xf32> -> vector<2000x128xf32>
    %get3A_17 = arith.constant 0 : index
    %get3A_18 = arith.constant 0 : index
    %get3A_19 = vector.load %arg3[%get3A_17, %get3A_18] : memref<2000x128xf32, #tpu.memory_space<vmem>>, vector<2000x128xf32>
    %get3A_20 = arith.constant 0 : index
    %get3A_21 = arith.constant 0 : index
    %get3A_22 = vector.load %arg6[%get3A_20, %get3A_21] : memref<128x128xf32, #tpu.memory_space<vmem>>, vector<128x128xf32>
    %dot_general3A_23 = arith.constant dense<0.000000e+00> : vector<2000x128xf32>
    %dot_general3A_24 = tpu.matmul %get3A_19, %get3A_22, %dot_general3A_23 {dimension_numbers = #tpu.dot_dimension_numbers<[1], [0], [0], [1], [0, 0, 1, 1], [], []>, transpose_lhs_hint = false} : vector<2000x128xf32>, vector<128x128xf32>, vector<2000x128xf32> -> vector<2000x128xf32>
    %add3A_25 = arith.addf %dot_general3A_16, %dot_general3A_24 : vector<2000x128xf32>
    %get3A_26 = arith.constant 0 : index
    %get3A_27 = arith.constant 0 : index
    %get3A_28 = vector.load %arg5[%get3A_26, %get3A_27] : memref<1x128xf32, #tpu.memory_space<vmem>>, vector<1x128xf32>
    %add3A_29 = vector.broadcast %get3A_28 : vector<1x128xf32> to vector<2000x128xf32>
    %add3A_30 = arith.addf %add3A_25, %add3A_29 : vector<2000x128xf32>
    %max3A_31 = arith.constant 0.000000e+00 : f32
    %max3A_32 = vector.broadcast %max3A_31 : f32 to vector<2000x128xf32>
    %max3A_33 = arith.maximumf %add3A_30, %max3A_32 : vector<2000x128xf32>
    %get3A_34 = arith.constant 0 : index
    %get3A_35 = arith.constant 0 : index
    %get3A_36 = vector.load %arg7[%get3A_34, %get3A_35] : memref<128x64xf32, #tpu.memory_space<vmem>>, vector<128x64xf32>
    %dot_general3A_37 = arith.constant dense<0.000000e+00> : vector<2000x64xf32>
    %dot_general3A_38 = tpu.matmul %max3A_33, %get3A_36, %dot_general3A_37 {dimension_numbers = #tpu.dot_dimension_numbers<[1], [0], [0], [1], [0, 0, 1, 1], [], []>, transpose_lhs_hint = false} : vector<2000x128xf32>, vector<128x64xf32>, vector<2000x64xf32> -> vector<2000x64xf32>
    %get3A_39 = arith.constant 0 : index
    %get3A_40 = arith.constant 0 : index
    %get3A_41 = vector.load %arg8[%get3A_39, %get3A_40] : memref<1x64xf32, #tpu.memory_space<vmem>>, vector<1x64xf32>
    %add3A_42 = vector.broadcast %get3A_41 : vector<1x64xf32> to vector<2000x64xf32>
    %add3A_43 = arith.addf %dot_general3A_38, %add3A_42 : vector<2000x64xf32>
    %swap3A = arith.constant 0 : index
    %swap3A_44 = arith.constant 0 : index
    %swap3A_45 = vector.load %arg9[%swap3A, %swap3A_44] : memref<2000x64xf32, #tpu.memory_space<vmem>>, vector<2000x64xf32>
    tpu.vector_store %arg9[%swap3A, %swap3A_44], %add3A_43 {strides = array<i32>} : memref<2000x64xf32, #tpu.memory_space<vmem>>, vector<2000x64xf32>,
    return
  }
  func.func @transform_0(%arg0: i32) -> (i32, i32) {
    %c0_i32 = arith.constant 0 : i32
    %c0_i32_0 = arith.constant 0 : i32
    return %arg0, %c0_i32 : i32, i32
  }
  func.func @transform_1(%arg0: i32) -> (i32, i32) {
    %c0_i32 = arith.constant 0 : i32
    %c0_i32_0 = arith.constant 0 : i32
    return %arg0, %c0_i32 : i32, i32
  }
  func.func @transform_2(%arg0: i32) -> (i32, i32) {
    %c0_i32 = arith.constant 0 : i32
    %c0_i32_0 = arith.constant 0 : i32
    return %arg0, %c0_i32 : i32, i32
  }
  func.func @transform_3(%arg0: i32) -> (i32, i32) {
    %c0_i32 = arith.constant 0 : i32
    %c0_i32_0 = arith.constant 0 : i32
    %c0_i32_1 = arith.constant 0 : i32
    return %c0_i32, %c0_i32_0 : i32, i32
  }
  func.func @transform_4(%arg0: i32) -> (i32, i32) {
    %c0_i32 = arith.constant 0 : i32
    %c0_i32_0 = arith.constant 0 : i32
    %c0_i32_1 = arith.constant 0 : i32
    return %c0_i32, %c0_i32_0 : i32, i32
  }
  func.func @transform_5(%arg0: i32) -> (i32, i32) {
    %c0_i32 = arith.constant 0 : i32
    %c0_i32_0 = arith.constant 0 : i32
    %c0_i32_1 = arith.constant 0 : i32
    return %c0_i32, %c0_i32_0 : i32, i32
  }
  func.func @transform_6(%arg0: i32) -> (i32, i32) {
    %c0_i32 = arith.constant 0 : i32
    %c0_i32_0 = arith.constant 0 : i32
    %c0_i32_1 = arith.constant 0 : i32
    return %c0_i32, %c0_i32_0 : i32, i32
  }
  func.func @transform_7(%arg0: i32) -> (i32, i32) {
    %c0_i32 = arith.constant 0 : i32
    %c0_i32_0 = arith.constant 0 : i32
    %c0_i32_1 = arith.constant 0 : i32
    return %c0_i32, %c0_i32_0 : i32, i32
  }
  func.func @transform_8(%arg0: i32) -> (i32, i32) {
    %c0_i32 = arith.constant 0 : i32
    %c0_i32_0 = arith.constant 0 : i32
    return %arg0, %c0_i32 : i32, i32
  }
}

</mosaic_0001>

<sc_bundles>
// kernel: kernel.6.cloned.1.call-start
scs
__scs_entry_jumppad:
0x0: {  	(pc) =	sbr.rel $0x88, $3  }
0x1: {  	(tag) =	ssettag $0x0;
	lr =	simm.s32 $0x1  }
0x2: {  	[smem:$0x3F97] =	sst lr;
	_ =	strace $0xD0000000  }
0x3: {  	_ = 	snop  }
0x4: {  	_ = 	snop  }
0x5: {  	_ = 	snop  }
0x6: {  	_ = 	snop  }
0x7: {  	_ = 	snop  }
__scs_overlays_trampoline_lowered:
0x8: {  	[smem:$0x3FA6] =	sst s0  }
0x9: {  	[smem:$0x3FA7] =	sst s1  }
0xa: {  	[smem:$0x3FA8] =	sst s2  }
0xb: {  	[smem:$0x3FA9] =	sst s3  }
0xc: {  	[smem:$0x3FAA] =	sst s4  }
0xd: {  	[smem:$0x3FAB] =	sst s5  }
0xe: {  	[smem:$0x3FAC] =	sst s6  }
0xf: {  	[smem:$0x3FAD] =	sst s7  }
0x10: {  	[smem:$0x3FAE] =	sst s8  }
0x11: {  	[smem:$0x3FAF] =	sst s9;
	s0 =	simm.s32 @!p0 $0x0  }
0x12: {  	s1 =	sld [smem:$0x3F95];
	s0 =	simm.s32 @p0 $0x1  }
0x13: {  	[smem:$0x3FB0] =	sst s0;
	s0 =	simm.s32 @!p1 $0x0  }
0x14: {  	s2 =	sld [smem:$0x3F94];
	s0 =	simm.s32 @p1 $0x1  }
0x15: {  	[smem:$0x3FB1] =	sst s0;
	s0 =	simm.s32 @!p2 $0x0  }
0x16: {  	s3 =	sld [smem:$0x3FDB];
	s0 =	simm.s32 @p2 $0x1  }
0x17: {  	s4 =	simm.s32 $0x1BF5;
	[smem:$0x3FB3] =	sst s0  }
0x18: {  	s0 =	sld [smem:$0x3F96];
	_ =	swait.ge [sflag:s4], $0x0  }
0x19: {  	s7 =	sld [smem:$0x3F97]  }
0x1a: {  	s8 =	sadd.s32 $0xFFFFE003, lr  }
0x1b: {  	s9 =	sadd.s32 $0xFFFFFEF7, lr;
	s5 =	simm.s32 $0xFFFFFFFF;
	p2 =	slt.u32 s8, $0xFFFFF086  }
0x1c: {  	p1 =	slt.u32 s9, $0xF7A;
	s5 =	simm.s32 @!p2 $0x0  }
0x1d: {  	s5 =	simm.s32 @p1 $0x1;
	p0 =	seq.s32 s7, s2  }
0x1e: {  	s7 =	smul.u32 @!p0 $0xF7A, s2;
	p2 =	seq.s32 @!p0 s5, $0x0  }
0x1f: {  	s9 =	smul.u32 $0xF7A, s1;
	s8 =	simm.s32 @!p0 $0x1BF5;
	p2 =	por !p2, p0  }
0x20: {  	[sflag:s8] =	ssyncset.s32 @!p0 $0xFFFFF086;
	s6 =	sadd.s32 @!p0 s3, s7;
	s7 =	simm.s32 @!p0 $0x108  }
0x21: {  	s3 =	sadd.s32 s3, s9;
	s6 =	sadd.s32 @!p0 $0x88, s6;
	s7 =	simm.s32 @p2 $0x1082  }
0x22: {  	[simem:s7], [sflag:s8] =	dma.local @!p0 [hbm:s6], $0xF7A  }
0x23: {  	s9 =	sor.u32 $0xD0000000, s2;
	s6 =	simm.s32 $0x108;
	_ =	swait.ge @!p0 [sflag:s8], $0x0  }
0x24: {  	s3 =	sadd.s32 $0x88, s3;
	s6 =	simm.s32 @!p1 $0x1082;
	[sflag:s4] =	ssyncset.s32 $0xFFFFF086  }
0x25: {  	[simem:s6], [sflag:s4] =	dma.local [hbm:s3], $0xF7A  }
0x26: {  	[smem:$0x3F97] =	sst s1;
	(tag) =	ssettag s2;
	_ =	strace s9  }
0x27: {  	s1 =	sld [smem:$0x3FA7]  }
0x28: {  	s2 =	sld [smem:$0x3FA8]  }
0x29: {  	s4 =	sld [smem:$0x3FAA]  }
0x2a: {  	p0 =	seq.s32 s5, $0x0;
	s5 =	sld [smem:$0x3FAB]  }
0x2b: {  	s6 =	sld [smem:$0x3FAC]  }
0x2c: {  	s7 =	sld [smem:$0x3FAD]  }
0x2d: {  	s3 =	simm.s32 $0x108;
	s8 =	sld [smem:$0x3FAE]  }
0x2e: {  	s3 =	simm.s32 @!p0 $0x1082;
	s9 =	sld [smem:$0x3FAF]  }
0x2f: {  	lr =	sadd.s32 s0, s3;
	s0 =	sld [smem:$0x3FA6]  }
0x30: {  	s3 =	sld [smem:$0x3FA9]  }
0x31: {  	[smem:$0x3FB2] =	sst s10  }
0x32: {  	s10 =	sld [smem:$0x3FB0];
	_ =	sdelay $0x3  }
0x33: {  	p0 =	seq.s32 s10, $0x1;
	s10 =	sld [smem:$0x3FB2];
	_ =	sdelay $0x3  }
0x34: {  	[smem:$0x3FB2] =	sst s10  }
0x35: {  	s10 =	sld [smem:$0x3FB1];
	_ =	sdelay $0x3  }
0x36: {  	p1 =	seq.s32 s10, $0x1;
	s10 =	sld [smem:$0x3FB2];
	_ =	sdelay $0x3  }
0x37: {  	[smem:$0x3FB2] =	sst s10  }
0x38: {  	s10 =	sld [smem:$0x3FB3]  }
0x39: {  	_ = 	snop;
	(pc) =	sbr.ind lr, $3  }
0x3a: {  	_ = 	snop  }
0x3b: {  	_ = 	snop  }
0x3c: {  	p2 =	seq.s32 s10, $0x1;
	s10 =	sld [smem:$0x3FB2]  }
0x3d: {  	_ =	shalt  }
0x3e: {  	_ =	shalt  }
0x3f: {  	_ =	shalt  }
0x40: {  	_ =	shalt  }
0x41: {  	_ =	shalt  }
0x42: {  	_ =	shalt  }
0x43: {  	_ =	shalt  }
0x44: {  	_ =	shalt  }
0x45: {  	_ =	shalt  }
0x46: {  	_ =	shalt  }
0x47: {  	_ =	shalt  }
0x48: {  	_ =	shalt  }
0x49: {  	_ =	shalt  }
0x4a: {  	_ =	shalt  }
0x4b: {  	_ =	shalt  }
0x4c: {  	_ =	shalt  }
0x4d: {  	_ =	shalt  }
0x4e: {  	_ =	shalt  }
0x4f: {  	_ =	shalt  }
0x50: {  	_ =	shalt  }
0x51: {  	_ =	shalt  }
0x52: {  	_ =	shalt  }
0x53: {  	_ =	shalt  }
0x54: {  	_ =	shalt  }
0x55: {  	_ =	shalt  }
0x56: {  	_ =	shalt  }
0x57: {  	_ =	shalt  }
0x58: {  	_ =	shalt  }
0x59: {  	_ =	shalt  }
0x5a: {  	_ =	shalt  }
0x5b: {  	_ =	shalt  }
0x5c: {  	_ =	shalt  }
0x5d: {  	_ =	shalt  }
0x5e: {  	_ =	shalt  }
0x5f: {  	_ =	shalt  }
0x60: {  	_ =	shalt  }
0x61: {  	_ =	shalt  }
0x62: {  	_ =	shalt  }
0x63: {  	_ =	shalt  }
0x64: {  	_ =	shalt  }
0x65: {  	_ =	shalt  }
0x66: {  	_ =	shalt  }
0x67: {  	_ =	shalt  }
0x68: {  	_ =	shalt  }
0x69: {  	_ =	shalt  }
0x6a: {  	_ =	shalt  }
0x6b: {  	_ =	shalt  }
0x6c: {  	_ =	shalt  }
0x6d: {  	_ =	shalt  }
0x6e: {  	_ =	shalt  }
0x6f: {  	_ =	shalt  }
0x70: {  	_ =	shalt  }
0x71: {  	_ =	shalt  }
0x72: {  	_ =	shalt  }
0x73: {  	_ =	shalt  }
0x74: {  	_ =	shalt  }
0x75: {  	_ =	shalt  }
0x76: {  	_ =	shalt  }
0x77: {  	_ =	shalt  }
0x78: {  	_ =	shalt  }
0x79: {  	_ =	shalt  }
0x7a: {  	_ =	shalt  }
0x7b: {  	_ =	shalt  }
0x7c: {  	_ =	shalt  }
0x7d: {  	_ =	shalt  }
0x7e: {  	_ =	shalt  }
0x7f: {  	_ =	shalt  }
0x80: {  	_ =	shalt  }
0x81: {  	_ =	shalt  }
0x82: {  	_ =	shalt  }
0x83: {  	_ =	shalt  }
0x84: {  	_ =	shalt  }
0x85: {  	_ =	shalt  }
0x86: {  	_ =	shalt  }
0x87: {  	_ =	shalt  }
.Lfunc_end0:
.L_simem_size_0:
called_computation_lowered:
.L_overlay_start_0:
0x88: {  	s2 =	sld [smem:$0x3FD9]  }
0x89: {  	s3 =	sld [smem:$0x3FFE];
	_ =	sdelay $0x1  }
0x8a: {  	s1 =	srdreg.scid  }
0x8b: {  	s0 =	sand.u32 $0x1, s1  }
0x8c: {  	s17 =	sshll.u32 s0, $0xA;
	s2 =	sadd.s32 s3, s2  }
0x8d: {  	s2 =	sadd.s32 s2, s17  }
0x8e: {  	[smem:$0x3FBE] =	sst s2  }
0x8f: {  	_ = 	snop  }
0x90: {  	s2 =	sld [smem:$0x3FC9]  }
0x91: {  	s18 =	sld [smem:$0x3FD0];
	(tm) =	ssettm $0x1  }
0x92: {  	s4 =	sld [smem:$0x3FFB];
	_ =	sdelay $0x3  }
0x93: {  	_ =	strace s4  }
0x94: {  	s4 =	sld [smem:$0x3FFC];
	_ =	sdelay $0x3  }
0x95: {  	_ =	strace s4  }
0x96: {  	s4 =	sld [smem:$0x3FFD];
	_ =	sdelay $0x3  }
0x97: {  	_ =	strace s4  }
0x98: {  	_ =	strace $0x8FFFFFFF  }
0x99: {  	s19 =	sld [smem:$0x3FDB];
	_ =	sdelay $0x1  }
0x9a: {  	s5 =	simm.s32 $_scs_section_size  }
0x9b: {  	s6 =	simm.s32 $_size__tile_overlayer_lowered;
	s7 =	simm.s32 $_tile_overlayer_lowered  }
0x9c: {  	s22 =	simm.s32 $0x1BFF;
	s21 =	sshll.u32 s7, $0x1;
	s4 =	sadd.s32 s5, s19  }
0x9d: {  	s8 =	simm.s32 $0x0;
	s20 =	sshll.u32 s6, $0x1;
	s6 =	sadd.s32 s21, s4  }
0x9e: {  	[timem:s8], [sflag:s22] =	dma.local [hbm:s6], s20  }
0x9f: {  	_ =	swait.ge [sflag:s22], s20  }
0xa0: {  	s5 =	ssub.s32 $0x0, s20;
	[sflag:s22] =	ssyncset.done $0x0  }
0xa1: {  	[sflag:s22] =	ssyncadd.s32 s5;
	_ =	sdelay $0x1  }
0xa2: {  	s23 =	simm.s32 $0x1B8B  }
0xa3: {  	_ =	swait.ge [sflag:s23], $0x1  }
0xa4: {  	[sflag:s23] =	ssyncset.done $0x0  }
0xa5: {  	s25 =	simm.s32 $0x1B8E;
	s24 =	sld [smem:$0x3FFE];
	[sflag:s23] =	ssyncadd.s32 $0xFFFFFFFF  }
0xa6: {  	s26 =	simm.s32 $execute0_lowered;
	[smem:$0x3FD2] =	sst s25  }
0xa7: {  	s6 =	sshll.u32 s26, $0x1;
	_ =	strace $0x80000046;
	[dreg:$0x1] =	wrdreg $0xFFFFFFFF  }
0xa8: {  	s28 =	simm.s32 $_size_execute0_lowered;
	s4 =	sadd.s32 s4, s6;
	[dreg:$0x0] =	wrdreg $0x0  }
0xa9: {  	s6 =	sshll.u32 s28, $0x1;
	[dreg:$0x2] =	wrdreg s4  }
0xaa: {  	[dreg:$0x3] =	wrdreg s6  }
0xab: {  	[dreg:$0x4] =	wrdreg $0xC0  }
0xac: {  	_ =	task [dreg:s8], $0x5FFFF  }
0xad: {  	[dreg:$0x1] =	wrdreg $0xFFFFFFFF  }
0xae: {  	[dreg:$0x0] =	wrdreg $0x60  }
0xaf: {  	[dreg:$0x2] =	wrdreg s2  }
0xb0: {  	[dreg:$0x3] =	wrdreg s24  }
0xb1: {  	[dreg:$0x4] =	wrdreg s18  }
0xb2: {  	[dreg:$0x5] =	wrdreg $0x104500  }
0xb3: {  	[dreg:$0x6] =	wrdreg $0x1A4500  }
0xb4: {  	[dreg:$0x7] =	wrdreg $0x9  }
0xb5: {  	_ =	task.clear_ibuf [dreg:s8], $0x8FFFF;
	_ =	strace $0x90000046  }
0xb6: {  	s29 =	simm.s32 $0x9;
	_ =	strace $0x80000048  }
0xb7: {  	_ =	swait.ge [sflag:s29], $0x1  }
0xb8: {  	[sflag:s29] =	ssyncadd.s32 $0xFFFFFFFF  }
0xb9: {  	_ =	strace $0x90000048  }
0xba: {  	_ =	sfence  }
0xbb: {  	s30 =	sld [smem:$0x0];
	_ =	sdelay $0x2  }
0xbc: {  	s31 =	sshll.u32 s1, $0xD;
	s1 =	sshrl.u32 s1, $0x2  }
0xbd: {  	s3 =	sand.u32 $0x4000, s31;
	s1 =	sadd.s32 s1, s30  }
0xbe: {  	s0 =	sor.u32 s3, s0;
	s1 =	sshll.u32 s1, $0x11  }
0xbf: {  	s0 =	sor.u32 s1, s0  }
0xc0: {  	s0 =	sadd.s32 $0x8F2B, s0  }
0xc1: {  	[sflag:s0] =	ssyncadd.remote.s32 $0x1  }
0xc2: {  	_ =	sfence.sel $0xFFFF  }
0xc3: {  	[dreg:$0x0] =	wrdreg $0xFFFFFFFF;
	(pc) =	sbr.abs _section_cstart, $3  }
0xc4: {  	[dreg:$0x1] =	wrdreg $0xFFFFFFFF  }
0xc5: {  	_ =	task.clear_ibuf [dreg:s8], $0x2FFFF;
	_ =	strace $0x9FFFFFFF  }
0xc6: {  	(tm) =	ssettm $0x7FFFFFFF  }
0xc7: {  	_ =	shalt  }
tec
execute0_lowered:
.L_overlay_start_1:
0x0: {  	(tag) =	ssettag $0x1  }
0x1: {  	s1 =	rddreg [dreg:$0x0]  }
0x2: {  	s0 =	rddreg [dreg:$0x1]  }
0x3: {  	s2 =	rddreg [dreg:$0x2]  }
0x4: {  	s3 =	rddreg [dreg:$0x3]  }
0x5: {  	s4 =	rddreg [dreg:$0x4];
	s5 =	stileid.u32;
	s7 =	simm.s32 $0x0  }
0x6: {  	s9 =	srdreg.scid;
	s26 =	simm.s32 $0x9D80;
	s6 =	smul.u32 $0x9C4, s5  }
0x7: {  	s29 =	simm.s32 $0x9DD0;
	s31 =	simm.s32 $0xB1D0;
	s18 =	smul.u32 $0xA000, s5  }
0x8: {  	s28 =	simm.s32 $0xEDD0;
	s30 =	simm.s32 $0x1;
	s8 =	smul.u32 $0x1400, s5  }
0x9: {  	[smem:$0x7FF] =	sst s7;
	s16 =	sand.u32 $0x1, s9;
	s19 =	smul.u32 $0x14000, s5  }
0xa: {  	s15 =	sadd.s32 $0x23400, s0;
	s5 =	sshll.u32 s5, $0x6;
	_ =	strace $0x80000047  }
0xb: {  	s12 =	sshll.u32 s16, $0x6;
	s14 =	ssub.s32 $0x2, s16;
	[dreg:$0x8] =	wrdreg s15  }
0xc: {  	s21 =	sor.u32 $0x1C0C, s5;
	[dreg:$0x9] =	wrdreg s5;
	s25 =	sor.u32 $0x1C0D, s5  }
0xd: {  	[dreg:$0x6] =	wrdreg s26;
	p0 =	sne.s32 s16, $0x0;
	s26 =	simm.s32 $0x50  }
0xe: {  	[dreg:$0x7] =	wrdreg s16;
	s10 =	sadd.s32 s6, s0;
	s11 =	sshrl.u32 s18, $0x3  }
0xf: {  	s13 =	sshrl.u32 s8, $0x3;
	s12 =	sor.u32 s12, s19;
	s20 =	sshrl.u32 s14, $0x1  }
0x10: {  	s7 =	sadd.s32 s18, s3;
	[dreg:$0xb] =	wrdreg s21;
	s8 =	sadd.s32 s8, s4  }
0x11: {  	s9 =	sshrl.u32 s19, $0x3;
	s2 =	sadd.s32 s2, s6;
	[dreg:$0x12] =	wrdreg s25  }
0x12: {  	s21 =	simm.s32 $0x3;
	s6 =	simm.s32 $0x4;
	s11 =	sadd.s32 s11, s0  }
0x13: {  	s13 =	sadd.s32 s13, s0;
	s12 =	sshrl.u32 s12, $0x3;
	s14 =	ssub.s32 s14, s20  }
0x14: {  	s10 =	sadd.s32 $0x2E00, s10;
	[dreg:$0xe] =	wrdreg s2;
	s18 =	sshrl.u32 s7, $0x3  }
0x15: {  	s20 =	sshrl.u32 s8, $0x3;
	s2 =	simm.s32 $0xC5D0;
	s8 =	simm.s32 $0x5  }
0x16: {  	s12 =	sadd.s32 s12, s0;
	s11 =	sadd.s32 $0xCC00, s11;
	[dreg:$0xd] =	wrdreg s10  }
0x17: {  	s0 =	sadd.s32 s16, s0;
	s22 =	sadd.s32 $0x20C00, s13;
	[dreg:$0xa] =	wrdreg s11  }
0x18: {  	s24 =	smax.u32 s14, $0x1;
	[dreg:$0xc] =	wrdreg s22;
	s0 =	sadd.s32 s9, s0  }
0x19: {  	s23 =	sadd.s32 $0x23600, s12;
	[dreg:$0x11] =	wrdreg s24;
	s22 =	simm.s32 $0xE  }
0x1a: {  	s12 =	simm.s32 $0x0;
	[dreg:$0xf] =	wrdreg s23;
	s0 =	sadd.s32 $0x4B600, s0  }
0x1b: {  	v0 =	vmov s16;
	s23 =	simm.s32 $0xD9D0;
	[dreg:$0x10] =	wrdreg s0;
	s0 =	simm.s32 $0x2  }
.LBB2_1:
0x1c: {  	s5 =	rddreg [dreg:$0xa]  }
0x1d: {  	s7 =	rddreg [dreg:$0xb]  }
0x1e: {  	[spmem:s18], [sflag:s7] =	dma.local [hbm:s5], $0x1400  }
0x1f: {  	s5 =	rddreg [dreg:$0xc]  }
0x20: {  	s7 =	rddreg [dreg:$0x12]  }
0x21: {  	[spmem:s20], [sflag:s7] =	dma.local [hbm:s5], $0x280  }
0x22: {  	s17 =	simm.s32 $0x0;
	s9 =	simm.s32 $0x101D0;
	s7 =	rddreg [dreg:$0x8]  }
0x23: {  	[tilespmem:s9], [sflag:$0xE] =	stream.linear.gather [hbm4b:s7+s17], $0x280, $0x38;
	[tilespmem:$0x1B850] =	vst v63  }
0x24: {  	_ =	swait.ge [sflag:s22], $0x280  }
0x25: {  	[sflag:s22] =	ssyncset.done $0x0  }
0x26: {  	s19 =	rddreg [dreg:$0xd];
	[sflag:s22] =	ssyncadd.s32 $0xFFFFFD80  }
0x27: {  	[tilespmem:s17], [sflag:$0xE] =	stream.linear.gather [hbm4b:s19+s17], $0x4E20, $0x38;
	[tilespmem:$0x1B850] =	vst v63  }
0x28: {  	_ =	swait.ge [sflag:s22], $0x4E20  }
0x29: {  	[sflag:s22] =	ssyncset.done $0x0  }
0x2a: {  	s25 =	simm.s32 $0x4E20;
	s24 =	rddreg [dreg:$0xe];
	[sflag:s22] =	ssyncadd.s32 $0xFFFFB1E0  }
0x2b: {  	[tilespmem:s25], [sflag:$0xE] =	stream.linear.gather [hbm4b:s24+s17], $0x4E20, $0x38;
	[tilespmem:$0x1B850] =	vst v63  }
0x2c: {  	_ =	swait.ge [sflag:s22], $0x4E20  }
0x2d: {  	[sflag:s22] =	ssyncset.done $0x0  }
0x2e: {  	s7 =	simm.s32 $0xC;
	[sflag:s22] =	ssyncadd.s32 $0xFFFFB1E0  }
0x2f: {  	_ =	swait.ge [sflag:s7], $0x1400  }
0x30: {  	[sflag:s7] =	ssyncset.done $0x0  }
0x31: {  	s9 =	simm.s32 $0xD;
	[sflag:s7] =	ssyncadd.s32 $0xFFFFEC00  }
0x32: {  	_ =	swait.ge [sflag:s9], $0x280  }
0x33: {  	[sflag:s9] =	ssyncset.done $0x0  }
0x34: {  	[sflag:s9] =	ssyncadd.s32 $0xFFFFFD80  }
0x35: {  	[bflag:$0x0] =	sbarrier.arrive $0xFFFF  }
0x36: {  	v1 =	vld [tilespmem:$0x0]  }
0x37: {  	v2 =	vld [tilespmem:$0x10]  }
0x38: {  	v3 =	vld [tilespmem:$0x20]  }
0x39: {  	v4 =	vld [tilespmem:$0x30]  }
0x3a: {  	v5 =	vld [tilespmem:$0x40]  }
0x3b: {  	v1 =	vshll.u32 v1, $0x1  }
0x3c: {  	v2 =	vshll.u32 v2, $0x1;
	v1 =	vor.u32 v0, v1  }
0x3d: {  	[tilespmem:$0x9C40] =	vst v1;
	v1 =	vor.u32 v0, v2;
	v2 =	vshll.u32 v3, $0x1  }
0x3e: {  	[tilespmem:$0x9C50] =	vst v1;
	v1 =	vor.u32 v0, v2;
	v2 =	vshll.u32 v4, $0x1  }
0x3f: {  	[tilespmem:$0x9C60] =	vst v1;
	v1 =	vor.u32 v0, v2;
	v2 =	vshll.u32 v5, $0x1  }
0x40: {  	[tilespmem:$0x9C70] =	vst v1;
	v1 =	vor.u32 v0, v2  }
0x41: {  	s10 =	simm.s32 $0x9C40;
	[tilespmem:$0x9C80] =	vst v1  }
0x42: {  	[tilespmem:s29], [sflag:$0x1] =	stream.indirect.gather [hbm4b:s1+s26], $0x40, s10, s26, $0xb8;
	[tilespmem:$0x1B850] =	vst v63  }
0x43: {  	v1 =	vld [tilespmem:$0x50]  }
0x44: {  	v2 =	vld [tilespmem:$0x60]  }
0x45: {  	v3 =	vld [tilespmem:$0x70]  }
0x46: {  	v58 =	vld [tilespmem:$0x80]  }
0x47: {  	v59 =	vld [tilespmem:$0x90]  }
0x48: {  	v1 =	vshll.u32 v1, $0x1  }
0x49: {  	v2 =	vshll.u32 v2, $0x1;
	v1 =	vor.u32 v0, v1  }
0x4a: {  	[tilespmem:$0x9C90] =	vst v1;
	v1 =	vor.u32 v0, v2;
	v2 =	vshll.u32 v3, $0x1  }
0x4b: {  	[tilespmem:$0x9CA0] =	vst v1;
	v1 =	vor.u32 v0, v2;
	v2 =	vshll.u32 v58, $0x1  }
0x4c: {  	[tilespmem:$0x9CB0] =	vst v1;
	v1 =	vor.u32 v0, v2;
	v2 =	vshll.u32 v59, $0x1  }
0x4d: {  	[tilespmem:$0x9CC0] =	vst v1;
	v1 =	vor.u32 v0, v2  }
0x4e: {  	s11 =	simm.s32 $0x9C90;
	[tilespmem:$0x9CD0] =	vst v1  }
0x4f: {  	[tilespmem:s31], [sflag:$0x2] =	stream.indirect.gather [hbm4b:s1+s26], $0x40, s11, s26, $0xb8;
	[tilespmem:$0x1B850] =	vst v63  }
0x50: {  	v1 =	vld [tilespmem:$0xA0]  }
0x51: {  	v2 =	vld [tilespmem:$0xB0]  }
0x52: {  	v3 =	vld [tilespmem:$0xC0]  }
0x53: {  	v60 =	vld [tilespmem:$0xD0]  }
0x54: {  	v61 =	vld [tilespmem:$0xE0]  }
0x55: {  	v1 =	vshll.u32 v1, $0x1  }
0x56: {  	v2 =	vshll.u32 v2, $0x1;
	v1 =	vor.u32 v0, v1  }
0x57: {  	[tilespmem:$0x9CE0] =	vst v1;
	v1 =	vor.u32 v0, v2;
	v2 =	vshll.u32 v3, $0x1  }
0x58: {  	[tilespmem:$0x9CF0] =	vst v1;
	v1 =	vor.u32 v0, v2;
	v2 =	vshll.u32 v60, $0x1  }
0x59: {  	[tilespmem:$0x9D00] =	vst v1;
	v1 =	vor.u32 v0, v2;
	v2 =	vshll.u32 v61, $0x1  }
0x5a: {  	[tilespmem:$0x9D10] =	vst v1;
	v1 =	vor.u32 v0, v2  }
0x5b: {  	s13 =	simm.s32 $0x9CE0;
	[tilespmem:$0x9D20] =	vst v1  }
0x5c: {  	[tilespmem:s2], [sflag:$0x3] =	stream.indirect.gather [hbm4b:s1+s26], $0x40, s13, s26, $0xb8;
	[tilespmem:$0x1B850] =	vst v63  }
0x5d: {  	v1 =	vld [tilespmem:$0xF0]  }
0x5e: {  	v2 =	vld [tilespmem:$0x100]  }
0x5f: {  	v3 =	vld [tilespmem:$0x110]  }
0x60: {  	v62 =	vld [tilespmem:$0x120]  }
0x61: {  	v63 =	vld [tilespmem:$0x130]  }
0x62: {  	v1 =	vshll.u32 v1, $0x1  }
0x63: {  	v2 =	vshll.u32 v2, $0x1;
	v1 =	vor.u32 v0, v1  }
0x64: {  	[tilespmem:$0x9D30] =	vst v1;
	v1 =	vor.u32 v0, v2;
	v2 =	vshll.u32 v3, $0x1  }
0x65: {  	[tilespmem:$0x9D40] =	vst v1;
	v1 =	vor.u32 v0, v2;
	v2 =	vshll.u32 v62, $0x1  }
0x66: {  	[tilespmem:$0x9D50] =	vst v1;
	v1 =	vor.u32 v0, v2;
	v2 =	vshll.u32 v63, $0x1  }
0x67: {  	p2 =	por $0x1, $0x1;
	[tilespmem:$0x9D60] =	vst v1;
	v1 =	vor.u32 v0, v2  }
0x68: {  	s14 =	simm.s32 $0x9D30;
	s7 =	simm.s32 @!p2 $0xA;
	[tilespmem:$0x9D70] =	vst v1  }
0x69: {  	[tilespmem:s23], [sflag:$0x4] =	stream.indirect.gather [hbm4b:s1+s26], $0x40, s14, s26, $0xb8;
	[tilespmem:$0x1B850] =	vst v63  }
0x6a: {  	_ =	swait.ge @!p2 [sflag:s7], $0x1400  }
0x6b: {  	[sflag:s7] =	ssyncset.done @!p2 $0x0  }
0x6c: {  	s15 =	simm.s32 $0x0;
	[sflag:s7] =	ssyncadd.s32 @!p2 $0xFFFFEC00  }
0x6d: {  	v1 =	vld [tilespmem:s15+$0x140];
	_ =	sdelay $0x4  }
0x6e: {  	v1 =	vshll.u32 v1, $0x1  }
0x6f: {  	v1 =	vor.u32 v0, v1  }
0x70: {  	[tilespmem:$0x9D80] =	vst v1  }
0x71: {  	v1 =	vld [tilespmem:s15+$0x150];
	_ =	sdelay $0x4  }
0x72: {  	v1 =	vshll.u32 v1, $0x1  }
0x73: {  	v1 =	vor.u32 v0, v1  }
0x74: {  	[tilespmem:$0x9D90] =	vst v1  }
0x75: {  	v1 =	vld [tilespmem:s15+$0x160];
	_ =	sdelay $0x4  }
0x76: {  	v1 =	vshll.u32 v1, $0x1  }
0x77: {  	v1 =	vor.u32 v0, v1  }
0x78: {  	[tilespmem:$0x9DA0] =	vst v1  }
0x79: {  	v1 =	vld [tilespmem:s15+$0x170];
	_ =	sdelay $0x4  }
0x7a: {  	v1 =	vshll.u32 v1, $0x1  }
0x7b: {  	v1 =	vor.u32 v0, v1  }
0x7c: {  	[tilespmem:$0x9DB0] =	vst v1  }
0x7d: {  	v1 =	vld [tilespmem:s15+$0x180];
	_ =	sdelay $0x4  }
0x7e: {  	v1 =	vshll.u32 v1, $0x1  }
0x7f: {  	s16 =	rddreg [dreg:$0x6];
	v1 =	vor.u32 v0, v1  }
0x80: {  	s17 =	rddreg [dreg:$0x7];
	[tilespmem:$0x9DC0] =	vst v1  }
0x81: {  	[tilespmem:s28], [sflag:$0x5] =	stream.indirect.gather [hbm4b:s1+s26], $0x40, s16, s26, $0xb8;
	[tilespmem:$0x1B850] =	vst v63  }
0x82: {  	p1 =	por $0x0, $0x0;
	p3 =	seq.s32 s17, $0x1;
	_ =	swait.ge [sflag:s30], $0x1400  }
0x83: {  	p1 =	por !p1, !p3;
	[sflag:s30] =	ssyncset.done $0x0  }
0x84: {  	s7 =	simm.s32 $0x4E20;
	p1 =	por !p1, !p1;
	[sflag:s30] =	ssyncadd.s32 $0xFFFFEC00  }
0x85: {  	[spmem:s3] =	stream.indirect.scatter.add.f32 [tilespmem:s29], [sflag:$0x6], $0x40, s7, s26, $0xb8;
	[tilespmem:$0x1B850] =	vst v63  }
0x86: {  	s9 =	simm.s32 @!p3 $0x50;
	s11 =	simm.s32 @!p3 $0x101D0;
	s13 =	simm.s32 @p1 $0xB  }
0x87: {  	[spmem:s4] =	stream.indirect.scatter.add.f32 @!p3 [tilespmem:s11], [sflag:$0xB], $0x8, s7, s9, $0xb8;
	[tilespmem:$0x1B850] =	vst v63  }
0x88: {  	_ =	swait.ge @p1 [sflag:s13], $0x280  }
0x89: {  	p3 =	por $0x0, $0x0;
	[sflag:s13] =	ssyncset.done @p1 $0x0  }
0x8a: {  	s7 =	simm.s32 @!p3 $0x6;
	[sflag:s13] =	ssyncadd.s32 @p1 $0xFFFFFD80  }
0x8b: {  	_ =	swait.ge @!p3 [sflag:s7], $0x1400  }
0x8c: {  	[sflag:s7] =	ssyncset.done @!p3 $0x0  }
0x8d: {  	s11 =	simm.s32 @!p3 $0x0;
	[sflag:s7] =	ssyncadd.s32 @!p3 $0xFFFFEC00  }
0x8e: {  	v1 =	vld @!p3 [tilespmem:s11+$0x190];
	_ =	sdelay $0x4  }
0x8f: {  	v1 =	vshll.u32 @!p3 v1, $0x1  }
0x90: {  	v1 =	vor.u32 @!p3 v0, v1  }
0x91: {  	[tilespmem:$0x9C40] =	vst @!p3 v1  }
0x92: {  	v1 =	vld @!p3 [tilespmem:s11+$0x1A0];
	_ =	sdelay $0x4  }
0x93: {  	v1 =	vshll.u32 @!p3 v1, $0x1  }
0x94: {  	v1 =	vor.u32 @!p3 v0, v1  }
0x95: {  	[tilespmem:$0x9C50] =	vst @!p3 v1  }
0x96: {  	v1 =	vld @!p3 [tilespmem:s11+$0x1B0];
	_ =	sdelay $0x4  }
0x97: {  	v1 =	vshll.u32 @!p3 v1, $0x1  }
0x98: {  	v1 =	vor.u32 @!p3 v0, v1  }
0x99: {  	[tilespmem:$0x9C60] =	vst @!p3 v1  }
0x9a: {  	v1 =	vld @!p3 [tilespmem:s11+$0x1C0];
	_ =	sdelay $0x4  }
0x9b: {  	v1 =	vshll.u32 @!p3 v1, $0x1  }
0x9c: {  	v1 =	vor.u32 @!p3 v0, v1  }
0x9d: {  	[tilespmem:$0x9C70] =	vst @!p3 v1  }
0x9e: {  	v1 =	vld @!p3 [tilespmem:s11+$0x1D0];
	_ =	sdelay $0x4  }
0x9f: {  	s19 =	srdreg.scid;
	v1 =	vshll.u32 @!p3 v1, $0x1  }
0xa0: {  	s15 =	sadd.s32 $0x1, s19;
	v1 =	vor.u32 @!p3 v0, v1  }
0xa1: {  	s14 =	simm.s32 @!p3 $0x50;
	s9 =	simm.s32 @!p3 $0x9DD0;
	s7 =	simm.s32 @!p3 $0x9C40;
	[tilespmem:$0x9C80] =	vst @!p3 v1  }
0xa2: {  	[tilespmem:s9], [sflag:$0x1] =	stream.indirect.gather @!p3 [hbm4b:s1+s14], $0x40, s7, s14, $0xb8;
	[tilespmem:$0x1B850] =	vst v63  }
0xa3: {  	s24 =	sand.u32 $0x1, s15;
	_ =	swait.ge [sflag:s0], $0x1400  }
0xa4: {  	p4 =	seq.s32 s24, $0x1;
	[sflag:s0] =	ssyncset.done $0x0  }
0xa5: {  	p5 =	por !p4, p2;
	s7 =	simm.s32 $0x4E70;
	[sflag:s0] =	ssyncadd.s32 $0xFFFFEC00  }
0xa6: {  	[spmem:s3] =	stream.indirect.scatter.add.f32 [tilespmem:s31], [sflag:$0x7], $0x40, s7, s26, $0xb8;
	[tilespmem:$0x1B850] =	vst v63  }
0xa7: {  	s15 =	simm.s32 @!p4 $0x50;
	s16 =	simm.s32 @!p5 $0xB;
	s9 =	simm.s32 @!p4 $0x101D0  }
0xa8: {  	[spmem:s4] =	stream.indirect.scatter.add.f32 @!p4 [tilespmem:s9], [sflag:$0xB], $0x8, s7, s15, $0xb8;
	[tilespmem:$0x1B850] =	vst v63  }
0xa9: {  	_ =	swait.ge @!p5 [sflag:s16], $0x280  }
0xaa: {  	[sflag:s16] =	ssyncset.done @!p5 $0x0  }
0xab: {  	s7 =	simm.s32 @!p3 $0x7;
	[sflag:s16] =	ssyncadd.s32 @!p5 $0xFFFFFD80  }
0xac: {  	_ =	swait.ge @!p3 [sflag:s7], $0x1400  }
0xad: {  	[sflag:s7] =	ssyncset.done @!p3 $0x0  }
0xae: {  	[sflag:s7] =	ssyncadd.s32 @!p3 $0xFFFFEC00  }
0xaf: {  	v1 =	vld @!p3 [tilespmem:s11+$0x1E0];
	_ =	sdelay $0x4  }
0xb0: {  	v1 =	vshll.u32 @!p3 v1, $0x1  }
0xb1: {  	v1 =	vor.u32 @!p3 v0, v1  }
0xb2: {  	[tilespmem:$0x9C90] =	vst @!p3 v1  }
0xb3: {  	v1 =	vld @!p3 [tilespmem:s11+$0x1F0];
	_ =	sdelay $0x4  }
0xb4: {  	v1 =	vshll.u32 @!p3 v1, $0x1  }
0xb5: {  	v1 =	vor.u32 @!p3 v0, v1  }
0xb6: {  	[tilespmem:$0x9CA0] =	vst @!p3 v1  }
0xb7: {  	v1 =	vld @!p3 [tilespmem:s11+$0x200];
	_ =	sdelay $0x4  }
0xb8: {  	v1 =	vshll.u32 @!p3 v1, $0x1  }
0xb9: {  	v1 =	vor.u32 @!p3 v0, v1  }
0xba: {  	[tilespmem:$0x9CB0] =	vst @!p3 v1  }
0xbb: {  	v1 =	vld @!p3 [tilespmem:s11+$0x210];
	_ =	sdelay $0x4  }
0xbc: {  	v1 =	vshll.u32 @!p3 v1, $0x1  }
0xbd: {  	v1 =	vor.u32 @!p3 v0, v1  }
0xbe: {  	[tilespmem:$0x9CC0] =	vst @!p3 v1  }
0xbf: {  	v1 =	vld @!p3 [tilespmem:s11+$0x220];
	_ =	sdelay $0x4  }
0xc0: {  	v1 =	vshll.u32 @!p3 v1, $0x1  }
0xc1: {  	v1 =	vor.u32 @!p3 v0, v1  }
0xc2: {  	s9 =	simm.s32 @!p3 $0xB1D0;
	s7 =	simm.s32 @!p3 $0x9C90;
	[tilespmem:$0x9CD0] =	vst @!p3 v1  }
0xc3: {  	[tilespmem:s9], [sflag:$0x2] =	stream.indirect.gather @!p3 [hbm4b:s1+s14], $0x40, s7, s14, $0xb8;
	[tilespmem:$0x1B850] =	vst v63  }
0xc4: {  	_ =	swait.ge [sflag:s21], $0x1400  }
0xc5: {  	[sflag:s21] =	ssyncset.done $0x0  }
0xc6: {  	s15 =	simm.s32 $0x4EC0;
	[sflag:s21] =	ssyncadd.s32 $0xFFFFEC00  }
0xc7: {  	[spmem:s3] =	stream.indirect.scatter.add.f32 [tilespmem:s2], [sflag:$0x8], $0x40, s15, s26, $0xb8;
	[tilespmem:$0x1B850] =	vst v63  }
0xc8: {  	s9 =	simm.s32 @!p0 $0x50;
	s7 =	simm.s32 @!p0 $0x101D0  }
0xc9: {  	[spmem:s4] =	stream.indirect.scatter.add.f32 @!p0 [tilespmem:s7], [sflag:$0xB], $0x8, s15, s9, $0xb8;
	[tilespmem:$0x1B850] =	vst v63  }
0xca: {  	_ =	swait.ge @p1 [sflag:s13], $0x280  }
0xcb: {  	[sflag:s13] =	ssyncset.done @p1 $0x0  }
0xcc: {  	s15 =	simm.s32 @!p3 $0x8;
	[sflag:s13] =	ssyncadd.s32 @p1 $0xFFFFFD80  }
0xcd: {  	_ =	swait.ge @!p3 [sflag:s15], $0x1400  }
0xce: {  	[sflag:s15] =	ssyncset.done @!p3 $0x0  }
0xcf: {  	[sflag:s15] =	ssyncadd.s32 @!p3 $0xFFFFEC00  }
0xd0: {  	v1 =	vld @!p3 [tilespmem:s11+$0x230];
	_ =	sdelay $0x4  }
0xd1: {  	v1 =	vshll.u32 @!p3 v1, $0x1  }
0xd2: {  	v1 =	vor.u32 @!p3 v0, v1  }
0xd3: {  	[tilespmem:$0x9CE0] =	vst @!p3 v1  }
0xd4: {  	v1 =	vld @!p3 [tilespmem:s11+$0x240];
	_ =	sdelay $0x4  }
0xd5: {  	v1 =	vshll.u32 @!p3 v1, $0x1  }
0xd6: {  	v1 =	vor.u32 @!p3 v0, v1  }
0xd7: {  	[tilespmem:$0x9CF0] =	vst @!p3 v1  }
0xd8: {  	v1 =	vld @!p3 [tilespmem:s11+$0x250];
	_ =	sdelay $0x4  }
0xd9: {  	v1 =	vshll.u32 @!p3 v1, $0x1  }
0xda: {  	v1 =	vor.u32 @!p3 v0, v1  }
0xdb: {  	[tilespmem:$0x9D00] =	vst @!p3 v1  }
0xdc: {  	v1 =	vld @!p3 [tilespmem:s11+$0x260];
	_ =	sdelay $0x4  }
0xdd: {  	v1 =	vshll.u32 @!p3 v1, $0x1  }
0xde: {  	v1 =	vor.u32 @!p3 v0, v1  }
0xdf: {  	[tilespmem:$0x9D10] =	vst @!p3 v1  }
0xe0: {  	v1 =	vld @!p3 [tilespmem:s11+$0x270];
	_ =	sdelay $0x4  }
0xe1: {  	v1 =	vshll.u32 @!p3 v1, $0x1  }
0xe2: {  	v1 =	vor.u32 @!p3 v0, v1  }
0xe3: {  	s16 =	simm.s32 @!p3 $0x9CE0;
	s15 =	simm.s32 @!p3 $0xC5D0;
	[tilespmem:$0x9D20] =	vst @!p3 v1  }
0xe4: {  	[tilespmem:s15], [sflag:$0x3] =	stream.indirect.gather @!p3 [hbm4b:s1+s14], $0x40, s16, s14, $0xb8;
	[tilespmem:$0x1B850] =	vst v63  }
0xe5: {  	s25 =	sadd.s32 $0x3, s19;
	_ =	swait.ge [sflag:s6], $0x1400  }
0xe6: {  	s15 =	sand.u32 $0x1, s25;
	[sflag:s6] =	ssyncset.done $0x0  }
0xe7: {  	s16 =	simm.s32 $0x4F10;
	p4 =	seq.s32 s15, $0x1;
	[sflag:s6] =	ssyncadd.s32 $0xFFFFEC00  }
0xe8: {  	[spmem:s3] =	stream.indirect.scatter.add.f32 [tilespmem:s23], [sflag:$0x9], $0x40, s16, s26, $0xb8;
	[tilespmem:$0x1B850] =	vst v63  }
0xe9: {  	s15 =	simm.s32 @!p4 $0x101D0;
	s17 =	simm.s32 @!p4 $0x50;
	p2 =	por !p4, p2  }
0xea: {  	[spmem:s4] =	stream.indirect.scatter.add.f32 @!p4 [tilespmem:s15], [sflag:$0xB], $0x8, s16, s17, $0xb8;
	[tilespmem:$0x1B850] =	vst v63  }
0xeb: {  	s15 =	simm.s32 @!p2 $0xB  }
0xec: {  	_ =	swait.ge @!p2 [sflag:s15], $0x280  }
0xed: {  	[sflag:s15] =	ssyncset.done @!p2 $0x0  }
0xee: {  	s16 =	simm.s32 @!p3 $0x9;
	[sflag:s15] =	ssyncadd.s32 @!p2 $0xFFFFFD80  }
0xef: {  	_ =	swait.ge @!p3 [sflag:s16], $0x1400  }
0xf0: {  	[sflag:s16] =	ssyncset.done @!p3 $0x0  }
0xf1: {  	[sflag:s16] =	ssyncadd.s32 @!p3 $0xFFFFEC00  }
0xf2: {  	v1 =	vld @!p3 [tilespmem:s11+$0x280];
	_ =	sdelay $0x4  }
0xf3: {  	v1 =	vshll.u32 @!p3 v1, $0x1  }
0xf4: {  	v1 =	vor.u32 @!p3 v0, v1  }
0xf5: {  	[tilespmem:$0x9D30] =	vst @!p3 v1  }
0xf6: {  	v1 =	vld @!p3 [tilespmem:s11+$0x290];
	_ =	sdelay $0x4  }
0xf7: {  	v1 =	vshll.u32 @!p3 v1, $0x1  }
0xf8: {  	v1 =	vor.u32 @!p3 v0, v1  }
0xf9: {  	[tilespmem:$0x9D40] =	vst @!p3 v1  }
0xfa: {  	v1 =	vld @!p3 [tilespmem:s11+$0x2A0];
	_ =	sdelay $0x4  }
0xfb: {  	v1 =	vshll.u32 @!p3 v1, $0x1  }
0xfc: {  	v1 =	vor.u32 @!p3 v0, v1  }
0xfd: {  	[tilespmem:$0x9D50] =	vst @!p3 v1  }
0xfe: {  	v1 =	vld @!p3 [tilespmem:s11+$0x2B0];
	_ =	sdelay $0x4  }
0xff: {  	v1 =	vshll.u32 @!p3 v1, $0x1  }
0x100: {  	v1 =	vor.u32 @!p3 v0, v1  }
0x101: {  	[tilespmem:$0x9D60] =	vst @!p3 v1  }
0x102: {  	v1 =	vld @!p3 [tilespmem:s11+$0x2C0];
	_ =	sdelay $0x4  }
0x103: {  	v1 =	vshll.u32 @!p3 v1, $0x1  }
0x104: {  	p5 =	por p0, p0;
	s17 =	simm.s32 $0x4F60;
	v1 =	vor.u32 @!p3 v0, v1  }
0x105: {  	s15 =	simm.s32 @!p3 $0xD9D0;
	s16 =	simm.s32 $0xC80;
	s11 =	simm.s32 @!p3 $0x9D30;
	[tilespmem:$0x9D70] =	vst @!p3 v1  }
0x106: {  	[tilespmem:s15], [sflag:$0x4] =	stream.indirect.gather @!p3 [hbm4b:s1+s14], $0x40, s11, s14, $0xb8;
	[tilespmem:$0x1B850] =	vst v63  }
0x107: {  	s14 =	simm.s32 $0x640;
	s15 =	srdreg.scid;
	_ =	swait.ge [sflag:s8], $0x1400  }
.LBB2_2:
0x108: {  	[sflag:s8] =	ssyncset.done $0x0  }
0x109: {  	[sflag:s8] =	ssyncadd.s32 $0xFFFFEC00  }
0x10a: {  	[spmem:s3] =	stream.indirect.scatter.add.f32 [tilespmem:s28], [sflag:$0xA], $0x40, s17, s26, $0xb8;
	[tilespmem:$0x1B850] =	vst v63  }
0x10b: {  	_ = 	snop  }
0x10c: {  	[spmem:s4] =	stream.indirect.scatter.add.f32 @!p5 [tilespmem:s7], [sflag:$0xB], $0x8, s17, s9, $0xb8;
	[tilespmem:$0x1B850] =	vst v63  }
0x10d: {  	_ =	swait.ge @p1 [sflag:s13], $0x280  }
0x10e: {  	p3 =	seq.s32 s14, $0x0;
	[sflag:s13] =	ssyncset.done @p1 $0x0  }
0x10f: {  	s7 =	simm.s32 @!p3 $0xA;
	[sflag:s13] =	ssyncadd.s32 @p1 $0xFFFFFD80  }
0x110: {  	_ =	swait.ge @!p3 [sflag:s7], $0x1400  }
0x111: {  	[sflag:s7] =	ssyncset.done @!p3 $0x0  }
0x112: {  	s17 =	sshra.s32 s14, $0x2;
	[sflag:s7] =	ssyncadd.s32 @!p3 $0xFFFFEC00  }
0x113: {  	v1 =	vld [tilespmem:s17+$0x140];
	_ =	sdelay $0x4  }
0x114: {  	v1 =	vshll.u32 v1, $0x1  }
0x115: {  	v1 =	vor.u32 v0, v1  }
0x116: {  	[tilespmem:$0x9D80] =	vst v1  }
0x117: {  	v1 =	vld [tilespmem:s17+$0x150];
	_ =	sdelay $0x4  }
0x118: {  	v1 =	vshll.u32 v1, $0x1  }
0x119: {  	v1 =	vor.u32 v0, v1  }
0x11a: {  	[tilespmem:$0x9D90] =	vst v1  }
0x11b: {  	v1 =	vld [tilespmem:s17+$0x160];
	_ =	sdelay $0x4  }
0x11c: {  	v1 =	vshll.u32 v1, $0x1  }
0x11d: {  	v1 =	vor.u32 v0, v1  }
0x11e: {  	[tilespmem:$0x9DA0] =	vst v1  }
0x11f: {  	v1 =	vld [tilespmem:s17+$0x170];
	_ =	sdelay $0x4  }
0x120: {  	v1 =	vshll.u32 v1, $0x1  }
0x121: {  	v1 =	vor.u32 v0, v1  }
0x122: {  	[tilespmem:$0x9DB0] =	vst v1  }
0x123: {  	v1 =	vld [tilespmem:s17+$0x180];
	_ =	sdelay $0x4  }
0x124: {  	v1 =	vshll.u32 v1, $0x1  }
0x125: {  	s15 =	sadd.s32 $0x5, s15;
	v1 =	vor.u32 v0, v1  }
0x126: {  	s10 =	sand.u32 $0x1, s15;
	s7 =	rddreg [dreg:$0x6];
	[tilespmem:$0x9DC0] =	vst v1  }
0x127: {  	[tilespmem:s28], [sflag:$0x5] =	stream.indirect.gather [hbm4b:s1+s26], $0x40, s7, s26, $0xb8;
	[tilespmem:$0x1B850] =	vst v63  }
0x128: {  	p6 =	sne.s32 s14, $0x0;
	p5 =	seq.s32 s10, $0x1;
	_ =	swait.ge [sflag:s30], $0x1400  }
0x129: {  	p1 =	por !p6, !p5;
	[sflag:s30] =	ssyncset.done $0x0  }
0x12a: {  	s19 =	sadd.s32 $0x4E20, s17;
	p1 =	por !p1, !p1;
	[sflag:s30] =	ssyncadd.s32 $0xFFFFEC00  }
0x12b: {  	[spmem:s3] =	stream.indirect.scatter.add.f32 [tilespmem:s29], [sflag:$0x6], $0x40, s19, s26, $0xb8;
	[tilespmem:$0x1B850] =	vst v63  }
0x12c: {  	s9 =	simm.s32 @!p5 $0x50;
	s5 =	simm.s32 @!p5 $0x101D0;
	s13 =	simm.s32 @p1 $0xB  }
0x12d: {  	[spmem:s4] =	stream.indirect.scatter.add.f32 @!p5 [tilespmem:s5], [sflag:$0xB], $0x8, s19, s9, $0xb8;
	[tilespmem:$0x1B850] =	vst v63  }
0x12e: {  	_ =	swait.ge @p1 [sflag:s13], $0x280  }
0x12f: {  	p4 =	seq.s32 s14, $0x13240;
	[sflag:s13] =	ssyncset.done @p1 $0x0  }
0x130: {  	s5 =	simm.s32 @!p4 $0x6;
	[sflag:s13] =	ssyncadd.s32 @p1 $0xFFFFFD80  }
0x131: {  	_ =	swait.ge @!p4 [sflag:s5], $0x1400  }
0x132: {  	[sflag:s5] =	ssyncset.done @!p4 $0x0  }
0x133: {  	s19 =	sshra.s32 @!p4 s14, $0x2;
	[sflag:s5] =	ssyncadd.s32 @!p4 $0xFFFFEC00  }
0x134: {  	v1 =	vld @!p4 [tilespmem:s19+$0x190];
	_ =	sdelay $0x4  }
0x135: {  	v1 =	vshll.u32 @!p4 v1, $0x1  }
0x136: {  	v1 =	vor.u32 @!p4 v0, v1  }
0x137: {  	[tilespmem:$0x9C40] =	vst @!p4 v1  }
0x138: {  	v1 =	vld @!p4 [tilespmem:s19+$0x1A0];
	_ =	sdelay $0x4  }
0x139: {  	v1 =	vshll.u32 @!p4 v1, $0x1  }
0x13a: {  	v1 =	vor.u32 @!p4 v0, v1  }
0x13b: {  	[tilespmem:$0x9C50] =	vst @!p4 v1  }
0x13c: {  	v1 =	vld @!p4 [tilespmem:s19+$0x1B0];
	_ =	sdelay $0x4  }
0x13d: {  	v1 =	vshll.u32 @!p4 v1, $0x1  }
0x13e: {  	v1 =	vor.u32 @!p4 v0, v1  }
0x13f: {  	[tilespmem:$0x9C60] =	vst @!p4 v1  }
0x140: {  	v1 =	vld @!p4 [tilespmem:s19+$0x1C0];
	_ =	sdelay $0x4  }
0x141: {  	v1 =	vshll.u32 @!p4 v1, $0x1  }
0x142: {  	v1 =	vor.u32 @!p4 v0, v1  }
0x143: {  	[tilespmem:$0x9C70] =	vst @!p4 v1  }
0x144: {  	v1 =	vld @!p4 [tilespmem:s19+$0x1D0];
	_ =	sdelay $0x4  }
0x145: {  	s11 =	smov.u32 s16;
	v1 =	vshll.u32 @!p4 v1, $0x1  }
0x146: {  	s24 =	sadd.s32 $0x1, s15;
	s14 =	smov.u32 s11;
	v1 =	vor.u32 @!p4 v0, v1  }
0x147: {  	s11 =	simm.s32 @!p4 $0x50;
	s9 =	simm.s32 @!p4 $0x9DD0;
	s5 =	simm.s32 @!p4 $0x9C40;
	[tilespmem:$0x9C80] =	vst @!p4 v1  }
0x148: {  	[tilespmem:s9], [sflag:$0x1] =	stream.indirect.gather @!p4 [hbm4b:s1+s11], $0x40, s5, s11, $0xb8;
	[tilespmem:$0x1B850] =	vst v63  }
0x149: {  	s24 =	sand.u32 $0x1, s24;
	_ =	swait.ge [sflag:s0], $0x1400  }
0x14a: {  	p6 =	seq.s32 s24, $0x1;
	[sflag:s0] =	ssyncset.done $0x0  }
0x14b: {  	p5 =	por !p6, p3;
	s5 =	sadd.s32 $0x4E70, s17;
	[sflag:s0] =	ssyncadd.s32 $0xFFFFEC00  }
0x14c: {  	[spmem:s3] =	stream.indirect.scatter.add.f32 [tilespmem:s31], [sflag:$0x7], $0x40, s5, s26, $0xb8;
	[tilespmem:$0x1B850] =	vst v63  }
0x14d: {  	s24 =	simm.s32 @!p6 $0x50;
	s25 =	simm.s32 @!p5 $0xB;
	s9 =	simm.s32 @!p6 $0x101D0  }
0x14e: {  	[spmem:s4] =	stream.indirect.scatter.add.f32 @!p6 [tilespmem:s9], [sflag:$0xB], $0x8, s5, s24, $0xb8;
	[tilespmem:$0x1B850] =	vst v63  }
0x14f: {  	_ =	swait.ge @!p5 [sflag:s25], $0x280  }
0x150: {  	[sflag:s25] =	ssyncset.done @!p5 $0x0  }
0x151: {  	s5 =	simm.s32 @!p4 $0x7;
	[sflag:s25] =	ssyncadd.s32 @!p5 $0xFFFFFD80  }
0x152: {  	_ =	swait.ge @!p4 [sflag:s5], $0x1400  }
0x153: {  	[sflag:s5] =	ssyncset.done @!p4 $0x0  }
0x154: {  	[sflag:s5] =	ssyncadd.s32 @!p4 $0xFFFFEC00  }
0x155: {  	v1 =	vld @!p4 [tilespmem:s19+$0x1E0];
	_ =	sdelay $0x4  }
0x156: {  	v1 =	vshll.u32 @!p4 v1, $0x1  }
0x157: {  	v1 =	vor.u32 @!p4 v0, v1  }
0x158: {  	[tilespmem:$0x9C90] =	vst @!p4 v1  }
0x159: {  	v1 =	vld @!p4 [tilespmem:s19+$0x1F0];
	_ =	sdelay $0x4  }
0x15a: {  	v1 =	vshll.u32 @!p4 v1, $0x1  }
0x15b: {  	v1 =	vor.u32 @!p4 v0, v1  }
0x15c: {  	[tilespmem:$0x9CA0] =	vst @!p4 v1  }
0x15d: {  	v1 =	vld @!p4 [tilespmem:s19+$0x200];
	_ =	sdelay $0x4  }
0x15e: {  	v1 =	vshll.u32 @!p4 v1, $0x1  }
0x15f: {  	v1 =	vor.u32 @!p4 v0, v1  }
0x160: {  	[tilespmem:$0x9CB0] =	vst @!p4 v1  }
0x161: {  	v1 =	vld @!p4 [tilespmem:s19+$0x210];
	_ =	sdelay $0x4  }
0x162: {  	v1 =	vshll.u32 @!p4 v1, $0x1  }
0x163: {  	v1 =	vor.u32 @!p4 v0, v1  }
0x164: {  	[tilespmem:$0x9CC0] =	vst @!p4 v1  }
0x165: {  	v1 =	vld @!p4 [tilespmem:s19+$0x220];
	_ =	sdelay $0x4  }
0x166: {  	v1 =	vshll.u32 @!p4 v1, $0x1  }
0x167: {  	v1 =	vor.u32 @!p4 v0, v1  }
0x168: {  	s9 =	simm.s32 @!p4 $0xB1D0;
	s5 =	simm.s32 @!p4 $0x9C90;
	[tilespmem:$0x9CD0] =	vst @!p4 v1  }
0x169: {  	[tilespmem:s9], [sflag:$0x2] =	stream.indirect.gather @!p4 [hbm4b:s1+s11], $0x40, s5, s11, $0xb8;
	[tilespmem:$0x1B850] =	vst v63  }
0x16a: {  	_ =	swait.ge [sflag:s21], $0x1400  }
0x16b: {  	[sflag:s21] =	ssyncset.done $0x0  }
0x16c: {  	p5 =	sne.s32 s10, $0x0;
	s5 =	sadd.s32 $0x4EC0, s17;
	[sflag:s21] =	ssyncadd.s32 $0xFFFFEC00  }
0x16d: {  	[spmem:s3] =	stream.indirect.scatter.add.f32 [tilespmem:s2], [sflag:$0x8], $0x40, s5, s26, $0xb8;
	[tilespmem:$0x1B850] =	vst v63  }
0x16e: {  	s7 =	simm.s32 @!p5 $0x101D0;
	s9 =	simm.s32 @!p5 $0x50  }
0x16f: {  	[spmem:s4] =	stream.indirect.scatter.add.f32 @!p5 [tilespmem:s7], [sflag:$0xB], $0x8, s5, s9, $0xb8;
	[tilespmem:$0x1B850] =	vst v63  }
0x170: {  	_ =	swait.ge @p1 [sflag:s13], $0x280  }
0x171: {  	[sflag:s13] =	ssyncset.done @p1 $0x0  }
0x172: {  	s5 =	simm.s32 @!p4 $0x8;
	[sflag:s13] =	ssyncadd.s32 @p1 $0xFFFFFD80  }
0x173: {  	_ =	swait.ge @!p4 [sflag:s5], $0x1400  }
0x174: {  	[sflag:s5] =	ssyncset.done @!p4 $0x0  }
0x175: {  	[sflag:s5] =	ssyncadd.s32 @!p4 $0xFFFFEC00  }
0x176: {  	v1 =	vld @!p4 [tilespmem:s19+$0x230];
	_ =	sdelay $0x4  }
0x177: {  	v1 =	vshll.u32 @!p4 v1, $0x1  }
0x178: {  	v1 =	vor.u32 @!p4 v0, v1  }
0x179: {  	[tilespmem:$0x9CE0] =	vst @!p4 v1  }
0x17a: {  	v1 =	vld @!p4 [tilespmem:s19+$0x240];
	_ =	sdelay $0x4  }
0x17b: {  	v1 =	vshll.u32 @!p4 v1, $0x1  }
0x17c: {  	v1 =	vor.u32 @!p4 v0, v1  }
0x17d: {  	[tilespmem:$0x9CF0] =	vst @!p4 v1  }
0x17e: {  	v1 =	vld @!p4 [tilespmem:s19+$0x250];
	_ =	sdelay $0x4  }
0x17f: {  	v1 =	vshll.u32 @!p4 v1, $0x1  }
0x180: {  	v1 =	vor.u32 @!p4 v0, v1  }
0x181: {  	[tilespmem:$0x9D00] =	vst @!p4 v1  }
0x182: {  	v1 =	vld @!p4 [tilespmem:s19+$0x260];
	_ =	sdelay $0x4  }
0x183: {  	v1 =	vshll.u32 @!p4 v1, $0x1  }
0x184: {  	v1 =	vor.u32 @!p4 v0, v1  }
0x185: {  	[tilespmem:$0x9D10] =	vst @!p4 v1  }
0x186: {  	v1 =	vld @!p4 [tilespmem:s19+$0x270];
	_ =	sdelay $0x4  }
0x187: {  	v1 =	vshll.u32 @!p4 v1, $0x1  }
0x188: {  	v1 =	vor.u32 @!p4 v0, v1  }
0x189: {  	s24 =	simm.s32 @!p4 $0x9CE0;
	s10 =	sadd.s32 $0x3, s15;
	s5 =	simm.s32 @!p4 $0xC5D0;
	[tilespmem:$0x9D20] =	vst @!p4 v1  }
0x18a: {  	[tilespmem:s5], [sflag:$0x3] =	stream.indirect.gather @!p4 [hbm4b:s1+s11], $0x40, s24, s11, $0xb8;
	[tilespmem:$0x1B850] =	vst v63  }
0x18b: {  	s25 =	sand.u32 $0x1, s10;
	_ =	swait.ge [sflag:s6], $0x1400  }
0x18c: {  	p6 =	seq.s32 s25, $0x1;
	[sflag:s6] =	ssyncset.done $0x0  }
0x18d: {  	p3 =	por !p6, p3;
	s5 =	sadd.s32 $0x4F10, s17;
	[sflag:s6] =	ssyncadd.s32 $0xFFFFEC00  }
0x18e: {  	[spmem:s3] =	stream.indirect.scatter.add.f32 [tilespmem:s23], [sflag:$0x9], $0x40, s5, s26, $0xb8;
	[tilespmem:$0x1B850] =	vst v63  }
0x18f: {  	s25 =	simm.s32 @!p6 $0x50;
	s10 =	simm.s32 @!p3 $0xB;
	s24 =	simm.s32 @!p6 $0x101D0  }
0x190: {  	[spmem:s4] =	stream.indirect.scatter.add.f32 @!p6 [tilespmem:s24], [sflag:$0xB], $0x8, s5, s25, $0xb8;
	[tilespmem:$0x1B850] =	vst v63  }
0x191: {  	_ =	swait.ge @!p3 [sflag:s10], $0x280  }
0x192: {  	[sflag:s10] =	ssyncset.done @!p3 $0x0  }
0x193: {  	s5 =	simm.s32 @!p4 $0x9;
	[sflag:s10] =	ssyncadd.s32 @!p3 $0xFFFFFD80  }
0x194: {  	_ =	swait.ge @!p4 [sflag:s5], $0x1400  }
0x195: {  	[sflag:s5] =	ssyncset.done @!p4 $0x0  }
0x196: {  	[sflag:s5] =	ssyncadd.s32 @!p4 $0xFFFFEC00  }
0x197: {  	v1 =	vld @!p4 [tilespmem:s19+$0x280];
	_ =	sdelay $0x4  }
0x198: {  	v1 =	vshll.u32 @!p4 v1, $0x1  }
0x199: {  	v1 =	vor.u32 @!p4 v0, v1  }
0x19a: {  	[tilespmem:$0x9D30] =	vst @!p4 v1  }
0x19b: {  	v1 =	vld @!p4 [tilespmem:s19+$0x290];
	_ =	sdelay $0x4  }
0x19c: {  	v1 =	vshll.u32 @!p4 v1, $0x1  }
0x19d: {  	v1 =	vor.u32 @!p4 v0, v1  }
0x19e: {  	[tilespmem:$0x9D40] =	vst @!p4 v1  }
0x19f: {  	v1 =	vld @!p4 [tilespmem:s19+$0x2A0];
	_ =	sdelay $0x4  }
0x1a0: {  	v1 =	vshll.u32 @!p4 v1, $0x1  }
0x1a1: {  	v1 =	vor.u32 @!p4 v0, v1  }
0x1a2: {  	[tilespmem:$0x9D50] =	vst @!p4 v1  }
0x1a3: {  	v1 =	vld @!p4 [tilespmem:s19+$0x2B0];
	_ =	sdelay $0x4  }
0x1a4: {  	v1 =	vshll.u32 @!p4 v1, $0x1  }
0x1a5: {  	v1 =	vor.u32 @!p4 v0, v1  }
0x1a6: {  	[tilespmem:$0x9D60] =	vst @!p4 v1  }
0x1a7: {  	v1 =	vld @!p4 [tilespmem:s19+$0x2C0];
	_ =	sdelay $0x2  }
0x1a8: {  	s16 =	sadd.s32 $0x640, s16  }
0x1a9: {  	p2 =	sne.s32 s16, $0x13880  }
.Ltmp0:
0x1aa: {  	v1 =	vshll.u32 @!p4 v1, $0x1;
	(pc) =	sbr.rel @p2 .LBB2_2-.Ltmp0, $4  }
0x1ab: {  	v1 =	vor.u32 @!p4 v0, v1  }
0x1ac: {  	s10 =	simm.s32 @!p4 $0xD9D0;
	s5 =	simm.s32 @!p4 $0x9D30;
	[tilespmem:$0x9D70] =	vst @!p4 v1  }
0x1ad: {  	[tilespmem:s10], [sflag:$0x4] =	stream.indirect.gather @!p4 [hbm4b:s1+s11], $0x40, s5, s11, $0xb8;
	[tilespmem:$0x1B850] =	vst v63  }
0x1ae: {  	s17 =	sadd.s32 $0x4F60, s17;
	_ =	swait.ge [sflag:s8], $0x1400  }
0x1af: {  	[sflag:s8] =	ssyncset.done $0x0  }
0x1b0: {  	[sflag:s8] =	ssyncadd.s32 $0xFFFFEC00  }
0x1b1: {  	[spmem:s3] =	stream.indirect.scatter.add.f32 [tilespmem:s28], [sflag:$0xA], $0x40, s17, s26, $0xb8;
	[tilespmem:$0x1B850] =	vst v63  }
0x1b2: {  	_ = 	snop  }
0x1b3: {  	[spmem:s4] =	stream.indirect.scatter.add.f32 @!p5 [tilespmem:s7], [sflag:$0xB], $0x8, s17, s9, $0xb8;
	[tilespmem:$0x1B850] =	vst v63  }
0x1b4: {  	_ =	swait.ge @p1 [sflag:s13], $0x280  }
0x1b5: {  	p2 =	seq.s32 s14, $0x0;
	[sflag:s13] =	ssyncset.done @p1 $0x0  }
0x1b6: {  	s5 =	simm.s32 @!p2 $0xA;
	[sflag:s13] =	ssyncadd.s32 @p1 $0xFFFFFD80  }
0x1b7: {  	_ =	swait.ge @!p2 [sflag:s5], $0x1400  }
0x1b8: {  	[sflag:s5] =	ssyncset.done @!p2 $0x0  }
0x1b9: {  	s19 =	sshra.s32 s14, $0x2;
	[sflag:s5] =	ssyncadd.s32 @!p2 $0xFFFFEC00  }
0x1ba: {  	v1 =	vld [tilespmem:s19+$0x140];
	_ =	sdelay $0x4  }
0x1bb: {  	v1 =	vshll.u32 v1, $0x1  }
0x1bc: {  	v1 =	vor.u32 v0, v1  }
0x1bd: {  	[tilespmem:$0x9D80] =	vst v1  }
0x1be: {  	v1 =	vld [tilespmem:s19+$0x150];
	_ =	sdelay $0x4  }
0x1bf: {  	v1 =	vshll.u32 v1, $0x1  }
0x1c0: {  	v1 =	vor.u32 v0, v1  }
0x1c1: {  	[tilespmem:$0x9D90] =	vst v1  }
0x1c2: {  	v1 =	vld [tilespmem:s19+$0x160];
	_ =	sdelay $0x4  }
0x1c3: {  	v1 =	vshll.u32 v1, $0x1  }
0x1c4: {  	v1 =	vor.u32 v0, v1  }
0x1c5: {  	[tilespmem:$0x9DA0] =	vst v1  }
0x1c6: {  	v1 =	vld [tilespmem:s19+$0x170];
	_ =	sdelay $0x4  }
0x1c7: {  	v1 =	vshll.u32 v1, $0x1  }
0x1c8: {  	v1 =	vor.u32 v0, v1  }
0x1c9: {  	[tilespmem:$0x9DB0] =	vst v1  }
0x1ca: {  	v1 =	vld [tilespmem:s19+$0x180];
	_ =	sdelay $0x4  }
0x1cb: {  	v1 =	vshll.u32 v1, $0x1  }
0x1cc: {  	s25 =	sadd.s32 $0x5, s15;
	v1 =	vor.u32 v0, v1  }
0x1cd: {  	s15 =	sand.u32 $0x1, s25;
	s24 =	rddreg [dreg:$0x6];
	[tilespmem:$0x9DC0] =	vst v1  }
0x1ce: {  	[tilespmem:s28], [sflag:$0x5] =	stream.indirect.gather [hbm4b:s1+s26], $0x40, s24, s26, $0xb8;
	[tilespmem:$0x1B850] =	vst v63  }
0x1cf: {  	p6 =	sne.s32 s14, $0x0;
	p3 =	seq.s32 s15, $0x1;
	_ =	swait.ge [sflag:s30], $0x1400  }
0x1d0: {  	p1 =	por !p6, !p3;
	[sflag:s30] =	ssyncset.done $0x0  }
0x1d1: {  	p1 =	por !p1, !p1;
	s5 =	sadd.s32 $0x4E20, s19;
	[sflag:s30] =	ssyncadd.s32 $0xFFFFEC00  }
0x1d2: {  	[spmem:s3] =	stream.indirect.scatter.add.f32 [tilespmem:s29], [sflag:$0x6], $0x40, s5, s26, $0xb8;
	[tilespmem:$0x1B850] =	vst v63  }
0x1d3: {  	s10 =	simm.s32 @!p3 $0x50;
	s11 =	simm.s32 @!p3 $0x101D0;
	s9 =	simm.s32 @p1 $0xB  }
0x1d4: {  	[spmem:s4] =	stream.indirect.scatter.add.f32 @!p3 [tilespmem:s11], [sflag:$0xB], $0x8, s5, s10, $0xb8;
	[tilespmem:$0x1B850] =	vst v63  }
0x1d5: {  	_ =	swait.ge @p1 [sflag:s9], $0x280  }
0x1d6: {  	p3 =	seq.s32 s14, $0x13240;
	[sflag:s9] =	ssyncset.done @p1 $0x0  }
0x1d7: {  	s5 =	simm.s32 @!p3 $0x6;
	[sflag:s9] =	ssyncadd.s32 @p1 $0xFFFFFD80  }
0x1d8: {  	_ =	swait.ge @!p3 [sflag:s5], $0x1400  }
0x1d9: {  	[sflag:s5] =	ssyncset.done @!p3 $0x0  }
0x1da: {  	s11 =	sshra.s32 @!p3 s14, $0x2;
	[sflag:s5] =	ssyncadd.s32 @!p3 $0xFFFFEC00  }
0x1db: {  	v1 =	vld @!p3 [tilespmem:s11+$0x190];
	_ =	sdelay $0x4  }
0x1dc: {  	v1 =	vshll.u32 @!p3 v1, $0x1  }
0x1dd: {  	v1 =	vor.u32 @!p3 v0, v1  }
0x1de: {  	[tilespmem:$0x9C40] =	vst @!p3 v1  }
0x1df: {  	v1 =	vld @!p3 [tilespmem:s11+$0x1A0];
	_ =	sdelay $0x4  }
0x1e0: {  	v1 =	vshll.u32 @!p3 v1, $0x1  }
0x1e1: {  	v1 =	vor.u32 @!p3 v0, v1  }
0x1e2: {  	[tilespmem:$0x9C50] =	vst @!p3 v1  }
0x1e3: {  	v1 =	vld @!p3 [tilespmem:s11+$0x1B0];
	_ =	sdelay $0x4  }
0x1e4: {  	v1 =	vshll.u32 @!p3 v1, $0x1  }
0x1e5: {  	v1 =	vor.u32 @!p3 v0, v1  }
0x1e6: {  	[tilespmem:$0x9C60] =	vst @!p3 v1  }
0x1e7: {  	v1 =	vld @!p3 [tilespmem:s11+$0x1C0];
	_ =	sdelay $0x4  }
0x1e8: {  	v1 =	vshll.u32 @!p3 v1, $0x1  }
0x1e9: {  	v1 =	vor.u32 @!p3 v0, v1  }
0x1ea: {  	[tilespmem:$0x9C70] =	vst @!p3 v1  }
0x1eb: {  	v1 =	vld @!p3 [tilespmem:s11+$0x1D0];
	_ =	sdelay $0x4  }
0x1ec: {  	v1 =	vshll.u32 @!p3 v1, $0x1  }
0x1ed: {  	v1 =	vor.u32 @!p3 v0, v1  }
0x1ee: {  	s14 =	simm.s32 @!p3 $0x50;
	s10 =	simm.s32 @!p3 $0x9DD0;
	s5 =	simm.s32 @!p3 $0x9C40;
	[tilespmem:$0x9C80] =	vst @!p3 v1  }
0x1ef: {  	[tilespmem:s10], [sflag:$0x1] =	stream.indirect.gather @!p3 [hbm4b:s1+s14], $0x40, s5, s14, $0xb8;
	[tilespmem:$0x1B850] =	vst v63  }
0x1f0: {  	s10 =	sadd.s32 $0x1, s25;
	_ =	swait.ge [sflag:s0], $0x1400  }
0x1f1: {  	s5 =	sand.u32 $0x1, s10;
	[sflag:s0] =	ssyncset.done $0x0  }
0x1f2: {  	p4 =	seq.s32 s5, $0x1;
	s5 =	sadd.s32 $0x4E70, s19;
	[sflag:s0] =	ssyncadd.s32 $0xFFFFEC00  }
0x1f3: {  	[spmem:s3] =	stream.indirect.scatter.add.f32 [tilespmem:s31], [sflag:$0x7], $0x40, s5, s26, $0xb8;
	[tilespmem:$0x1B850] =	vst v63  }
0x1f4: {  	p5 =	por !p4, p2;
	s10 =	simm.s32 @!p4 $0x101D0;
	s16 =	simm.s32 @!p4 $0x50  }
0x1f5: {  	[spmem:s4] =	stream.indirect.scatter.add.f32 @!p4 [tilespmem:s10], [sflag:$0xB], $0x8, s5, s16, $0xb8;
	[tilespmem:$0x1B850] =	vst v63  }
0x1f6: {  	s5 =	simm.s32 @!p5 $0xB  }
0x1f7: {  	_ =	swait.ge @!p5 [sflag:s5], $0x280  }
0x1f8: {  	[sflag:s5] =	ssyncset.done @!p5 $0x0  }
0x1f9: {  	s10 =	simm.s32 @!p3 $0x7;
	[sflag:s5] =	ssyncadd.s32 @!p5 $0xFFFFFD80  }
0x1fa: {  	_ =	swait.ge @!p3 [sflag:s10], $0x1400  }
0x1fb: {  	[sflag:s10] =	ssyncset.done @!p3 $0x0  }
0x1fc: {  	[sflag:s10] =	ssyncadd.s32 @!p3 $0xFFFFEC00  }
0x1fd: {  	v1 =	vld @!p3 [tilespmem:s11+$0x1E0];
	_ =	sdelay $0x4  }
0x1fe: {  	v1 =	vshll.u32 @!p3 v1, $0x1  }
0x1ff: {  	v1 =	vor.u32 @!p3 v0, v1  }
0x200: {  	[tilespmem:$0x9C90] =	vst @!p3 v1  }
0x201: {  	v1 =	vld @!p3 [tilespmem:s11+$0x1F0];
	_ =	sdelay $0x4  }
0x202: {  	v1 =	vshll.u32 @!p3 v1, $0x1  }
0x203: {  	v1 =	vor.u32 @!p3 v0, v1  }
0x204: {  	[tilespmem:$0x9CA0] =	vst @!p3 v1  }
0x205: {  	v1 =	vld @!p3 [tilespmem:s11+$0x200];
	_ =	sdelay $0x4  }
0x206: {  	v1 =	vshll.u32 @!p3 v1, $0x1  }
0x207: {  	v1 =	vor.u32 @!p3 v0, v1  }
0x208: {  	[tilespmem:$0x9CB0] =	vst @!p3 v1  }
0x209: {  	v1 =	vld @!p3 [tilespmem:s11+$0x210];
	_ =	sdelay $0x4  }
0x20a: {  	v1 =	vshll.u32 @!p3 v1, $0x1  }
0x20b: {  	v1 =	vor.u32 @!p3 v0, v1  }
0x20c: {  	[tilespmem:$0x9CC0] =	vst @!p3 v1  }
0x20d: {  	v1 =	vld @!p3 [tilespmem:s11+$0x220];
	_ =	sdelay $0x4  }
0x20e: {  	v1 =	vshll.u32 @!p3 v1, $0x1  }
0x20f: {  	v1 =	vor.u32 @!p3 v0, v1  }
0x210: {  	s5 =	simm.s32 @!p3 $0x9C90;
	s10 =	simm.s32 @!p3 $0xB1D0;
	[tilespmem:$0x9CD0] =	vst @!p3 v1  }
0x211: {  	[tilespmem:s10], [sflag:$0x2] =	stream.indirect.gather @!p3 [hbm4b:s1+s14], $0x40, s5, s14, $0xb8;
	[tilespmem:$0x1B850] =	vst v63  }
0x212: {  	_ =	swait.ge [sflag:s21], $0x1400  }
0x213: {  	[sflag:s21] =	ssyncset.done $0x0  }
0x214: {  	p4 =	sne.s32 s15, $0x0;
	s5 =	sadd.s32 $0x4EC0, s19;
	[sflag:s21] =	ssyncadd.s32 $0xFFFFEC00  }
0x215: {  	[spmem:s3] =	stream.indirect.scatter.add.f32 [tilespmem:s2], [sflag:$0x8], $0x40, s5, s26, $0xb8;
	[tilespmem:$0x1B850] =	vst v63  }
0x216: {  	s15 =	simm.s32 @!p4 $0x50;
	s16 =	simm.s32 @!p4 $0x101D0  }
0x217: {  	[spmem:s4] =	stream.indirect.scatter.add.f32 @!p4 [tilespmem:s16], [sflag:$0xB], $0x8, s5, s15, $0xb8;
	[tilespmem:$0x1B850] =	vst v63  }
0x218: {  	_ =	swait.ge @p1 [sflag:s9], $0x280  }
0x219: {  	[sflag:s9] =	ssyncset.done @p1 $0x0  }
0x21a: {  	s5 =	simm.s32 @!p3 $0x8;
	[sflag:s9] =	ssyncadd.s32 @p1 $0xFFFFFD80  }
0x21b: {  	_ =	swait.ge @!p3 [sflag:s5], $0x1400  }
0x21c: {  	[sflag:s5] =	ssyncset.done @!p3 $0x0  }
0x21d: {  	[sflag:s5] =	ssyncadd.s32 @!p3 $0xFFFFEC00  }
0x21e: {  	v1 =	vld @!p3 [tilespmem:s11+$0x230];
	_ =	sdelay $0x4  }
0x21f: {  	v1 =	vshll.u32 @!p3 v1, $0x1  }
0x220: {  	v1 =	vor.u32 @!p3 v0, v1  }
0x221: {  	[tilespmem:$0x9CE0] =	vst @!p3 v1  }
0x222: {  	v1 =	vld @!p3 [tilespmem:s11+$0x240];
	_ =	sdelay $0x4  }
0x223: {  	v1 =	vshll.u32 @!p3 v1, $0x1  }
0x224: {  	v1 =	vor.u32 @!p3 v0, v1  }
0x225: {  	[tilespmem:$0x9CF0] =	vst @!p3 v1  }
0x226: {  	v1 =	vld @!p3 [tilespmem:s11+$0x250];
	_ =	sdelay $0x4  }
0x227: {  	v1 =	vshll.u32 @!p3 v1, $0x1  }
0x228: {  	v1 =	vor.u32 @!p3 v0, v1  }
0x229: {  	[tilespmem:$0x9D00] =	vst @!p3 v1  }
0x22a: {  	v1 =	vld @!p3 [tilespmem:s11+$0x260];
	_ =	sdelay $0x4  }
0x22b: {  	v1 =	vshll.u32 @!p3 v1, $0x1  }
0x22c: {  	v1 =	vor.u32 @!p3 v0, v1  }
0x22d: {  	[tilespmem:$0x9D10] =	vst @!p3 v1  }
0x22e: {  	v1 =	vld @!p3 [tilespmem:s11+$0x270];
	_ =	sdelay $0x4  }
0x22f: {  	v1 =	vshll.u32 @!p3 v1, $0x1  }
0x230: {  	v1 =	vor.u32 @!p3 v0, v1  }
0x231: {  	s10 =	simm.s32 @!p3 $0x9CE0;
	s5 =	simm.s32 @!p3 $0xC5D0;
	[tilespmem:$0x9D20] =	vst @!p3 v1  }
0x232: {  	[tilespmem:s5], [sflag:$0x3] =	stream.indirect.gather @!p3 [hbm4b:s1+s14], $0x40, s10, s14, $0xb8;
	[tilespmem:$0x1B850] =	vst v63  }
0x233: {  	s13 =	sadd.s32 $0x3, s25;
	_ =	swait.ge [sflag:s6], $0x1400  }
0x234: {  	s5 =	sand.u32 $0x1, s13;
	[sflag:s6] =	ssyncset.done $0x0  }
0x235: {  	s10 =	sadd.s32 $0x4F10, s19;
	p5 =	seq.s32 s5, $0x1;
	[sflag:s6] =	ssyncadd.s32 $0xFFFFEC00  }
0x236: {  	[spmem:s3] =	stream.indirect.scatter.add.f32 [tilespmem:s23], [sflag:$0x9], $0x40, s10, s26, $0xb8;
	[tilespmem:$0x1B850] =	vst v63  }
0x237: {  	s5 =	simm.s32 @!p5 $0x101D0;
	s13 =	simm.s32 @!p5 $0x50;
	p2 =	por !p5, p2  }
0x238: {  	[spmem:s4] =	stream.indirect.scatter.add.f32 @!p5 [tilespmem:s5], [sflag:$0xB], $0x8, s10, s13, $0xb8;
	[tilespmem:$0x1B850] =	vst v63  }
0x239: {  	s5 =	simm.s32 @!p2 $0xB  }
0x23a: {  	_ =	swait.ge @!p2 [sflag:s5], $0x280  }
0x23b: {  	[sflag:s5] =	ssyncset.done @!p2 $0x0  }
0x23c: {  	[sflag:s5] =	ssyncadd.s32 @!p2 $0xFFFFFD80;
	s5 =	simm.s32 @!p3 $0x9  }
0x23d: {  	_ =	swait.ge @!p3 [sflag:s5], $0x1400  }
0x23e: {  	[sflag:s5] =	ssyncset.done @!p3 $0x0  }
0x23f: {  	[sflag:s5] =	ssyncadd.s32 @!p3 $0xFFFFEC00  }
0x240: {  	v1 =	vld @!p3 [tilespmem:s11+$0x280];
	_ =	sdelay $0x4  }
0x241: {  	v1 =	vshll.u32 @!p3 v1, $0x1  }
0x242: {  	v1 =	vor.u32 @!p3 v0, v1  }
0x243: {  	[tilespmem:$0x9D30] =	vst @!p3 v1  }
0x244: {  	v1 =	vld @!p3 [tilespmem:s11+$0x290];
	_ =	sdelay $0x4  }
0x245: {  	v1 =	vshll.u32 @!p3 v1, $0x1  }
0x246: {  	v1 =	vor.u32 @!p3 v0, v1  }
0x247: {  	[tilespmem:$0x9D40] =	vst @!p3 v1  }
0x248: {  	v1 =	vld @!p3 [tilespmem:s11+$0x2A0];
	_ =	sdelay $0x4  }
0x249: {  	v1 =	vshll.u32 @!p3 v1, $0x1  }
0x24a: {  	v1 =	vor.u32 @!p3 v0, v1  }
0x24b: {  	[tilespmem:$0x9D50] =	vst @!p3 v1  }
0x24c: {  	v1 =	vld @!p3 [tilespmem:s11+$0x2B0];
	_ =	sdelay $0x4  }
0x24d: {  	v1 =	vshll.u32 @!p3 v1, $0x1  }
0x24e: {  	v1 =	vor.u32 @!p3 v0, v1  }
0x24f: {  	[tilespmem:$0x9D60] =	vst @!p3 v1  }
0x250: {  	v1 =	vld @!p3 [tilespmem:s11+$0x2C0];
	_ =	sdelay $0x4  }
0x251: {  	v1 =	vshll.u32 @!p3 v1, $0x1  }
0x252: {  	v1 =	vor.u32 @!p3 v0, v1  }
0x253: {  	s10 =	simm.s32 @!p3 $0xD9D0;
	s5 =	simm.s32 @!p3 $0x9D30;
	[tilespmem:$0x9D70] =	vst @!p3 v1  }
0x254: {  	[tilespmem:s10], [sflag:$0x4] =	stream.indirect.gather @!p3 [hbm4b:s1+s14], $0x40, s5, s14, $0xb8;
	[tilespmem:$0x1B850] =	vst v63  }
0x255: {  	_ =	swait.ge [sflag:s8], $0x1400  }
0x256: {  	[sflag:s8] =	ssyncset.done $0x0  }
0x257: {  	s5 =	sadd.s32 $0x4F60, s19;
	[sflag:s8] =	ssyncadd.s32 $0xFFFFEC00  }
0x258: {  	[spmem:s3] =	stream.indirect.scatter.add.f32 [tilespmem:s28], [sflag:$0xA], $0x40, s5, s26, $0xb8;
	[tilespmem:$0x1B850] =	vst v63  }
0x259: {  	_ = 	snop  }
0x25a: {  	[spmem:s4] =	stream.indirect.scatter.add.f32 @!p4 [tilespmem:s16], [sflag:$0xB], $0x8, s5, s15, $0xb8;
	[tilespmem:$0x1B850] =	vst v63  }
0x25b: {  	_ =	swait.ge @p1 [sflag:s9], $0x280  }
0x25c: {  	[sflag:s9] =	ssyncset.done @p1 $0x0  }
0x25d: {  	s14 =	simm.s32 $0x6;
	[sflag:s9] =	ssyncadd.s32 @p1 $0xFFFFFD80  }
0x25e: {  	_ =	swait.ge [sflag:s14], $0x1400  }
0x25f: {  	[sflag:s14] =	ssyncset.done $0x0  }
0x260: {  	s5 =	simm.s32 @p0 $0xB;
	[sflag:s14] =	ssyncadd.s32 $0xFFFFEC00  }
0x261: {  	_ =	swait.ge @p0 [sflag:s5], $0x280  }
0x262: {  	[sflag:s5] =	ssyncset.done @p0 $0x0  }
0x263: {  	s7 =	simm.s32 @p0 $0x7;
	[sflag:s5] =	ssyncadd.s32 @p0 $0xFFFFFD80  }
0x264: {  	_ =	swait.ge @p0 [sflag:s7], $0x1400  }
0x265: {  	[sflag:s7] =	ssyncset.done @p0 $0x0  }
0x266: {  	[sflag:s7] =	ssyncadd.s32 @p0 $0xFFFFEC00;
	s7 =	simm.s32 @p0 $0x8  }
0x267: {  	_ =	swait.ge @p0 [sflag:s7], $0x1400  }
0x268: {  	[sflag:s7] =	ssyncset.done @p0 $0x0  }
0x269: {  	[sflag:s7] =	ssyncadd.s32 @p0 $0xFFFFEC00  }
0x26a: {  	_ =	swait.ge @p0 [sflag:s5], $0x280  }
0x26b: {  	[sflag:s5] =	ssyncset.done @p0 $0x0  }
0x26c: {  	s7 =	simm.s32 @p0 $0x9;
	[sflag:s5] =	ssyncadd.s32 @p0 $0xFFFFFD80  }
0x26d: {  	_ =	swait.ge @p0 [sflag:s7], $0x1400  }
0x26e: {  	[sflag:s7] =	ssyncset.done @p0 $0x0  }
0x26f: {  	[sflag:s7] =	ssyncadd.s32 @p0 $0xFFFFEC00;
	s7 =	simm.s32 @p0 $0xA  }
0x270: {  	_ =	swait.ge @p0 [sflag:s7], $0x1400  }
0x271: {  	[sflag:s7] =	ssyncset.done @p0 $0x0  }
0x272: {  	[sflag:s7] =	ssyncadd.s32 @p0 $0xFFFFEC00  }
0x273: {  	_ =	swait.ge @p0 [sflag:s5], $0x280  }
0x274: {  	[sflag:s5] =	ssyncset.done @p0 $0x0  }
0x275: {  	[sflag:s5] =	ssyncadd.s32 @p0 $0xFFFFFD80;
	s5 =	simm.s32 @!p0 $0x7  }
0x276: {  	_ =	swait.ge @!p0 [sflag:s5], $0x1400  }
0x277: {  	[sflag:s5] =	ssyncset.done @!p0 $0x0  }
0x278: {  	[sflag:s5] =	ssyncadd.s32 @!p0 $0xFFFFEC00;
	s5 =	simm.s32 @!p0 $0xB  }
0x279: {  	_ =	swait.ge @!p0 [sflag:s5], $0x280  }
0x27a: {  	[sflag:s5] =	ssyncset.done @!p0 $0x0  }
0x27b: {  	s7 =	simm.s32 @!p0 $0x8;
	[sflag:s5] =	ssyncadd.s32 @!p0 $0xFFFFFD80  }
0x27c: {  	_ =	swait.ge @!p0 [sflag:s7], $0x1400  }
0x27d: {  	[sflag:s7] =	ssyncset.done @!p0 $0x0  }
0x27e: {  	[sflag:s7] =	ssyncadd.s32 @!p0 $0xFFFFEC00;
	s7 =	simm.s32 @!p0 $0x9  }
0x27f: {  	_ =	swait.ge @!p0 [sflag:s7], $0x1400  }
0x280: {  	[sflag:s7] =	ssyncset.done @!p0 $0x0  }
0x281: {  	[sflag:s7] =	ssyncadd.s32 @!p0 $0xFFFFEC00  }
0x282: {  	_ =	swait.ge @!p0 [sflag:s5], $0x280  }
0x283: {  	[sflag:s5] =	ssyncset.done @!p0 $0x0  }
0x284: {  	[sflag:s5] =	ssyncadd.s32 @!p0 $0xFFFFFD80;
	s5 =	simm.s32 @!p0 $0xA  }
0x285: {  	_ =	swait.ge @!p0 [sflag:s5], $0x1400  }
0x286: {  	[sflag:s5] =	ssyncset.done @!p0 $0x0  }
0x287: {  	[sflag:s5] =	ssyncadd.s32 @!p0 $0xFFFFEC00  }
0x288: {  	[bflag:$0x0] =	sbarrier.arrive $0xFFFF  }
0x289: {  	s17 =	simm.s32 $0x10;
	s15 =	rddreg [dreg:$0x9]  }
0x28a: {  	s19 =	simm.s32 $0x8;
	s16 =	rddreg [dreg:$0xf];
	s5 =	sor.u32 $0x1C0E, s15  }
0x28b: {  	[hbm:s16@s17], [sflag:s5] =	dma.strided [spmem:s18@s19], $0x1400, s30, $0x8   }
0x28c: {  	_ =	swait.ge [sflag:s22], $0x1400  }
0x28d: {  	[sflag:s22] =	ssyncset.done $0x0  }
0x28e: {  	s24 =	rddreg [dreg:$0x10];
	[sflag:s22] =	ssyncadd.s32 $0xFFFFEC00  }
0x28f: {  	[hbm:s24@s17], [sflag:s5] =	dma.strided [spmem:s20@s30], $0x280, s30, $0x1   }
0x290: {  	_ =	swait.ge [sflag:s22], $0x280  }
0x291: {  	s12 =	sadd.s32 $0x1, s12;
	s25 =	rddreg [dreg:$0x11]  }
0x292: {  	p1 =	sne.s32 s12, s25  }
.Ltmp1:
0x293: {  	_ = 	snop;
	(pc) =	sbr.rel @p1 .LBB2_1-.Ltmp1, $3  }
0x294: {  	_ =	sdelay $0x1  }
0x295: {  	[sflag:s22] =	ssyncset.done $0x0  }
0x296: {  	[sflag:s22] =	ssyncadd.s32 $0xFFFFFD80  }
0x297: {  	_ =	sfence.sel $0x180000  }
0x298: {  	[bflag:$0x0] =	sbarrier.arrive $0xFFFF  }
0x299: {  	_ =	strace $0x90000047  }
0x29a: {  	s0 =	stileid.u32;
	[bflag:$0x2] =	sbarrier.arrive $0xFFFF  }
0x29b: {  	p0 =	sne.s32 s0, $0x0;
	s0 =	rddreg [dreg:$0x5]  }
0x29c: {  	s0 =	sadd.s32 @!p0 $0x100000, s0  }
0x29d: {  	[sflag:s0] =	ssyncadd.tile.s32 @!p0 $0x1;
	_ =	shalt  }
.Lfunc_end2:
_tile_overlayer_lowered:
.L_overlay_start_2:
0x29e: {  	(tag) =	ssettag $0x2  }
0x29f: {  	s0 =	rddreg [dreg:$0x0];
	s2 =	stileid.u32  }
0x2a0: {  	s1 =	rddreg [dreg:$0x1];
	p0 =	sne.s32 s2, $0x0  }
0x2a1: {  	s3 =	rddreg [dreg:$0x2];
	[bflag:$0x3] =	sbarrier.arrive $0xFFFF;
	s2 =	simm.s32 @!p0 $0x1C0E  }
0x2a2: {  	[timem:s3], [sflag:s2] =	dma.local @!p0 [hbm:s0], s1  }
0x2a3: {  	s0 =	simm.s32 @!p0 $0xE  }
0x2a4: {  	_ =	swait.ge @!p0 [sflag:s0], s1  }
0x2a5: {  	s1 =	ssub.s32 @!p0 $0x0, s1;
	[sflag:s0] =	ssyncset.done @!p0 $0x0  }
0x2a6: {  	[sflag:s0] =	ssyncadd.s32 @!p0 s1  }
0x2a7: {  	[bflag:$0x3] =	sbarrier.arrive $0xFFFF  }
0x2a8: {  	_ =	shalt  }

// kernel: kernel.9.cloned.1.call-start
scs
__scs_entry_jumppad:
0x0: {  	(pc) =	sbr.rel $0x88, $3  }
0x1: {  	(tag) =	ssettag $0x0;
	lr =	simm.s32 $0x1  }
0x2: {  	[smem:$0x3F97] =	sst lr;
	_ =	strace $0xD0000000  }
0x3: {  	_ = 	snop  }
0x4: {  	_ = 	snop  }
0x5: {  	_ = 	snop  }
0x6: {  	_ = 	snop  }
0x7: {  	_ = 	snop  }
__scs_overlays_trampoline_lowered:
0x8: {  	[smem:$0x3FA6] =	sst s0  }
0x9: {  	[smem:$0x3FA7] =	sst s1  }
0xa: {  	[smem:$0x3FA8] =	sst s2  }
0xb: {  	[smem:$0x3FA9] =	sst s3  }
0xc: {  	[smem:$0x3FAA] =	sst s4  }
0xd: {  	[smem:$0x3FAB] =	sst s5  }
0xe: {  	[smem:$0x3FAC] =	sst s6  }
0xf: {  	[smem:$0x3FAD] =	sst s7  }
0x10: {  	[smem:$0x3FAE] =	sst s8  }
0x11: {  	[smem:$0x3FAF] =	sst s9;
	s0 =	simm.s32 @!p0 $0x0  }
0x12: {  	s1 =	sld [smem:$0x3F95];
	s0 =	simm.s32 @p0 $0x1  }
0x13: {  	[smem:$0x3FB0] =	sst s0;
	s0 =	simm.s32 @!p1 $0x0  }
0x14: {  	s2 =	sld [smem:$0x3F94];
	s0 =	simm.s32 @p1 $0x1  }
0x15: {  	[smem:$0x3FB1] =	sst s0;
	s0 =	simm.s32 @!p2 $0x0  }
0x16: {  	s3 =	sld [smem:$0x3FDB];
	s0 =	simm.s32 @p2 $0x1  }
0x17: {  	s4 =	simm.s32 $0x1BF5;
	[smem:$0x3FB3] =	sst s0  }
0x18: {  	s0 =	sld [smem:$0x3F96];
	_ =	swait.ge [sflag:s4], $0x0  }
0x19: {  	s7 =	sld [smem:$0x3F97]  }
0x1a: {  	s8 =	sadd.s32 $0xFFFFE003, lr  }
0x1b: {  	s9 =	sadd.s32 $0xFFFFFEF7, lr;
	s5 =	simm.s32 $0xFFFFFFFF;
	p2 =	slt.u32 s8, $0xFFFFF086  }
0x1c: {  	p1 =	slt.u32 s9, $0xF7A;
	s5 =	simm.s32 @!p2 $0x0  }
0x1d: {  	s5 =	simm.s32 @p1 $0x1;
	p0 =	seq.s32 s7, s2  }
0x1e: {  	s7 =	smul.u32 @!p0 $0xF7A, s2;
	p2 =	seq.s32 @!p0 s5, $0x0  }
0x1f: {  	s9 =	smul.u32 $0xF7A, s1;
	s8 =	simm.s32 @!p0 $0x1BF5;
	p2 =	por !p2, p0  }
0x20: {  	[sflag:s8] =	ssyncset.s32 @!p0 $0xFFFFF086;
	s6 =	sadd.s32 @!p0 s3, s7;
	s7 =	simm.s32 @!p0 $0x108  }
0x21: {  	s3 =	sadd.s32 s3, s9;
	s6 =	sadd.s32 @!p0 $0x88, s6;
	s7 =	simm.s32 @p2 $0x1082  }
0x22: {  	[simem:s7], [sflag:s8] =	dma.local @!p0 [hbm:s6], $0xF7A  }
0x23: {  	s9 =	sor.u32 $0xD0000000, s2;
	s6 =	simm.s32 $0x108;
	_ =	swait.ge @!p0 [sflag:s8], $0x0  }
0x24: {  	s3 =	sadd.s32 $0x88, s3;
	s6 =	simm.s32 @!p1 $0x1082;
	[sflag:s4] =	ssyncset.s32 $0xFFFFF086  }
0x25: {  	[simem:s6], [sflag:s4] =	dma.local [hbm:s3], $0xF7A  }
0x26: {  	[smem:$0x3F97] =	sst s1;
	(tag) =	ssettag s2;
	_ =	strace s9  }
0x27: {  	s1 =	sld [smem:$0x3FA7]  }
0x28: {  	s2 =	sld [smem:$0x3FA8]  }
0x29: {  	s4 =	sld [smem:$0x3FAA]  }
0x2a: {  	p0 =	seq.s32 s5, $0x0;
	s5 =	sld [smem:$0x3FAB]  }
0x2b: {  	s6 =	sld [smem:$0x3FAC]  }
0x2c: {  	s7 =	sld [smem:$0x3FAD]  }
0x2d: {  	s3 =	simm.s32 $0x108;
	s8 =	sld [smem:$0x3FAE]  }
0x2e: {  	s3 =	simm.s32 @!p0 $0x1082;
	s9 =	sld [smem:$0x3FAF]  }
0x2f: {  	lr =	sadd.s32 s0, s3;
	s0 =	sld [smem:$0x3FA6]  }
0x30: {  	s3 =	sld [smem:$0x3FA9]  }
0x31: {  	[smem:$0x3FB2] =	sst s10  }
0x32: {  	s10 =	sld [smem:$0x3FB0];
	_ =	sdelay $0x3  }
0x33: {  	p0 =	seq.s32 s10, $0x1;
	s10 =	sld [smem:$0x3FB2];
	_ =	sdelay $0x3  }
0x34: {  	[smem:$0x3FB2] =	sst s10  }
0x35: {  	s10 =	sld [smem:$0x3FB1];
	_ =	sdelay $0x3  }
0x36: {  	p1 =	seq.s32 s10, $0x1;
	s10 =	sld [smem:$0x3FB2];
	_ =	sdelay $0x3  }
0x37: {  	[smem:$0x3FB2] =	sst s10  }
0x38: {  	s10 =	sld [smem:$0x3FB3]  }
0x39: {  	_ = 	snop;
	(pc) =	sbr.ind lr, $3  }
0x3a: {  	_ = 	snop  }
0x3b: {  	_ = 	snop  }
0x3c: {  	p2 =	seq.s32 s10, $0x1;
	s10 =	sld [smem:$0x3FB2]  }
0x3d: {  	_ =	shalt  }
0x3e: {  	_ =	shalt  }
0x3f: {  	_ =	shalt  }
0x40: {  	_ =	shalt  }
0x41: {  	_ =	shalt  }
0x42: {  	_ =	shalt  }
0x43: {  	_ =	shalt  }
0x44: {  	_ =	shalt  }
0x45: {  	_ =	shalt  }
0x46: {  	_ =	shalt  }
0x47: {  	_ =	shalt  }
0x48: {  	_ =	shalt  }
0x49: {  	_ =	shalt  }
0x4a: {  	_ =	shalt  }
0x4b: {  	_ =	shalt  }
0x4c: {  	_ =	shalt  }
0x4d: {  	_ =	shalt  }
0x4e: {  	_ =	shalt  }
0x4f: {  	_ =	shalt  }
0x50: {  	_ =	shalt  }
0x51: {  	_ =	shalt  }
0x52: {  	_ =	shalt  }
0x53: {  	_ =	shalt  }
0x54: {  	_ =	shalt  }
0x55: {  	_ =	shalt  }
0x56: {  	_ =	shalt  }
0x57: {  	_ =	shalt  }
0x58: {  	_ =	shalt  }
0x59: {  	_ =	shalt  }
0x5a: {  	_ =	shalt  }
0x5b: {  	_ =	shalt  }
0x5c: {  	_ =	shalt  }
0x5d: {  	_ =	shalt  }
0x5e: {  	_ =	shalt  }
0x5f: {  	_ =	shalt  }
0x60: {  	_ =	shalt  }
0x61: {  	_ =	shalt  }
0x62: {  	_ =	shalt  }
0x63: {  	_ =	shalt  }
0x64: {  	_ =	shalt  }
0x65: {  	_ =	shalt  }
0x66: {  	_ =	shalt  }
0x67: {  	_ =	shalt  }
0x68: {  	_ =	shalt  }
0x69: {  	_ =	shalt  }
0x6a: {  	_ =	shalt  }
0x6b: {  	_ =	shalt  }
0x6c: {  	_ =	shalt  }
0x6d: {  	_ =	shalt  }
0x6e: {  	_ =	shalt  }
0x6f: {  	_ =	shalt  }
0x70: {  	_ =	shalt  }
0x71: {  	_ =	shalt  }
0x72: {  	_ =	shalt  }
0x73: {  	_ =	shalt  }
0x74: {  	_ =	shalt  }
0x75: {  	_ =	shalt  }
0x76: {  	_ =	shalt  }
0x77: {  	_ =	shalt  }
0x78: {  	_ =	shalt  }
0x79: {  	_ =	shalt  }
0x7a: {  	_ =	shalt  }
0x7b: {  	_ =	shalt  }
0x7c: {  	_ =	shalt  }
0x7d: {  	_ =	shalt  }
0x7e: {  	_ =	shalt  }
0x7f: {  	_ =	shalt  }
0x80: {  	_ =	shalt  }
0x81: {  	_ =	shalt  }
0x82: {  	_ =	shalt  }
0x83: {  	_ =	shalt  }
0x84: {  	_ =	shalt  }
0x85: {  	_ =	shalt  }
0x86: {  	_ =	shalt  }
0x87: {  	_ =	shalt  }
.Lfunc_end0:
.L_simem_size_0:
called_computation.1_lowered:
.L_overlay_start_0:
0x88: {  	s2 =	sld [smem:$0x3FD9]  }
0x89: {  	s3 =	sld [smem:$0x3FFE];
	_ =	sdelay $0x1  }
0x8a: {  	s1 =	srdreg.scid  }
0x8b: {  	s0 =	sand.u32 $0x1, s1  }
0x8c: {  	s17 =	sshll.u32 s0, $0xA;
	s2 =	sadd.s32 s3, s2  }
0x8d: {  	s2 =	sadd.s32 s2, s17  }
0x8e: {  	[smem:$0x3FBE] =	sst s2  }
0x8f: {  	_ = 	snop  }
0x90: {  	s2 =	sld [smem:$0x3FD0];
	(tm) =	ssettm $0x1  }
0x91: {  	s18 =	sld [smem:$0x3FFB];
	_ =	sdelay $0x3  }
0x92: {  	_ =	strace s18  }
0x93: {  	s3 =	sld [smem:$0x3FFC];
	_ =	sdelay $0x3  }
0x94: {  	_ =	strace s3  }
0x95: {  	s3 =	sld [smem:$0x3FFD];
	_ =	sdelay $0x3  }
0x96: {  	_ =	strace s3  }
0x97: {  	_ =	strace $0x8FFFFFFF  }
0x98: {  	s19 =	sld [smem:$0x3FDB];
	_ =	sdelay $0x1  }
0x99: {  	s4 =	simm.s32 $_scs_section_size  }
0x9a: {  	s5 =	simm.s32 $_size__tile_overlayer_lowered;
	s6 =	simm.s32 $_tile_overlayer_lowered  }
0x9b: {  	s22 =	simm.s32 $0x1BFF;
	s21 =	sshll.u32 s6, $0x1;
	s3 =	sadd.s32 s4, s19  }
0x9c: {  	s7 =	simm.s32 $0x0;
	s20 =	sshll.u32 s5, $0x1;
	s5 =	sadd.s32 s21, s3  }
0x9d: {  	[timem:s7], [sflag:s22] =	dma.local [hbm:s5], s20  }
0x9e: {  	_ =	swait.ge [sflag:s22], s20  }
0x9f: {  	s4 =	ssub.s32 $0x0, s20;
	[sflag:s22] =	ssyncset.done $0x0  }
0xa0: {  	[sflag:s22] =	ssyncadd.s32 s4;
	_ =	sdelay $0x1  }
0xa1: {  	s23 =	simm.s32 $0x1B8B  }
0xa2: {  	_ =	swait.ge [sflag:s23], $0x1  }
0xa3: {  	[sflag:s23] =	ssyncset.done $0x0  }
0xa4: {  	s25 =	simm.s32 $0x1B8E;
	s24 =	sld [smem:$0x3FFE];
	[sflag:s23] =	ssyncadd.s32 $0xFFFFFFFF  }
0xa5: {  	s26 =	simm.s32 $execute0_lowered;
	[smem:$0x3FD2] =	sst s25  }
0xa6: {  	s5 =	sshll.u32 s26, $0x1;
	_ =	strace $0x80000049;
	[dreg:$0x1] =	wrdreg $0xFFFFFFFF  }
0xa7: {  	s28 =	simm.s32 $_size_execute0_lowered;
	s3 =	sadd.s32 s3, s5;
	[dreg:$0x0] =	wrdreg $0x0  }
0xa8: {  	s5 =	sshll.u32 s28, $0x1;
	[dreg:$0x2] =	wrdreg s3  }
0xa9: {  	[dreg:$0x3] =	wrdreg s5  }
0xaa: {  	[dreg:$0x4] =	wrdreg $0xC0  }
0xab: {  	_ =	task [dreg:s7], $0x5FFFF  }
0xac: {  	[dreg:$0x1] =	wrdreg $0xFFFFFFFF  }
0xad: {  	[dreg:$0x0] =	wrdreg $0x60  }
0xae: {  	[dreg:$0x2] =	wrdreg s24  }
0xaf: {  	[dreg:$0x3] =	wrdreg s2  }
0xb0: {  	[dreg:$0x4] =	wrdreg $0x101D00  }
0xb1: {  	[dreg:$0x5] =	wrdreg $0x9  }
0xb2: {  	_ =	task.clear_ibuf [dreg:s7], $0x6FFFF;
	_ =	strace $0x90000049  }
0xb3: {  	s29 =	simm.s32 $0x9;
	_ =	strace $0x8000004B  }
0xb4: {  	_ =	swait.ge [sflag:s29], $0x1  }
0xb5: {  	[sflag:s29] =	ssyncadd.s32 $0xFFFFFFFF  }
0xb6: {  	_ =	strace $0x9000004B  }
0xb7: {  	_ =	sfence  }
0xb8: {  	s30 =	sld [smem:$0x0];
	_ =	sdelay $0x2  }
0xb9: {  	s31 =	sshll.u32 s1, $0xD;
	s1 =	sshrl.u32 s1, $0x2  }
0xba: {  	s3 =	sand.u32 $0x4000, s31;
	s1 =	sadd.s32 s1, s30  }
0xbb: {  	s0 =	sor.u32 s3, s0;
	s1 =	sshll.u32 s1, $0x11  }
0xbc: {  	s0 =	sor.u32 s1, s0  }
0xbd: {  	s0 =	sadd.s32 $0x8F2B, s0  }
0xbe: {  	[sflag:s0] =	ssyncadd.remote.s32 $0x1  }
0xbf: {  	_ =	sfence.sel $0xFFFF  }
0xc0: {  	[dreg:$0x0] =	wrdreg $0xFFFFFFFF;
	(pc) =	sbr.abs _section_cstart, $3  }
0xc1: {  	[dreg:$0x1] =	wrdreg $0xFFFFFFFF  }
0xc2: {  	_ =	task.clear_ibuf [dreg:s7], $0x2FFFF;
	_ =	strace $0x9FFFFFFF  }
0xc3: {  	(tm) =	ssettm $0x7FFFFFFF  }
tec
execute0_lowered:
.L_overlay_start_1:
0x0: {  	(tag) =	ssettag $0x1  }
0x1: {  	s0 =	rddreg [dreg:$0x0]  }
0x2: {  	s1 =	rddreg [dreg:$0x1]  }
0x3: {  	s2 =	rddreg [dreg:$0x2];
	s3 =	simm.s32 $0x0;
	s12 =	stileid.u32  }
0x4: {  	s4 =	srdreg.scid;
	s13 =	simm.s32 $0xC;
	s15 =	simm.s32 $0xB  }
0x5: {  	s16 =	simm.s32 $0x50;
	s18 =	simm.s32 $0x9DD0;
	s26 =	simm.s32 $0x9D80  }
0x6: {  	s28 =	simm.s32 $0x3;
	s29 =	simm.s32 $0x5;
	s30 =	simm.s32 $0x6  }
0x7: {  	s31 =	simm.s32 $0x7;
	s14 =	simm.s32 $0xA;
	s21 =	smul.u32 $0x9C4, s12  }
0x8: {  	s19 =	simm.s32 $0x0;
	[smem:$0x7FF] =	sst s3;
	s6 =	smul.u32 $0xA000, s12  }
0x9: {  	s7 =	sand.u32 $0x1, s4;
	s5 =	smul.u32 $0x14000, s12;
	s23 =	sshll.u32 s12, $0x6  }
0xa: {  	s4 =	sadd.s32 $0x20C00, s0;
	_ =	strace $0x8000004A;
	[dreg:$0x5] =	wrdreg s23  }
0xb: {  	s9 =	sshll.u32 s7, $0x6;
	s22 =	ssub.s32 $0x2, s7;
	[dreg:$0x4] =	wrdreg s26  }
0xc: {  	s26 =	simm.s32 $0x1;
	s8 =	sadd.s32 s21, s0;
	s10 =	sshrl.u32 s6, $0x3  }
0xd: {  	s5 =	sor.u32 s9, s5;
	s11 =	sshrl.u32 s22, $0x1;
	s6 =	sadd.s32 s6, s2  }
0xe: {  	s1 =	sadd.s32 s1, s21;
	s10 =	sadd.s32 s10, s0;
	s5 =	sshrl.u32 s5, $0x3  }
0xf: {  	s9 =	ssub.s32 s22, s11;
	s24 =	sadd.s32 $0x2E00, s8;
	[dreg:$0x9] =	wrdreg s1  }
0x10: {  	s12 =	sshrl.u32 s6, $0x3;
	s10 =	sadd.s32 $0xCC00, s10;
	[dreg:$0x8] =	wrdreg s24  }
0x11: {  	s0 =	sadd.s32 s5, s0;
	s5 =	sor.u32 $0x1C0B, s23;
	[dreg:$0x6] =	wrdreg s10  }
0x12: {  	s22 =	simm.s32 $0xC5D0;
	s25 =	smax.u32 s9, $0x1;
	[dreg:$0x7] =	wrdreg s5  }
0x13: {  	s1 =	simm.s32 $0x9;
	s0 =	sadd.s32 $0x73600, s0;
	[dreg:$0xb] =	wrdreg s25  }
0x14: {  	v0 =	vmov s7;
	s25 =	simm.s32 $0xEDD0;
	[dreg:$0xa] =	wrdreg s0;
	s0 =	simm.s32 $0x8  }
.LBB2_1:
0x15: {  	s3 =	rddreg [dreg:$0x6]  }
0x16: {  	s5 =	rddreg [dreg:$0x7]  }
0x17: {  	[spmem:s12], [sflag:s5] =	dma.local [hbm:s3], $0x1400  }
0x18: {  	s23 =	simm.s32 $0x0;
	s5 =	rddreg [dreg:$0x8]  }
0x19: {  	[tilespmem:s23], [sflag:$0xC] =	stream.linear.gather [hbm4b:s5+s23], $0x4E20, $0x38;
	[tilespmem:$0x1A1D0] =	vst v63  }
0x1a: {  	_ =	swait.ge [sflag:s13], $0x4E20  }
0x1b: {  	[sflag:s13] =	ssyncset.done $0x0  }
0x1c: {  	s6 =	simm.s32 $0x4E20;
	s24 =	rddreg [dreg:$0x9];
	[sflag:s13] =	ssyncadd.s32 $0xFFFFB1E0  }
0x1d: {  	[tilespmem:s6], [sflag:$0xC] =	stream.linear.gather [hbm4b:s24+s23], $0x4E20, $0x38;
	[tilespmem:$0x1A1D0] =	vst v63  }
0x1e: {  	_ =	swait.ge [sflag:s13], $0x4E20  }
0x1f: {  	[sflag:s13] =	ssyncset.done $0x0  }
0x20: {  	[sflag:s13] =	ssyncadd.s32 $0xFFFFB1E0  }
0x21: {  	_ =	swait.ge [sflag:s15], $0x1400  }
0x22: {  	[sflag:s15] =	ssyncset.done $0x0  }
0x23: {  	[sflag:s15] =	ssyncadd.s32 $0xFFFFEC00  }
0x24: {  	[bflag:$0x0] =	sbarrier.arrive $0xFFFF  }
0x25: {  	v1 =	vld [tilespmem:$0x0]  }
0x26: {  	v2 =	vld [tilespmem:$0x10]  }
0x27: {  	v3 =	vld [tilespmem:$0x20]  }
0x28: {  	v4 =	vld [tilespmem:$0x30]  }
0x29: {  	v5 =	vld [tilespmem:$0x40]  }
0x2a: {  	v1 =	vshll.u32 v1, $0x1  }
0x2b: {  	v2 =	vshll.u32 v2, $0x1;
	v1 =	vor.u32 v0, v1  }
0x2c: {  	[tilespmem:$0x9C40] =	vst v1;
	v1 =	vor.u32 v0, v2;
	v2 =	vshll.u32 v3, $0x1  }
0x2d: {  	[tilespmem:$0x9C50] =	vst v1;
	v1 =	vor.u32 v0, v2;
	v2 =	vshll.u32 v4, $0x1  }
0x2e: {  	[tilespmem:$0x9C60] =	vst v1;
	v1 =	vor.u32 v0, v2;
	v2 =	vshll.u32 v5, $0x1  }
0x2f: {  	[tilespmem:$0x9C70] =	vst v1;
	v1 =	vor.u32 v0, v2  }
0x30: {  	s7 =	simm.s32 $0x9C40;
	[tilespmem:$0x9C80] =	vst v1  }
0x31: {  	[tilespmem:s18], [sflag:$0x1] =	stream.indirect.gather [hbm4b:s4+s16], $0x40, s7, s16, $0xb8;
	[tilespmem:$0x1A1D0] =	vst v63  }
0x32: {  	v1 =	vld [tilespmem:$0x50]  }
0x33: {  	v2 =	vld [tilespmem:$0x60]  }
0x34: {  	v3 =	vld [tilespmem:$0x70]  }
0x35: {  	v58 =	vld [tilespmem:$0x80]  }
0x36: {  	v59 =	vld [tilespmem:$0x90]  }
0x37: {  	v1 =	vshll.u32 v1, $0x1  }
0x38: {  	v2 =	vshll.u32 v2, $0x1;
	v1 =	vor.u32 v0, v1  }
0x39: {  	[tilespmem:$0x9C90] =	vst v1;
	v1 =	vor.u32 v0, v2;
	v2 =	vshll.u32 v3, $0x1  }
0x3a: {  	[tilespmem:$0x9CA0] =	vst v1;
	v1 =	vor.u32 v0, v2;
	v2 =	vshll.u32 v58, $0x1  }
0x3b: {  	[tilespmem:$0x9CB0] =	vst v1;
	v1 =	vor.u32 v0, v2;
	v2 =	vshll.u32 v59, $0x1  }
0x3c: {  	[tilespmem:$0x9CC0] =	vst v1;
	v1 =	vor.u32 v0, v2  }
0x3d: {  	s8 =	simm.s32 $0x9C90;
	s9 =	simm.s32 $0xB1D0;
	[tilespmem:$0x9CD0] =	vst v1  }
0x3e: {  	[tilespmem:s9], [sflag:$0x2] =	stream.indirect.gather [hbm4b:s4+s16], $0x40, s8, s16, $0xb8;
	[tilespmem:$0x1A1D0] =	vst v63  }
0x3f: {  	v1 =	vld [tilespmem:$0xA0]  }
0x40: {  	v2 =	vld [tilespmem:$0xB0]  }
0x41: {  	v3 =	vld [tilespmem:$0xC0]  }
0x42: {  	v60 =	vld [tilespmem:$0xD0]  }
0x43: {  	v61 =	vld [tilespmem:$0xE0]  }
0x44: {  	v1 =	vshll.u32 v1, $0x1  }
0x45: {  	v2 =	vshll.u32 v2, $0x1;
	v1 =	vor.u32 v0, v1  }
0x46: {  	[tilespmem:$0x9CE0] =	vst v1;
	v1 =	vor.u32 v0, v2;
	v2 =	vshll.u32 v3, $0x1  }
0x47: {  	[tilespmem:$0x9CF0] =	vst v1;
	v1 =	vor.u32 v0, v2;
	v2 =	vshll.u32 v60, $0x1  }
0x48: {  	[tilespmem:$0x9D00] =	vst v1;
	v1 =	vor.u32 v0, v2;
	v2 =	vshll.u32 v61, $0x1  }
0x49: {  	[tilespmem:$0x9D10] =	vst v1;
	v1 =	vor.u32 v0, v2  }
0x4a: {  	s10 =	simm.s32 $0x9CE0;
	[tilespmem:$0x9D20] =	vst v1  }
0x4b: {  	[tilespmem:s22], [sflag:$0x3] =	stream.indirect.gather [hbm4b:s4+s16], $0x40, s10, s16, $0xb8;
	[tilespmem:$0x1A1D0] =	vst v63  }
0x4c: {  	v1 =	vld [tilespmem:$0xF0]  }
0x4d: {  	v2 =	vld [tilespmem:$0x100]  }
0x4e: {  	v3 =	vld [tilespmem:$0x110]  }
0x4f: {  	v62 =	vld [tilespmem:$0x120]  }
0x50: {  	v63 =	vld [tilespmem:$0x130]  }
0x51: {  	v1 =	vshll.u32 v1, $0x1  }
0x52: {  	v2 =	vshll.u32 v2, $0x1;
	v1 =	vor.u32 v0, v1  }
0x53: {  	[tilespmem:$0x9D30] =	vst v1;
	v1 =	vor.u32 v0, v2;
	v2 =	vshll.u32 v3, $0x1  }
0x54: {  	[tilespmem:$0x9D40] =	vst v1;
	v1 =	vor.u32 v0, v2;
	v2 =	vshll.u32 v62, $0x1  }
0x55: {  	[tilespmem:$0x9D50] =	vst v1;
	v1 =	vor.u32 v0, v2;
	v2 =	vshll.u32 v63, $0x1  }
0x56: {  	p0 =	por $0x1, $0x1;
	[tilespmem:$0x9D60] =	vst v1;
	v1 =	vor.u32 v0, v2  }
0x57: {  	s11 =	simm.s32 $0x9D30;
	s17 =	simm.s32 $0xD9D0;
	s3 =	simm.s32 @!p0 $0xA;
	[tilespmem:$0x9D70] =	vst v1  }
0x58: {  	[tilespmem:s17], [sflag:$0x4] =	stream.indirect.gather [hbm4b:s4+s16], $0x40, s11, s16, $0xb8;
	[tilespmem:$0x1A1D0] =	vst v63  }
0x59: {  	_ =	swait.ge @!p0 [sflag:s3], $0x1400  }
0x5a: {  	[sflag:s3] =	ssyncset.done @!p0 $0x0  }
0x5b: {  	s20 =	simm.s32 $0x0;
	[sflag:s3] =	ssyncadd.s32 @!p0 $0xFFFFEC00  }
0x5c: {  	v1 =	vld [tilespmem:s20+$0x140];
	_ =	sdelay $0x4  }
0x5d: {  	v1 =	vshll.u32 v1, $0x1  }
0x5e: {  	v1 =	vor.u32 v0, v1  }
0x5f: {  	[tilespmem:$0x9D80] =	vst v1  }
0x60: {  	v1 =	vld [tilespmem:s20+$0x150];
	_ =	sdelay $0x4  }
0x61: {  	v1 =	vshll.u32 v1, $0x1  }
0x62: {  	v1 =	vor.u32 v0, v1  }
0x63: {  	[tilespmem:$0x9D90] =	vst v1  }
0x64: {  	v1 =	vld [tilespmem:s20+$0x160];
	_ =	sdelay $0x4  }
0x65: {  	v1 =	vshll.u32 v1, $0x1  }
0x66: {  	v1 =	vor.u32 v0, v1  }
0x67: {  	[tilespmem:$0x9DA0] =	vst v1  }
0x68: {  	v1 =	vld [tilespmem:s20+$0x170];
	_ =	sdelay $0x4  }
0x69: {  	v1 =	vshll.u32 v1, $0x1  }
0x6a: {  	v1 =	vor.u32 v0, v1  }
0x6b: {  	[tilespmem:$0x9DB0] =	vst v1  }
0x6c: {  	v1 =	vld [tilespmem:s20+$0x180];
	_ =	sdelay $0x4  }
0x6d: {  	v1 =	vshll.u32 v1, $0x1  }
0x6e: {  	v1 =	vor.u32 v0, v1  }
0x6f: {  	s21 =	rddreg [dreg:$0x4];
	[tilespmem:$0x9DC0] =	vst v1  }
0x70: {  	[tilespmem:s25], [sflag:$0x5] =	stream.indirect.gather [hbm4b:s4+s16], $0x40, s21, s16, $0xb8;
	[tilespmem:$0x1A1D0] =	vst v63  }
0x71: {  	_ =	swait.ge [sflag:s26], $0x1400  }
0x72: {  	p0 =	por $0x0, $0x0;
	[sflag:s26] =	ssyncset.done $0x0  }
0x73: {  	s23 =	simm.s32 $0x4E20;
	s6 =	simm.s32 @p0 $0x2;
	[sflag:s26] =	ssyncadd.s32 $0xFFFFEC00  }
0x74: {  	[spmem:s2] =	stream.indirect.scatter.add.f32 [tilespmem:s18], [sflag:$0x6], $0x40, s23, s16, $0xb8;
	[tilespmem:$0x1A1D0] =	vst v63  }
0x75: {  	_ =	swait.ge @p0 [sflag:s6], $0x1400  }
0x76: {  	s3 =	simm.s32 @p0 $0x4E70;
	s7 =	simm.s32 @p0 $0x50;
	[sflag:s6] =	ssyncset.done @p0 $0x0  }
0x77: {  	s8 =	simm.s32 @p0 $0xB1D0;
	[sflag:s6] =	ssyncadd.s32 @p0 $0xFFFFEC00;
	s6 =	simm.s32 @!p0 $0x6  }
0x78: {  	[spmem:s2] =	stream.indirect.scatter.add.f32 @p0 [tilespmem:s8], [sflag:$0x7], $0x40, s3, s7, $0xb8;
	[tilespmem:$0x1A1D0] =	vst v63  }
0x79: {  	_ =	swait.ge @!p0 [sflag:s6], $0x1400  }
0x7a: {  	[sflag:s6] =	ssyncset.done @!p0 $0x0  }
0x7b: {  	s3 =	simm.s32 @!p0 $0x0;
	[sflag:s6] =	ssyncadd.s32 @!p0 $0xFFFFEC00  }
0x7c: {  	v1 =	vld @!p0 [tilespmem:s3+$0x190];
	_ =	sdelay $0x4  }
0x7d: {  	v1 =	vshll.u32 @!p0 v1, $0x1  }
0x7e: {  	v1 =	vor.u32 @!p0 v0, v1  }
0x7f: {  	[tilespmem:$0x9C40] =	vst @!p0 v1  }
0x80: {  	v1 =	vld @!p0 [tilespmem:s3+$0x1A0];
	_ =	sdelay $0x4  }
0x81: {  	v1 =	vshll.u32 @!p0 v1, $0x1  }
0x82: {  	v1 =	vor.u32 @!p0 v0, v1  }
0x83: {  	[tilespmem:$0x9C50] =	vst @!p0 v1  }
0x84: {  	v1 =	vld @!p0 [tilespmem:s3+$0x1B0];
	_ =	sdelay $0x4  }
0x85: {  	v1 =	vshll.u32 @!p0 v1, $0x1  }
0x86: {  	v1 =	vor.u32 @!p0 v0, v1  }
0x87: {  	[tilespmem:$0x9C60] =	vst @!p0 v1  }
0x88: {  	v1 =	vld @!p0 [tilespmem:s3+$0x1C0];
	_ =	sdelay $0x4  }
0x89: {  	v1 =	vshll.u32 @!p0 v1, $0x1  }
0x8a: {  	v1 =	vor.u32 @!p0 v0, v1  }
0x8b: {  	[tilespmem:$0x9C70] =	vst @!p0 v1  }
0x8c: {  	v1 =	vld @!p0 [tilespmem:s3+$0x1D0];
	_ =	sdelay $0x4  }
0x8d: {  	v1 =	vshll.u32 @!p0 v1, $0x1  }
0x8e: {  	v1 =	vor.u32 @!p0 v0, v1  }
0x8f: {  	s9 =	simm.s32 @!p0 $0x9DD0;
	s8 =	simm.s32 @!p0 $0x9C40;
	s6 =	simm.s32 @!p0 $0x50;
	[tilespmem:$0x9C80] =	vst @!p0 v1  }
0x90: {  	[tilespmem:s9], [sflag:$0x1] =	stream.indirect.gather @!p0 [hbm4b:s4+s6], $0x40, s8, s6, $0xb8;
	[tilespmem:$0x1A1D0] =	vst v63  }
0x91: {  	s8 =	simm.s32 @!p0 $0x2  }
0x92: {  	_ =	swait.ge @!p0 [sflag:s8], $0x1400  }
0x93: {  	[sflag:s8] =	ssyncset.done @!p0 $0x0  }
0x94: {  	s9 =	simm.s32 @!p0 $0x4E70;
	[sflag:s8] =	ssyncadd.s32 @!p0 $0xFFFFEC00;
	s8 =	simm.s32 @!p0 $0xB1D0  }
0x95: {  	[spmem:s2] =	stream.indirect.scatter.add.f32 @!p0 [tilespmem:s8], [sflag:$0x7], $0x40, s9, s6, $0xb8;
	[tilespmem:$0x1A1D0] =	vst v63  }
0x96: {  	s9 =	simm.s32 @!p0 $0x7  }
0x97: {  	_ =	swait.ge @!p0 [sflag:s9], $0x1400  }
0x98: {  	[sflag:s9] =	ssyncset.done @!p0 $0x0  }
0x99: {  	[sflag:s9] =	ssyncadd.s32 @!p0 $0xFFFFEC00  }
0x9a: {  	v1 =	vld @!p0 [tilespmem:s3+$0x1E0];
	_ =	sdelay $0x4  }
0x9b: {  	v1 =	vshll.u32 @!p0 v1, $0x1  }
0x9c: {  	v1 =	vor.u32 @!p0 v0, v1  }
0x9d: {  	[tilespmem:$0x9C90] =	vst @!p0 v1  }
0x9e: {  	v1 =	vld @!p0 [tilespmem:s3+$0x1F0];
	_ =	sdelay $0x4  }
0x9f: {  	v1 =	vshll.u32 @!p0 v1, $0x1  }
0xa0: {  	v1 =	vor.u32 @!p0 v0, v1  }
0xa1: {  	[tilespmem:$0x9CA0] =	vst @!p0 v1  }
0xa2: {  	v1 =	vld @!p0 [tilespmem:s3+$0x200];
	_ =	sdelay $0x4  }
0xa3: {  	v1 =	vshll.u32 @!p0 v1, $0x1  }
0xa4: {  	v1 =	vor.u32 @!p0 v0, v1  }
0xa5: {  	[tilespmem:$0x9CB0] =	vst @!p0 v1  }
0xa6: {  	v1 =	vld @!p0 [tilespmem:s3+$0x210];
	_ =	sdelay $0x4  }
0xa7: {  	v1 =	vshll.u32 @!p0 v1, $0x1  }
0xa8: {  	v1 =	vor.u32 @!p0 v0, v1  }
0xa9: {  	[tilespmem:$0x9CC0] =	vst @!p0 v1  }
0xaa: {  	v1 =	vld @!p0 [tilespmem:s3+$0x220];
	_ =	sdelay $0x4  }
0xab: {  	v1 =	vshll.u32 @!p0 v1, $0x1  }
0xac: {  	v1 =	vor.u32 @!p0 v0, v1  }
0xad: {  	s9 =	simm.s32 @!p0 $0x9C90;
	[tilespmem:$0x9CD0] =	vst @!p0 v1  }
0xae: {  	[tilespmem:s8], [sflag:$0x2] =	stream.indirect.gather @!p0 [hbm4b:s4+s6], $0x40, s9, s6, $0xb8;
	[tilespmem:$0x1A1D0] =	vst v63  }
0xaf: {  	_ =	swait.ge [sflag:s28], $0x1400  }
0xb0: {  	[sflag:s28] =	ssyncset.done $0x0  }
0xb1: {  	s24 =	simm.s32 $0x4EC0;
	s9 =	simm.s32 @p0 $0x4;
	[sflag:s28] =	ssyncadd.s32 $0xFFFFEC00  }
0xb2: {  	[spmem:s2] =	stream.indirect.scatter.add.f32 [tilespmem:s22], [sflag:$0x8], $0x40, s24, s16, $0xb8;
	[tilespmem:$0x1A1D0] =	vst v63  }
0xb3: {  	_ =	swait.ge @p0 [sflag:s9], $0x1400  }
0xb4: {  	[sflag:s9] =	ssyncset.done @p0 $0x0  }
0xb5: {  	s8 =	simm.s32 @p0 $0x4F10;
	[sflag:s9] =	ssyncadd.s32 @p0 $0xFFFFEC00;
	s9 =	simm.s32 @p0 $0xD9D0  }
0xb6: {  	[spmem:s2] =	stream.indirect.scatter.add.f32 @p0 [tilespmem:s9], [sflag:$0x9], $0x40, s8, s7, $0xb8;
	[tilespmem:$0x1A1D0] =	vst v63  }
0xb7: {  	s7 =	simm.s32 @!p0 $0x8  }
0xb8: {  	_ =	swait.ge @!p0 [sflag:s7], $0x1400  }
0xb9: {  	[sflag:s7] =	ssyncset.done @!p0 $0x0  }
0xba: {  	[sflag:s7] =	ssyncadd.s32 @!p0 $0xFFFFEC00  }
0xbb: {  	v1 =	vld @!p0 [tilespmem:s3+$0x230];
	_ =	sdelay $0x4  }
0xbc: {  	v1 =	vshll.u32 @!p0 v1, $0x1  }
0xbd: {  	v1 =	vor.u32 @!p0 v0, v1  }
0xbe: {  	[tilespmem:$0x9CE0] =	vst @!p0 v1  }
0xbf: {  	v1 =	vld @!p0 [tilespmem:s3+$0x240];
	_ =	sdelay $0x4  }
0xc0: {  	v1 =	vshll.u32 @!p0 v1, $0x1  }
0xc1: {  	v1 =	vor.u32 @!p0 v0, v1  }
0xc2: {  	[tilespmem:$0x9CF0] =	vst @!p0 v1  }
0xc3: {  	v1 =	vld @!p0 [tilespmem:s3+$0x250];
	_ =	sdelay $0x4  }
0xc4: {  	v1 =	vshll.u32 @!p0 v1, $0x1  }
0xc5: {  	v1 =	vor.u32 @!p0 v0, v1  }
0xc6: {  	[tilespmem:$0x9D00] =	vst @!p0 v1  }
0xc7: {  	v1 =	vld @!p0 [tilespmem:s3+$0x260];
	_ =	sdelay $0x4  }
0xc8: {  	v1 =	vshll.u32 @!p0 v1, $0x1  }
0xc9: {  	v1 =	vor.u32 @!p0 v0, v1  }
0xca: {  	[tilespmem:$0x9D10] =	vst @!p0 v1  }
0xcb: {  	v1 =	vld @!p0 [tilespmem:s3+$0x270];
	_ =	sdelay $0x4  }
0xcc: {  	v1 =	vshll.u32 @!p0 v1, $0x1  }
0xcd: {  	v1 =	vor.u32 @!p0 v0, v1  }
0xce: {  	s8 =	simm.s32 @!p0 $0xC5D0;
	s7 =	simm.s32 @!p0 $0x9CE0;
	[tilespmem:$0x9D20] =	vst @!p0 v1  }
0xcf: {  	[tilespmem:s8], [sflag:$0x3] =	stream.indirect.gather @!p0 [hbm4b:s4+s6], $0x40, s7, s6, $0xb8;
	[tilespmem:$0x1A1D0] =	vst v63  }
0xd0: {  	s7 =	simm.s32 @!p0 $0x4  }
0xd1: {  	_ =	swait.ge @!p0 [sflag:s7], $0x1400  }
0xd2: {  	[sflag:s7] =	ssyncset.done @!p0 $0x0  }
0xd3: {  	s8 =	simm.s32 @!p0 $0x4F10;
	[sflag:s7] =	ssyncadd.s32 @!p0 $0xFFFFEC00;
	s7 =	simm.s32 @!p0 $0xD9D0  }
0xd4: {  	[spmem:s2] =	stream.indirect.scatter.add.f32 @!p0 [tilespmem:s7], [sflag:$0x9], $0x40, s8, s6, $0xb8;
	[tilespmem:$0x1A1D0] =	vst v63  }
0xd5: {  	s8 =	simm.s32 @!p0 $0x9  }
0xd6: {  	_ =	swait.ge @!p0 [sflag:s8], $0x1400  }
0xd7: {  	[sflag:s8] =	ssyncset.done @!p0 $0x0  }
0xd8: {  	[sflag:s8] =	ssyncadd.s32 @!p0 $0xFFFFEC00  }
0xd9: {  	v1 =	vld @!p0 [tilespmem:s3+$0x280];
	_ =	sdelay $0x4  }
0xda: {  	v1 =	vshll.u32 @!p0 v1, $0x1  }
0xdb: {  	v1 =	vor.u32 @!p0 v0, v1  }
0xdc: {  	[tilespmem:$0x9D30] =	vst @!p0 v1  }
0xdd: {  	v1 =	vld @!p0 [tilespmem:s3+$0x290];
	_ =	sdelay $0x4  }
0xde: {  	v1 =	vshll.u32 @!p0 v1, $0x1  }
0xdf: {  	v1 =	vor.u32 @!p0 v0, v1  }
0xe0: {  	[tilespmem:$0x9D40] =	vst @!p0 v1  }
0xe1: {  	v1 =	vld @!p0 [tilespmem:s3+$0x2A0];
	_ =	sdelay $0x4  }
0xe2: {  	v1 =	vshll.u32 @!p0 v1, $0x1  }
0xe3: {  	v1 =	vor.u32 @!p0 v0, v1  }
0xe4: {  	[tilespmem:$0x9D50] =	vst @!p0 v1  }
0xe5: {  	v1 =	vld @!p0 [tilespmem:s3+$0x2B0];
	_ =	sdelay $0x4  }
0xe6: {  	v1 =	vshll.u32 @!p0 v1, $0x1  }
0xe7: {  	v1 =	vor.u32 @!p0 v0, v1  }
0xe8: {  	[tilespmem:$0x9D60] =	vst @!p0 v1  }
0xe9: {  	v1 =	vld @!p0 [tilespmem:s3+$0x2C0];
	_ =	sdelay $0x4  }
0xea: {  	v1 =	vshll.u32 @!p0 v1, $0x1  }
0xeb: {  	v1 =	vor.u32 @!p0 v0, v1  }
0xec: {  	p1 =	por $0x0, $0x0;
	s20 =	simm.s32 $0x640;
	s3 =	simm.s32 @!p0 $0x9D30;
	[tilespmem:$0x9D70] =	vst @!p0 v1  }
0xed: {  	[tilespmem:s7], [sflag:$0x4] =	stream.indirect.gather @!p0 [hbm4b:s4+s6], $0x40, s3, s6, $0xb8;
	[tilespmem:$0x1A1D0] =	vst v63  }
0xee: {  	s21 =	simm.s32 $0xC80;
	s23 =	simm.s32 $0x4F60;
	_ =	swait.ge [sflag:s29], $0x1400  }
.LBB2_2:
0xef: {  	[sflag:s29] =	ssyncset.done $0x0  }
0xf0: {  	s7 =	simm.s32 @!p1 $0xA;
	[sflag:s29] =	ssyncadd.s32 $0xFFFFEC00  }
0xf1: {  	[spmem:s2] =	stream.indirect.scatter.add.f32 [tilespmem:s25], [sflag:$0xA], $0x40, s23, s16, $0xb8;
	[tilespmem:$0x1A1D0] =	vst v63  }
0xf2: {  	_ =	swait.ge @!p1 [sflag:s7], $0x1400  }
0xf3: {  	[sflag:s7] =	ssyncset.done @!p1 $0x0  }
0xf4: {  	s3 =	sshra.s32 s20, $0x2;
	[sflag:s7] =	ssyncadd.s32 @!p1 $0xFFFFEC00  }
0xf5: {  	v1 =	vld [tilespmem:s3+$0x140];
	_ =	sdelay $0x4  }
0xf6: {  	v1 =	vshll.u32 v1, $0x1  }
0xf7: {  	v1 =	vor.u32 v0, v1  }
0xf8: {  	[tilespmem:$0x9D80] =	vst v1  }
0xf9: {  	v1 =	vld [tilespmem:s3+$0x150];
	_ =	sdelay $0x4  }
0xfa: {  	v1 =	vshll.u32 v1, $0x1  }
0xfb: {  	v1 =	vor.u32 v0, v1  }
0xfc: {  	[tilespmem:$0x9D90] =	vst v1  }
0xfd: {  	v1 =	vld [tilespmem:s3+$0x160];
	_ =	sdelay $0x4  }
0xfe: {  	v1 =	vshll.u32 v1, $0x1  }
0xff: {  	v1 =	vor.u32 v0, v1  }
0x100: {  	[tilespmem:$0x9DA0] =	vst v1  }
0x101: {  	v1 =	vld [tilespmem:s3+$0x170];
	_ =	sdelay $0x4  }
0x102: {  	v1 =	vshll.u32 v1, $0x1  }
0x103: {  	v1 =	vor.u32 v0, v1  }
0x104: {  	[tilespmem:$0x9DB0] =	vst v1  }
0x105: {  	v1 =	vld [tilespmem:s3+$0x180];
	_ =	sdelay $0x4  }
0x106: {  	v1 =	vshll.u32 v1, $0x1  }
0x107: {  	v1 =	vor.u32 v0, v1  }
0x108: {  	s17 =	rddreg [dreg:$0x4];
	[tilespmem:$0x9DC0] =	vst v1  }
0x109: {  	[tilespmem:s25], [sflag:$0x5] =	stream.indirect.gather [hbm4b:s4+s16], $0x40, s17, s16, $0xb8;
	[tilespmem:$0x1A1D0] =	vst v63  }
0x10a: {  	_ =	swait.ge [sflag:s26], $0x1400  }
0x10b: {  	s24 =	sadd.s32 $0x4E20, s3;
	p1 =	seq.s32 s20, $0x13240;
	[sflag:s26] =	ssyncset.done $0x0  }
0x10c: {  	s9 =	simm.s32 @p1 $0x2;
	s8 =	sshra.s32 @p1 s20, $0x2;
	[sflag:s26] =	ssyncadd.s32 $0xFFFFEC00  }
0x10d: {  	[spmem:s2] =	stream.indirect.scatter.add.f32 [tilespmem:s18], [sflag:$0x6], $0x40, s24, s16, $0xb8;
	[tilespmem:$0x1A1D0] =	vst v63  }
0x10e: {  	s10 =	sadd.s32 @p1 $0x4E70, s8;
	_ =	swait.ge @p1 [sflag:s9], $0x1400  }
0x10f: {  	s7 =	sadd.s32 @p1 $0x4F10, s8;
	s8 =	simm.s32 @p1 $0x50;
	[sflag:s9] =	ssyncset.done @p1 $0x0  }
0x110: {  	s17 =	simm.s32 @p1 $0xB1D0;
	[sflag:s9] =	ssyncadd.s32 @p1 $0xFFFFEC00;
	s9 =	simm.s32 @!p1 $0x6  }
0x111: {  	[spmem:s2] =	stream.indirect.scatter.add.f32 @p1 [tilespmem:s17], [sflag:$0x7], $0x40, s10, s8, $0xb8;
	[tilespmem:$0x1A1D0] =	vst v63  }
0x112: {  	_ =	swait.ge @!p1 [sflag:s9], $0x1400  }
0x113: {  	[sflag:s9] =	ssyncset.done @!p1 $0x0  }
0x114: {  	s24 =	sshra.s32 @!p1 s20, $0x2;
	[sflag:s9] =	ssyncadd.s32 @!p1 $0xFFFFEC00  }
0x115: {  	v1 =	vld @!p1 [tilespmem:s24+$0x190];
	_ =	sdelay $0x4  }
0x116: {  	v1 =	vshll.u32 @!p1 v1, $0x1  }
0x117: {  	v1 =	vor.u32 @!p1 v0, v1  }
0x118: {  	[tilespmem:$0x9C40] =	vst @!p1 v1  }
0x119: {  	v1 =	vld @!p1 [tilespmem:s24+$0x1A0];
	_ =	sdelay $0x4  }
0x11a: {  	v1 =	vshll.u32 @!p1 v1, $0x1  }
0x11b: {  	v1 =	vor.u32 @!p1 v0, v1  }
0x11c: {  	[tilespmem:$0x9C50] =	vst @!p1 v1  }
0x11d: {  	v1 =	vld @!p1 [tilespmem:s24+$0x1B0];
	_ =	sdelay $0x4  }
0x11e: {  	v1 =	vshll.u32 @!p1 v1, $0x1  }
0x11f: {  	v1 =	vor.u32 @!p1 v0, v1  }
0x120: {  	[tilespmem:$0x9C60] =	vst @!p1 v1  }
0x121: {  	v1 =	vld @!p1 [tilespmem:s24+$0x1C0];
	_ =	sdelay $0x4  }
0x122: {  	v1 =	vshll.u32 @!p1 v1, $0x1  }
0x123: {  	v1 =	vor.u32 @!p1 v0, v1  }
0x124: {  	[tilespmem:$0x9C70] =	vst @!p1 v1  }
0x125: {  	v1 =	vld @!p1 [tilespmem:s24+$0x1D0];
	_ =	sdelay $0x4  }
0x126: {  	v1 =	vshll.u32 @!p1 v1, $0x1  }
0x127: {  	s11 =	simm.s32 @!p1 $0x9DD0;
	v1 =	vor.u32 @!p1 v0, v1  }
0x128: {  	s5 =	simm.s32 @!p1 $0x2;
	s17 =	simm.s32 @!p1 $0x50;
	s10 =	simm.s32 @!p1 $0x9C40;
	[tilespmem:$0x9C80] =	vst @!p1 v1  }
0x129: {  	[tilespmem:s11], [sflag:$0x1] =	stream.indirect.gather @!p1 [hbm4b:s4+s17], $0x40, s10, s17, $0xb8;
	[tilespmem:$0x1A1D0] =	vst v63  }
0x12a: {  	_ =	swait.ge @!p1 [sflag:s5], $0x1400  }
0x12b: {  	s9 =	sadd.s32 @!p1 $0x4E70, s24;
	[sflag:s5] =	ssyncset.done @!p1 $0x0  }
0x12c: {  	s10 =	simm.s32 @!p1 $0xB1D0;
	[sflag:s5] =	ssyncadd.s32 @!p1 $0xFFFFEC00;
	s5 =	simm.s32 @!p1 $0x7  }
0x12d: {  	[spmem:s2] =	stream.indirect.scatter.add.f32 @!p1 [tilespmem:s10], [sflag:$0x7], $0x40, s9, s17, $0xb8;
	[tilespmem:$0x1A1D0] =	vst v63  }
0x12e: {  	_ =	swait.ge @!p1 [sflag:s5], $0x1400  }
0x12f: {  	[sflag:s5] =	ssyncset.done @!p1 $0x0  }
0x130: {  	[sflag:s5] =	ssyncadd.s32 @!p1 $0xFFFFEC00  }
0x131: {  	v1 =	vld @!p1 [tilespmem:s24+$0x1E0];
	_ =	sdelay $0x4  }
0x132: {  	v1 =	vshll.u32 @!p1 v1, $0x1  }
0x133: {  	v1 =	vor.u32 @!p1 v0, v1  }
0x134: {  	[tilespmem:$0x9C90] =	vst @!p1 v1  }
0x135: {  	v1 =	vld @!p1 [tilespmem:s24+$0x1F0];
	_ =	sdelay $0x4  }
0x136: {  	v1 =	vshll.u32 @!p1 v1, $0x1  }
0x137: {  	v1 =	vor.u32 @!p1 v0, v1  }
0x138: {  	[tilespmem:$0x9CA0] =	vst @!p1 v1  }
0x139: {  	v1 =	vld @!p1 [tilespmem:s24+$0x200];
	_ =	sdelay $0x4  }
0x13a: {  	v1 =	vshll.u32 @!p1 v1, $0x1  }
0x13b: {  	v1 =	vor.u32 @!p1 v0, v1  }
0x13c: {  	[tilespmem:$0x9CB0] =	vst @!p1 v1  }
0x13d: {  	v1 =	vld @!p1 [tilespmem:s24+$0x210];
	_ =	sdelay $0x4  }
0x13e: {  	v1 =	vshll.u32 @!p1 v1, $0x1  }
0x13f: {  	v1 =	vor.u32 @!p1 v0, v1  }
0x140: {  	[tilespmem:$0x9CC0] =	vst @!p1 v1  }
0x141: {  	v1 =	vld @!p1 [tilespmem:s24+$0x220];
	_ =	sdelay $0x4  }
0x142: {  	v1 =	vshll.u32 @!p1 v1, $0x1  }
0x143: {  	v1 =	vor.u32 @!p1 v0, v1  }
0x144: {  	s5 =	simm.s32 @!p1 $0x9C90;
	[tilespmem:$0x9CD0] =	vst @!p1 v1  }
0x145: {  	[tilespmem:s10], [sflag:$0x2] =	stream.indirect.gather @!p1 [hbm4b:s4+s17], $0x40, s5, s17, $0xb8;
	[tilespmem:$0x1A1D0] =	vst v63  }
0x146: {  	_ =	swait.ge [sflag:s28], $0x1400  }
0x147: {  	s23 =	sadd.s32 $0x4F60, s3;
	[sflag:s28] =	ssyncset.done $0x0  }
0x148: {  	s3 =	sadd.s32 $0x4EC0, s3;
	s5 =	simm.s32 @p1 $0x4;
	[sflag:s28] =	ssyncadd.s32 $0xFFFFEC00  }
0x149: {  	[spmem:s2] =	stream.indirect.scatter.add.f32 [tilespmem:s22], [sflag:$0x8], $0x40, s3, s16, $0xb8;
	[tilespmem:$0x1A1D0] =	vst v63  }
0x14a: {  	_ =	swait.ge @p1 [sflag:s5], $0x1400  }
0x14b: {  	[sflag:s5] =	ssyncset.done @p1 $0x0  }
0x14c: {  	s3 =	simm.s32 @p1 $0xD9D0;
	[sflag:s5] =	ssyncadd.s32 @p1 $0xFFFFEC00;
	s5 =	simm.s32 @!p1 $0x8  }
0x14d: {  	[spmem:s2] =	stream.indirect.scatter.add.f32 @p1 [tilespmem:s3], [sflag:$0x9], $0x40, s7, s8, $0xb8;
	[tilespmem:$0x1A1D0] =	vst v63  }
0x14e: {  	_ =	swait.ge @!p1 [sflag:s5], $0x1400  }
0x14f: {  	[sflag:s5] =	ssyncset.done @!p1 $0x0  }
0x150: {  	[sflag:s5] =	ssyncadd.s32 @!p1 $0xFFFFEC00  }
0x151: {  	v1 =	vld @!p1 [tilespmem:s24+$0x230];
	_ =	sdelay $0x4  }
0x152: {  	v1 =	vshll.u32 @!p1 v1, $0x1  }
0x153: {  	v1 =	vor.u32 @!p1 v0, v1  }
0x154: {  	[tilespmem:$0x9CE0] =	vst @!p1 v1  }
0x155: {  	v1 =	vld @!p1 [tilespmem:s24+$0x240];
	_ =	sdelay $0x4  }
0x156: {  	v1 =	vshll.u32 @!p1 v1, $0x1  }
0x157: {  	v1 =	vor.u32 @!p1 v0, v1  }
0x158: {  	[tilespmem:$0x9CF0] =	vst @!p1 v1  }
0x159: {  	v1 =	vld @!p1 [tilespmem:s24+$0x250];
	_ =	sdelay $0x4  }
0x15a: {  	v1 =	vshll.u32 @!p1 v1, $0x1  }
0x15b: {  	v1 =	vor.u32 @!p1 v0, v1  }
0x15c: {  	[tilespmem:$0x9D00] =	vst @!p1 v1  }
0x15d: {  	v1 =	vld @!p1 [tilespmem:s24+$0x260];
	_ =	sdelay $0x4  }
0x15e: {  	v1 =	vshll.u32 @!p1 v1, $0x1  }
0x15f: {  	v1 =	vor.u32 @!p1 v0, v1  }
0x160: {  	[tilespmem:$0x9D10] =	vst @!p1 v1  }
0x161: {  	v1 =	vld @!p1 [tilespmem:s24+$0x270];
	_ =	sdelay $0x4  }
0x162: {  	v1 =	vshll.u32 @!p1 v1, $0x1  }
0x163: {  	v1 =	vor.u32 @!p1 v0, v1  }
0x164: {  	s3 =	simm.s32 @!p1 $0x9CE0;
	s7 =	simm.s32 @!p1 $0x4;
	s5 =	simm.s32 @!p1 $0xC5D0;
	[tilespmem:$0x9D20] =	vst @!p1 v1  }
0x165: {  	[tilespmem:s5], [sflag:$0x3] =	stream.indirect.gather @!p1 [hbm4b:s4+s17], $0x40, s3, s17, $0xb8;
	[tilespmem:$0x1A1D0] =	vst v63  }
0x166: {  	s6 =	smov.u32 s21;
	_ =	swait.ge @!p1 [sflag:s7], $0x1400  }
0x167: {  	s20 =	smov.u32 s6;
	s6 =	sadd.s32 @!p1 $0x4F10, s24;
	[sflag:s7] =	ssyncset.done @!p1 $0x0  }
0x168: {  	s3 =	simm.s32 @!p1 $0xD9D0;
	s5 =	simm.s32 @!p1 $0x9;
	[sflag:s7] =	ssyncadd.s32 @!p1 $0xFFFFEC00  }
0x169: {  	[spmem:s2] =	stream.indirect.scatter.add.f32 @!p1 [tilespmem:s3], [sflag:$0x9], $0x40, s6, s17, $0xb8;
	[tilespmem:$0x1A1D0] =	vst v63  }
0x16a: {  	_ =	swait.ge @!p1 [sflag:s5], $0x1400  }
0x16b: {  	[sflag:s5] =	ssyncset.done @!p1 $0x0  }
0x16c: {  	[sflag:s5] =	ssyncadd.s32 @!p1 $0xFFFFEC00  }
0x16d: {  	v1 =	vld @!p1 [tilespmem:s24+$0x280];
	_ =	sdelay $0x4  }
0x16e: {  	v1 =	vshll.u32 @!p1 v1, $0x1  }
0x16f: {  	v1 =	vor.u32 @!p1 v0, v1  }
0x170: {  	[tilespmem:$0x9D30] =	vst @!p1 v1  }
0x171: {  	v1 =	vld @!p1 [tilespmem:s24+$0x290];
	_ =	sdelay $0x4  }
0x172: {  	v1 =	vshll.u32 @!p1 v1, $0x1  }
0x173: {  	v1 =	vor.u32 @!p1 v0, v1  }
0x174: {  	[tilespmem:$0x9D40] =	vst @!p1 v1  }
0x175: {  	v1 =	vld @!p1 [tilespmem:s24+$0x2A0];
	_ =	sdelay $0x4  }
0x176: {  	v1 =	vshll.u32 @!p1 v1, $0x1  }
0x177: {  	v1 =	vor.u32 @!p1 v0, v1  }
0x178: {  	[tilespmem:$0x9D50] =	vst @!p1 v1  }
0x179: {  	v1 =	vld @!p1 [tilespmem:s24+$0x2B0];
	_ =	sdelay $0x4  }
0x17a: {  	v1 =	vshll.u32 @!p1 v1, $0x1  }
0x17b: {  	v1 =	vor.u32 @!p1 v0, v1  }
0x17c: {  	[tilespmem:$0x9D60] =	vst @!p1 v1  }
0x17d: {  	v1 =	vld @!p1 [tilespmem:s24+$0x2C0];
	_ =	sdelay $0x2  }
0x17e: {  	s21 =	sadd.s32 $0x640, s21  }
0x17f: {  	p0 =	sne.s32 s21, $0x13880  }
.Ltmp0:
0x180: {  	v1 =	vshll.u32 @!p1 v1, $0x1;
	(pc) =	sbr.rel @p0 .LBB2_2-.Ltmp0, $4  }
0x181: {  	v1 =	vor.u32 @!p1 v0, v1  }
0x182: {  	s5 =	simm.s32 @!p1 $0x9D30;
	[tilespmem:$0x9D70] =	vst @!p1 v1  }
0x183: {  	[tilespmem:s3], [sflag:$0x4] =	stream.indirect.gather @!p1 [hbm4b:s4+s17], $0x40, s5, s17, $0xb8;
	[tilespmem:$0x1A1D0] =	vst v63  }
0x184: {  	p1 =	seq.s32 s20, $0x0;
	_ =	swait.ge [sflag:s29], $0x1400  }
0x185: {  	[sflag:s29] =	ssyncset.done $0x0  }
0x186: {  	s5 =	simm.s32 @!p1 $0xA;
	[sflag:s29] =	ssyncadd.s32 $0xFFFFEC00  }
0x187: {  	[spmem:s2] =	stream.indirect.scatter.add.f32 [tilespmem:s25], [sflag:$0xA], $0x40, s23, s16, $0xb8;
	[tilespmem:$0x1A1D0] =	vst v63  }
0x188: {  	_ =	swait.ge @!p1 [sflag:s5], $0x1400  }
0x189: {  	[sflag:s5] =	ssyncset.done @!p1 $0x0  }
0x18a: {  	s3 =	sshra.s32 s20, $0x2;
	[sflag:s5] =	ssyncadd.s32 @!p1 $0xFFFFEC00  }
0x18b: {  	v1 =	vld [tilespmem:s3+$0x140];
	_ =	sdelay $0x4  }
0x18c: {  	v1 =	vshll.u32 v1, $0x1  }
0x18d: {  	v1 =	vor.u32 v0, v1  }
0x18e: {  	[tilespmem:$0x9D80] =	vst v1  }
0x18f: {  	v1 =	vld [tilespmem:s3+$0x150];
	_ =	sdelay $0x4  }
0x190: {  	v1 =	vshll.u32 v1, $0x1  }
0x191: {  	v1 =	vor.u32 v0, v1  }
0x192: {  	[tilespmem:$0x9D90] =	vst v1  }
0x193: {  	v1 =	vld [tilespmem:s3+$0x160];
	_ =	sdelay $0x4  }
0x194: {  	v1 =	vshll.u32 v1, $0x1  }
0x195: {  	v1 =	vor.u32 v0, v1  }
0x196: {  	[tilespmem:$0x9DA0] =	vst v1  }
0x197: {  	v1 =	vld [tilespmem:s3+$0x170];
	_ =	sdelay $0x4  }
0x198: {  	v1 =	vshll.u32 v1, $0x1  }
0x199: {  	v1 =	vor.u32 v0, v1  }
0x19a: {  	[tilespmem:$0x9DB0] =	vst v1  }
0x19b: {  	v1 =	vld [tilespmem:s3+$0x180];
	_ =	sdelay $0x4  }
0x19c: {  	v1 =	vshll.u32 v1, $0x1  }
0x19d: {  	v1 =	vor.u32 v0, v1  }
0x19e: {  	s10 =	rddreg [dreg:$0x4];
	[tilespmem:$0x9DC0] =	vst v1  }
0x19f: {  	[tilespmem:s25], [sflag:$0x5] =	stream.indirect.gather [hbm4b:s4+s16], $0x40, s10, s16, $0xb8;
	[tilespmem:$0x1A1D0] =	vst v63  }
0x1a0: {  	_ =	swait.ge [sflag:s26], $0x1400  }
0x1a1: {  	p0 =	seq.s32 s20, $0x13240;
	[sflag:s26] =	ssyncset.done $0x0  }
0x1a2: {  	s11 =	sadd.s32 $0x4E20, s3;
	s6 =	simm.s32 @p0 $0x2;
	[sflag:s26] =	ssyncadd.s32 $0xFFFFEC00  }
0x1a3: {  	[spmem:s2] =	stream.indirect.scatter.add.f32 [tilespmem:s18], [sflag:$0x6], $0x40, s11, s16, $0xb8;
	[tilespmem:$0x1A1D0] =	vst v63  }
0x1a4: {  	s8 =	sshra.s32 @p0 s20, $0x2;
	_ =	swait.ge @p0 [sflag:s6], $0x1400  }
0x1a5: {  	s9 =	simm.s32 @p0 $0x50;
	s7 =	simm.s32 @p0 $0xB1D0;
	[sflag:s6] =	ssyncset.done @p0 $0x0  }
0x1a6: {  	s5 =	sadd.s32 @p0 $0x4E70, s8;
	s10 =	simm.s32 @!p0 $0x6;
	[sflag:s6] =	ssyncadd.s32 @p0 $0xFFFFEC00  }
0x1a7: {  	[spmem:s2] =	stream.indirect.scatter.add.f32 @p0 [tilespmem:s7], [sflag:$0x7], $0x40, s5, s9, $0xb8;
	[tilespmem:$0x1A1D0] =	vst v63  }
0x1a8: {  	_ =	swait.ge @!p0 [sflag:s10], $0x1400  }
0x1a9: {  	[sflag:s10] =	ssyncset.done @!p0 $0x0  }
0x1aa: {  	s6 =	sshra.s32 @!p0 s20, $0x2;
	[sflag:s10] =	ssyncadd.s32 @!p0 $0xFFFFEC00  }
0x1ab: {  	v1 =	vld @!p0 [tilespmem:s6+$0x190];
	_ =	sdelay $0x4  }
0x1ac: {  	v1 =	vshll.u32 @!p0 v1, $0x1  }
0x1ad: {  	v1 =	vor.u32 @!p0 v0, v1  }
0x1ae: {  	[tilespmem:$0x9C40] =	vst @!p0 v1  }
0x1af: {  	v1 =	vld @!p0 [tilespmem:s6+$0x1A0];
	_ =	sdelay $0x4  }
0x1b0: {  	v1 =	vshll.u32 @!p0 v1, $0x1  }
0x1b1: {  	v1 =	vor.u32 @!p0 v0, v1  }
0x1b2: {  	[tilespmem:$0x9C50] =	vst @!p0 v1  }
0x1b3: {  	v1 =	vld @!p0 [tilespmem:s6+$0x1B0];
	_ =	sdelay $0x4  }
0x1b4: {  	v1 =	vshll.u32 @!p0 v1, $0x1  }
0x1b5: {  	v1 =	vor.u32 @!p0 v0, v1  }
0x1b6: {  	[tilespmem:$0x9C60] =	vst @!p0 v1  }
0x1b7: {  	v1 =	vld @!p0 [tilespmem:s6+$0x1C0];
	_ =	sdelay $0x4  }
0x1b8: {  	v1 =	vshll.u32 @!p0 v1, $0x1  }
0x1b9: {  	v1 =	vor.u32 @!p0 v0, v1  }
0x1ba: {  	[tilespmem:$0x9C70] =	vst @!p0 v1  }
0x1bb: {  	v1 =	vld @!p0 [tilespmem:s6+$0x1D0];
	_ =	sdelay $0x4  }
0x1bc: {  	v1 =	vshll.u32 @!p0 v1, $0x1  }
0x1bd: {  	v1 =	vor.u32 @!p0 v0, v1  }
0x1be: {  	s7 =	simm.s32 @!p0 $0x50;
	s5 =	simm.s32 @!p0 $0x9C40;
	s10 =	simm.s32 @!p0 $0x9DD0;
	[tilespmem:$0x9C80] =	vst @!p0 v1  }
0x1bf: {  	[tilespmem:s10], [sflag:$0x1] =	stream.indirect.gather @!p0 [hbm4b:s4+s7], $0x40, s5, s7, $0xb8;
	[tilespmem:$0x1A1D0] =	vst v63  }
0x1c0: {  	s5 =	simm.s32 @!p0 $0x2  }
0x1c1: {  	_ =	swait.ge @!p0 [sflag:s5], $0x1400  }
0x1c2: {  	[sflag:s5] =	ssyncset.done @!p0 $0x0  }
0x1c3: {  	s10 =	sadd.s32 @!p0 $0x4E70, s6;
	[sflag:s5] =	ssyncadd.s32 @!p0 $0xFFFFEC00;
	s5 =	simm.s32 @!p0 $0xB1D0  }
0x1c4: {  	[spmem:s2] =	stream.indirect.scatter.add.f32 @!p0 [tilespmem:s5], [sflag:$0x7], $0x40, s10, s7, $0xb8;
	[tilespmem:$0x1A1D0] =	vst v63  }
0x1c5: {  	s10 =	simm.s32 @!p0 $0x7  }
0x1c6: {  	_ =	swait.ge @!p0 [sflag:s10], $0x1400  }
0x1c7: {  	[sflag:s10] =	ssyncset.done @!p0 $0x0  }
0x1c8: {  	[sflag:s10] =	ssyncadd.s32 @!p0 $0xFFFFEC00  }
0x1c9: {  	v1 =	vld @!p0 [tilespmem:s6+$0x1E0];
	_ =	sdelay $0x4  }
0x1ca: {  	v1 =	vshll.u32 @!p0 v1, $0x1  }
0x1cb: {  	v1 =	vor.u32 @!p0 v0, v1  }
0x1cc: {  	[tilespmem:$0x9C90] =	vst @!p0 v1  }
0x1cd: {  	v1 =	vld @!p0 [tilespmem:s6+$0x1F0];
	_ =	sdelay $0x4  }
0x1ce: {  	v1 =	vshll.u32 @!p0 v1, $0x1  }
0x1cf: {  	v1 =	vor.u32 @!p0 v0, v1  }
0x1d0: {  	[tilespmem:$0x9CA0] =	vst @!p0 v1  }
0x1d1: {  	v1 =	vld @!p0 [tilespmem:s6+$0x200];
	_ =	sdelay $0x4  }
0x1d2: {  	v1 =	vshll.u32 @!p0 v1, $0x1  }
0x1d3: {  	v1 =	vor.u32 @!p0 v0, v1  }
0x1d4: {  	[tilespmem:$0x9CB0] =	vst @!p0 v1  }
0x1d5: {  	v1 =	vld @!p0 [tilespmem:s6+$0x210];
	_ =	sdelay $0x4  }
0x1d6: {  	v1 =	vshll.u32 @!p0 v1, $0x1  }
0x1d7: {  	v1 =	vor.u32 @!p0 v0, v1  }
0x1d8: {  	[tilespmem:$0x9CC0] =	vst @!p0 v1  }
0x1d9: {  	v1 =	vld @!p0 [tilespmem:s6+$0x220];
	_ =	sdelay $0x4  }
0x1da: {  	v1 =	vshll.u32 @!p0 v1, $0x1  }
0x1db: {  	v1 =	vor.u32 @!p0 v0, v1  }
0x1dc: {  	s10 =	simm.s32 @!p0 $0x9C90;
	[tilespmem:$0x9CD0] =	vst @!p0 v1  }
0x1dd: {  	[tilespmem:s5], [sflag:$0x2] =	stream.indirect.gather @!p0 [hbm4b:s4+s7], $0x40, s10, s7, $0xb8;
	[tilespmem:$0x1A1D0] =	vst v63  }
0x1de: {  	_ =	swait.ge [sflag:s28], $0x1400  }
0x1df: {  	[sflag:s28] =	ssyncset.done $0x0  }
0x1e0: {  	s17 =	sadd.s32 $0x4EC0, s3;
	s5 =	simm.s32 @p0 $0x4;
	[sflag:s28] =	ssyncadd.s32 $0xFFFFEC00  }
0x1e1: {  	[spmem:s2] =	stream.indirect.scatter.add.f32 [tilespmem:s22], [sflag:$0x8], $0x40, s17, s16, $0xb8;
	[tilespmem:$0x1A1D0] =	vst v63  }
0x1e2: {  	_ =	swait.ge @p0 [sflag:s5], $0x1400  }
0x1e3: {  	[sflag:s5] =	ssyncset.done @p0 $0x0  }
0x1e4: {  	s8 =	sadd.s32 @p0 $0x4F10, s8;
	[sflag:s5] =	ssyncadd.s32 @p0 $0xFFFFEC00;
	s5 =	simm.s32 @p0 $0xD9D0  }
0x1e5: {  	[spmem:s2] =	stream.indirect.scatter.add.f32 @p0 [tilespmem:s5], [sflag:$0x9], $0x40, s8, s9, $0xb8;
	[tilespmem:$0x1A1D0] =	vst v63  }
0x1e6: {  	s5 =	simm.s32 @!p0 $0x8  }
0x1e7: {  	_ =	swait.ge @!p0 [sflag:s5], $0x1400  }
0x1e8: {  	[sflag:s5] =	ssyncset.done @!p0 $0x0  }
0x1e9: {  	[sflag:s5] =	ssyncadd.s32 @!p0 $0xFFFFEC00  }
0x1ea: {  	v1 =	vld @!p0 [tilespmem:s6+$0x230];
	_ =	sdelay $0x4  }
0x1eb: {  	v1 =	vshll.u32 @!p0 v1, $0x1  }
0x1ec: {  	v1 =	vor.u32 @!p0 v0, v1  }
0x1ed: {  	[tilespmem:$0x9CE0] =	vst @!p0 v1  }
0x1ee: {  	v1 =	vld @!p0 [tilespmem:s6+$0x240];
	_ =	sdelay $0x4  }
0x1ef: {  	v1 =	vshll.u32 @!p0 v1, $0x1  }
0x1f0: {  	v1 =	vor.u32 @!p0 v0, v1  }
0x1f1: {  	[tilespmem:$0x9CF0] =	vst @!p0 v1  }
0x1f2: {  	v1 =	vld @!p0 [tilespmem:s6+$0x250];
	_ =	sdelay $0x4  }
0x1f3: {  	v1 =	vshll.u32 @!p0 v1, $0x1  }
0x1f4: {  	v1 =	vor.u32 @!p0 v0, v1  }
0x1f5: {  	[tilespmem:$0x9D00] =	vst @!p0 v1  }
0x1f6: {  	v1 =	vld @!p0 [tilespmem:s6+$0x260];
	_ =	sdelay $0x4  }
0x1f7: {  	v1 =	vshll.u32 @!p0 v1, $0x1  }
0x1f8: {  	v1 =	vor.u32 @!p0 v0, v1  }
0x1f9: {  	[tilespmem:$0x9D10] =	vst @!p0 v1  }
0x1fa: {  	v1 =	vld @!p0 [tilespmem:s6+$0x270];
	_ =	sdelay $0x4  }
0x1fb: {  	v1 =	vshll.u32 @!p0 v1, $0x1  }
0x1fc: {  	v1 =	vor.u32 @!p0 v0, v1  }
0x1fd: {  	s8 =	simm.s32 @!p0 $0xC5D0;
	s5 =	simm.s32 @!p0 $0x9CE0;
	[tilespmem:$0x9D20] =	vst @!p0 v1  }
0x1fe: {  	[tilespmem:s8], [sflag:$0x3] =	stream.indirect.gather @!p0 [hbm4b:s4+s7], $0x40, s5, s7, $0xb8;
	[tilespmem:$0x1A1D0] =	vst v63  }
0x1ff: {  	s5 =	simm.s32 @!p0 $0x4  }
0x200: {  	_ =	swait.ge @!p0 [sflag:s5], $0x1400  }
0x201: {  	[sflag:s5] =	ssyncset.done @!p0 $0x0  }
0x202: {  	s8 =	sadd.s32 @!p0 $0x4F10, s6;
	[sflag:s5] =	ssyncadd.s32 @!p0 $0xFFFFEC00;
	s5 =	simm.s32 @!p0 $0xD9D0  }
0x203: {  	[spmem:s2] =	stream.indirect.scatter.add.f32 @!p0 [tilespmem:s5], [sflag:$0x9], $0x40, s8, s7, $0xb8;
	[tilespmem:$0x1A1D0] =	vst v63  }
0x204: {  	s8 =	simm.s32 @!p0 $0x9  }
0x205: {  	_ =	swait.ge @!p0 [sflag:s8], $0x1400  }
0x206: {  	[sflag:s8] =	ssyncset.done @!p0 $0x0  }
0x207: {  	[sflag:s8] =	ssyncadd.s32 @!p0 $0xFFFFEC00  }
0x208: {  	v1 =	vld @!p0 [tilespmem:s6+$0x280];
	_ =	sdelay $0x4  }
0x209: {  	v1 =	vshll.u32 @!p0 v1, $0x1  }
0x20a: {  	v1 =	vor.u32 @!p0 v0, v1  }
0x20b: {  	[tilespmem:$0x9D30] =	vst @!p0 v1  }
0x20c: {  	v1 =	vld @!p0 [tilespmem:s6+$0x290];
	_ =	sdelay $0x4  }
0x20d: {  	v1 =	vshll.u32 @!p0 v1, $0x1  }
0x20e: {  	v1 =	vor.u32 @!p0 v0, v1  }
0x20f: {  	[tilespmem:$0x9D40] =	vst @!p0 v1  }
0x210: {  	v1 =	vld @!p0 [tilespmem:s6+$0x2A0];
	_ =	sdelay $0x4  }
0x211: {  	v1 =	vshll.u32 @!p0 v1, $0x1  }
0x212: {  	v1 =	vor.u32 @!p0 v0, v1  }
0x213: {  	[tilespmem:$0x9D50] =	vst @!p0 v1  }
0x214: {  	v1 =	vld @!p0 [tilespmem:s6+$0x2B0];
	_ =	sdelay $0x4  }
0x215: {  	v1 =	vshll.u32 @!p0 v1, $0x1  }
0x216: {  	v1 =	vor.u32 @!p0 v0, v1  }
0x217: {  	[tilespmem:$0x9D60] =	vst @!p0 v1  }
0x218: {  	v1 =	vld @!p0 [tilespmem:s6+$0x2C0];
	_ =	sdelay $0x4  }
0x219: {  	v1 =	vshll.u32 @!p0 v1, $0x1  }
0x21a: {  	v1 =	vor.u32 @!p0 v0, v1  }
0x21b: {  	s6 =	simm.s32 @!p0 $0x9D30;
	[tilespmem:$0x9D70] =	vst @!p0 v1  }
0x21c: {  	[tilespmem:s5], [sflag:$0x4] =	stream.indirect.gather @!p0 [hbm4b:s4+s7], $0x40, s6, s7, $0xb8;
	[tilespmem:$0x1A1D0] =	vst v63  }
0x21d: {  	_ =	swait.ge [sflag:s29], $0x1400  }
0x21e: {  	[sflag:s29] =	ssyncset.done $0x0  }
0x21f: {  	s3 =	sadd.s32 $0x4F60, s3;
	[sflag:s29] =	ssyncadd.s32 $0xFFFFEC00  }
0x220: {  	[spmem:s2] =	stream.indirect.scatter.add.f32 [tilespmem:s25], [sflag:$0xA], $0x40, s3, s16, $0xb8;
	[tilespmem:$0x1A1D0] =	vst v63  }
0x221: {  	_ =	swait.ge [sflag:s30], $0x1400  }
0x222: {  	[sflag:s30] =	ssyncset.done $0x0  }
0x223: {  	[sflag:s30] =	ssyncadd.s32 $0xFFFFEC00  }
0x224: {  	_ =	swait.ge [sflag:s31], $0x1400  }
0x225: {  	[sflag:s31] =	ssyncset.done $0x0  }
0x226: {  	[sflag:s31] =	ssyncadd.s32 $0xFFFFEC00  }
0x227: {  	_ =	swait.ge [sflag:s0], $0x1400  }
0x228: {  	[sflag:s0] =	ssyncset.done $0x0  }
0x229: {  	[sflag:s0] =	ssyncadd.s32 $0xFFFFEC00  }
0x22a: {  	_ =	swait.ge [sflag:s1], $0x1400  }
0x22b: {  	[sflag:s1] =	ssyncset.done $0x0  }
0x22c: {  	[sflag:s1] =	ssyncadd.s32 $0xFFFFEC00  }
0x22d: {  	_ =	swait.ge [sflag:s14], $0x1400  }
0x22e: {  	[sflag:s14] =	ssyncset.done $0x0  }
0x22f: {  	[sflag:s14] =	ssyncadd.s32 $0xFFFFEC00  }
0x230: {  	[bflag:$0x0] =	sbarrier.arrive $0xFFFF  }
0x231: {  	s20 =	rddreg [dreg:$0x5]  }
0x232: {  	s23 =	simm.s32 $0x10;
	s21 =	rddreg [dreg:$0xa];
	s3 =	sor.u32 $0x1C0C, s20  }
0x233: {  	[hbm:s21@s23], [sflag:s3] =	dma.strided [spmem:s12@s0], $0x1400, s26, $0x8   }
0x234: {  	_ =	swait.ge [sflag:s13], $0x1400  }
0x235: {  	s19 =	sadd.s32 $0x1, s19;
	s24 =	rddreg [dreg:$0xb]  }
0x236: {  	p0 =	sne.s32 s19, s24  }
.Ltmp1:
0x237: {  	_ = 	snop;
	(pc) =	sbr.rel @p0 .LBB2_1-.Ltmp1, $3  }
0x238: {  	_ =	sdelay $0x1  }
0x239: {  	[sflag:s13] =	ssyncset.done $0x0  }
0x23a: {  	[sflag:s13] =	ssyncadd.s32 $0xFFFFEC00  }
0x23b: {  	_ =	sfence.sel $0x180000  }
0x23c: {  	[bflag:$0x0] =	sbarrier.arrive $0xFFFF  }
0x23d: {  	_ =	strace $0x9000004A  }
0x23e: {  	s0 =	stileid.u32;
	[bflag:$0x2] =	sbarrier.arrive $0xFFFF  }
0x23f: {  	p0 =	sne.s32 s0, $0x0;
	s0 =	rddreg [dreg:$0x3]  }
0x240: {  	s0 =	sadd.s32 @!p0 $0x100000, s0  }
0x241: {  	[sflag:s0] =	ssyncadd.tile.s32 @!p0 $0x1;
	_ =	shalt  }
.Lfunc_end2:
_tile_overlayer_lowered:
.L_overlay_start_2:
0x242: {  	(tag) =	ssettag $0x2  }
0x243: {  	s0 =	rddreg [dreg:$0x0];
	s2 =	stileid.u32  }
0x244: {  	s1 =	rddreg [dreg:$0x1];
	p0 =	sne.s32 s2, $0x0  }
0x245: {  	s3 =	rddreg [dreg:$0x2];
	[bflag:$0x3] =	sbarrier.arrive $0xFFFF;
	s2 =	simm.s32 @!p0 $0x1C0C  }
0x246: {  	[timem:s3], [sflag:s2] =	dma.local @!p0 [hbm:s0], s1  }
0x247: {  	s0 =	simm.s32 @!p0 $0xC  }
0x248: {  	_ =	swait.ge @!p0 [sflag:s0], s1  }
0x249: {  	s1 =	ssub.s32 @!p0 $0x0, s1;
	[sflag:s0] =	ssyncset.done @!p0 $0x0  }
0x24a: {  	[sflag:s0] =	ssyncadd.s32 @!p0 s1  }
0x24b: {  	[bflag:$0x3] =	sbarrier.arrive $0xFFFF  }
0x24c: {  	_ =	shalt  }

</sc_bundles>
